<compile_context>
chip_gen: v7x
topology: tpu7x:2x2x1
jax: 0.10.2.dev20260603
libtpu: 0.0.44.dev20260713+nightly
codegen_flags: <defaults>
</compile_context>

<pallas_src>
import functools

import jax
import jax.numpy as jnp
from jax import lax
from jax.experimental import pallas as pl
from jax.experimental.pallas import tpu as pltpu
from jax.experimental.pallas import tpu_sc as plsc

_NC, _NS = 2, 16
_NW = _NC * _NS
_C = 64
_LANES = 16


def kernel(x, pe):
    batch, seq_len, d_model = x.shape
    rows = batch * seq_len
    xf = x.reshape(rows * d_model)
    pef = pe.reshape(-1)
    rows_per_w = rows // _NW
    nchunk = rows_per_w // _C
    chunk_words = _C * d_model
    mesh = plsc.VectorSubcoreMesh(core_axis_name="c", subcore_axis_name="s")

    @functools.partial(
        pl.kernel,
        mesh=mesh,
        out_type=jax.ShapeDtypeStruct((rows * d_model,), jnp.float32),
        scratch_types=[
            pltpu.VMEM((chunk_words,), jnp.float32),
            pltpu.VMEM((chunk_words,), jnp.float32),
        ],
    )
    def k(x_hbm, pe_hbm, out_hbm, xbuf, pebuf):
        cid = lax.axis_index("c")
        sid = lax.axis_index("s")
        wid = sid * _NC + cid
        base = wid * rows_per_w
        for i in range(nchunk):
            row0 = base + i * _C
            off = row0 * d_model
            s_off = lax.rem(row0, seq_len) * d_model
            pltpu.sync_copy(x_hbm.at[pl.ds(off, chunk_words)], xbuf)
            pltpu.sync_copy(pe_hbm.at[pl.ds(s_off, chunk_words)], pebuf)

            @pl.loop(0, chunk_words // _LANES, unroll=8)
            def _add(j):
                sl = pl.ds(j * _LANES, _LANES)
                xbuf[sl] = xbuf[sl] + pebuf[sl]

            pltpu.sync_copy(xbuf, out_hbm.at[pl.ds(off, chunk_words)])

    out = k(xf, pef)
    return out.reshape(batch, seq_len, d_model)

# --- scband reference (transcript-rebuilt; emitter-appended) ---
"""Pipeline reference for scband-learned-positional-encoding-91001767068326 (READ-ONLY COPY).

The authoritative reference and input builder live on the scoring server;
editing this copy changes nothing except your own understanding.
"""

import jax, jax.numpy as jnp
import numpy as np

D_MODEL = 768
MAX_LEN = 8192
BATCH = 4
SEQ_LEN = 8192


def setup_inputs(seed: int = 0) -> dict:
    key = jax.random.key(seed)
    k1, k2 = jax.random.split(key)
    x = jax.random.normal(k1, (BATCH, SEQ_LEN, D_MODEL), dtype=jnp.float32)
    # learned positional embedding table, nn.Embedding default init ~ N(0,1)
    pe = jax.random.normal(k2, (MAX_LEN, D_MODEL), dtype=jnp.float32)
    return {"x": x, "pe": pe}


def reference(x, pe):
    batch, seq_len, _ = x.shape
    positions = jnp.arange(seq_len)  # (seq_len,)
    positions = jnp.broadcast_to(positions[None, :], (batch, seq_len))  # (batch, seq_len)
    pos_emb = jnp.take(pe, positions, axis=0)  # (batch, seq_len, d_model)
    return x + pos_emb

if __name__ == "__main__":
    import jax
    _d = setup_inputs()
    print(jax.jit(kernel)(*tuple(_d.values())))

</pallas_src>

<mosaic_0001>
#map = affine_map<(d0, d1) -> (0)>
module attributes {stable_mosaic.version = 14 : i64} {
  func.func @k(%arg0: i32, %arg1: i32, %arg2: memref<25165824xf32, #tpu.memory_space<hbm>>, %arg3: memref<6291456xf32, #tpu.memory_space<hbm>>, %arg4: memref<25165824xf32, #tpu.memory_space<hbm>>, %arg5: memref<49152xf32, #tpu.memory_space<vmem>>, %arg6: memref<49152xf32, #tpu.memory_space<vmem>>) attributes {dimension_semantics = [#tpu.dimension_semantics<core_parallel>, #tpu.dimension_semantics<subcore_parallel>], iteration_bounds = array<i64: 2, 16>, scalar_prefetch = 0 : i64, scratch_operands = 2 : i64, tpu.core_type = #tpu.core_type<sc_vector_subcore>, window_params = [{transform_indices = #map}, {transform_indices = #map}, {transform_indices = #map}]} {
    %mul3A = arith.constant 2 : i32
    %mul3A_0 = arith.muli %arg1, %mul3A : i32
    %add3A = arith.addi %mul3A_0, %arg0 : i32
    %mul3A_1 = arith.constant 1024 : i32
    %mul3A_2 = arith.muli %add3A, %mul3A_1 : i32
    %add3A_3 = arith.constant 0 : i32
    %add3A_4 = arith.addi %mul3A_2, %add3A_3 : i32
    %mul3A_5 = arith.constant 768 : i32
    %mul3A_6 = arith.muli %add3A_4, %mul3A_5 : i32
    %rem3A = arith.constant 8192 : i32
    %rem3A_7 = arith.remsi %add3A_4, %rem3A : i32
    %mul3A_8 = arith.constant 768 : i32
    %mul3A_9 = arith.muli %rem3A_7, %mul3A_8 : i32
    "tpu.region"() ({
      %run_scoped3A = tpu.sem_alloc : memref<!tpu.dma_semaphore, #tpu.memory_space<semaphore_mem>>
      %dma_start3A = tpu.memref_slice %arg2[%mul3A_6] : memref<25165824xf32, #tpu.memory_space<hbm>> -> memref<49152xf32, #tpu.memory_space<hbm>>
      %dma_start3A_209 = tpu.memref_slice %arg2[%mul3A_6] : memref<25165824xf32, #tpu.memory_space<hbm>> -> memref<49152xf32, #tpu.memory_space<hbm>>
      tpu.enqueue_dma source(%dma_start3A_209 : memref<49152xf32, #tpu.memory_space<hbm>>) target(%arg5 : memref<49152xf32, #tpu.memory_space<vmem>>) target_semaphore(%run_scoped3A : memref<!tpu.dma_semaphore, #tpu.memory_space<semaphore_mem>>)
      %dma_wait3A = tpu.memref_slice %arg2[%mul3A_6] : memref<25165824xf32, #tpu.memory_space<hbm>> -> memref<49152xf32, #tpu.memory_space<hbm>>
      %dma_wait3A_210 = tpu.memref_slice %arg2[%mul3A_6] : memref<25165824xf32, #tpu.memory_space<hbm>> -> memref<49152xf32, #tpu.memory_space<hbm>>
      tpu.wait_dma2 semaphore(%run_scoped3A : memref<!tpu.dma_semaphore, #tpu.memory_space<semaphore_mem>>) src(%dma_wait3A_210 : memref<49152xf32, #tpu.memory_space<hbm>>) dst(%arg5 : memref<49152xf32, #tpu.memory_space<vmem>>)
      tpu.yield
    }) : () -> ()
    "tpu.region"() ({
      %run_scoped3A = tpu.sem_alloc : memref<!tpu.dma_semaphore, #tpu.memory_space<semaphore_mem>>
      %dma_start3A = tpu.memref_slice %arg3[%mul3A_9] : memref<6291456xf32, #tpu.memory_space<hbm>> -> memref<49152xf32, #tpu.memory_space<hbm>>
      %dma_start3A_209 = tpu.memref_slice %arg3[%mul3A_9] : memref<6291456xf32, #tpu.memory_space<hbm>> -> memref<49152xf32, #tpu.memory_space<hbm>>
      tpu.enqueue_dma source(%dma_start3A_209 : memref<49152xf32, #tpu.memory_space<hbm>>) target(%arg6 : memref<49152xf32, #tpu.memory_space<vmem>>) target_semaphore(%run_scoped3A : memref<!tpu.dma_semaphore, #tpu.memory_space<semaphore_mem>>)
      %dma_wait3A = tpu.memref_slice %arg3[%mul3A_9] : memref<6291456xf32, #tpu.memory_space<hbm>> -> memref<49152xf32, #tpu.memory_space<hbm>>
      %dma_wait3A_210 = tpu.memref_slice %arg3[%mul3A_9] : memref<6291456xf32, #tpu.memory_space<hbm>> -> memref<49152xf32, #tpu.memory_space<hbm>>
      tpu.wait_dma2 semaphore(%run_scoped3A : memref<!tpu.dma_semaphore, #tpu.memory_space<semaphore_mem>>) src(%dma_wait3A_210 : memref<49152xf32, #tpu.memory_space<hbm>>) dst(%arg6 : memref<49152xf32, #tpu.memory_space<vmem>>)
      tpu.yield
    }) : () -> ()
    %scan3A = arith.constant 0 : i32
    %scan3A_10 = arith.constant 3072 : i32
    %scan3A_11 = arith.addi %scan3A, %scan3A_10 : i32
    %scan3A_12 = arith.constant 8 : i32
    scf.for %scan3A_209 = %scan3A to %scan3A_11 step %scan3A_12  : i32 {
      %mul3A_210 = arith.constant 1 : i32
      %mul3A_211 = arith.muli %scan3A_209, %mul3A_210 : i32
      %add3A_212 = arith.constant 0 : i32
      %add3A_213 = arith.addi %add3A_212, %mul3A_211 : i32
      %mul3A_214 = arith.constant 16 : i32
      %mul3A_215 = arith.muli %add3A_213, %mul3A_214 : i32
      %get3A = arith.index_cast %mul3A_215 : i32 to index
      %get3A_216 = tpu.vector_load %arg5[%get3A] {strides = array<i32>} : memref<49152xf32, #tpu.memory_space<vmem>>, vector<16xf32>,
      %get3A_217 = vector.shape_cast %get3A_216 : vector<16xf32> to vector<16xf32>
      %get3A_218 = arith.index_cast %mul3A_215 : i32 to index
      %get3A_219 = tpu.vector_load %arg6[%get3A_218] {strides = array<i32>} : memref<49152xf32, #tpu.memory_space<vmem>>, vector<16xf32>,
      %get3A_220 = vector.shape_cast %get3A_219 : vector<16xf32> to vector<16xf32>
      %add3A_221 = arith.addf %get3A_217, %get3A_220 : vector<16xf32>
      %swap3A = arith.index_cast %mul3A_215 : i32 to index
      %swap3A_222 = tpu.vector_load %arg5[%swap3A] {strides = array<i32>} : memref<49152xf32, #tpu.memory_space<vmem>>, vector<16xf32>,
      %swap3A_223 = vector.shape_cast %swap3A_222 : vector<16xf32> to vector<16xf32>
      %swap3A_224 = vector.shape_cast %add3A_221 : vector<16xf32> to vector<16xf32>
      tpu.vector_store %arg5[%swap3A], %swap3A_224 {strides = array<i32>} : memref<49152xf32, #tpu.memory_space<vmem>>, vector<16xf32>,
      %scan3A_225 = arith.constant 1 : i32
      %scan3A_226 = arith.addi %scan3A_209, %scan3A_225 : i32
      %mul3A_227 = arith.constant 1 : i32
      %mul3A_228 = arith.muli %scan3A_226, %mul3A_227 : i32
      %add3A_229 = arith.constant 0 : i32
      %add3A_230 = arith.addi %add3A_229, %mul3A_228 : i32
      %mul3A_231 = arith.constant 16 : i32
      %mul3A_232 = arith.muli %add3A_230, %mul3A_231 : i32
      %get3A_233 = arith.index_cast %mul3A_232 : i32 to index
      %get3A_234 = tpu.vector_load %arg5[%get3A_233] {strides = array<i32>} : memref<49152xf32, #tpu.memory_space<vmem>>, vector<16xf32>,
      %get3A_235 = vector.shape_cast %get3A_234 : vector<16xf32> to vector<16xf32>
      %get3A_236 = arith.index_cast %mul3A_232 : i32 to index
      %get3A_237 = tpu.vector_load %arg6[%get3A_236] {strides = array<i32>} : memref<49152xf32, #tpu.memory_space<vmem>>, vector<16xf32>,
      %get3A_238 = vector.shape_cast %get3A_237 : vector<16xf32> to vector<16xf32>
      %add3A_239 = arith.addf %get3A_235, %get3A_238 : vector<16xf32>
      %swap3A_240 = arith.index_cast %mul3A_232 : i32 to index
      %swap3A_241 = tpu.vector_load %arg5[%swap3A_240] {strides = array<i32>} : memref<49152xf32, #tpu.memory_space<vmem>>, vector<16xf32>,
      %swap3A_242 = vector.shape_cast %swap3A_241 : vector<16xf32> to vector<16xf32>
      %swap3A_243 = vector.shape_cast %add3A_239 : vector<16xf32> to vector<16xf32>
      tpu.vector_store %arg5[%swap3A_240], %swap3A_243 {strides = array<i32>} : memref<49152xf32, #tpu.memory_space<vmem>>, vector<16xf32>,
      %scan3A_244 = arith.constant 2 : i32
      %scan3A_245 = arith.addi %scan3A_209, %scan3A_244 : i32
      %mul3A_246 = arith.constant 1 : i32
      %mul3A_247 = arith.muli %scan3A_245, %mul3A_246 : i32
      %add3A_248 = arith.constant 0 : i32
      %add3A_249 = arith.addi %add3A_248, %mul3A_247 : i32
      %mul3A_250 = arith.constant 16 : i32
      %mul3A_251 = arith.muli %add3A_249, %mul3A_250 : i32
      %get3A_252 = arith.index_cast %mul3A_251 : i32 to index
      %get3A_253 = tpu.vector_load %arg5[%get3A_252] {strides = array<i32>} : memref<49152xf32, #tpu.memory_space<vmem>>, vector<16xf32>,
      %get3A_254 = vector.shape_cast %get3A_253 : vector<16xf32> to vector<16xf32>
      %get3A_255 = arith.index_cast %mul3A_251 : i32 to index
      %get3A_256 = tpu.vector_load %arg6[%get3A_255] {strides = array<i32>} : memref<49152xf32, #tpu.memory_space<vmem>>, vector<16xf32>,
      %get3A_257 = vector.shape_cast %get3A_256 : vector<16xf32> to vector<16xf32>
      %add3A_258 = arith.addf %get3A_254, %get3A_257 : vector<16xf32>
      %swap3A_259 = arith.index_cast %mul3A_251 : i32 to index
      %swap3A_260 = tpu.vector_load %arg5[%swap3A_259] {strides = array<i32>} : memref<49152xf32, #tpu.memory_space<vmem>>, vector<16xf32>,
      %swap3A_261 = vector.shape_cast %swap3A_260 : vector<16xf32> to vector<16xf32>
      %swap3A_262 = vector.shape_cast %add3A_258 : vector<16xf32> to vector<16xf32>
      tpu.vector_store %arg5[%swap3A_259], %swap3A_262 {strides = array<i32>} : memref<49152xf32, #tpu.memory_space<vmem>>, vector<16xf32>,
      %scan3A_263 = arith.constant 3 : i32
      %scan3A_264 = arith.addi %scan3A_209, %scan3A_263 : i32
      %mul3A_265 = arith.constant 1 : i32
      %mul3A_266 = arith.muli %scan3A_264, %mul3A_265 : i32
      %add3A_267 = arith.constant 0 : i32
      %add3A_268 = arith.addi %add3A_267, %mul3A_266 : i32
      %mul3A_269 = arith.constant 16 : i32
      %mul3A_270 = arith.muli %add3A_268, %mul3A_269 : i32
      %get3A_271 = arith.index_cast %mul3A_270 : i32 to index
      %get3A_272 = tpu.vector_load %arg5[%get3A_271] {strides = array<i32>} : memref<49152xf32, #tpu.memory_space<vmem>>, vector<16xf32>,
      %get3A_273 = vector.shape_cast %get3A_272 : vector<16xf32> to vector<16xf32>
      %get3A_274 = arith.index_cast %mul3A_270 : i32 to index
      %get3A_275 = tpu.vector_load %arg6[%get3A_274] {strides = array<i32>} : memref<49152xf32, #tpu.memory_space<vmem>>, vector<16xf32>,
      %get3A_276 = vector.shape_cast %get3A_275 : vector<16xf32> to vector<16xf32>
      %add3A_277 = arith.addf %get3A_273, %get3A_276 : vector<16xf32>
      %swap3A_278 = arith.index_cast %mul3A_270 : i32 to index
      %swap3A_279 = tpu.vector_load %arg5[%swap3A_278] {strides = array<i32>} : memref<49152xf32, #tpu.memory_space<vmem>>, vector<16xf32>,
      %swap3A_280 = vector.shape_cast %swap3A_279 : vector<16xf32> to vector<16xf32>
      %swap3A_281 = vector.shape_cast %add3A_277 : vector<16xf32> to vector<16xf32>
      tpu.vector_store %arg5[%swap3A_278], %swap3A_281 {strides = array<i32>} : memref<49152xf32, #tpu.memory_space<vmem>>, vector<16xf32>,
      %scan3A_282 = arith.constant 4 : i32
      %scan3A_283 = arith.addi %scan3A_209, %scan3A_282 : i32
      %mul3A_284 = arith.constant 1 : i32
      %mul3A_285 = arith.muli %scan3A_283, %mul3A_284 : i32
      %add3A_286 = arith.constant 0 : i32
      %add3A_287 = arith.addi %add3A_286, %mul3A_285 : i32
      %mul3A_288 = arith.constant 16 : i32
      %mul3A_289 = arith.muli %add3A_287, %mul3A_288 : i32
      %get3A_290 = arith.index_cast %mul3A_289 : i32 to index
      %get3A_291 = tpu.vector_load %arg5[%get3A_290] {strides = array<i32>} : memref<49152xf32, #tpu.memory_space<vmem>>, vector<16xf32>,
      %get3A_292 = vector.shape_cast %get3A_291 : vector<16xf32> to vector<16xf32>
      %get3A_293 = arith.index_cast %mul3A_289 : i32 to index
      %get3A_294 = tpu.vector_load %arg6[%get3A_293] {strides = array<i32>} : memref<49152xf32, #tpu.memory_space<vmem>>, vector<16xf32>,
      %get3A_295 = vector.shape_cast %get3A_294 : vector<16xf32> to vector<16xf32>
      %add3A_296 = arith.addf %get3A_292, %get3A_295 : vector<16xf32>
      %swap3A_297 = arith.index_cast %mul3A_289 : i32 to index
      %swap3A_298 = tpu.vector_load %arg5[%swap3A_297] {strides = array<i32>} : memref<49152xf32, #tpu.memory_space<vmem>>, vector<16xf32>,
      %swap3A_299 = vector.shape_cast %swap3A_298 : vector<16xf32> to vector<16xf32>
      %swap3A_300 = vector.shape_cast %add3A_296 : vector<16xf32> to vector<16xf32>
      tpu.vector_store %arg5[%swap3A_297], %swap3A_300 {strides = array<i32>} : memref<49152xf32, #tpu.memory_space<vmem>>, vector<16xf32>,
      %scan3A_301 = arith.constant 5 : i32
      %scan3A_302 = arith.addi %scan3A_209, %scan3A_301 : i32
      %mul3A_303 = arith.constant 1 : i32
      %mul3A_304 = arith.muli %scan3A_302, %mul3A_303 : i32
      %add3A_305 = arith.constant 0 : i32
      %add3A_306 = arith.addi %add3A_305, %mul3A_304 : i32
      %mul3A_307 = arith.constant 16 : i32
      %mul3A_308 = arith.muli %add3A_306, %mul3A_307 : i32
      %get3A_309 = arith.index_cast %mul3A_308 : i32 to index
      %get3A_310 = tpu.vector_load %arg5[%get3A_309] {strides = array<i32>} : memref<49152xf32, #tpu.memory_space<vmem>>, vector<16xf32>,
      %get3A_311 = vector.shape_cast %get3A_310 : vector<16xf32> to vector<16xf32>
      %get3A_312 = arith.index_cast %mul3A_308 : i32 to index
      %get3A_313 = tpu.vector_load %arg6[%get3A_312] {strides = array<i32>} : memref<49152xf32, #tpu.memory_space<vmem>>, vector<16xf32>,
      %get3A_314 = vector.shape_cast %get3A_313 : vector<16xf32> to vector<16xf32>
      %add3A_315 = arith.addf %get3A_311, %get3A_314 : vector<16xf32>
      %swap3A_316 = arith.index_cast %mul3A_308 : i32 to index
      %swap3A_317 = tpu.vector_load %arg5[%swap3A_316] {strides = array<i32>} : memref<49152xf32, #tpu.memory_space<vmem>>, vector<16xf32>,
      %swap3A_318 = vector.shape_cast %swap3A_317 : vector<16xf32> to vector<16xf32>
      %swap3A_319 = vector.shape_cast %add3A_315 : vector<16xf32> to vector<16xf32>
      tpu.vector_store %arg5[%swap3A_316], %swap3A_319 {strides = array<i32>} : memref<49152xf32, #tpu.memory_space<vmem>>, vector<16xf32>,
      %scan3A_320 = arith.constant 6 : i32
      %scan3A_321 = arith.addi %scan3A_209, %scan3A_320 : i32
      %mul3A_322 = arith.constant 1 : i32
      %mul3A_323 = arith.muli %scan3A_321, %mul3A_322 : i32
      %add3A_324 = arith.constant 0 : i32
      %add3A_325 = arith.addi %add3A_324, %mul3A_323 : i32
      %mul3A_326 = arith.constant 16 : i32
      %mul3A_327 = arith.muli %add3A_325, %mul3A_326 : i32
      %get3A_328 = arith.index_cast %mul3A_327 : i32 to index
      %get3A_329 = tpu.vector_load %arg5[%get3A_328] {strides = array<i32>} : memref<49152xf32, #tpu.memory_space<vmem>>, vector<16xf32>,
      %get3A_330 = vector.shape_cast %get3A_329 : vector<16xf32> to vector<16xf32>
      %get3A_331 = arith.index_cast %mul3A_327 : i32 to index
      %get3A_332 = tpu.vector_load %arg6[%get3A_331] {strides = array<i32>} : memref<49152xf32, #tpu.memory_space<vmem>>, vector<16xf32>,
      %get3A_333 = vector.shape_cast %get3A_332 : vector<16xf32> to vector<16xf32>
      %add3A_334 = arith.addf %get3A_330, %get3A_333 : vector<16xf32>
      %swap3A_335 = arith.index_cast %mul3A_327 : i32 to index
      %swap3A_336 = tpu.vector_load %arg5[%swap3A_335] {strides = array<i32>} : memref<49152xf32, #tpu.memory_space<vmem>>, vector<16xf32>,
      %swap3A_337 = vector.shape_cast %swap3A_336 : vector<16xf32> to vector<16xf32>
      %swap3A_338 = vector.shape_cast %add3A_334 : vector<16xf32> to vector<16xf32>
      tpu.vector_store %arg5[%swap3A_335], %swap3A_338 {strides = array<i32>} : memref<49152xf32, #tpu.memory_space<vmem>>, vector<16xf32>,
      %scan3A_339 = arith.constant 7 : i32
      %scan3A_340 = arith.addi %scan3A_209, %scan3A_339 : i32
      %mul3A_341 = arith.constant 1 : i32
      %mul3A_342 = arith.muli %scan3A_340, %mul3A_341 : i32
      %add3A_343 = arith.constant 0 : i32
      %add3A_344 = arith.addi %add3A_343, %mul3A_342 : i32
      %mul3A_345 = arith.constant 16 : i32
      %mul3A_346 = arith.muli %add3A_344, %mul3A_345 : i32
      %get3A_347 = arith.index_cast %mul3A_346 : i32 to index
      %get3A_348 = tpu.vector_load %arg5[%get3A_347] {strides = array<i32>} : memref<49152xf32, #tpu.memory_space<vmem>>, vector<16xf32>,
      %get3A_349 = vector.shape_cast %get3A_348 : vector<16xf32> to vector<16xf32>
      %get3A_350 = arith.index_cast %mul3A_346 : i32 to index
      %get3A_351 = tpu.vector_load %arg6[%get3A_350] {strides = array<i32>} : memref<49152xf32, #tpu.memory_space<vmem>>, vector<16xf32>,
      %get3A_352 = vector.shape_cast %get3A_351 : vector<16xf32> to vector<16xf32>
      %add3A_353 = arith.addf %get3A_349, %get3A_352 : vector<16xf32>
      %swap3A_354 = arith.index_cast %mul3A_346 : i32 to index
      %swap3A_355 = tpu.vector_load %arg5[%swap3A_354] {strides = array<i32>} : memref<49152xf32, #tpu.memory_space<vmem>>, vector<16xf32>,
      %swap3A_356 = vector.shape_cast %swap3A_355 : vector<16xf32> to vector<16xf32>
      %swap3A_357 = vector.shape_cast %add3A_353 : vector<16xf32> to vector<16xf32>
      tpu.vector_store %arg5[%swap3A_354], %swap3A_357 {strides = array<i32>} : memref<49152xf32, #tpu.memory_space<vmem>>, vector<16xf32>,
    }
    %scan3A_13 = arith.constant 3072 : i32
    "tpu.region"() ({
      %run_scoped3A = tpu.sem_alloc : memref<!tpu.dma_semaphore, #tpu.memory_space<semaphore_mem>>
      %dma_start3A = tpu.memref_slice %arg4[%mul3A_6] : memref<25165824xf32, #tpu.memory_space<hbm>> -> memref<49152xf32, #tpu.memory_space<hbm>>
      %dma_start3A_209 = tpu.memref_slice %arg4[%mul3A_6] : memref<25165824xf32, #tpu.memory_space<hbm>> -> memref<49152xf32, #tpu.memory_space<hbm>>
      tpu.enqueue_dma source(%arg5 : memref<49152xf32, #tpu.memory_space<vmem>>) target(%dma_start3A_209 : memref<49152xf32, #tpu.memory_space<hbm>>) target_semaphore(%run_scoped3A : memref<!tpu.dma_semaphore, #tpu.memory_space<semaphore_mem>>)
      %dma_wait3A = tpu.memref_slice %arg4[%mul3A_6] : memref<25165824xf32, #tpu.memory_space<hbm>> -> memref<49152xf32, #tpu.memory_space<hbm>>
      %dma_wait3A_210 = tpu.memref_slice %arg4[%mul3A_6] : memref<25165824xf32, #tpu.memory_space<hbm>> -> memref<49152xf32, #tpu.memory_space<hbm>>
      tpu.wait_dma2 semaphore(%run_scoped3A : memref<!tpu.dma_semaphore, #tpu.memory_space<semaphore_mem>>) src(%arg5 : memref<49152xf32, #tpu.memory_space<vmem>>) dst(%dma_wait3A_210 : memref<49152xf32, #tpu.memory_space<hbm>>)
      tpu.yield
    }) : () -> ()
    %add3A_14 = arith.constant 64 : i32
    %add3A_15 = arith.addi %mul3A_2, %add3A_14 : i32
    %mul3A_16 = arith.constant 768 : i32
    %mul3A_17 = arith.muli %add3A_15, %mul3A_16 : i32
    %rem3A_18 = arith.constant 8192 : i32
    %rem3A_19 = arith.remsi %add3A_15, %rem3A_18 : i32
    %mul3A_20 = arith.constant 768 : i32
    %mul3A_21 = arith.muli %rem3A_19, %mul3A_20 : i32
    "tpu.region"() ({
      %run_scoped3A = tpu.sem_alloc : memref<!tpu.dma_semaphore, #tpu.memory_space<semaphore_mem>>
      %dma_start3A = tpu.memref_slice %arg2[%mul3A_17] : memref<25165824xf32, #tpu.memory_space<hbm>> -> memref<49152xf32, #tpu.memory_space<hbm>>
      %dma_start3A_209 = tpu.memref_slice %arg2[%mul3A_17] : memref<25165824xf32, #tpu.memory_space<hbm>> -> memref<49152xf32, #tpu.memory_space<hbm>>
      tpu.enqueue_dma source(%dma_start3A_209 : memref<49152xf32, #tpu.memory_space<hbm>>) target(%arg5 : memref<49152xf32, #tpu.memory_space<vmem>>) target_semaphore(%run_scoped3A : memref<!tpu.dma_semaphore, #tpu.memory_space<semaphore_mem>>)
      %dma_wait3A = tpu.memref_slice %arg2[%mul3A_17] : memref<25165824xf32, #tpu.memory_space<hbm>> -> memref<49152xf32, #tpu.memory_space<hbm>>
      %dma_wait3A_210 = tpu.memref_slice %arg2[%mul3A_17] : memref<25165824xf32, #tpu.memory_space<hbm>> -> memref<49152xf32, #tpu.memory_space<hbm>>
      tpu.wait_dma2 semaphore(%run_scoped3A : memref<!tpu.dma_semaphore, #tpu.memory_space<semaphore_mem>>) src(%dma_wait3A_210 : memref<49152xf32, #tpu.memory_space<hbm>>) dst(%arg5 : memref<49152xf32, #tpu.memory_space<vmem>>)
      tpu.yield
    }) : () -> ()
    "tpu.region"() ({
      %run_scoped3A = tpu.sem_alloc : memref<!tpu.dma_semaphore, #tpu.memory_space<semaphore_mem>>
      %dma_start3A = tpu.memref_slice %arg3[%mul3A_21] : memref<6291456xf32, #tpu.memory_space<hbm>> -> memref<49152xf32, #tpu.memory_space<hbm>>
      %dma_start3A_209 = tpu.memref_slice %arg3[%mul3A_21] : memref<6291456xf32, #tpu.memory_space<hbm>> -> memref<49152xf32, #tpu.memory_space<hbm>>
      tpu.enqueue_dma source(%dma_start3A_209 : memref<49152xf32, #tpu.memory_space<hbm>>) target(%arg6 : memref<49152xf32, #tpu.memory_space<vmem>>) target_semaphore(%run_scoped3A : memref<!tpu.dma_semaphore, #tpu.memory_space<semaphore_mem>>)
      %dma_wait3A = tpu.memref_slice %arg3[%mul3A_21] : memref<6291456xf32, #tpu.memory_space<hbm>> -> memref<49152xf32, #tpu.memory_space<hbm>>
      %dma_wait3A_210 = tpu.memref_slice %arg3[%mul3A_21] : memref<6291456xf32, #tpu.memory_space<hbm>> -> memref<49152xf32, #tpu.memory_space<hbm>>
      tpu.wait_dma2 semaphore(%run_scoped3A : memref<!tpu.dma_semaphore, #tpu.memory_space<semaphore_mem>>) src(%dma_wait3A_210 : memref<49152xf32, #tpu.memory_space<hbm>>) dst(%arg6 : memref<49152xf32, #tpu.memory_space<vmem>>)
      tpu.yield
    }) : () -> ()
    %scan3A_22 = arith.constant 0 : i32
    %scan3A_23 = arith.constant 3072 : i32
    %scan3A_24 = arith.addi %scan3A_22, %scan3A_23 : i32
    %scan3A_25 = arith.constant 8 : i32
    scf.for %scan3A_209 = %scan3A_22 to %scan3A_24 step %scan3A_25  : i32 {
      %mul3A_210 = arith.constant 1 : i32
      %mul3A_211 = arith.muli %scan3A_209, %mul3A_210 : i32
      %add3A_212 = arith.constant 0 : i32
      %add3A_213 = arith.addi %add3A_212, %mul3A_211 : i32
      %mul3A_214 = arith.constant 16 : i32
      %mul3A_215 = arith.muli %add3A_213, %mul3A_214 : i32
      %get3A = arith.index_cast %mul3A_215 : i32 to index
      %get3A_216 = tpu.vector_load %arg5[%get3A] {strides = array<i32>} : memref<49152xf32, #tpu.memory_space<vmem>>, vector<16xf32>,
      %get3A_217 = vector.shape_cast %get3A_216 : vector<16xf32> to vector<16xf32>
      %get3A_218 = arith.index_cast %mul3A_215 : i32 to index
      %get3A_219 = tpu.vector_load %arg6[%get3A_218] {strides = array<i32>} : memref<49152xf32, #tpu.memory_space<vmem>>, vector<16xf32>,
      %get3A_220 = vector.shape_cast %get3A_219 : vector<16xf32> to vector<16xf32>
      %add3A_221 = arith.addf %get3A_217, %get3A_220 : vector<16xf32>
      %swap3A = arith.index_cast %mul3A_215 : i32 to index
      %swap3A_222 = tpu.vector_load %arg5[%swap3A] {strides = array<i32>} : memref<49152xf32, #tpu.memory_space<vmem>>, vector<16xf32>,
      %swap3A_223 = vector.shape_cast %swap3A_222 : vector<16xf32> to vector<16xf32>
      %swap3A_224 = vector.shape_cast %add3A_221 : vector<16xf32> to vector<16xf32>
      tpu.vector_store %arg5[%swap3A], %swap3A_224 {strides = array<i32>} : memref<49152xf32, #tpu.memory_space<vmem>>, vector<16xf32>,
      %scan3A_225 = arith.constant 1 : i32
      %scan3A_226 = arith.addi %scan3A_209, %scan3A_225 : i32
      %mul3A_227 = arith.constant 1 : i32
      %mul3A_228 = arith.muli %scan3A_226, %mul3A_227 : i32
      %add3A_229 = arith.constant 0 : i32
      %add3A_230 = arith.addi %add3A_229, %mul3A_228 : i32
      %mul3A_231 = arith.constant 16 : i32
      %mul3A_232 = arith.muli %add3A_230, %mul3A_231 : i32
      %get3A_233 = arith.index_cast %mul3A_232 : i32 to index
      %get3A_234 = tpu.vector_load %arg5[%get3A_233] {strides = array<i32>} : memref<49152xf32, #tpu.memory_space<vmem>>, vector<16xf32>,
      %get3A_235 = vector.shape_cast %get3A_234 : vector<16xf32> to vector<16xf32>
      %get3A_236 = arith.index_cast %mul3A_232 : i32 to index
      %get3A_237 = tpu.vector_load %arg6[%get3A_236] {strides = array<i32>} : memref<49152xf32, #tpu.memory_space<vmem>>, vector<16xf32>,
      %get3A_238 = vector.shape_cast %get3A_237 : vector<16xf32> to vector<16xf32>
      %add3A_239 = arith.addf %get3A_235, %get3A_238 : vector<16xf32>
      %swap3A_240 = arith.index_cast %mul3A_232 : i32 to index
      %swap3A_241 = tpu.vector_load %arg5[%swap3A_240] {strides = array<i32>} : memref<49152xf32, #tpu.memory_space<vmem>>, vector<16xf32>,
      %swap3A_242 = vector.shape_cast %swap3A_241 : vector<16xf32> to vector<16xf32>
      %swap3A_243 = vector.shape_cast %add3A_239 : vector<16xf32> to vector<16xf32>
      tpu.vector_store %arg5[%swap3A_240], %swap3A_243 {strides = array<i32>} : memref<49152xf32, #tpu.memory_space<vmem>>, vector<16xf32>,
      %scan3A_244 = arith.constant 2 : i32
      %scan3A_245 = arith.addi %scan3A_209, %scan3A_244 : i32
      %mul3A_246 = arith.constant 1 : i32
      %mul3A_247 = arith.muli %scan3A_245, %mul3A_246 : i32
      %add3A_248 = arith.constant 0 : i32
      %add3A_249 = arith.addi %add3A_248, %mul3A_247 : i32
      %mul3A_250 = arith.constant 16 : i32
      %mul3A_251 = arith.muli %add3A_249, %mul3A_250 : i32
      %get3A_252 = arith.index_cast %mul3A_251 : i32 to index
      %get3A_253 = tpu.vector_load %arg5[%get3A_252] {strides = array<i32>} : memref<49152xf32, #tpu.memory_space<vmem>>, vector<16xf32>,
      %get3A_254 = vector.shape_cast %get3A_253 : vector<16xf32> to vector<16xf32>
      %get3A_255 = arith.index_cast %mul3A_251 : i32 to index
      %get3A_256 = tpu.vector_load %arg6[%get3A_255] {strides = array<i32>} : memref<49152xf32, #tpu.memory_space<vmem>>, vector<16xf32>,
      %get3A_257 = vector.shape_cast %get3A_256 : vector<16xf32> to vector<16xf32>
      %add3A_258 = arith.addf %get3A_254, %get3A_257 : vector<16xf32>
      %swap3A_259 = arith.index_cast %mul3A_251 : i32 to index
      %swap3A_260 = tpu.vector_load %arg5[%swap3A_259] {strides = array<i32>} : memref<49152xf32, #tpu.memory_space<vmem>>, vector<16xf32>,
      %swap3A_261 = vector.shape_cast %swap3A_260 : vector<16xf32> to vector<16xf32>
      %swap3A_262 = vector.shape_cast %add3A_258 : vector<16xf32> to vector<16xf32>
      tpu.vector_store %arg5[%swap3A_259], %swap3A_262 {strides = array<i32>} : memref<49152xf32, #tpu.memory_space<vmem>>, vector<16xf32>,
      %scan3A_263 = arith.constant 3 : i32
      %scan3A_264 = arith.addi %scan3A_209, %scan3A_263 : i32
      %mul3A_265 = arith.constant 1 : i32
      %mul3A_266 = arith.muli %scan3A_264, %mul3A_265 : i32
      %add3A_267 = arith.constant 0 : i32
      %add3A_268 = arith.addi %add3A_267, %mul3A_266 : i32
      %mul3A_269 = arith.constant 16 : i32
      %mul3A_270 = arith.muli %add3A_268, %mul3A_269 : i32
      %get3A_271 = arith.index_cast %mul3A_270 : i32 to index
      %get3A_272 = tpu.vector_load %arg5[%get3A_271] {strides = array<i32>} : memref<49152xf32, #tpu.memory_space<vmem>>, vector<16xf32>,
      %get3A_273 = vector.shape_cast %get3A_272 : vector<16xf32> to vector<16xf32>
      %get3A_274 = arith.index_cast %mul3A_270 : i32 to index
      %get3A_275 = tpu.vector_load %arg6[%get3A_274] {strides = array<i32>} : memref<49152xf32, #tpu.memory_space<vmem>>, vector<16xf32>,
      %get3A_276 = vector.shape_cast %get3A_275 : vector<16xf32> to vector<16xf32>
      %add3A_277 = arith.addf %get3A_273, %get3A_276 : vector<16xf32>
      %swap3A_278 = arith.index_cast %mul3A_270 : i32 to index
      %swap3A_279 = tpu.vector_load %arg5[%swap3A_278] {strides = array<i32>} : memref<49152xf32, #tpu.memory_space<vmem>>, vector<16xf32>,
      %swap3A_280 = vector.shape_cast %swap3A_279 : vector<16xf32> to vector<16xf32>
      %swap3A_281 = vector.shape_cast %add3A_277 : vector<16xf32> to vector<16xf32>
      tpu.vector_store %arg5[%swap3A_278], %swap3A_281 {strides = array<i32>} : memref<49152xf32, #tpu.memory_space<vmem>>, vector<16xf32>,
      %scan3A_282 = arith.constant 4 : i32
      %scan3A_283 = arith.addi %scan3A_209, %scan3A_282 : i32
      %mul3A_284 = arith.constant 1 : i32
      %mul3A_285 = arith.muli %scan3A_283, %mul3A_284 : i32
      %add3A_286 = arith.constant 0 : i32
      %add3A_287 = arith.addi %add3A_286, %mul3A_285 : i32
      %mul3A_288 = arith.constant 16 : i32
      %mul3A_289 = arith.muli %add3A_287, %mul3A_288 : i32
      %get3A_290 = arith.index_cast %mul3A_289 : i32 to index
      %get3A_291 = tpu.vector_load %arg5[%get3A_290] {strides = array<i32>} : memref<49152xf32, #tpu.memory_space<vmem>>, vector<16xf32>,
      %get3A_292 = vector.shape_cast %get3A_291 : vector<16xf32> to vector<16xf32>
      %get3A_293 = arith.index_cast %mul3A_289 : i32 to index
      %get3A_294 = tpu.vector_load %arg6[%get3A_293] {strides = array<i32>} : memref<49152xf32, #tpu.memory_space<vmem>>, vector<16xf32>,
      %get3A_295 = vector.shape_cast %get3A_294 : vector<16xf32> to vector<16xf32>
      %add3A_296 = arith.addf %get3A_292, %get3A_295 : vector<16xf32>
      %swap3A_297 = arith.index_cast %mul3A_289 : i32 to index
      %swap3A_298 = tpu.vector_load %arg5[%swap3A_297] {strides = array<i32>} : memref<49152xf32, #tpu.memory_space<vmem>>, vector<16xf32>,
      %swap3A_299 = vector.shape_cast %swap3A_298 : vector<16xf32> to vector<16xf32>
      %swap3A_300 = vector.shape_cast %add3A_296 : vector<16xf32> to vector<16xf32>
      tpu.vector_store %arg5[%swap3A_297], %swap3A_300 {strides = array<i32>} : memref<49152xf32, #tpu.memory_space<vmem>>, vector<16xf32>,
      %scan3A_301 = arith.constant 5 : i32
      %scan3A_302 = arith.addi %scan3A_209, %scan3A_301 : i32
      %mul3A_303 = arith.constant 1 : i32
      %mul3A_304 = arith.muli %scan3A_302, %mul3A_303 : i32
      %add3A_305 = arith.constant 0 : i32
      %add3A_306 = arith.addi %add3A_305, %mul3A_304 : i32
      %mul3A_307 = arith.constant 16 : i32
      %mul3A_308 = arith.muli %add3A_306, %mul3A_307 : i32
      %get3A_309 = arith.index_cast %mul3A_308 : i32 to index
      %get3A_310 = tpu.vector_load %arg5[%get3A_309] {strides = array<i32>} : memref<49152xf32, #tpu.memory_space<vmem>>, vector<16xf32>,
      %get3A_311 = vector.shape_cast %get3A_310 : vector<16xf32> to vector<16xf32>
      %get3A_312 = arith.index_cast %mul3A_308 : i32 to index
      %get3A_313 = tpu.vector_load %arg6[%get3A_312] {strides = array<i32>} : memref<49152xf32, #tpu.memory_space<vmem>>, vector<16xf32>,
      %get3A_314 = vector.shape_cast %get3A_313 : vector<16xf32> to vector<16xf32>
      %add3A_315 = arith.addf %get3A_311, %get3A_314 : vector<16xf32>
      %swap3A_316 = arith.index_cast %mul3A_308 : i32 to index
      %swap3A_317 = tpu.vector_load %arg5[%swap3A_316] {strides = array<i32>} : memref<49152xf32, #tpu.memory_space<vmem>>, vector<16xf32>,
      %swap3A_318 = vector.shape_cast %swap3A_317 : vector<16xf32> to vector<16xf32>
      %swap3A_319 = vector.shape_cast %add3A_315 : vector<16xf32> to vector<16xf32>
      tpu.vector_store %arg5[%swap3A_316], %swap3A_319 {strides = array<i32>} : memref<49152xf32, #tpu.memory_space<vmem>>, vector<16xf32>,
      %scan3A_320 = arith.constant 6 : i32
      %scan3A_321 = arith.addi %scan3A_209, %scan3A_320 : i32
      %mul3A_322 = arith.constant 1 : i32
      %mul3A_323 = arith.muli %scan3A_321, %mul3A_322 : i32
      %add3A_324 = arith.constant 0 : i32
      %add3A_325 = arith.addi %add3A_324, %mul3A_323 : i32
      %mul3A_326 = arith.constant 16 : i32
      %mul3A_327 = arith.muli %add3A_325, %mul3A_326 : i32
      %get3A_328 = arith.index_cast %mul3A_327 : i32 to index
      %get3A_329 = tpu.vector_load %arg5[%get3A_328] {strides = array<i32>} : memref<49152xf32, #tpu.memory_space<vmem>>, vector<16xf32>,
      %get3A_330 = vector.shape_cast %get3A_329 : vector<16xf32> to vector<16xf32>
      %get3A_331 = arith.index_cast %mul3A_327 : i32 to index
      %get3A_332 = tpu.vector_load %arg6[%get3A_331] {strides = array<i32>} : memref<49152xf32, #tpu.memory_space<vmem>>, vector<16xf32>,
      %get3A_333 = vector.shape_cast %get3A_332 : vector<16xf32> to vector<16xf32>
      %add3A_334 = arith.addf %get3A_330, %get3A_333 : vector<16xf32>
      %swap3A_335 = arith.index_cast %mul3A_327 : i32 to index
      %swap3A_336 = tpu.vector_load %arg5[%swap3A_335] {strides = array<i32>} : memref<49152xf32, #tpu.memory_space<vmem>>, vector<16xf32>,
      %swap3A_337 = vector.shape_cast %swap3A_336 : vector<16xf32> to vector<16xf32>
      %swap3A_338 = vector.shape_cast %add3A_334 : vector<16xf32> to vector<16xf32>
      tpu.vector_store %arg5[%swap3A_335], %swap3A_338 {strides = array<i32>} : memref<49152xf32, #tpu.memory_space<vmem>>, vector<16xf32>,
      %scan3A_339 = arith.constant 7 : i32
      %scan3A_340 = arith.addi %scan3A_209, %scan3A_339 : i32
      %mul3A_341 = arith.constant 1 : i32
      %mul3A_342 = arith.muli %scan3A_340, %mul3A_341 : i32
      %add3A_343 = arith.constant 0 : i32
      %add3A_344 = arith.addi %add3A_343, %mul3A_342 : i32
      %mul3A_345 = arith.constant 16 : i32
      %mul3A_346 = arith.muli %add3A_344, %mul3A_345 : i32
      %get3A_347 = arith.index_cast %mul3A_346 : i32 to index
      %get3A_348 = tpu.vector_load %arg5[%get3A_347] {strides = array<i32>} : memref<49152xf32, #tpu.memory_space<vmem>>, vector<16xf32>,
      %get3A_349 = vector.shape_cast %get3A_348 : vector<16xf32> to vector<16xf32>
      %get3A_350 = arith.index_cast %mul3A_346 : i32 to index
      %get3A_351 = tpu.vector_load %arg6[%get3A_350] {strides = array<i32>} : memref<49152xf32, #tpu.memory_space<vmem>>, vector<16xf32>,
      %get3A_352 = vector.shape_cast %get3A_351 : vector<16xf32> to vector<16xf32>
      %add3A_353 = arith.addf %get3A_349, %get3A_352 : vector<16xf32>
      %swap3A_354 = arith.index_cast %mul3A_346 : i32 to index
      %swap3A_355 = tpu.vector_load %arg5[%swap3A_354] {strides = array<i32>} : memref<49152xf32, #tpu.memory_space<vmem>>, vector<16xf32>,
      %swap3A_356 = vector.shape_cast %swap3A_355 : vector<16xf32> to vector<16xf32>
      %swap3A_357 = vector.shape_cast %add3A_353 : vector<16xf32> to vector<16xf32>
      tpu.vector_store %arg5[%swap3A_354], %swap3A_357 {strides = array<i32>} : memref<49152xf32, #tpu.memory_space<vmem>>, vector<16xf32>,
    }
    %scan3A_26 = arith.constant 3072 : i32
    "tpu.region"() ({
      %run_scoped3A = tpu.sem_alloc : memref<!tpu.dma_semaphore, #tpu.memory_space<semaphore_mem>>
      %dma_start3A = tpu.memref_slice %arg4[%mul3A_17] : memref<25165824xf32, #tpu.memory_space<hbm>> -> memref<49152xf32, #tpu.memory_space<hbm>>
      %dma_start3A_209 = tpu.memref_slice %arg4[%mul3A_17] : memref<25165824xf32, #tpu.memory_space<hbm>> -> memref<49152xf32, #tpu.memory_space<hbm>>
      tpu.enqueue_dma source(%arg5 : memref<49152xf32, #tpu.memory_space<vmem>>) target(%dma_start3A_209 : memref<49152xf32, #tpu.memory_space<hbm>>) target_semaphore(%run_scoped3A : memref<!tpu.dma_semaphore, #tpu.memory_space<semaphore_mem>>)
      %dma_wait3A = tpu.memref_slice %arg4[%mul3A_17] : memref<25165824xf32, #tpu.memory_space<hbm>> -> memref<49152xf32, #tpu.memory_space<hbm>>
      %dma_wait3A_210 = tpu.memref_slice %arg4[%mul3A_17] : memref<25165824xf32, #tpu.memory_space<hbm>> -> memref<49152xf32, #tpu.memory_space<hbm>>
      tpu.wait_dma2 semaphore(%run_scoped3A : memref<!tpu.dma_semaphore, #tpu.memory_space<semaphore_mem>>) src(%arg5 : memref<49152xf32, #tpu.memory_space<vmem>>) dst(%dma_wait3A_210 : memref<49152xf32, #tpu.memory_space<hbm>>)
      tpu.yield
    }) : () -> ()
    %add3A_27 = arith.constant 128 : i32
    %add3A_28 = arith.addi %mul3A_2, %add3A_27 : i32
    %mul3A_29 = arith.constant 768 : i32
    %mul3A_30 = arith.muli %add3A_28, %mul3A_29 : i32
    %rem3A_31 = arith.constant 8192 : i32
    %rem3A_32 = arith.remsi %add3A_28, %rem3A_31 : i32
    %mul3A_33 = arith.constant 768 : i32
    %mul3A_34 = arith.muli %rem3A_32, %mul3A_33 : i32
    "tpu.region"() ({
      %run_scoped3A = tpu.sem_alloc : memref<!tpu.dma_semaphore, #tpu.memory_space<semaphore_mem>>
      %dma_start3A = tpu.memref_slice %arg2[%mul3A_30] : memref<25165824xf32, #tpu.memory_space<hbm>> -> memref<49152xf32, #tpu.memory_space<hbm>>
      %dma_start3A_209 = tpu.memref_slice %arg2[%mul3A_30] : memref<25165824xf32, #tpu.memory_space<hbm>> -> memref<49152xf32, #tpu.memory_space<hbm>>
      tpu.enqueue_dma source(%dma_start3A_209 : memref<49152xf32, #tpu.memory_space<hbm>>) target(%arg5 : memref<49152xf32, #tpu.memory_space<vmem>>) target_semaphore(%run_scoped3A : memref<!tpu.dma_semaphore, #tpu.memory_space<semaphore_mem>>)
      %dma_wait3A = tpu.memref_slice %arg2[%mul3A_30] : memref<25165824xf32, #tpu.memory_space<hbm>> -> memref<49152xf32, #tpu.memory_space<hbm>>
      %dma_wait3A_210 = tpu.memref_slice %arg2[%mul3A_30] : memref<25165824xf32, #tpu.memory_space<hbm>> -> memref<49152xf32, #tpu.memory_space<hbm>>
      tpu.wait_dma2 semaphore(%run_scoped3A : memref<!tpu.dma_semaphore, #tpu.memory_space<semaphore_mem>>) src(%dma_wait3A_210 : memref<49152xf32, #tpu.memory_space<hbm>>) dst(%arg5 : memref<49152xf32, #tpu.memory_space<vmem>>)
      tpu.yield
    }) : () -> ()
    "tpu.region"() ({
      %run_scoped3A = tpu.sem_alloc : memref<!tpu.dma_semaphore, #tpu.memory_space<semaphore_mem>>
      %dma_start3A = tpu.memref_slice %arg3[%mul3A_34] : memref<6291456xf32, #tpu.memory_space<hbm>> -> memref<49152xf32, #tpu.memory_space<hbm>>
      %dma_start3A_209 = tpu.memref_slice %arg3[%mul3A_34] : memref<6291456xf32, #tpu.memory_space<hbm>> -> memref<49152xf32, #tpu.memory_space<hbm>>
      tpu.enqueue_dma source(%dma_start3A_209 : memref<49152xf32, #tpu.memory_space<hbm>>) target(%arg6 : memref<49152xf32, #tpu.memory_space<vmem>>) target_semaphore(%run_scoped3A : memref<!tpu.dma_semaphore, #tpu.memory_space<semaphore_mem>>)
      %dma_wait3A = tpu.memref_slice %arg3[%mul3A_34] : memref<6291456xf32, #tpu.memory_space<hbm>> -> memref<49152xf32, #tpu.memory_space<hbm>>
      %dma_wait3A_210 = tpu.memref_slice %arg3[%mul3A_34] : memref<6291456xf32, #tpu.memory_space<hbm>> -> memref<49152xf32, #tpu.memory_space<hbm>>
      tpu.wait_dma2 semaphore(%run_scoped3A : memref<!tpu.dma_semaphore, #tpu.memory_space<semaphore_mem>>) src(%dma_wait3A_210 : memref<49152xf32, #tpu.memory_space<hbm>>) dst(%arg6 : memref<49152xf32, #tpu.memory_space<vmem>>)
      tpu.yield
    }) : () -> ()
    %scan3A_35 = arith.constant 0 : i32
    %scan3A_36 = arith.constant 3072 : i32
    %scan3A_37 = arith.addi %scan3A_35, %scan3A_36 : i32
    %scan3A_38 = arith.constant 8 : i32
    scf.for %scan3A_209 = %scan3A_35 to %scan3A_37 step %scan3A_38  : i32 {
      %mul3A_210 = arith.constant 1 : i32
      %mul3A_211 = arith.muli %scan3A_209, %mul3A_210 : i32
      %add3A_212 = arith.constant 0 : i32
      %add3A_213 = arith.addi %add3A_212, %mul3A_211 : i32
      %mul3A_214 = arith.constant 16 : i32
      %mul3A_215 = arith.muli %add3A_213, %mul3A_214 : i32
      %get3A = arith.index_cast %mul3A_215 : i32 to index
      %get3A_216 = tpu.vector_load %arg5[%get3A] {strides = array<i32>} : memref<49152xf32, #tpu.memory_space<vmem>>, vector<16xf32>,
      %get3A_217 = vector.shape_cast %get3A_216 : vector<16xf32> to vector<16xf32>
      %get3A_218 = arith.index_cast %mul3A_215 : i32 to index
      %get3A_219 = tpu.vector_load %arg6[%get3A_218] {strides = array<i32>} : memref<49152xf32, #tpu.memory_space<vmem>>, vector<16xf32>,
      %get3A_220 = vector.shape_cast %get3A_219 : vector<16xf32> to vector<16xf32>
      %add3A_221 = arith.addf %get3A_217, %get3A_220 : vector<16xf32>
      %swap3A = arith.index_cast %mul3A_215 : i32 to index
      %swap3A_222 = tpu.vector_load %arg5[%swap3A] {strides = array<i32>} : memref<49152xf32, #tpu.memory_space<vmem>>, vector<16xf32>,
      %swap3A_223 = vector.shape_cast %swap3A_222 : vector<16xf32> to vector<16xf32>
      %swap3A_224 = vector.shape_cast %add3A_221 : vector<16xf32> to vector<16xf32>
      tpu.vector_store %arg5[%swap3A], %swap3A_224 {strides = array<i32>} : memref<49152xf32, #tpu.memory_space<vmem>>, vector<16xf32>,
      %scan3A_225 = arith.constant 1 : i32
      %scan3A_226 = arith.addi %scan3A_209, %scan3A_225 : i32
      %mul3A_227 = arith.constant 1 : i32
      %mul3A_228 = arith.muli %scan3A_226, %mul3A_227 : i32
      %add3A_229 = arith.constant 0 : i32
      %add3A_230 = arith.addi %add3A_229, %mul3A_228 : i32
      %mul3A_231 = arith.constant 16 : i32
      %mul3A_232 = arith.muli %add3A_230, %mul3A_231 : i32
      %get3A_233 = arith.index_cast %mul3A_232 : i32 to index
      %get3A_234 = tpu.vector_load %arg5[%get3A_233] {strides = array<i32>} : memref<49152xf32, #tpu.memory_space<vmem>>, vector<16xf32>,
      %get3A_235 = vector.shape_cast %get3A_234 : vector<16xf32> to vector<16xf32>
      %get3A_236 = arith.index_cast %mul3A_232 : i32 to index
      %get3A_237 = tpu.vector_load %arg6[%get3A_236] {strides = array<i32>} : memref<49152xf32, #tpu.memory_space<vmem>>, vector<16xf32>,
      %get3A_238 = vector.shape_cast %get3A_237 : vector<16xf32> to vector<16xf32>
      %add3A_239 = arith.addf %get3A_235, %get3A_238 : vector<16xf32>
      %swap3A_240 = arith.index_cast %mul3A_232 : i32 to index
      %swap3A_241 = tpu.vector_load %arg5[%swap3A_240] {strides = array<i32>} : memref<49152xf32, #tpu.memory_space<vmem>>, vector<16xf32>,
      %swap3A_242 = vector.shape_cast %swap3A_241 : vector<16xf32> to vector<16xf32>
      %swap3A_243 = vector.shape_cast %add3A_239 : vector<16xf32> to vector<16xf32>
      tpu.vector_store %arg5[%swap3A_240], %swap3A_243 {strides = array<i32>} : memref<49152xf32, #tpu.memory_space<vmem>>, vector<16xf32>,
      %scan3A_244 = arith.constant 2 : i32
      %scan3A_245 = arith.addi %scan3A_209, %scan3A_244 : i32
      %mul3A_246 = arith.constant 1 : i32
      %mul3A_247 = arith.muli %scan3A_245, %mul3A_246 : i32
      %add3A_248 = arith.constant 0 : i32
      %add3A_249 = arith.addi %add3A_248, %mul3A_247 : i32
      %mul3A_250 = arith.constant 16 : i32
      %mul3A_251 = arith.muli %add3A_249, %mul3A_250 : i32
      %get3A_252 = arith.index_cast %mul3A_251 : i32 to index
      %get3A_253 = tpu.vector_load %arg5[%get3A_252] {strides = array<i32>} : memref<49152xf32, #tpu.memory_space<vmem>>, vector<16xf32>,
      %get3A_254 = vector.shape_cast %get3A_253 : vector<16xf32> to vector<16xf32>
      %get3A_255 = arith.index_cast %mul3A_251 : i32 to index
      %get3A_256 = tpu.vector_load %arg6[%get3A_255] {strides = array<i32>} : memref<49152xf32, #tpu.memory_space<vmem>>, vector<16xf32>,
      %get3A_257 = vector.shape_cast %get3A_256 : vector<16xf32> to vector<16xf32>
      %add3A_258 = arith.addf %get3A_254, %get3A_257 : vector<16xf32>
      %swap3A_259 = arith.index_cast %mul3A_251 : i32 to index
      %swap3A_260 = tpu.vector_load %arg5[%swap3A_259] {strides = array<i32>} : memref<49152xf32, #tpu.memory_space<vmem>>, vector<16xf32>,
      %swap3A_261 = vector.shape_cast %swap3A_260 : vector<16xf32> to vector<16xf32>
      %swap3A_262 = vector.shape_cast %add3A_258 : vector<16xf32> to vector<16xf32>
      tpu.vector_store %arg5[%swap3A_259], %swap3A_262 {strides = array<i32>} : memref<49152xf32, #tpu.memory_space<vmem>>, vector<16xf32>,
      %scan3A_263 = arith.constant 3 : i32
      %scan3A_264 = arith.addi %scan3A_209, %scan3A_263 : i32
      %mul3A_265 = arith.constant 1 : i32
      %mul3A_266 = arith.muli %scan3A_264, %mul3A_265 : i32
      %add3A_267 = arith.constant 0 : i32
      %add3A_268 = arith.addi %add3A_267, %mul3A_266 : i32
      %mul3A_269 = arith.constant 16 : i32
      %mul3A_270 = arith.muli %add3A_268, %mul3A_269 : i32
      %get3A_271 = arith.index_cast %mul3A_270 : i32 to index
      %get3A_272 = tpu.vector_load %arg5[%get3A_271] {strides = array<i32>} : memref<49152xf32, #tpu.memory_space<vmem>>, vector<16xf32>,
      %get3A_273 = vector.shape_cast %get3A_272 : vector<16xf32> to vector<16xf32>
      %get3A_274 = arith.index_cast %mul3A_270 : i32 to index
      %get3A_275 = tpu.vector_load %arg6[%get3A_274] {strides = array<i32>} : memref<49152xf32, #tpu.memory_space<vmem>>, vector<16xf32>,
      %get3A_276 = vector.shape_cast %get3A_275 : vector<16xf32> to vector<16xf32>
      %add3A_277 = arith.addf %get3A_273, %get3A_276 : vector<16xf32>
      %swap3A_278 = arith.index_cast %mul3A_270 : i32 to index
      %swap3A_279 = tpu.vector_load %arg5[%swap3A_278] {strides = array<i32>} : memref<49152xf32, #tpu.memory_space<vmem>>, vector<16xf32>,
      %swap3A_280 = vector.shape_cast %swap3A_279 : vector<16xf32> to vector<16xf32>
      %swap3A_281 = vector.shape_cast %add3A_277 : vector<16xf32> to vector<16xf32>
      tpu.vector_store %arg5[%swap3A_278], %swap3A_281 {strides = array<i32>} : memref<49152xf32, #tpu.memory_space<vmem>>, vector<16xf32>,
      %scan3A_282 = arith.constant 4 : i32
      %scan3A_283 = arith.addi %scan3A_209, %scan3A_282 : i32
      %mul3A_284 = arith.constant 1 : i32
      %mul3A_285 = arith.muli %scan3A_283, %mul3A_284 : i32
      %add3A_286 = arith.constant 0 : i32
      %add3A_287 = arith.addi %add3A_286, %mul3A_285 : i32
      %mul3A_288 = arith.constant 16 : i32
      %mul3A_289 = arith.muli %add3A_287, %mul3A_288 : i32
      %get3A_290 = arith.index_cast %mul3A_289 : i32 to index
      %get3A_291 = tpu.vector_load %arg5[%get3A_290] {strides = array<i32>} : memref<49152xf32, #tpu.memory_space<vmem>>, vector<16xf32>,
      %get3A_292 = vector.shape_cast %get3A_291 : vector<16xf32> to vector<16xf32>
      %get3A_293 = arith.index_cast %mul3A_289 : i32 to index
      %get3A_294 = tpu.vector_load %arg6[%get3A_293] {strides = array<i32>} : memref<49152xf32, #tpu.memory_space<vmem>>, vector<16xf32>,
      %get3A_295 = vector.shape_cast %get3A_294 : vector<16xf32> to vector<16xf32>
      %add3A_296 = arith.addf %get3A_292, %get3A_295 : vector<16xf32>
      %swap3A_297 = arith.index_cast %mul3A_289 : i32 to index
      %swap3A_298 = tpu.vector_load %arg5[%swap3A_297] {strides = array<i32>} : memref<49152xf32, #tpu.memory_space<vmem>>, vector<16xf32>,
      %swap3A_299 = vector.shape_cast %swap3A_298 : vector<16xf32> to vector<16xf32>
      %swap3A_300 = vector.shape_cast %add3A_296 : vector<16xf32> to vector<16xf32>
      tpu.vector_store %arg5[%swap3A_297], %swap3A_300 {strides = array<i32>} : memref<49152xf32, #tpu.memory_space<vmem>>, vector<16xf32>,
      %scan3A_301 = arith.constant 5 : i32
      %scan3A_302 = arith.addi %scan3A_209, %scan3A_301 : i32
      %mul3A_303 = arith.constant 1 : i32
      %mul3A_304 = arith.muli %scan3A_302, %mul3A_303 : i32
      %add3A_305 = arith.constant 0 : i32
      %add3A_306 = arith.addi %add3A_305, %mul3A_304 : i32
      %mul3A_307 = arith.constant 16 : i32
      %mul3A_308 = arith.muli %add3A_306, %mul3A_307 : i32
      %get3A_309 = arith.index_cast %mul3A_308 : i32 to index
      %get3A_310 = tpu.vector_load %arg5[%get3A_309] {strides = array<i32>} : memref<49152xf32, #tpu.memory_space<vmem>>, vector<16xf32>,
      %get3A_311 = vector.shape_cast %get3A_310 : vector<16xf32> to vector<16xf32>
      %get3A_312 = arith.index_cast %mul3A_308 : i32 to index
      %get3A_313 = tpu.vector_load %arg6[%get3A_312] {strides = array<i32>} : memref<49152xf32, #tpu.memory_space<vmem>>, vector<16xf32>,
      %get3A_314 = vector.shape_cast %get3A_313 : vector<16xf32> to vector<16xf32>
      %add3A_315 = arith.addf %get3A_311, %get3A_314 : vector<16xf32>
      %swap3A_316 = arith.index_cast %mul3A_308 : i32 to index
      %swap3A_317 = tpu.vector_load %arg5[%swap3A_316] {strides = array<i32>} : memref<49152xf32, #tpu.memory_space<vmem>>, vector<16xf32>,
      %swap3A_318 = vector.shape_cast %swap3A_317 : vector<16xf32> to vector<16xf32>
      %swap3A_319 = vector.shape_cast %add3A_315 : vector<16xf32> to vector<16xf32>
      tpu.vector_store %arg5[%swap3A_316], %swap3A_319 {strides = array<i32>} : memref<49152xf32, #tpu.memory_space<vmem>>, vector<16xf32>,
      %scan3A_320 = arith.constant 6 : i32
      %scan3A_321 = arith.addi %scan3A_209, %scan3A_320 : i32
      %mul3A_322 = arith.constant 1 : i32
      %mul3A_323 = arith.muli %scan3A_321, %mul3A_322 : i32
      %add3A_324 = arith.constant 0 : i32
      %add3A_325 = arith.addi %add3A_324, %mul3A_323 : i32
      %mul3A_326 = arith.constant 16 : i32
      %mul3A_327 = arith.muli %add3A_325, %mul3A_326 : i32
      %get3A_328 = arith.index_cast %mul3A_327 : i32 to index
      %get3A_329 = tpu.vector_load %arg5[%get3A_328] {strides = array<i32>} : memref<49152xf32, #tpu.memory_space<vmem>>, vector<16xf32>,
      %get3A_330 = vector.shape_cast %get3A_329 : vector<16xf32> to vector<16xf32>
      %get3A_331 = arith.index_cast %mul3A_327 : i32 to index
      %get3A_332 = tpu.vector_load %arg6[%get3A_331] {strides = array<i32>} : memref<49152xf32, #tpu.memory_space<vmem>>, vector<16xf32>,
      %get3A_333 = vector.shape_cast %get3A_332 : vector<16xf32> to vector<16xf32>
      %add3A_334 = arith.addf %get3A_330, %get3A_333 : vector<16xf32>
      %swap3A_335 = arith.index_cast %mul3A_327 : i32 to index
      %swap3A_336 = tpu.vector_load %arg5[%swap3A_335] {strides = array<i32>} : memref<49152xf32, #tpu.memory_space<vmem>>, vector<16xf32>,
      %swap3A_337 = vector.shape_cast %swap3A_336 : vector<16xf32> to vector<16xf32>
      %swap3A_338 = vector.shape_cast %add3A_334 : vector<16xf32> to vector<16xf32>
      tpu.vector_store %arg5[%swap3A_335], %swap3A_338 {strides = array<i32>} : memref<49152xf32, #tpu.memory_space<vmem>>, vector<16xf32>,
      %scan3A_339 = arith.constant 7 : i32
      %scan3A_340 = arith.addi %scan3A_209, %scan3A_339 : i32
      %mul3A_341 = arith.constant 1 : i32
      %mul3A_342 = arith.muli %scan3A_340, %mul3A_341 : i32
      %add3A_343 = arith.constant 0 : i32
      %add3A_344 = arith.addi %add3A_343, %mul3A_342 : i32
      %mul3A_345 = arith.constant 16 : i32
      %mul3A_346 = arith.muli %add3A_344, %mul3A_345 : i32
      %get3A_347 = arith.index_cast %mul3A_346 : i32 to index
      %get3A_348 = tpu.vector_load %arg5[%get3A_347] {strides = array<i32>} : memref<49152xf32, #tpu.memory_space<vmem>>, vector<16xf32>,
      %get3A_349 = vector.shape_cast %get3A_348 : vector<16xf32> to vector<16xf32>
      %get3A_350 = arith.index_cast %mul3A_346 : i32 to index
      %get3A_351 = tpu.vector_load %arg6[%get3A_350] {strides = array<i32>} : memref<49152xf32, #tpu.memory_space<vmem>>, vector<16xf32>,
      %get3A_352 = vector.shape_cast %get3A_351 : vector<16xf32> to vector<16xf32>
      %add3A_353 = arith.addf %get3A_349, %get3A_352 : vector<16xf32>
      %swap3A_354 = arith.index_cast %mul3A_346 : i32 to index
      %swap3A_355 = tpu.vector_load %arg5[%swap3A_354] {strides = array<i32>} : memref<49152xf32, #tpu.memory_space<vmem>>, vector<16xf32>,
      %swap3A_356 = vector.shape_cast %swap3A_355 : vector<16xf32> to vector<16xf32>
      %swap3A_357 = vector.shape_cast %add3A_353 : vector<16xf32> to vector<16xf32>
      tpu.vector_store %arg5[%swap3A_354], %swap3A_357 {strides = array<i32>} : memref<49152xf32, #tpu.memory_space<vmem>>, vector<16xf32>,
    }
    %scan3A_39 = arith.constant 3072 : i32
    "tpu.region"() ({
      %run_scoped3A = tpu.sem_alloc : memref<!tpu.dma_semaphore, #tpu.memory_space<semaphore_mem>>
      %dma_start3A = tpu.memref_slice %arg4[%mul3A_30] : memref<25165824xf32, #tpu.memory_space<hbm>> -> memref<49152xf32, #tpu.memory_space<hbm>>
      %dma_start3A_209 = tpu.memref_slice %arg4[%mul3A_30] : memref<25165824xf32, #tpu.memory_space<hbm>> -> memref<49152xf32, #tpu.memory_space<hbm>>
      tpu.enqueue_dma source(%arg5 : memref<49152xf32, #tpu.memory_space<vmem>>) target(%dma_start3A_209 : memref<49152xf32, #tpu.memory_space<hbm>>) target_semaphore(%run_scoped3A : memref<!tpu.dma_semaphore, #tpu.memory_space<semaphore_mem>>)
      %dma_wait3A = tpu.memref_slice %arg4[%mul3A_30] : memref<25165824xf32, #tpu.memory_space<hbm>> -> memref<49152xf32, #tpu.memory_space<hbm>>
      %dma_wait3A_210 = tpu.memref_slice %arg4[%mul3A_30] : memref<25165824xf32, #tpu.memory_space<hbm>> -> memref<49152xf32, #tpu.memory_space<hbm>>
      tpu.wait_dma2 semaphore(%run_scoped3A : memref<!tpu.dma_semaphore, #tpu.memory_space<semaphore_mem>>) src(%arg5 : memref<49152xf32, #tpu.memory_space<vmem>>) dst(%dma_wait3A_210 : memref<49152xf32, #tpu.memory_space<hbm>>)
      tpu.yield
    }) : () -> ()
    %add3A_40 = arith.constant 192 : i32
    %add3A_41 = arith.addi %mul3A_2, %add3A_40 : i32
    %mul3A_42 = arith.constant 768 : i32
    %mul3A_43 = arith.muli %add3A_41, %mul3A_42 : i32
    %rem3A_44 = arith.constant 8192 : i32
    %rem3A_45 = arith.remsi %add3A_41, %rem3A_44 : i32
    %mul3A_46 = arith.constant 768 : i32
    %mul3A_47 = arith.muli %rem3A_45, %mul3A_46 : i32
    "tpu.region"() ({
      %run_scoped3A = tpu.sem_alloc : memref<!tpu.dma_semaphore, #tpu.memory_space<semaphore_mem>>
      %dma_start3A = tpu.memref_slice %arg2[%mul3A_43] : memref<25165824xf32, #tpu.memory_space<hbm>> -> memref<49152xf32, #tpu.memory_space<hbm>>
      %dma_start3A_209 = tpu.memref_slice %arg2[%mul3A_43] : memref<25165824xf32, #tpu.memory_space<hbm>> -> memref<49152xf32, #tpu.memory_space<hbm>>
      tpu.enqueue_dma source(%dma_start3A_209 : memref<49152xf32, #tpu.memory_space<hbm>>) target(%arg5 : memref<49152xf32, #tpu.memory_space<vmem>>) target_semaphore(%run_scoped3A : memref<!tpu.dma_semaphore, #tpu.memory_space<semaphore_mem>>)
      %dma_wait3A = tpu.memref_slice %arg2[%mul3A_43] : memref<25165824xf32, #tpu.memory_space<hbm>> -> memref<49152xf32, #tpu.memory_space<hbm>>
      %dma_wait3A_210 = tpu.memref_slice %arg2[%mul3A_43] : memref<25165824xf32, #tpu.memory_space<hbm>> -> memref<49152xf32, #tpu.memory_space<hbm>>
      tpu.wait_dma2 semaphore(%run_scoped3A : memref<!tpu.dma_semaphore, #tpu.memory_space<semaphore_mem>>) src(%dma_wait3A_210 : memref<49152xf32, #tpu.memory_space<hbm>>) dst(%arg5 : memref<49152xf32, #tpu.memory_space<vmem>>)
      tpu.yield
    }) : () -> ()
    "tpu.region"() ({
      %run_scoped3A = tpu.sem_alloc : memref<!tpu.dma_semaphore, #tpu.memory_space<semaphore_mem>>
      %dma_start3A = tpu.memref_slice %arg3[%mul3A_47] : memref<6291456xf32, #tpu.memory_space<hbm>> -> memref<49152xf32, #tpu.memory_space<hbm>>
      %dma_start3A_209 = tpu.memref_slice %arg3[%mul3A_47] : memref<6291456xf32, #tpu.memory_space<hbm>> -> memref<49152xf32, #tpu.memory_space<hbm>>
      tpu.enqueue_dma source(%dma_start3A_209 : memref<49152xf32, #tpu.memory_space<hbm>>) target(%arg6 : memref<49152xf32, #tpu.memory_space<vmem>>) target_semaphore(%run_scoped3A : memref<!tpu.dma_semaphore, #tpu.memory_space<semaphore_mem>>)
      %dma_wait3A = tpu.memref_slice %arg3[%mul3A_47] : memref<6291456xf32, #tpu.memory_space<hbm>> -> memref<49152xf32, #tpu.memory_space<hbm>>
      %dma_wait3A_210 = tpu.memref_slice %arg3[%mul3A_47] : memref<6291456xf32, #tpu.memory_space<hbm>> -> memref<49152xf32, #tpu.memory_space<hbm>>
      tpu.wait_dma2 semaphore(%run_scoped3A : memref<!tpu.dma_semaphore, #tpu.memory_space<semaphore_mem>>) src(%dma_wait3A_210 : memref<49152xf32, #tpu.memory_space<hbm>>) dst(%arg6 : memref<49152xf32, #tpu.memory_space<vmem>>)
      tpu.yield
    }) : () -> ()
    %scan3A_48 = arith.constant 0 : i32
    %scan3A_49 = arith.constant 3072 : i32
    %scan3A_50 = arith.addi %scan3A_48, %scan3A_49 : i32
    %scan3A_51 = arith.constant 8 : i32
    scf.for %scan3A_209 = %scan3A_48 to %scan3A_50 step %scan3A_51  : i32 {
      %mul3A_210 = arith.constant 1 : i32
      %mul3A_211 = arith.muli %scan3A_209, %mul3A_210 : i32
      %add3A_212 = arith.constant 0 : i32
      %add3A_213 = arith.addi %add3A_212, %mul3A_211 : i32
      %mul3A_214 = arith.constant 16 : i32
      %mul3A_215 = arith.muli %add3A_213, %mul3A_214 : i32
      %get3A = arith.index_cast %mul3A_215 : i32 to index
      %get3A_216 = tpu.vector_load %arg5[%get3A] {strides = array<i32>} : memref<49152xf32, #tpu.memory_space<vmem>>, vector<16xf32>,
      %get3A_217 = vector.shape_cast %get3A_216 : vector<16xf32> to vector<16xf32>
      %get3A_218 = arith.index_cast %mul3A_215 : i32 to index
      %get3A_219 = tpu.vector_load %arg6[%get3A_218] {strides = array<i32>} : memref<49152xf32, #tpu.memory_space<vmem>>, vector<16xf32>,
      %get3A_220 = vector.shape_cast %get3A_219 : vector<16xf32> to vector<16xf32>
      %add3A_221 = arith.addf %get3A_217, %get3A_220 : vector<16xf32>
      %swap3A = arith.index_cast %mul3A_215 : i32 to index
      %swap3A_222 = tpu.vector_load %arg5[%swap3A] {strides = array<i32>} : memref<49152xf32, #tpu.memory_space<vmem>>, vector<16xf32>,
      %swap3A_223 = vector.shape_cast %swap3A_222 : vector<16xf32> to vector<16xf32>
      %swap3A_224 = vector.shape_cast %add3A_221 : vector<16xf32> to vector<16xf32>
      tpu.vector_store %arg5[%swap3A], %swap3A_224 {strides = array<i32>} : memref<49152xf32, #tpu.memory_space<vmem>>, vector<16xf32>,
      %scan3A_225 = arith.constant 1 : i32
      %scan3A_226 = arith.addi %scan3A_209, %scan3A_225 : i32
      %mul3A_227 = arith.constant 1 : i32
      %mul3A_228 = arith.muli %scan3A_226, %mul3A_227 : i32
      %add3A_229 = arith.constant 0 : i32
      %add3A_230 = arith.addi %add3A_229, %mul3A_228 : i32
      %mul3A_231 = arith.constant 16 : i32
      %mul3A_232 = arith.muli %add3A_230, %mul3A_231 : i32
      %get3A_233 = arith.index_cast %mul3A_232 : i32 to index
      %get3A_234 = tpu.vector_load %arg5[%get3A_233] {strides = array<i32>} : memref<49152xf32, #tpu.memory_space<vmem>>, vector<16xf32>,
      %get3A_235 = vector.shape_cast %get3A_234 : vector<16xf32> to vector<16xf32>
      %get3A_236 = arith.index_cast %mul3A_232 : i32 to index
      %get3A_237 = tpu.vector_load %arg6[%get3A_236] {strides = array<i32>} : memref<49152xf32, #tpu.memory_space<vmem>>, vector<16xf32>,
      %get3A_238 = vector.shape_cast %get3A_237 : vector<16xf32> to vector<16xf32>
      %add3A_239 = arith.addf %get3A_235, %get3A_238 : vector<16xf32>
      %swap3A_240 = arith.index_cast %mul3A_232 : i32 to index
      %swap3A_241 = tpu.vector_load %arg5[%swap3A_240] {strides = array<i32>} : memref<49152xf32, #tpu.memory_space<vmem>>, vector<16xf32>,
      %swap3A_242 = vector.shape_cast %swap3A_241 : vector<16xf32> to vector<16xf32>
      %swap3A_243 = vector.shape_cast %add3A_239 : vector<16xf32> to vector<16xf32>
      tpu.vector_store %arg5[%swap3A_240], %swap3A_243 {strides = array<i32>} : memref<49152xf32, #tpu.memory_space<vmem>>, vector<16xf32>,
      %scan3A_244 = arith.constant 2 : i32
      %scan3A_245 = arith.addi %scan3A_209, %scan3A_244 : i32
      %mul3A_246 = arith.constant 1 : i32
      %mul3A_247 = arith.muli %scan3A_245, %mul3A_246 : i32
      %add3A_248 = arith.constant 0 : i32
      %add3A_249 = arith.addi %add3A_248, %mul3A_247 : i32
      %mul3A_250 = arith.constant 16 : i32
      %mul3A_251 = arith.muli %add3A_249, %mul3A_250 : i32
      %get3A_252 = arith.index_cast %mul3A_251 : i32 to index
      %get3A_253 = tpu.vector_load %arg5[%get3A_252] {strides = array<i32>} : memref<49152xf32, #tpu.memory_space<vmem>>, vector<16xf32>,
      %get3A_254 = vector.shape_cast %get3A_253 : vector<16xf32> to vector<16xf32>
      %get3A_255 = arith.index_cast %mul3A_251 : i32 to index
      %get3A_256 = tpu.vector_load %arg6[%get3A_255] {strides = array<i32>} : memref<49152xf32, #tpu.memory_space<vmem>>, vector<16xf32>,
      %get3A_257 = vector.shape_cast %get3A_256 : vector<16xf32> to vector<16xf32>
      %add3A_258 = arith.addf %get3A_254, %get3A_257 : vector<16xf32>
      %swap3A_259 = arith.index_cast %mul3A_251 : i32 to index
      %swap3A_260 = tpu.vector_load %arg5[%swap3A_259] {strides = array<i32>} : memref<49152xf32, #tpu.memory_space<vmem>>, vector<16xf32>,
      %swap3A_261 = vector.shape_cast %swap3A_260 : vector<16xf32> to vector<16xf32>
      %swap3A_262 = vector.shape_cast %add3A_258 : vector<16xf32> to vector<16xf32>
      tpu.vector_store %arg5[%swap3A_259], %swap3A_262 {strides = array<i32>} : memref<49152xf32, #tpu.memory_space<vmem>>, vector<16xf32>,
      %scan3A_263 = arith.constant 3 : i32
      %scan3A_264 = arith.addi %scan3A_209, %scan3A_263 : i32
      %mul3A_265 = arith.constant 1 : i32
      %mul3A_266 = arith.muli %scan3A_264, %mul3A_265 : i32
      %add3A_267 = arith.constant 0 : i32
      %add3A_268 = arith.addi %add3A_267, %mul3A_266 : i32
      %mul3A_269 = arith.constant 16 : i32
      %mul3A_270 = arith.muli %add3A_268, %mul3A_269 : i32
      %get3A_271 = arith.index_cast %mul3A_270 : i32 to index
      %get3A_272 = tpu.vector_load %arg5[%get3A_271] {strides = array<i32>} : memref<49152xf32, #tpu.memory_space<vmem>>, vector<16xf32>,
      %get3A_273 = vector.shape_cast %get3A_272 : vector<16xf32> to vector<16xf32>
      %get3A_274 = arith.index_cast %mul3A_270 : i32 to index
      %get3A_275 = tpu.vector_load %arg6[%get3A_274] {strides = array<i32>} : memref<49152xf32, #tpu.memory_space<vmem>>, vector<16xf32>,
      %get3A_276 = vector.shape_cast %get3A_275 : vector<16xf32> to vector<16xf32>
      %add3A_277 = arith.addf %get3A_273, %get3A_276 : vector<16xf32>
      %swap3A_278 = arith.index_cast %mul3A_270 : i32 to index
      %swap3A_279 = tpu.vector_load %arg5[%swap3A_278] {strides = array<i32>} : memref<49152xf32, #tpu.memory_space<vmem>>, vector<16xf32>,
      %swap3A_280 = vector.shape_cast %swap3A_279 : vector<16xf32> to vector<16xf32>
      %swap3A_281 = vector.shape_cast %add3A_277 : vector<16xf32> to vector<16xf32>
      tpu.vector_store %arg5[%swap3A_278], %swap3A_281 {strides = array<i32>} : memref<49152xf32, #tpu.memory_space<vmem>>, vector<16xf32>,
      %scan3A_282 = arith.constant 4 : i32
      %scan3A_283 = arith.addi %scan3A_209, %scan3A_282 : i32
      %mul3A_284 = arith.constant 1 : i32
      %mul3A_285 = arith.muli %scan3A_283, %mul3A_284 : i32
      %add3A_286 = arith.constant 0 : i32
      %add3A_287 = arith.addi %add3A_286, %mul3A_285 : i32
      %mul3A_288 = arith.constant 16 : i32
      %mul3A_289 = arith.muli %add3A_287, %mul3A_288 : i32
      %get3A_290 = arith.index_cast %mul3A_289 : i32 to index
      %get3A_291 = tpu.vector_load %arg5[%get3A_290] {strides = array<i32>} : memref<49152xf32, #tpu.memory_space<vmem>>, vector<16xf32>,
      %get3A_292 = vector.shape_cast %get3A_291 : vector<16xf32> to vector<16xf32>
      %get3A_293 = arith.index_cast %mul3A_289 : i32 to index
      %get3A_294 = tpu.vector_load %arg6[%get3A_293] {strides = array<i32>} : memref<49152xf32, #tpu.memory_space<vmem>>, vector<16xf32>,
      %get3A_295 = vector.shape_cast %get3A_294 : vector<16xf32> to vector<16xf32>
      %add3A_296 = arith.addf %get3A_292, %get3A_295 : vector<16xf32>
      %swap3A_297 = arith.index_cast %mul3A_289 : i32 to index
      %swap3A_298 = tpu.vector_load %arg5[%swap3A_297] {strides = array<i32>} : memref<49152xf32, #tpu.memory_space<vmem>>, vector<16xf32>,
      %swap3A_299 = vector.shape_cast %swap3A_298 : vector<16xf32> to vector<16xf32>
      %swap3A_300 = vector.shape_cast %add3A_296 : vector<16xf32> to vector<16xf32>
      tpu.vector_store %arg5[%swap3A_297], %swap3A_300 {strides = array<i32>} : memref<49152xf32, #tpu.memory_space<vmem>>, vector<16xf32>,
      %scan3A_301 = arith.constant 5 : i32
      %scan3A_302 = arith.addi %scan3A_209, %scan3A_301 : i32
      %mul3A_303 = arith.constant 1 : i32
      %mul3A_304 = arith.muli %scan3A_302, %mul3A_303 : i32
      %add3A_305 = arith.constant 0 : i32
      %add3A_306 = arith.addi %add3A_305, %mul3A_304 : i32
      %mul3A_307 = arith.constant 16 : i32
      %mul3A_308 = arith.muli %add3A_306, %mul3A_307 : i32
      %get3A_309 = arith.index_cast %mul3A_308 : i32 to index
      %get3A_310 = tpu.vector_load %arg5[%get3A_309] {strides = array<i32>} : memref<49152xf32, #tpu.memory_space<vmem>>, vector<16xf32>,
      %get3A_311 = vector.shape_cast %get3A_310 : vector<16xf32> to vector<16xf32>
      %get3A_312 = arith.index_cast %mul3A_308 : i32 to index
      %get3A_313 = tpu.vector_load %arg6[%get3A_312] {strides = array<i32>} : memref<49152xf32, #tpu.memory_space<vmem>>, vector<16xf32>,
      %get3A_314 = vector.shape_cast %get3A_313 : vector<16xf32> to vector<16xf32>
      %add3A_315 = arith.addf %get3A_311, %get3A_314 : vector<16xf32>
      %swap3A_316 = arith.index_cast %mul3A_308 : i32 to index
      %swap3A_317 = tpu.vector_load %arg5[%swap3A_316] {strides = array<i32>} : memref<49152xf32, #tpu.memory_space<vmem>>, vector<16xf32>,
      %swap3A_318 = vector.shape_cast %swap3A_317 : vector<16xf32> to vector<16xf32>
      %swap3A_319 = vector.shape_cast %add3A_315 : vector<16xf32> to vector<16xf32>
      tpu.vector_store %arg5[%swap3A_316], %swap3A_319 {strides = array<i32>} : memref<49152xf32, #tpu.memory_space<vmem>>, vector<16xf32>,
      %scan3A_320 = arith.constant 6 : i32
      %scan3A_321 = arith.addi %scan3A_209, %scan3A_320 : i32
      %mul3A_322 = arith.constant 1 : i32
      %mul3A_323 = arith.muli %scan3A_321, %mul3A_322 : i32
      %add3A_324 = arith.constant 0 : i32
      %add3A_325 = arith.addi %add3A_324, %mul3A_323 : i32
      %mul3A_326 = arith.constant 16 : i32
      %mul3A_327 = arith.muli %add3A_325, %mul3A_326 : i32
      %get3A_328 = arith.index_cast %mul3A_327 : i32 to index
      %get3A_329 = tpu.vector_load %arg5[%get3A_328] {strides = array<i32>} : memref<49152xf32, #tpu.memory_space<vmem>>, vector<16xf32>,
      %get3A_330 = vector.shape_cast %get3A_329 : vector<16xf32> to vector<16xf32>
      %get3A_331 = arith.index_cast %mul3A_327 : i32 to index
      %get3A_332 = tpu.vector_load %arg6[%get3A_331] {strides = array<i32>} : memref<49152xf32, #tpu.memory_space<vmem>>, vector<16xf32>,
      %get3A_333 = vector.shape_cast %get3A_332 : vector<16xf32> to vector<16xf32>
      %add3A_334 = arith.addf %get3A_330, %get3A_333 : vector<16xf32>
      %swap3A_335 = arith.index_cast %mul3A_327 : i32 to index
      %swap3A_336 = tpu.vector_load %arg5[%swap3A_335] {strides = array<i32>} : memref<49152xf32, #tpu.memory_space<vmem>>, vector<16xf32>,
      %swap3A_337 = vector.shape_cast %swap3A_336 : vector<16xf32> to vector<16xf32>
      %swap3A_338 = vector.shape_cast %add3A_334 : vector<16xf32> to vector<16xf32>
      tpu.vector_store %arg5[%swap3A_335], %swap3A_338 {strides = array<i32>} : memref<49152xf32, #tpu.memory_space<vmem>>, vector<16xf32>,
      %scan3A_339 = arith.constant 7 : i32
      %scan3A_340 = arith.addi %scan3A_209, %scan3A_339 : i32
      %mul3A_341 = arith.constant 1 : i32
      %mul3A_342 = arith.muli %scan3A_340, %mul3A_341 : i32
      %add3A_343 = arith.constant 0 : i32
      %add3A_344 = arith.addi %add3A_343, %mul3A_342 : i32
      %mul3A_345 = arith.constant 16 : i32
      %mul3A_346 = arith.muli %add3A_344, %mul3A_345 : i32
      %get3A_347 = arith.index_cast %mul3A_346 : i32 to index
      %get3A_348 = tpu.vector_load %arg5[%get3A_347] {strides = array<i32>} : memref<49152xf32, #tpu.memory_space<vmem>>, vector<16xf32>,
      %get3A_349 = vector.shape_cast %get3A_348 : vector<16xf32> to vector<16xf32>
      %get3A_350 = arith.index_cast %mul3A_346 : i32 to index
      %get3A_351 = tpu.vector_load %arg6[%get3A_350] {strides = array<i32>} : memref<49152xf32, #tpu.memory_space<vmem>>, vector<16xf32>,
      %get3A_352 = vector.shape_cast %get3A_351 : vector<16xf32> to vector<16xf32>
      %add3A_353 = arith.addf %get3A_349, %get3A_352 : vector<16xf32>
      %swap3A_354 = arith.index_cast %mul3A_346 : i32 to index
      %swap3A_355 = tpu.vector_load %arg5[%swap3A_354] {strides = array<i32>} : memref<49152xf32, #tpu.memory_space<vmem>>, vector<16xf32>,
      %swap3A_356 = vector.shape_cast %swap3A_355 : vector<16xf32> to vector<16xf32>
      %swap3A_357 = vector.shape_cast %add3A_353 : vector<16xf32> to vector<16xf32>
      tpu.vector_store %arg5[%swap3A_354], %swap3A_357 {strides = array<i32>} : memref<49152xf32, #tpu.memory_space<vmem>>, vector<16xf32>,
    }
    %scan3A_52 = arith.constant 3072 : i32
    "tpu.region"() ({
      %run_scoped3A = tpu.sem_alloc : memref<!tpu.dma_semaphore, #tpu.memory_space<semaphore_mem>>
      %dma_start3A = tpu.memref_slice %arg4[%mul3A_43] : memref<25165824xf32, #tpu.memory_space<hbm>> -> memref<49152xf32, #tpu.memory_space<hbm>>
      %dma_start3A_209 = tpu.memref_slice %arg4[%mul3A_43] : memref<25165824xf32, #tpu.memory_space<hbm>> -> memref<49152xf32, #tpu.memory_space<hbm>>
      tpu.enqueue_dma source(%arg5 : memref<49152xf32, #tpu.memory_space<vmem>>) target(%dma_start3A_209 : memref<49152xf32, #tpu.memory_space<hbm>>) target_semaphore(%run_scoped3A : memref<!tpu.dma_semaphore, #tpu.memory_space<semaphore_mem>>)
      %dma_wait3A = tpu.memref_slice %arg4[%mul3A_43] : memref<25165824xf32, #tpu.memory_space<hbm>> -> memref<49152xf32, #tpu.memory_space<hbm>>
      %dma_wait3A_210 = tpu.memref_slice %arg4[%mul3A_43] : memref<25165824xf32, #tpu.memory_space<hbm>> -> memref<49152xf32, #tpu.memory_space<hbm>>
      tpu.wait_dma2 semaphore(%run_scoped3A : memref<!tpu.dma_semaphore, #tpu.memory_space<semaphore_mem>>) src(%arg5 : memref<49152xf32, #tpu.memory_space<vmem>>) dst(%dma_wait3A_210 : memref<49152xf32, #tpu.memory_space<hbm>>)
      tpu.yield
    }) : () -> ()
    %add3A_53 = arith.constant 256 : i32
    %add3A_54 = arith.addi %mul3A_2, %add3A_53 : i32
    %mul3A_55 = arith.constant 768 : i32
    %mul3A_56 = arith.muli %add3A_54, %mul3A_55 : i32
    %rem3A_57 = arith.constant 8192 : i32
    %rem3A_58 = arith.remsi %add3A_54, %rem3A_57 : i32
    %mul3A_59 = arith.constant 768 : i32
    %mul3A_60 = arith.muli %rem3A_58, %mul3A_59 : i32
    "tpu.region"() ({
      %run_scoped3A = tpu.sem_alloc : memref<!tpu.dma_semaphore, #tpu.memory_space<semaphore_mem>>
      %dma_start3A = tpu.memref_slice %arg2[%mul3A_56] : memref<25165824xf32, #tpu.memory_space<hbm>> -> memref<49152xf32, #tpu.memory_space<hbm>>
      %dma_start3A_209 = tpu.memref_slice %arg2[%mul3A_56] : memref<25165824xf32, #tpu.memory_space<hbm>> -> memref<49152xf32, #tpu.memory_space<hbm>>
      tpu.enqueue_dma source(%dma_start3A_209 : memref<49152xf32, #tpu.memory_space<hbm>>) target(%arg5 : memref<49152xf32, #tpu.memory_space<vmem>>) target_semaphore(%run_scoped3A : memref<!tpu.dma_semaphore, #tpu.memory_space<semaphore_mem>>)
      %dma_wait3A = tpu.memref_slice %arg2[%mul3A_56] : memref<25165824xf32, #tpu.memory_space<hbm>> -> memref<49152xf32, #tpu.memory_space<hbm>>
      %dma_wait3A_210 = tpu.memref_slice %arg2[%mul3A_56] : memref<25165824xf32, #tpu.memory_space<hbm>> -> memref<49152xf32, #tpu.memory_space<hbm>>
      tpu.wait_dma2 semaphore(%run_scoped3A : memref<!tpu.dma_semaphore, #tpu.memory_space<semaphore_mem>>) src(%dma_wait3A_210 : memref<49152xf32, #tpu.memory_space<hbm>>) dst(%arg5 : memref<49152xf32, #tpu.memory_space<vmem>>)
      tpu.yield
    }) : () -> ()
    "tpu.region"() ({
      %run_scoped3A = tpu.sem_alloc : memref<!tpu.dma_semaphore, #tpu.memory_space<semaphore_mem>>
      %dma_start3A = tpu.memref_slice %arg3[%mul3A_60] : memref<6291456xf32, #tpu.memory_space<hbm>> -> memref<49152xf32, #tpu.memory_space<hbm>>
      %dma_start3A_209 = tpu.memref_slice %arg3[%mul3A_60] : memref<6291456xf32, #tpu.memory_space<hbm>> -> memref<49152xf32, #tpu.memory_space<hbm>>
      tpu.enqueue_dma source(%dma_start3A_209 : memref<49152xf32, #tpu.memory_space<hbm>>) target(%arg6 : memref<49152xf32, #tpu.memory_space<vmem>>) target_semaphore(%run_scoped3A : memref<!tpu.dma_semaphore, #tpu.memory_space<semaphore_mem>>)
      %dma_wait3A = tpu.memref_slice %arg3[%mul3A_60] : memref<6291456xf32, #tpu.memory_space<hbm>> -> memref<49152xf32, #tpu.memory_space<hbm>>
      %dma_wait3A_210 = tpu.memref_slice %arg3[%mul3A_60] : memref<6291456xf32, #tpu.memory_space<hbm>> -> memref<49152xf32, #tpu.memory_space<hbm>>
      tpu.wait_dma2 semaphore(%run_scoped3A : memref<!tpu.dma_semaphore, #tpu.memory_space<semaphore_mem>>) src(%dma_wait3A_210 : memref<49152xf32, #tpu.memory_space<hbm>>) dst(%arg6 : memref<49152xf32, #tpu.memory_space<vmem>>)
      tpu.yield
    }) : () -> ()
    %scan3A_61 = arith.constant 0 : i32
    %scan3A_62 = arith.constant 3072 : i32
    %scan3A_63 = arith.addi %scan3A_61, %scan3A_62 : i32
    %scan3A_64 = arith.constant 8 : i32
    scf.for %scan3A_209 = %scan3A_61 to %scan3A_63 step %scan3A_64  : i32 {
      %mul3A_210 = arith.constant 1 : i32
      %mul3A_211 = arith.muli %scan3A_209, %mul3A_210 : i32
      %add3A_212 = arith.constant 0 : i32
      %add3A_213 = arith.addi %add3A_212, %mul3A_211 : i32
      %mul3A_214 = arith.constant 16 : i32
      %mul3A_215 = arith.muli %add3A_213, %mul3A_214 : i32
      %get3A = arith.index_cast %mul3A_215 : i32 to index
      %get3A_216 = tpu.vector_load %arg5[%get3A] {strides = array<i32>} : memref<49152xf32, #tpu.memory_space<vmem>>, vector<16xf32>,
      %get3A_217 = vector.shape_cast %get3A_216 : vector<16xf32> to vector<16xf32>
      %get3A_218 = arith.index_cast %mul3A_215 : i32 to index
      %get3A_219 = tpu.vector_load %arg6[%get3A_218] {strides = array<i32>} : memref<49152xf32, #tpu.memory_space<vmem>>, vector<16xf32>,
      %get3A_220 = vector.shape_cast %get3A_219 : vector<16xf32> to vector<16xf32>
      %add3A_221 = arith.addf %get3A_217, %get3A_220 : vector<16xf32>
      %swap3A = arith.index_cast %mul3A_215 : i32 to index
      %swap3A_222 = tpu.vector_load %arg5[%swap3A] {strides = array<i32>} : memref<49152xf32, #tpu.memory_space<vmem>>, vector<16xf32>,
      %swap3A_223 = vector.shape_cast %swap3A_222 : vector<16xf32> to vector<16xf32>
      %swap3A_224 = vector.shape_cast %add3A_221 : vector<16xf32> to vector<16xf32>
      tpu.vector_store %arg5[%swap3A], %swap3A_224 {strides = array<i32>} : memref<49152xf32, #tpu.memory_space<vmem>>, vector<16xf32>,
      %scan3A_225 = arith.constant 1 : i32
      %scan3A_226 = arith.addi %scan3A_209, %scan3A_225 : i32
      %mul3A_227 = arith.constant 1 : i32
      %mul3A_228 = arith.muli %scan3A_226, %mul3A_227 : i32
      %add3A_229 = arith.constant 0 : i32
      %add3A_230 = arith.addi %add3A_229, %mul3A_228 : i32
      %mul3A_231 = arith.constant 16 : i32
      %mul3A_232 = arith.muli %add3A_230, %mul3A_231 : i32
      %get3A_233 = arith.index_cast %mul3A_232 : i32 to index
      %get3A_234 = tpu.vector_load %arg5[%get3A_233] {strides = array<i32>} : memref<49152xf32, #tpu.memory_space<vmem>>, vector<16xf32>,
      %get3A_235 = vector.shape_cast %get3A_234 : vector<16xf32> to vector<16xf32>
      %get3A_236 = arith.index_cast %mul3A_232 : i32 to index
      %get3A_237 = tpu.vector_load %arg6[%get3A_236] {strides = array<i32>} : memref<49152xf32, #tpu.memory_space<vmem>>, vector<16xf32>,
      %get3A_238 = vector.shape_cast %get3A_237 : vector<16xf32> to vector<16xf32>
      %add3A_239 = arith.addf %get3A_235, %get3A_238 : vector<16xf32>
      %swap3A_240 = arith.index_cast %mul3A_232 : i32 to index
      %swap3A_241 = tpu.vector_load %arg5[%swap3A_240] {strides = array<i32>} : memref<49152xf32, #tpu.memory_space<vmem>>, vector<16xf32>,
      %swap3A_242 = vector.shape_cast %swap3A_241 : vector<16xf32> to vector<16xf32>
      %swap3A_243 = vector.shape_cast %add3A_239 : vector<16xf32> to vector<16xf32>
      tpu.vector_store %arg5[%swap3A_240], %swap3A_243 {strides = array<i32>} : memref<49152xf32, #tpu.memory_space<vmem>>, vector<16xf32>,
      %scan3A_244 = arith.constant 2 : i32
      %scan3A_245 = arith.addi %scan3A_209, %scan3A_244 : i32
      %mul3A_246 = arith.constant 1 : i32
      %mul3A_247 = arith.muli %scan3A_245, %mul3A_246 : i32
      %add3A_248 = arith.constant 0 : i32
      %add3A_249 = arith.addi %add3A_248, %mul3A_247 : i32
      %mul3A_250 = arith.constant 16 : i32
      %mul3A_251 = arith.muli %add3A_249, %mul3A_250 : i32
      %get3A_252 = arith.index_cast %mul3A_251 : i32 to index
      %get3A_253 = tpu.vector_load %arg5[%get3A_252] {strides = array<i32>} : memref<49152xf32, #tpu.memory_space<vmem>>, vector<16xf32>,
      %get3A_254 = vector.shape_cast %get3A_253 : vector<16xf32> to vector<16xf32>
      %get3A_255 = arith.index_cast %mul3A_251 : i32 to index
      %get3A_256 = tpu.vector_load %arg6[%get3A_255] {strides = array<i32>} : memref<49152xf32, #tpu.memory_space<vmem>>, vector<16xf32>,
      %get3A_257 = vector.shape_cast %get3A_256 : vector<16xf32> to vector<16xf32>
      %add3A_258 = arith.addf %get3A_254, %get3A_257 : vector<16xf32>
      %swap3A_259 = arith.index_cast %mul3A_251 : i32 to index
      %swap3A_260 = tpu.vector_load %arg5[%swap3A_259] {strides = array<i32>} : memref<49152xf32, #tpu.memory_space<vmem>>, vector<16xf32>,
      %swap3A_261 = vector.shape_cast %swap3A_260 : vector<16xf32> to vector<16xf32>
      %swap3A_262 = vector.shape_cast %add3A_258 : vector<16xf32> to vector<16xf32>
      tpu.vector_store %arg5[%swap3A_259], %swap3A_262 {strides = array<i32>} : memref<49152xf32, #tpu.memory_space<vmem>>, vector<16xf32>,
      %scan3A_263 = arith.constant 3 : i32
      %scan3A_264 = arith.addi %scan3A_209, %scan3A_263 : i32
      %mul3A_265 = arith.constant 1 : i32
      %mul3A_266 = arith.muli %scan3A_264, %mul3A_265 : i32
      %add3A_267 = arith.constant 0 : i32
      %add3A_268 = arith.addi %add3A_267, %mul3A_266 : i32
      %mul3A_269 = arith.constant 16 : i32
      %mul3A_270 = arith.muli %add3A_268, %mul3A_269 : i32
      %get3A_271 = arith.index_cast %mul3A_270 : i32 to index
      %get3A_272 = tpu.vector_load %arg5[%get3A_271] {strides = array<i32>} : memref<49152xf32, #tpu.memory_space<vmem>>, vector<16xf32>,
      %get3A_273 = vector.shape_cast %get3A_272 : vector<16xf32> to vector<16xf32>
      %get3A_274 = arith.index_cast %mul3A_270 : i32 to index
      %get3A_275 = tpu.vector_load %arg6[%get3A_274] {strides = array<i32>} : memref<49152xf32, #tpu.memory_space<vmem>>, vector<16xf32>,
      %get3A_276 = vector.shape_cast %get3A_275 : vector<16xf32> to vector<16xf32>
      %add3A_277 = arith.addf %get3A_273, %get3A_276 : vector<16xf32>
      %swap3A_278 = arith.index_cast %mul3A_270 : i32 to index
      %swap3A_279 = tpu.vector_load %arg5[%swap3A_278] {strides = array<i32>} : memref<49152xf32, #tpu.memory_space<vmem>>, vector<16xf32>,
      %swap3A_280 = vector.shape_cast %swap3A_279 : vector<16xf32> to vector<16xf32>
      %swap3A_281 = vector.shape_cast %add3A_277 : vector<16xf32> to vector<16xf32>
      tpu.vector_store %arg5[%swap3A_278], %swap3A_281 {strides = array<i32>} : memref<49152xf32, #tpu.memory_space<vmem>>, vector<16xf32>,
      %scan3A_282 = arith.constant 4 : i32
      %scan3A_283 = arith.addi %scan3A_209, %scan3A_282 : i32
      %mul3A_284 = arith.constant 1 : i32
      %mul3A_285 = arith.muli %scan3A_283, %mul3A_284 : i32
      %add3A_286 = arith.constant 0 : i32
      %add3A_287 = arith.addi %add3A_286, %mul3A_285 : i32
      %mul3A_288 = arith.constant 16 : i32
      %mul3A_289 = arith.muli %add3A_287, %mul3A_288 : i32
      %get3A_290 = arith.index_cast %mul3A_289 : i32 to index
      %get3A_291 = tpu.vector_load %arg5[%get3A_290] {strides = array<i32>} : memref<49152xf32, #tpu.memory_space<vmem>>, vector<16xf32>,
      %get3A_292 = vector.shape_cast %get3A_291 : vector<16xf32> to vector<16xf32>
      %get3A_293 = arith.index_cast %mul3A_289 : i32 to index
      %get3A_294 = tpu.vector_load %arg6[%get3A_293] {strides = array<i32>} : memref<49152xf32, #tpu.memory_space<vmem>>, vector<16xf32>,
      %get3A_295 = vector.shape_cast %get3A_294 : vector<16xf32> to vector<16xf32>
      %add3A_296 = arith.addf %get3A_292, %get3A_295 : vector<16xf32>
      %swap3A_297 = arith.index_cast %mul3A_289 : i32 to index
      %swap3A_298 = tpu.vector_load %arg5[%swap3A_297] {strides = array<i32>} : memref<49152xf32, #tpu.memory_space<vmem>>, vector<16xf32>,
      %swap3A_299 = vector.shape_cast %swap3A_298 : vector<16xf32> to vector<16xf32>
      %swap3A_300 = vector.shape_cast %add3A_296 : vector<16xf32> to vector<16xf32>
      tpu.vector_store %arg5[%swap3A_297], %swap3A_300 {strides = array<i32>} : memref<49152xf32, #tpu.memory_space<vmem>>, vector<16xf32>,
      %scan3A_301 = arith.constant 5 : i32
      %scan3A_302 = arith.addi %scan3A_209, %scan3A_301 : i32
      %mul3A_303 = arith.constant 1 : i32
      %mul3A_304 = arith.muli %scan3A_302, %mul3A_303 : i32
      %add3A_305 = arith.constant 0 : i32
      %add3A_306 = arith.addi %add3A_305, %mul3A_304 : i32
      %mul3A_307 = arith.constant 16 : i32
      %mul3A_308 = arith.muli %add3A_306, %mul3A_307 : i32
      %get3A_309 = arith.index_cast %mul3A_308 : i32 to index
      %get3A_310 = tpu.vector_load %arg5[%get3A_309] {strides = array<i32>} : memref<49152xf32, #tpu.memory_space<vmem>>, vector<16xf32>,
      %get3A_311 = vector.shape_cast %get3A_310 : vector<16xf32> to vector<16xf32>
      %get3A_312 = arith.index_cast %mul3A_308 : i32 to index
      %get3A_313 = tpu.vector_load %arg6[%get3A_312] {strides = array<i32>} : memref<49152xf32, #tpu.memory_space<vmem>>, vector<16xf32>,
      %get3A_314 = vector.shape_cast %get3A_313 : vector<16xf32> to vector<16xf32>
      %add3A_315 = arith.addf %get3A_311, %get3A_314 : vector<16xf32>
      %swap3A_316 = arith.index_cast %mul3A_308 : i32 to index
      %swap3A_317 = tpu.vector_load %arg5[%swap3A_316] {strides = array<i32>} : memref<49152xf32, #tpu.memory_space<vmem>>, vector<16xf32>,
      %swap3A_318 = vector.shape_cast %swap3A_317 : vector<16xf32> to vector<16xf32>
      %swap3A_319 = vector.shape_cast %add3A_315 : vector<16xf32> to vector<16xf32>
      tpu.vector_store %arg5[%swap3A_316], %swap3A_319 {strides = array<i32>} : memref<49152xf32, #tpu.memory_space<vmem>>, vector<16xf32>,
      %scan3A_320 = arith.constant 6 : i32
      %scan3A_321 = arith.addi %scan3A_209, %scan3A_320 : i32
      %mul3A_322 = arith.constant 1 : i32
      %mul3A_323 = arith.muli %scan3A_321, %mul3A_322 : i32
      %add3A_324 = arith.constant 0 : i32
      %add3A_325 = arith.addi %add3A_324, %mul3A_323 : i32
      %mul3A_326 = arith.constant 16 : i32
      %mul3A_327 = arith.muli %add3A_325, %mul3A_326 : i32
      %get3A_328 = arith.index_cast %mul3A_327 : i32 to index
      %get3A_329 = tpu.vector_load %arg5[%get3A_328] {strides = array<i32>} : memref<49152xf32, #tpu.memory_space<vmem>>, vector<16xf32>,
      %get3A_330 = vector.shape_cast %get3A_329 : vector<16xf32> to vector<16xf32>
      %get3A_331 = arith.index_cast %mul3A_327 : i32 to index
      %get3A_332 = tpu.vector_load %arg6[%get3A_331] {strides = array<i32>} : memref<49152xf32, #tpu.memory_space<vmem>>, vector<16xf32>,
      %get3A_333 = vector.shape_cast %get3A_332 : vector<16xf32> to vector<16xf32>
      %add3A_334 = arith.addf %get3A_330, %get3A_333 : vector<16xf32>
      %swap3A_335 = arith.index_cast %mul3A_327 : i32 to index
      %swap3A_336 = tpu.vector_load %arg5[%swap3A_335] {strides = array<i32>} : memref<49152xf32, #tpu.memory_space<vmem>>, vector<16xf32>,
      %swap3A_337 = vector.shape_cast %swap3A_336 : vector<16xf32> to vector<16xf32>
      %swap3A_338 = vector.shape_cast %add3A_334 : vector<16xf32> to vector<16xf32>
      tpu.vector_store %arg5[%swap3A_335], %swap3A_338 {strides = array<i32>} : memref<49152xf32, #tpu.memory_space<vmem>>, vector<16xf32>,
      %scan3A_339 = arith.constant 7 : i32
      %scan3A_340 = arith.addi %scan3A_209, %scan3A_339 : i32
      %mul3A_341 = arith.constant 1 : i32
      %mul3A_342 = arith.muli %scan3A_340, %mul3A_341 : i32
      %add3A_343 = arith.constant 0 : i32
      %add3A_344 = arith.addi %add3A_343, %mul3A_342 : i32
      %mul3A_345 = arith.constant 16 : i32
      %mul3A_346 = arith.muli %add3A_344, %mul3A_345 : i32
      %get3A_347 = arith.index_cast %mul3A_346 : i32 to index
      %get3A_348 = tpu.vector_load %arg5[%get3A_347] {strides = array<i32>} : memref<49152xf32, #tpu.memory_space<vmem>>, vector<16xf32>,
      %get3A_349 = vector.shape_cast %get3A_348 : vector<16xf32> to vector<16xf32>
      %get3A_350 = arith.index_cast %mul3A_346 : i32 to index
      %get3A_351 = tpu.vector_load %arg6[%get3A_350] {strides = array<i32>} : memref<49152xf32, #tpu.memory_space<vmem>>, vector<16xf32>,
      %get3A_352 = vector.shape_cast %get3A_351 : vector<16xf32> to vector<16xf32>
      %add3A_353 = arith.addf %get3A_349, %get3A_352 : vector<16xf32>
      %swap3A_354 = arith.index_cast %mul3A_346 : i32 to index
      %swap3A_355 = tpu.vector_load %arg5[%swap3A_354] {strides = array<i32>} : memref<49152xf32, #tpu.memory_space<vmem>>, vector<16xf32>,
      %swap3A_356 = vector.shape_cast %swap3A_355 : vector<16xf32> to vector<16xf32>
      %swap3A_357 = vector.shape_cast %add3A_353 : vector<16xf32> to vector<16xf32>
      tpu.vector_store %arg5[%swap3A_354], %swap3A_357 {strides = array<i32>} : memref<49152xf32, #tpu.memory_space<vmem>>, vector<16xf32>,
    }
    %scan3A_65 = arith.constant 3072 : i32
    "tpu.region"() ({
      %run_scoped3A = tpu.sem_alloc : memref<!tpu.dma_semaphore, #tpu.memory_space<semaphore_mem>>
      %dma_start3A = tpu.memref_slice %arg4[%mul3A_56] : memref<25165824xf32, #tpu.memory_space<hbm>> -> memref<49152xf32, #tpu.memory_space<hbm>>
      %dma_start3A_209 = tpu.memref_slice %arg4[%mul3A_56] : memref<25165824xf32, #tpu.memory_space<hbm>> -> memref<49152xf32, #tpu.memory_space<hbm>>
      tpu.enqueue_dma source(%arg5 : memref<49152xf32, #tpu.memory_space<vmem>>) target(%dma_start3A_209 : memref<49152xf32, #tpu.memory_space<hbm>>) target_semaphore(%run_scoped3A : memref<!tpu.dma_semaphore, #tpu.memory_space<semaphore_mem>>)
      %dma_wait3A = tpu.memref_slice %arg4[%mul3A_56] : memref<25165824xf32, #tpu.memory_space<hbm>> -> memref<49152xf32, #tpu.memory_space<hbm>>
      %dma_wait3A_210 = tpu.memref_slice %arg4[%mul3A_56] : memref<25165824xf32, #tpu.memory_space<hbm>> -> memref<49152xf32, #tpu.memory_space<hbm>>
      tpu.wait_dma2 semaphore(%run_scoped3A : memref<!tpu.dma_semaphore, #tpu.memory_space<semaphore_mem>>) src(%arg5 : memref<49152xf32, #tpu.memory_space<vmem>>) dst(%dma_wait3A_210 : memref<49152xf32, #tpu.memory_space<hbm>>)
      tpu.yield
    }) : () -> ()
    %add3A_66 = arith.constant 320 : i32
    %add3A_67 = arith.addi %mul3A_2, %add3A_66 : i32
    %mul3A_68 = arith.constant 768 : i32
    %mul3A_69 = arith.muli %add3A_67, %mul3A_68 : i32
    %rem3A_70 = arith.constant 8192 : i32
    %rem3A_71 = arith.remsi %add3A_67, %rem3A_70 : i32
    %mul3A_72 = arith.constant 768 : i32
    %mul3A_73 = arith.muli %rem3A_71, %mul3A_72 : i32
    "tpu.region"() ({
      %run_scoped3A = tpu.sem_alloc : memref<!tpu.dma_semaphore, #tpu.memory_space<semaphore_mem>>
      %dma_start3A = tpu.memref_slice %arg2[%mul3A_69] : memref<25165824xf32, #tpu.memory_space<hbm>> -> memref<49152xf32, #tpu.memory_space<hbm>>
      %dma_start3A_209 = tpu.memref_slice %arg2[%mul3A_69] : memref<25165824xf32, #tpu.memory_space<hbm>> -> memref<49152xf32, #tpu.memory_space<hbm>>
      tpu.enqueue_dma source(%dma_start3A_209 : memref<49152xf32, #tpu.memory_space<hbm>>) target(%arg5 : memref<49152xf32, #tpu.memory_space<vmem>>) target_semaphore(%run_scoped3A : memref<!tpu.dma_semaphore, #tpu.memory_space<semaphore_mem>>)
      %dma_wait3A = tpu.memref_slice %arg2[%mul3A_69] : memref<25165824xf32, #tpu.memory_space<hbm>> -> memref<49152xf32, #tpu.memory_space<hbm>>
      %dma_wait3A_210 = tpu.memref_slice %arg2[%mul3A_69] : memref<25165824xf32, #tpu.memory_space<hbm>> -> memref<49152xf32, #tpu.memory_space<hbm>>
      tpu.wait_dma2 semaphore(%run_scoped3A : memref<!tpu.dma_semaphore, #tpu.memory_space<semaphore_mem>>) src(%dma_wait3A_210 : memref<49152xf32, #tpu.memory_space<hbm>>) dst(%arg5 : memref<49152xf32, #tpu.memory_space<vmem>>)
      tpu.yield
    }) : () -> ()
    "tpu.region"() ({
      %run_scoped3A = tpu.sem_alloc : memref<!tpu.dma_semaphore, #tpu.memory_space<semaphore_mem>>
      %dma_start3A = tpu.memref_slice %arg3[%mul3A_73] : memref<6291456xf32, #tpu.memory_space<hbm>> -> memref<49152xf32, #tpu.memory_space<hbm>>
      %dma_start3A_209 = tpu.memref_slice %arg3[%mul3A_73] : memref<6291456xf32, #tpu.memory_space<hbm>> -> memref<49152xf32, #tpu.memory_space<hbm>>
      tpu.enqueue_dma source(%dma_start3A_209 : memref<49152xf32, #tpu.memory_space<hbm>>) target(%arg6 : memref<49152xf32, #tpu.memory_space<vmem>>) target_semaphore(%run_scoped3A : memref<!tpu.dma_semaphore, #tpu.memory_space<semaphore_mem>>)
      %dma_wait3A = tpu.memref_slice %arg3[%mul3A_73] : memref<6291456xf32, #tpu.memory_space<hbm>> -> memref<49152xf32, #tpu.memory_space<hbm>>
      %dma_wait3A_210 = tpu.memref_slice %arg3[%mul3A_73] : memref<6291456xf32, #tpu.memory_space<hbm>> -> memref<49152xf32, #tpu.memory_space<hbm>>
      tpu.wait_dma2 semaphore(%run_scoped3A : memref<!tpu.dma_semaphore, #tpu.memory_space<semaphore_mem>>) src(%dma_wait3A_210 : memref<49152xf32, #tpu.memory_space<hbm>>) dst(%arg6 : memref<49152xf32, #tpu.memory_space<vmem>>)
      tpu.yield
    }) : () -> ()
    %scan3A_74 = arith.constant 0 : i32
    %scan3A_75 = arith.constant 3072 : i32
    %scan3A_76 = arith.addi %scan3A_74, %scan3A_75 : i32
    %scan3A_77 = arith.constant 8 : i32
    scf.for %scan3A_209 = %scan3A_74 to %scan3A_76 step %scan3A_77  : i32 {
      %mul3A_210 = arith.constant 1 : i32
      %mul3A_211 = arith.muli %scan3A_209, %mul3A_210 : i32
      %add3A_212 = arith.constant 0 : i32
      %add3A_213 = arith.addi %add3A_212, %mul3A_211 : i32
      %mul3A_214 = arith.constant 16 : i32
      %mul3A_215 = arith.muli %add3A_213, %mul3A_214 : i32
      %get3A = arith.index_cast %mul3A_215 : i32 to index
      %get3A_216 = tpu.vector_load %arg5[%get3A] {strides = array<i32>} : memref<49152xf32, #tpu.memory_space<vmem>>, vector<16xf32>,
      %get3A_217 = vector.shape_cast %get3A_216 : vector<16xf32> to vector<16xf32>
      %get3A_218 = arith.index_cast %mul3A_215 : i32 to index
      %get3A_219 = tpu.vector_load %arg6[%get3A_218] {strides = array<i32>} : memref<49152xf32, #tpu.memory_space<vmem>>, vector<16xf32>,
      %get3A_220 = vector.shape_cast %get3A_219 : vector<16xf32> to vector<16xf32>
      %add3A_221 = arith.addf %get3A_217, %get3A_220 : vector<16xf32>
      %swap3A = arith.index_cast %mul3A_215 : i32 to index
      %swap3A_222 = tpu.vector_load %arg5[%swap3A] {strides = array<i32>} : memref<49152xf32, #tpu.memory_space<vmem>>, vector<16xf32>,
      %swap3A_223 = vector.shape_cast %swap3A_222 : vector<16xf32> to vector<16xf32>
      %swap3A_224 = vector.shape_cast %add3A_221 : vector<16xf32> to vector<16xf32>
      tpu.vector_store %arg5[%swap3A], %swap3A_224 {strides = array<i32>} : memref<49152xf32, #tpu.memory_space<vmem>>, vector<16xf32>,
      %scan3A_225 = arith.constant 1 : i32
      %scan3A_226 = arith.addi %scan3A_209, %scan3A_225 : i32
      %mul3A_227 = arith.constant 1 : i32
      %mul3A_228 = arith.muli %scan3A_226, %mul3A_227 : i32
      %add3A_229 = arith.constant 0 : i32
      %add3A_230 = arith.addi %add3A_229, %mul3A_228 : i32
      %mul3A_231 = arith.constant 16 : i32
      %mul3A_232 = arith.muli %add3A_230, %mul3A_231 : i32
      %get3A_233 = arith.index_cast %mul3A_232 : i32 to index
      %get3A_234 = tpu.vector_load %arg5[%get3A_233] {strides = array<i32>} : memref<49152xf32, #tpu.memory_space<vmem>>, vector<16xf32>,
      %get3A_235 = vector.shape_cast %get3A_234 : vector<16xf32> to vector<16xf32>
      %get3A_236 = arith.index_cast %mul3A_232 : i32 to index
      %get3A_237 = tpu.vector_load %arg6[%get3A_236] {strides = array<i32>} : memref<49152xf32, #tpu.memory_space<vmem>>, vector<16xf32>,
      %get3A_238 = vector.shape_cast %get3A_237 : vector<16xf32> to vector<16xf32>
      %add3A_239 = arith.addf %get3A_235, %get3A_238 : vector<16xf32>
      %swap3A_240 = arith.index_cast %mul3A_232 : i32 to index
      %swap3A_241 = tpu.vector_load %arg5[%swap3A_240] {strides = array<i32>} : memref<49152xf32, #tpu.memory_space<vmem>>, vector<16xf32>,
      %swap3A_242 = vector.shape_cast %swap3A_241 : vector<16xf32> to vector<16xf32>
      %swap3A_243 = vector.shape_cast %add3A_239 : vector<16xf32> to vector<16xf32>
      tpu.vector_store %arg5[%swap3A_240], %swap3A_243 {strides = array<i32>} : memref<49152xf32, #tpu.memory_space<vmem>>, vector<16xf32>,
      %scan3A_244 = arith.constant 2 : i32
      %scan3A_245 = arith.addi %scan3A_209, %scan3A_244 : i32
      %mul3A_246 = arith.constant 1 : i32
      %mul3A_247 = arith.muli %scan3A_245, %mul3A_246 : i32
      %add3A_248 = arith.constant 0 : i32
      %add3A_249 = arith.addi %add3A_248, %mul3A_247 : i32
      %mul3A_250 = arith.constant 16 : i32
      %mul3A_251 = arith.muli %add3A_249, %mul3A_250 : i32
      %get3A_252 = arith.index_cast %mul3A_251 : i32 to index
      %get3A_253 = tpu.vector_load %arg5[%get3A_252] {strides = array<i32>} : memref<49152xf32, #tpu.memory_space<vmem>>, vector<16xf32>,
      %get3A_254 = vector.shape_cast %get3A_253 : vector<16xf32> to vector<16xf32>
      %get3A_255 = arith.index_cast %mul3A_251 : i32 to index
      %get3A_256 = tpu.vector_load %arg6[%get3A_255] {strides = array<i32>} : memref<49152xf32, #tpu.memory_space<vmem>>, vector<16xf32>,
      %get3A_257 = vector.shape_cast %get3A_256 : vector<16xf32> to vector<16xf32>
      %add3A_258 = arith.addf %get3A_254, %get3A_257 : vector<16xf32>
      %swap3A_259 = arith.index_cast %mul3A_251 : i32 to index
      %swap3A_260 = tpu.vector_load %arg5[%swap3A_259] {strides = array<i32>} : memref<49152xf32, #tpu.memory_space<vmem>>, vector<16xf32>,
      %swap3A_261 = vector.shape_cast %swap3A_260 : vector<16xf32> to vector<16xf32>
      %swap3A_262 = vector.shape_cast %add3A_258 : vector<16xf32> to vector<16xf32>
      tpu.vector_store %arg5[%swap3A_259], %swap3A_262 {strides = array<i32>} : memref<49152xf32, #tpu.memory_space<vmem>>, vector<16xf32>,
      %scan3A_263 = arith.constant 3 : i32
      %scan3A_264 = arith.addi %scan3A_209, %scan3A_263 : i32
      %mul3A_265 = arith.constant 1 : i32
      %mul3A_266 = arith.muli %scan3A_264, %mul3A_265 : i32
      %add3A_267 = arith.constant 0 : i32
      %add3A_268 = arith.addi %add3A_267, %mul3A_266 : i32
      %mul3A_269 = arith.constant 16 : i32
      %mul3A_270 = arith.muli %add3A_268, %mul3A_269 : i32
      %get3A_271 = arith.index_cast %mul3A_270 : i32 to index
      %get3A_272 = tpu.vector_load %arg5[%get3A_271] {strides = array<i32>} : memref<49152xf32, #tpu.memory_space<vmem>>, vector<16xf32>,
      %get3A_273 = vector.shape_cast %get3A_272 : vector<16xf32> to vector<16xf32>
      %get3A_274 = arith.index_cast %mul3A_270 : i32 to index
      %get3A_275 = tpu.vector_load %arg6[%get3A_274] {strides = array<i32>} : memref<49152xf32, #tpu.memory_space<vmem>>, vector<16xf32>,
      %get3A_276 = vector.shape_cast %get3A_275 : vector<16xf32> to vector<16xf32>
      %add3A_277 = arith.addf %get3A_273, %get3A_276 : vector<16xf32>
      %swap3A_278 = arith.index_cast %mul3A_270 : i32 to index
      %swap3A_279 = tpu.vector_load %arg5[%swap3A_278] {strides = array<i32>} : memref<49152xf32, #tpu.memory_space<vmem>>, vector<16xf32>,
      %swap3A_280 = vector.shape_cast %swap3A_279 : vector<16xf32> to vector<16xf32>
      %swap3A_281 = vector.shape_cast %add3A_277 : vector<16xf32> to vector<16xf32>
      tpu.vector_store %arg5[%swap3A_278], %swap3A_281 {strides = array<i32>} : memref<49152xf32, #tpu.memory_space<vmem>>, vector<16xf32>,
      %scan3A_282 = arith.constant 4 : i32
      %scan3A_283 = arith.addi %scan3A_209, %scan3A_282 : i32
      %mul3A_284 = arith.constant 1 : i32
      %mul3A_285 = arith.muli %scan3A_283, %mul3A_284 : i32
      %add3A_286 = arith.constant 0 : i32
      %add3A_287 = arith.addi %add3A_286, %mul3A_285 : i32
      %mul3A_288 = arith.constant 16 : i32
      %mul3A_289 = arith.muli %add3A_287, %mul3A_288 : i32
      %get3A_290 = arith.index_cast %mul3A_289 : i32 to index
      %get3A_291 = tpu.vector_load %arg5[%get3A_290] {strides = array<i32>} : memref<49152xf32, #tpu.memory_space<vmem>>, vector<16xf32>,
      %get3A_292 = vector.shape_cast %get3A_291 : vector<16xf32> to vector<16xf32>
      %get3A_293 = arith.index_cast %mul3A_289 : i32 to index
      %get3A_294 = tpu.vector_load %arg6[%get3A_293] {strides = array<i32>} : memref<49152xf32, #tpu.memory_space<vmem>>, vector<16xf32>,
      %get3A_295 = vector.shape_cast %get3A_294 : vector<16xf32> to vector<16xf32>
      %add3A_296 = arith.addf %get3A_292, %get3A_295 : vector<16xf32>
      %swap3A_297 = arith.index_cast %mul3A_289 : i32 to index
      %swap3A_298 = tpu.vector_load %arg5[%swap3A_297] {strides = array<i32>} : memref<49152xf32, #tpu.memory_space<vmem>>, vector<16xf32>,
      %swap3A_299 = vector.shape_cast %swap3A_298 : vector<16xf32> to vector<16xf32>
      %swap3A_300 = vector.shape_cast %add3A_296 : vector<16xf32> to vector<16xf32>
      tpu.vector_store %arg5[%swap3A_297], %swap3A_300 {strides = array<i32>} : memref<49152xf32, #tpu.memory_space<vmem>>, vector<16xf32>,
      %scan3A_301 = arith.constant 5 : i32
      %scan3A_302 = arith.addi %scan3A_209, %scan3A_301 : i32
      %mul3A_303 = arith.constant 1 : i32
      %mul3A_304 = arith.muli %scan3A_302, %mul3A_303 : i32
      %add3A_305 = arith.constant 0 : i32
      %add3A_306 = arith.addi %add3A_305, %mul3A_304 : i32
      %mul3A_307 = arith.constant 16 : i32
      %mul3A_308 = arith.muli %add3A_306, %mul3A_307 : i32
      %get3A_309 = arith.index_cast %mul3A_308 : i32 to index
      %get3A_310 = tpu.vector_load %arg5[%get3A_309] {strides = array<i32>} : memref<49152xf32, #tpu.memory_space<vmem>>, vector<16xf32>,
      %get3A_311 = vector.shape_cast %get3A_310 : vector<16xf32> to vector<16xf32>
      %get3A_312 = arith.index_cast %mul3A_308 : i32 to index
      %get3A_313 = tpu.vector_load %arg6[%get3A_312] {strides = array<i32>} : memref<49152xf32, #tpu.memory_space<vmem>>, vector<16xf32>,
      %get3A_314 = vector.shape_cast %get3A_313 : vector<16xf32> to vector<16xf32>
      %add3A_315 = arith.addf %get3A_311, %get3A_314 : vector<16xf32>
      %swap3A_316 = arith.index_cast %mul3A_308 : i32 to index
      %swap3A_317 = tpu.vector_load %arg5[%swap3A_316] {strides = array<i32>} : memref<49152xf32, #tpu.memory_space<vmem>>, vector<16xf32>,
      %swap3A_318 = vector.shape_cast %swap3A_317 : vector<16xf32> to vector<16xf32>
      %swap3A_319 = vector.shape_cast %add3A_315 : vector<16xf32> to vector<16xf32>
      tpu.vector_store %arg5[%swap3A_316], %swap3A_319 {strides = array<i32>} : memref<49152xf32, #tpu.memory_space<vmem>>, vector<16xf32>,
      %scan3A_320 = arith.constant 6 : i32
      %scan3A_321 = arith.addi %scan3A_209, %scan3A_320 : i32
      %mul3A_322 = arith.constant 1 : i32
      %mul3A_323 = arith.muli %scan3A_321, %mul3A_322 : i32
      %add3A_324 = arith.constant 0 : i32
      %add3A_325 = arith.addi %add3A_324, %mul3A_323 : i32
      %mul3A_326 = arith.constant 16 : i32
      %mul3A_327 = arith.muli %add3A_325, %mul3A_326 : i32
      %get3A_328 = arith.index_cast %mul3A_327 : i32 to index
      %get3A_329 = tpu.vector_load %arg5[%get3A_328] {strides = array<i32>} : memref<49152xf32, #tpu.memory_space<vmem>>, vector<16xf32>,
      %get3A_330 = vector.shape_cast %get3A_329 : vector<16xf32> to vector<16xf32>
      %get3A_331 = arith.index_cast %mul3A_327 : i32 to index
      %get3A_332 = tpu.vector_load %arg6[%get3A_331] {strides = array<i32>} : memref<49152xf32, #tpu.memory_space<vmem>>, vector<16xf32>,
      %get3A_333 = vector.shape_cast %get3A_332 : vector<16xf32> to vector<16xf32>
      %add3A_334 = arith.addf %get3A_330, %get3A_333 : vector<16xf32>
      %swap3A_335 = arith.index_cast %mul3A_327 : i32 to index
      %swap3A_336 = tpu.vector_load %arg5[%swap3A_335] {strides = array<i32>} : memref<49152xf32, #tpu.memory_space<vmem>>, vector<16xf32>,
      %swap3A_337 = vector.shape_cast %swap3A_336 : vector<16xf32> to vector<16xf32>
      %swap3A_338 = vector.shape_cast %add3A_334 : vector<16xf32> to vector<16xf32>
      tpu.vector_store %arg5[%swap3A_335], %swap3A_338 {strides = array<i32>} : memref<49152xf32, #tpu.memory_space<vmem>>, vector<16xf32>,
      %scan3A_339 = arith.constant 7 : i32
      %scan3A_340 = arith.addi %scan3A_209, %scan3A_339 : i32
      %mul3A_341 = arith.constant 1 : i32
      %mul3A_342 = arith.muli %scan3A_340, %mul3A_341 : i32
      %add3A_343 = arith.constant 0 : i32
      %add3A_344 = arith.addi %add3A_343, %mul3A_342 : i32
      %mul3A_345 = arith.constant 16 : i32
      %mul3A_346 = arith.muli %add3A_344, %mul3A_345 : i32
      %get3A_347 = arith.index_cast %mul3A_346 : i32 to index
      %get3A_348 = tpu.vector_load %arg5[%get3A_347] {strides = array<i32>} : memref<49152xf32, #tpu.memory_space<vmem>>, vector<16xf32>,
      %get3A_349 = vector.shape_cast %get3A_348 : vector<16xf32> to vector<16xf32>
      %get3A_350 = arith.index_cast %mul3A_346 : i32 to index
      %get3A_351 = tpu.vector_load %arg6[%get3A_350] {strides = array<i32>} : memref<49152xf32, #tpu.memory_space<vmem>>, vector<16xf32>,
      %get3A_352 = vector.shape_cast %get3A_351 : vector<16xf32> to vector<16xf32>
      %add3A_353 = arith.addf %get3A_349, %get3A_352 : vector<16xf32>
      %swap3A_354 = arith.index_cast %mul3A_346 : i32 to index
      %swap3A_355 = tpu.vector_load %arg5[%swap3A_354] {strides = array<i32>} : memref<49152xf32, #tpu.memory_space<vmem>>, vector<16xf32>,
      %swap3A_356 = vector.shape_cast %swap3A_355 : vector<16xf32> to vector<16xf32>
      %swap3A_357 = vector.shape_cast %add3A_353 : vector<16xf32> to vector<16xf32>
      tpu.vector_store %arg5[%swap3A_354], %swap3A_357 {strides = array<i32>} : memref<49152xf32, #tpu.memory_space<vmem>>, vector<16xf32>,
    }
    %scan3A_78 = arith.constant 3072 : i32
    "tpu.region"() ({
      %run_scoped3A = tpu.sem_alloc : memref<!tpu.dma_semaphore, #tpu.memory_space<semaphore_mem>>
      %dma_start3A = tpu.memref_slice %arg4[%mul3A_69] : memref<25165824xf32, #tpu.memory_space<hbm>> -> memref<49152xf32, #tpu.memory_space<hbm>>
      %dma_start3A_209 = tpu.memref_slice %arg4[%mul3A_69] : memref<25165824xf32, #tpu.memory_space<hbm>> -> memref<49152xf32, #tpu.memory_space<hbm>>
      tpu.enqueue_dma source(%arg5 : memref<49152xf32, #tpu.memory_space<vmem>>) target(%dma_start3A_209 : memref<49152xf32, #tpu.memory_space<hbm>>) target_semaphore(%run_scoped3A : memref<!tpu.dma_semaphore, #tpu.memory_space<semaphore_mem>>)
      %dma_wait3A = tpu.memref_slice %arg4[%mul3A_69] : memref<25165824xf32, #tpu.memory_space<hbm>> -> memref<49152xf32, #tpu.memory_space<hbm>>
      %dma_wait3A_210 = tpu.memref_slice %arg4[%mul3A_69] : memref<25165824xf32, #tpu.memory_space<hbm>> -> memref<49152xf32, #tpu.memory_space<hbm>>
      tpu.wait_dma2 semaphore(%run_scoped3A : memref<!tpu.dma_semaphore, #tpu.memory_space<semaphore_mem>>) src(%arg5 : memref<49152xf32, #tpu.memory_space<vmem>>) dst(%dma_wait3A_210 : memref<49152xf32, #tpu.memory_space<hbm>>)
      tpu.yield
    }) : () -> ()
    %add3A_79 = arith.constant 384 : i32
    %add3A_80 = arith.addi %mul3A_2, %add3A_79 : i32
    %mul3A_81 = arith.constant 768 : i32
    %mul3A_82 = arith.muli %add3A_80, %mul3A_81 : i32
    %rem3A_83 = arith.constant 8192 : i32
    %rem3A_84 = arith.remsi %add3A_80, %rem3A_83 : i32
    %mul3A_85 = arith.constant 768 : i32
    %mul3A_86 = arith.muli %rem3A_84, %mul3A_85 : i32
    "tpu.region"() ({
      %run_scoped3A = tpu.sem_alloc : memref<!tpu.dma_semaphore, #tpu.memory_space<semaphore_mem>>
      %dma_start3A = tpu.memref_slice %arg2[%mul3A_82] : memref<25165824xf32, #tpu.memory_space<hbm>> -> memref<49152xf32, #tpu.memory_space<hbm>>
      %dma_start3A_209 = tpu.memref_slice %arg2[%mul3A_82] : memref<25165824xf32, #tpu.memory_space<hbm>> -> memref<49152xf32, #tpu.memory_space<hbm>>
      tpu.enqueue_dma source(%dma_start3A_209 : memref<49152xf32, #tpu.memory_space<hbm>>) target(%arg5 : memref<49152xf32, #tpu.memory_space<vmem>>) target_semaphore(%run_scoped3A : memref<!tpu.dma_semaphore, #tpu.memory_space<semaphore_mem>>)
      %dma_wait3A = tpu.memref_slice %arg2[%mul3A_82] : memref<25165824xf32, #tpu.memory_space<hbm>> -> memref<49152xf32, #tpu.memory_space<hbm>>
      %dma_wait3A_210 = tpu.memref_slice %arg2[%mul3A_82] : memref<25165824xf32, #tpu.memory_space<hbm>> -> memref<49152xf32, #tpu.memory_space<hbm>>
      tpu.wait_dma2 semaphore(%run_scoped3A : memref<!tpu.dma_semaphore, #tpu.memory_space<semaphore_mem>>) src(%dma_wait3A_210 : memref<49152xf32, #tpu.memory_space<hbm>>) dst(%arg5 : memref<49152xf32, #tpu.memory_space<vmem>>)
      tpu.yield
    }) : () -> ()
    "tpu.region"() ({
      %run_scoped3A = tpu.sem_alloc : memref<!tpu.dma_semaphore, #tpu.memory_space<semaphore_mem>>
      %dma_start3A = tpu.memref_slice %arg3[%mul3A_86] : memref<6291456xf32, #tpu.memory_space<hbm>> -> memref<49152xf32, #tpu.memory_space<hbm>>
      %dma_start3A_209 = tpu.memref_slice %arg3[%mul3A_86] : memref<6291456xf32, #tpu.memory_space<hbm>> -> memref<49152xf32, #tpu.memory_space<hbm>>
      tpu.enqueue_dma source(%dma_start3A_209 : memref<49152xf32, #tpu.memory_space<hbm>>) target(%arg6 : memref<49152xf32, #tpu.memory_space<vmem>>) target_semaphore(%run_scoped3A : memref<!tpu.dma_semaphore, #tpu.memory_space<semaphore_mem>>)
      %dma_wait3A = tpu.memref_slice %arg3[%mul3A_86] : memref<6291456xf32, #tpu.memory_space<hbm>> -> memref<49152xf32, #tpu.memory_space<hbm>>
      %dma_wait3A_210 = tpu.memref_slice %arg3[%mul3A_86] : memref<6291456xf32, #tpu.memory_space<hbm>> -> memref<49152xf32, #tpu.memory_space<hbm>>
      tpu.wait_dma2 semaphore(%run_scoped3A : memref<!tpu.dma_semaphore, #tpu.memory_space<semaphore_mem>>) src(%dma_wait3A_210 : memref<49152xf32, #tpu.memory_space<hbm>>) dst(%arg6 : memref<49152xf32, #tpu.memory_space<vmem>>)
      tpu.yield
    }) : () -> ()
    %scan3A_87 = arith.constant 0 : i32
    %scan3A_88 = arith.constant 3072 : i32
    %scan3A_89 = arith.addi %scan3A_87, %scan3A_88 : i32
    %scan3A_90 = arith.constant 8 : i32
    scf.for %scan3A_209 = %scan3A_87 to %scan3A_89 step %scan3A_90  : i32 {
      %mul3A_210 = arith.constant 1 : i32
      %mul3A_211 = arith.muli %scan3A_209, %mul3A_210 : i32
      %add3A_212 = arith.constant 0 : i32
      %add3A_213 = arith.addi %add3A_212, %mul3A_211 : i32
      %mul3A_214 = arith.constant 16 : i32
      %mul3A_215 = arith.muli %add3A_213, %mul3A_214 : i32
      %get3A = arith.index_cast %mul3A_215 : i32 to index
      %get3A_216 = tpu.vector_load %arg5[%get3A] {strides = array<i32>} : memref<49152xf32, #tpu.memory_space<vmem>>, vector<16xf32>,
      %get3A_217 = vector.shape_cast %get3A_216 : vector<16xf32> to vector<16xf32>
      %get3A_218 = arith.index_cast %mul3A_215 : i32 to index
      %get3A_219 = tpu.vector_load %arg6[%get3A_218] {strides = array<i32>} : memref<49152xf32, #tpu.memory_space<vmem>>, vector<16xf32>,
      %get3A_220 = vector.shape_cast %get3A_219 : vector<16xf32> to vector<16xf32>
      %add3A_221 = arith.addf %get3A_217, %get3A_220 : vector<16xf32>
      %swap3A = arith.index_cast %mul3A_215 : i32 to index
      %swap3A_222 = tpu.vector_load %arg5[%swap3A] {strides = array<i32>} : memref<49152xf32, #tpu.memory_space<vmem>>, vector<16xf32>,
      %swap3A_223 = vector.shape_cast %swap3A_222 : vector<16xf32> to vector<16xf32>
      %swap3A_224 = vector.shape_cast %add3A_221 : vector<16xf32> to vector<16xf32>
      tpu.vector_store %arg5[%swap3A], %swap3A_224 {strides = array<i32>} : memref<49152xf32, #tpu.memory_space<vmem>>, vector<16xf32>,
      %scan3A_225 = arith.constant 1 : i32
      %scan3A_226 = arith.addi %scan3A_209, %scan3A_225 : i32
      %mul3A_227 = arith.constant 1 : i32
      %mul3A_228 = arith.muli %scan3A_226, %mul3A_227 : i32
      %add3A_229 = arith.constant 0 : i32
      %add3A_230 = arith.addi %add3A_229, %mul3A_228 : i32
      %mul3A_231 = arith.constant 16 : i32
      %mul3A_232 = arith.muli %add3A_230, %mul3A_231 : i32
      %get3A_233 = arith.index_cast %mul3A_232 : i32 to index
      %get3A_234 = tpu.vector_load %arg5[%get3A_233] {strides = array<i32>} : memref<49152xf32, #tpu.memory_space<vmem>>, vector<16xf32>,
      %get3A_235 = vector.shape_cast %get3A_234 : vector<16xf32> to vector<16xf32>
      %get3A_236 = arith.index_cast %mul3A_232 : i32 to index
      %get3A_237 = tpu.vector_load %arg6[%get3A_236] {strides = array<i32>} : memref<49152xf32, #tpu.memory_space<vmem>>, vector<16xf32>,
      %get3A_238 = vector.shape_cast %get3A_237 : vector<16xf32> to vector<16xf32>
      %add3A_239 = arith.addf %get3A_235, %get3A_238 : vector<16xf32>
      %swap3A_240 = arith.index_cast %mul3A_232 : i32 to index
      %swap3A_241 = tpu.vector_load %arg5[%swap3A_240] {strides = array<i32>} : memref<49152xf32, #tpu.memory_space<vmem>>, vector<16xf32>,
      %swap3A_242 = vector.shape_cast %swap3A_241 : vector<16xf32> to vector<16xf32>
      %swap3A_243 = vector.shape_cast %add3A_239 : vector<16xf32> to vector<16xf32>
      tpu.vector_store %arg5[%swap3A_240], %swap3A_243 {strides = array<i32>} : memref<49152xf32, #tpu.memory_space<vmem>>, vector<16xf32>,
      %scan3A_244 = arith.constant 2 : i32
      %scan3A_245 = arith.addi %scan3A_209, %scan3A_244 : i32
      %mul3A_246 = arith.constant 1 : i32
      %mul3A_247 = arith.muli %scan3A_245, %mul3A_246 : i32
      %add3A_248 = arith.constant 0 : i32
      %add3A_249 = arith.addi %add3A_248, %mul3A_247 : i32
      %mul3A_250 = arith.constant 16 : i32
      %mul3A_251 = arith.muli %add3A_249, %mul3A_250 : i32
      %get3A_252 = arith.index_cast %mul3A_251 : i32 to index
      %get3A_253 = tpu.vector_load %arg5[%get3A_252] {strides = array<i32>} : memref<49152xf32, #tpu.memory_space<vmem>>, vector<16xf32>,
      %get3A_254 = vector.shape_cast %get3A_253 : vector<16xf32> to vector<16xf32>
      %get3A_255 = arith.index_cast %mul3A_251 : i32 to index
      %get3A_256 = tpu.vector_load %arg6[%get3A_255] {strides = array<i32>} : memref<49152xf32, #tpu.memory_space<vmem>>, vector<16xf32>,
      %get3A_257 = vector.shape_cast %get3A_256 : vector<16xf32> to vector<16xf32>
      %add3A_258 = arith.addf %get3A_254, %get3A_257 : vector<16xf32>
      %swap3A_259 = arith.index_cast %mul3A_251 : i32 to index
      %swap3A_260 = tpu.vector_load %arg5[%swap3A_259] {strides = array<i32>} : memref<49152xf32, #tpu.memory_space<vmem>>, vector<16xf32>,
      %swap3A_261 = vector.shape_cast %swap3A_260 : vector<16xf32> to vector<16xf32>
      %swap3A_262 = vector.shape_cast %add3A_258 : vector<16xf32> to vector<16xf32>
      tpu.vector_store %arg5[%swap3A_259], %swap3A_262 {strides = array<i32>} : memref<49152xf32, #tpu.memory_space<vmem>>, vector<16xf32>,
      %scan3A_263 = arith.constant 3 : i32
      %scan3A_264 = arith.addi %scan3A_209, %scan3A_263 : i32
      %mul3A_265 = arith.constant 1 : i32
      %mul3A_266 = arith.muli %scan3A_264, %mul3A_265 : i32
      %add3A_267 = arith.constant 0 : i32
      %add3A_268 = arith.addi %add3A_267, %mul3A_266 : i32
      %mul3A_269 = arith.constant 16 : i32
      %mul3A_270 = arith.muli %add3A_268, %mul3A_269 : i32
      %get3A_271 = arith.index_cast %mul3A_270 : i32 to index
      %get3A_272 = tpu.vector_load %arg5[%get3A_271] {strides = array<i32>} : memref<49152xf32, #tpu.memory_space<vmem>>, vector<16xf32>,
      %get3A_273 = vector.shape_cast %get3A_272 : vector<16xf32> to vector<16xf32>
      %get3A_274 = arith.index_cast %mul3A_270 : i32 to index
      %get3A_275 = tpu.vector_load %arg6[%get3A_274] {strides = array<i32>} : memref<49152xf32, #tpu.memory_space<vmem>>, vector<16xf32>,
      %get3A_276 = vector.shape_cast %get3A_275 : vector<16xf32> to vector<16xf32>
      %add3A_277 = arith.addf %get3A_273, %get3A_276 : vector<16xf32>
      %swap3A_278 = arith.index_cast %mul3A_270 : i32 to index
      %swap3A_279 = tpu.vector_load %arg5[%swap3A_278] {strides = array<i32>} : memref<49152xf32, #tpu.memory_space<vmem>>, vector<16xf32>,
      %swap3A_280 = vector.shape_cast %swap3A_279 : vector<16xf32> to vector<16xf32>
      %swap3A_281 = vector.shape_cast %add3A_277 : vector<16xf32> to vector<16xf32>
      tpu.vector_store %arg5[%swap3A_278], %swap3A_281 {strides = array<i32>} : memref<49152xf32, #tpu.memory_space<vmem>>, vector<16xf32>,
      %scan3A_282 = arith.constant 4 : i32
      %scan3A_283 = arith.addi %scan3A_209, %scan3A_282 : i32
      %mul3A_284 = arith.constant 1 : i32
      %mul3A_285 = arith.muli %scan3A_283, %mul3A_284 : i32
      %add3A_286 = arith.constant 0 : i32
      %add3A_287 = arith.addi %add3A_286, %mul3A_285 : i32
      %mul3A_288 = arith.constant 16 : i32
      %mul3A_289 = arith.muli %add3A_287, %mul3A_288 : i32
      %get3A_290 = arith.index_cast %mul3A_289 : i32 to index
      %get3A_291 = tpu.vector_load %arg5[%get3A_290] {strides = array<i32>} : memref<49152xf32, #tpu.memory_space<vmem>>, vector<16xf32>,
      %get3A_292 = vector.shape_cast %get3A_291 : vector<16xf32> to vector<16xf32>
      %get3A_293 = arith.index_cast %mul3A_289 : i32 to index
      %get3A_294 = tpu.vector_load %arg6[%get3A_293] {strides = array<i32>} : memref<49152xf32, #tpu.memory_space<vmem>>, vector<16xf32>,
      %get3A_295 = vector.shape_cast %get3A_294 : vector<16xf32> to vector<16xf32>
      %add3A_296 = arith.addf %get3A_292, %get3A_295 : vector<16xf32>
      %swap3A_297 = arith.index_cast %mul3A_289 : i32 to index
      %swap3A_298 = tpu.vector_load %arg5[%swap3A_297] {strides = array<i32>} : memref<49152xf32, #tpu.memory_space<vmem>>, vector<16xf32>,
      %swap3A_299 = vector.shape_cast %swap3A_298 : vector<16xf32> to vector<16xf32>
      %swap3A_300 = vector.shape_cast %add3A_296 : vector<16xf32> to vector<16xf32>
      tpu.vector_store %arg5[%swap3A_297], %swap3A_300 {strides = array<i32>} : memref<49152xf32, #tpu.memory_space<vmem>>, vector<16xf32>,
      %scan3A_301 = arith.constant 5 : i32
      %scan3A_302 = arith.addi %scan3A_209, %scan3A_301 : i32
      %mul3A_303 = arith.constant 1 : i32
      %mul3A_304 = arith.muli %scan3A_302, %mul3A_303 : i32
      %add3A_305 = arith.constant 0 : i32
      %add3A_306 = arith.addi %add3A_305, %mul3A_304 : i32
      %mul3A_307 = arith.constant 16 : i32
      %mul3A_308 = arith.muli %add3A_306, %mul3A_307 : i32
      %get3A_309 = arith.index_cast %mul3A_308 : i32 to index
      %get3A_310 = tpu.vector_load %arg5[%get3A_309] {strides = array<i32>} : memref<49152xf32, #tpu.memory_space<vmem>>, vector<16xf32>,
      %get3A_311 = vector.shape_cast %get3A_310 : vector<16xf32> to vector<16xf32>
      %get3A_312 = arith.index_cast %mul3A_308 : i32 to index
      %get3A_313 = tpu.vector_load %arg6[%get3A_312] {strides = array<i32>} : memref<49152xf32, #tpu.memory_space<vmem>>, vector<16xf32>,
      %get3A_314 = vector.shape_cast %get3A_313 : vector<16xf32> to vector<16xf32>
      %add3A_315 = arith.addf %get3A_311, %get3A_314 : vector<16xf32>
      %swap3A_316 = arith.index_cast %mul3A_308 : i32 to index
      %swap3A_317 = tpu.vector_load %arg5[%swap3A_316] {strides = array<i32>} : memref<49152xf32, #tpu.memory_space<vmem>>, vector<16xf32>,
      %swap3A_318 = vector.shape_cast %swap3A_317 : vector<16xf32> to vector<16xf32>
      %swap3A_319 = vector.shape_cast %add3A_315 : vector<16xf32> to vector<16xf32>
      tpu.vector_store %arg5[%swap3A_316], %swap3A_319 {strides = array<i32>} : memref<49152xf32, #tpu.memory_space<vmem>>, vector<16xf32>,
      %scan3A_320 = arith.constant 6 : i32
      %scan3A_321 = arith.addi %scan3A_209, %scan3A_320 : i32
      %mul3A_322 = arith.constant 1 : i32
      %mul3A_323 = arith.muli %scan3A_321, %mul3A_322 : i32
      %add3A_324 = arith.constant 0 : i32
      %add3A_325 = arith.addi %add3A_324, %mul3A_323 : i32
      %mul3A_326 = arith.constant 16 : i32
      %mul3A_327 = arith.muli %add3A_325, %mul3A_326 : i32
      %get3A_328 = arith.index_cast %mul3A_327 : i32 to index
      %get3A_329 = tpu.vector_load %arg5[%get3A_328] {strides = array<i32>} : memref<49152xf32, #tpu.memory_space<vmem>>, vector<16xf32>,
      %get3A_330 = vector.shape_cast %get3A_329 : vector<16xf32> to vector<16xf32>
      %get3A_331 = arith.index_cast %mul3A_327 : i32 to index
      %get3A_332 = tpu.vector_load %arg6[%get3A_331] {strides = array<i32>} : memref<49152xf32, #tpu.memory_space<vmem>>, vector<16xf32>,
      %get3A_333 = vector.shape_cast %get3A_332 : vector<16xf32> to vector<16xf32>
      %add3A_334 = arith.addf %get3A_330, %get3A_333 : vector<16xf32>
      %swap3A_335 = arith.index_cast %mul3A_327 : i32 to index
      %swap3A_336 = tpu.vector_load %arg5[%swap3A_335] {strides = array<i32>} : memref<49152xf32, #tpu.memory_space<vmem>>, vector<16xf32>,
      %swap3A_337 = vector.shape_cast %swap3A_336 : vector<16xf32> to vector<16xf32>
      %swap3A_338 = vector.shape_cast %add3A_334 : vector<16xf32> to vector<16xf32>
      tpu.vector_store %arg5[%swap3A_335], %swap3A_338 {strides = array<i32>} : memref<49152xf32, #tpu.memory_space<vmem>>, vector<16xf32>,
      %scan3A_339 = arith.constant 7 : i32
      %scan3A_340 = arith.addi %scan3A_209, %scan3A_339 : i32
      %mul3A_341 = arith.constant 1 : i32
      %mul3A_342 = arith.muli %scan3A_340, %mul3A_341 : i32
      %add3A_343 = arith.constant 0 : i32
      %add3A_344 = arith.addi %add3A_343, %mul3A_342 : i32
      %mul3A_345 = arith.constant 16 : i32
      %mul3A_346 = arith.muli %add3A_344, %mul3A_345 : i32
      %get3A_347 = arith.index_cast %mul3A_346 : i32 to index
      %get3A_348 = tpu.vector_load %arg5[%get3A_347] {strides = array<i32>} : memref<49152xf32, #tpu.memory_space<vmem>>, vector<16xf32>,
      %get3A_349 = vector.shape_cast %get3A_348 : vector<16xf32> to vector<16xf32>
      %get3A_350 = arith.index_cast %mul3A_346 : i32 to index
      %get3A_351 = tpu.vector_load %arg6[%get3A_350] {strides = array<i32>} : memref<49152xf32, #tpu.memory_space<vmem>>, vector<16xf32>,
      %get3A_352 = vector.shape_cast %get3A_351 : vector<16xf32> to vector<16xf32>
      %add3A_353 = arith.addf %get3A_349, %get3A_352 : vector<16xf32>
      %swap3A_354 = arith.index_cast %mul3A_346 : i32 to index
      %swap3A_355 = tpu.vector_load %arg5[%swap3A_354] {strides = array<i32>} : memref<49152xf32, #tpu.memory_space<vmem>>, vector<16xf32>,
      %swap3A_356 = vector.shape_cast %swap3A_355 : vector<16xf32> to vector<16xf32>
      %swap3A_357 = vector.shape_cast %add3A_353 : vector<16xf32> to vector<16xf32>
      tpu.vector_store %arg5[%swap3A_354], %swap3A_357 {strides = array<i32>} : memref<49152xf32, #tpu.memory_space<vmem>>, vector<16xf32>,
    }
    %scan3A_91 = arith.constant 3072 : i32
    "tpu.region"() ({
      %run_scoped3A = tpu.sem_alloc : memref<!tpu.dma_semaphore, #tpu.memory_space<semaphore_mem>>
      %dma_start3A = tpu.memref_slice %arg4[%mul3A_82] : memref<25165824xf32, #tpu.memory_space<hbm>> -> memref<49152xf32, #tpu.memory_space<hbm>>
      %dma_start3A_209 = tpu.memref_slice %arg4[%mul3A_82] : memref<25165824xf32, #tpu.memory_space<hbm>> -> memref<49152xf32, #tpu.memory_space<hbm>>
      tpu.enqueue_dma source(%arg5 : memref<49152xf32, #tpu.memory_space<vmem>>) target(%dma_start3A_209 : memref<49152xf32, #tpu.memory_space<hbm>>) target_semaphore(%run_scoped3A : memref<!tpu.dma_semaphore, #tpu.memory_space<semaphore_mem>>)
      %dma_wait3A = tpu.memref_slice %arg4[%mul3A_82] : memref<25165824xf32, #tpu.memory_space<hbm>> -> memref<49152xf32, #tpu.memory_space<hbm>>
      %dma_wait3A_210 = tpu.memref_slice %arg4[%mul3A_82] : memref<25165824xf32, #tpu.memory_space<hbm>> -> memref<49152xf32, #tpu.memory_space<hbm>>
      tpu.wait_dma2 semaphore(%run_scoped3A : memref<!tpu.dma_semaphore, #tpu.memory_space<semaphore_mem>>) src(%arg5 : memref<49152xf32, #tpu.memory_space<vmem>>) dst(%dma_wait3A_210 : memref<49152xf32, #tpu.memory_space<hbm>>)
      tpu.yield
    }) : () -> ()
    %add3A_92 = arith.constant 448 : i32
    %add3A_93 = arith.addi %mul3A_2, %add3A_92 : i32
    %mul3A_94 = arith.constant 768 : i32
    %mul3A_95 = arith.muli %add3A_93, %mul3A_94 : i32
    %rem3A_96 = arith.constant 8192 : i32
    %rem3A_97 = arith.remsi %add3A_93, %rem3A_96 : i32
    %mul3A_98 = arith.constant 768 : i32
    %mul3A_99 = arith.muli %rem3A_97, %mul3A_98 : i32
    "tpu.region"() ({
      %run_scoped3A = tpu.sem_alloc : memref<!tpu.dma_semaphore, #tpu.memory_space<semaphore_mem>>
      %dma_start3A = tpu.memref_slice %arg2[%mul3A_95] : memref<25165824xf32, #tpu.memory_space<hbm>> -> memref<49152xf32, #tpu.memory_space<hbm>>
      %dma_start3A_209 = tpu.memref_slice %arg2[%mul3A_95] : memref<25165824xf32, #tpu.memory_space<hbm>> -> memref<49152xf32, #tpu.memory_space<hbm>>
      tpu.enqueue_dma source(%dma_start3A_209 : memref<49152xf32, #tpu.memory_space<hbm>>) target(%arg5 : memref<49152xf32, #tpu.memory_space<vmem>>) target_semaphore(%run_scoped3A : memref<!tpu.dma_semaphore, #tpu.memory_space<semaphore_mem>>)
      %dma_wait3A = tpu.memref_slice %arg2[%mul3A_95] : memref<25165824xf32, #tpu.memory_space<hbm>> -> memref<49152xf32, #tpu.memory_space<hbm>>
      %dma_wait3A_210 = tpu.memref_slice %arg2[%mul3A_95] : memref<25165824xf32, #tpu.memory_space<hbm>> -> memref<49152xf32, #tpu.memory_space<hbm>>
      tpu.wait_dma2 semaphore(%run_scoped3A : memref<!tpu.dma_semaphore, #tpu.memory_space<semaphore_mem>>) src(%dma_wait3A_210 : memref<49152xf32, #tpu.memory_space<hbm>>) dst(%arg5 : memref<49152xf32, #tpu.memory_space<vmem>>)
      tpu.yield
    }) : () -> ()
    "tpu.region"() ({
      %run_scoped3A = tpu.sem_alloc : memref<!tpu.dma_semaphore, #tpu.memory_space<semaphore_mem>>
      %dma_start3A = tpu.memref_slice %arg3[%mul3A_99] : memref<6291456xf32, #tpu.memory_space<hbm>> -> memref<49152xf32, #tpu.memory_space<hbm>>
      %dma_start3A_209 = tpu.memref_slice %arg3[%mul3A_99] : memref<6291456xf32, #tpu.memory_space<hbm>> -> memref<49152xf32, #tpu.memory_space<hbm>>
      tpu.enqueue_dma source(%dma_start3A_209 : memref<49152xf32, #tpu.memory_space<hbm>>) target(%arg6 : memref<49152xf32, #tpu.memory_space<vmem>>) target_semaphore(%run_scoped3A : memref<!tpu.dma_semaphore, #tpu.memory_space<semaphore_mem>>)
      %dma_wait3A = tpu.memref_slice %arg3[%mul3A_99] : memref<6291456xf32, #tpu.memory_space<hbm>> -> memref<49152xf32, #tpu.memory_space<hbm>>
      %dma_wait3A_210 = tpu.memref_slice %arg3[%mul3A_99] : memref<6291456xf32, #tpu.memory_space<hbm>> -> memref<49152xf32, #tpu.memory_space<hbm>>
      tpu.wait_dma2 semaphore(%run_scoped3A : memref<!tpu.dma_semaphore, #tpu.memory_space<semaphore_mem>>) src(%dma_wait3A_210 : memref<49152xf32, #tpu.memory_space<hbm>>) dst(%arg6 : memref<49152xf32, #tpu.memory_space<vmem>>)
      tpu.yield
    }) : () -> ()
    %scan3A_100 = arith.constant 0 : i32
    %scan3A_101 = arith.constant 3072 : i32
    %scan3A_102 = arith.addi %scan3A_100, %scan3A_101 : i32
    %scan3A_103 = arith.constant 8 : i32
    scf.for %scan3A_209 = %scan3A_100 to %scan3A_102 step %scan3A_103  : i32 {
      %mul3A_210 = arith.constant 1 : i32
      %mul3A_211 = arith.muli %scan3A_209, %mul3A_210 : i32
      %add3A_212 = arith.constant 0 : i32
      %add3A_213 = arith.addi %add3A_212, %mul3A_211 : i32
      %mul3A_214 = arith.constant 16 : i32
      %mul3A_215 = arith.muli %add3A_213, %mul3A_214 : i32
      %get3A = arith.index_cast %mul3A_215 : i32 to index
      %get3A_216 = tpu.vector_load %arg5[%get3A] {strides = array<i32>} : memref<49152xf32, #tpu.memory_space<vmem>>, vector<16xf32>,
      %get3A_217 = vector.shape_cast %get3A_216 : vector<16xf32> to vector<16xf32>
      %get3A_218 = arith.index_cast %mul3A_215 : i32 to index
      %get3A_219 = tpu.vector_load %arg6[%get3A_218] {strides = array<i32>} : memref<49152xf32, #tpu.memory_space<vmem>>, vector<16xf32>,
      %get3A_220 = vector.shape_cast %get3A_219 : vector<16xf32> to vector<16xf32>
      %add3A_221 = arith.addf %get3A_217, %get3A_220 : vector<16xf32>
      %swap3A = arith.index_cast %mul3A_215 : i32 to index
      %swap3A_222 = tpu.vector_load %arg5[%swap3A] {strides = array<i32>} : memref<49152xf32, #tpu.memory_space<vmem>>, vector<16xf32>,
      %swap3A_223 = vector.shape_cast %swap3A_222 : vector<16xf32> to vector<16xf32>
      %swap3A_224 = vector.shape_cast %add3A_221 : vector<16xf32> to vector<16xf32>
      tpu.vector_store %arg5[%swap3A], %swap3A_224 {strides = array<i32>} : memref<49152xf32, #tpu.memory_space<vmem>>, vector<16xf32>,
      %scan3A_225 = arith.constant 1 : i32
      %scan3A_226 = arith.addi %scan3A_209, %scan3A_225 : i32
      %mul3A_227 = arith.constant 1 : i32
      %mul3A_228 = arith.muli %scan3A_226, %mul3A_227 : i32
      %add3A_229 = arith.constant 0 : i32
      %add3A_230 = arith.addi %add3A_229, %mul3A_228 : i32
      %mul3A_231 = arith.constant 16 : i32
      %mul3A_232 = arith.muli %add3A_230, %mul3A_231 : i32
      %get3A_233 = arith.index_cast %mul3A_232 : i32 to index
      %get3A_234 = tpu.vector_load %arg5[%get3A_233] {strides = array<i32>} : memref<49152xf32, #tpu.memory_space<vmem>>, vector<16xf32>,
      %get3A_235 = vector.shape_cast %get3A_234 : vector<16xf32> to vector<16xf32>
      %get3A_236 = arith.index_cast %mul3A_232 : i32 to index
      %get3A_237 = tpu.vector_load %arg6[%get3A_236] {strides = array<i32>} : memref<49152xf32, #tpu.memory_space<vmem>>, vector<16xf32>,
      %get3A_238 = vector.shape_cast %get3A_237 : vector<16xf32> to vector<16xf32>
      %add3A_239 = arith.addf %get3A_235, %get3A_238 : vector<16xf32>
      %swap3A_240 = arith.index_cast %mul3A_232 : i32 to index
      %swap3A_241 = tpu.vector_load %arg5[%swap3A_240] {strides = array<i32>} : memref<49152xf32, #tpu.memory_space<vmem>>, vector<16xf32>,
      %swap3A_242 = vector.shape_cast %swap3A_241 : vector<16xf32> to vector<16xf32>
      %swap3A_243 = vector.shape_cast %add3A_239 : vector<16xf32> to vector<16xf32>
      tpu.vector_store %arg5[%swap3A_240], %swap3A_243 {strides = array<i32>} : memref<49152xf32, #tpu.memory_space<vmem>>, vector<16xf32>,
      %scan3A_244 = arith.constant 2 : i32
      %scan3A_245 = arith.addi %scan3A_209, %scan3A_244 : i32
      %mul3A_246 = arith.constant 1 : i32
      %mul3A_247 = arith.muli %scan3A_245, %mul3A_246 : i32
      %add3A_248 = arith.constant 0 : i32
      %add3A_249 = arith.addi %add3A_248, %mul3A_247 : i32
      %mul3A_250 = arith.constant 16 : i32
      %mul3A_251 = arith.muli %add3A_249, %mul3A_250 : i32
      %get3A_252 = arith.index_cast %mul3A_251 : i32 to index
      %get3A_253 = tpu.vector_load %arg5[%get3A_252] {strides = array<i32>} : memref<49152xf32, #tpu.memory_space<vmem>>, vector<16xf32>,
      %get3A_254 = vector.shape_cast %get3A_253 : vector<16xf32> to vector<16xf32>
      %get3A_255 = arith.index_cast %mul3A_251 : i32 to index
      %get3A_256 = tpu.vector_load %arg6[%get3A_255] {strides = array<i32>} : memref<49152xf32, #tpu.memory_space<vmem>>, vector<16xf32>,
      %get3A_257 = vector.shape_cast %get3A_256 : vector<16xf32> to vector<16xf32>
      %add3A_258 = arith.addf %get3A_254, %get3A_257 : vector<16xf32>
      %swap3A_259 = arith.index_cast %mul3A_251 : i32 to index
      %swap3A_260 = tpu.vector_load %arg5[%swap3A_259] {strides = array<i32>} : memref<49152xf32, #tpu.memory_space<vmem>>, vector<16xf32>,
      %swap3A_261 = vector.shape_cast %swap3A_260 : vector<16xf32> to vector<16xf32>
      %swap3A_262 = vector.shape_cast %add3A_258 : vector<16xf32> to vector<16xf32>
      tpu.vector_store %arg5[%swap3A_259], %swap3A_262 {strides = array<i32>} : memref<49152xf32, #tpu.memory_space<vmem>>, vector<16xf32>,
      %scan3A_263 = arith.constant 3 : i32
      %scan3A_264 = arith.addi %scan3A_209, %scan3A_263 : i32
      %mul3A_265 = arith.constant 1 : i32
      %mul3A_266 = arith.muli %scan3A_264, %mul3A_265 : i32
      %add3A_267 = arith.constant 0 : i32
      %add3A_268 = arith.addi %add3A_267, %mul3A_266 : i32
      %mul3A_269 = arith.constant 16 : i32
      %mul3A_270 = arith.muli %add3A_268, %mul3A_269 : i32
      %get3A_271 = arith.index_cast %mul3A_270 : i32 to index
      %get3A_272 = tpu.vector_load %arg5[%get3A_271] {strides = array<i32>} : memref<49152xf32, #tpu.memory_space<vmem>>, vector<16xf32>,
      %get3A_273 = vector.shape_cast %get3A_272 : vector<16xf32> to vector<16xf32>
      %get3A_274 = arith.index_cast %mul3A_270 : i32 to index
      %get3A_275 = tpu.vector_load %arg6[%get3A_274] {strides = array<i32>} : memref<49152xf32, #tpu.memory_space<vmem>>, vector<16xf32>,
      %get3A_276 = vector.shape_cast %get3A_275 : vector<16xf32> to vector<16xf32>
      %add3A_277 = arith.addf %get3A_273, %get3A_276 : vector<16xf32>
      %swap3A_278 = arith.index_cast %mul3A_270 : i32 to index
      %swap3A_279 = tpu.vector_load %arg5[%swap3A_278] {strides = array<i32>} : memref<49152xf32, #tpu.memory_space<vmem>>, vector<16xf32>,
      %swap3A_280 = vector.shape_cast %swap3A_279 : vector<16xf32> to vector<16xf32>
      %swap3A_281 = vector.shape_cast %add3A_277 : vector<16xf32> to vector<16xf32>
      tpu.vector_store %arg5[%swap3A_278], %swap3A_281 {strides = array<i32>} : memref<49152xf32, #tpu.memory_space<vmem>>, vector<16xf32>,
      %scan3A_282 = arith.constant 4 : i32
      %scan3A_283 = arith.addi %scan3A_209, %scan3A_282 : i32
      %mul3A_284 = arith.constant 1 : i32
      %mul3A_285 = arith.muli %scan3A_283, %mul3A_284 : i32
      %add3A_286 = arith.constant 0 : i32
      %add3A_287 = arith.addi %add3A_286, %mul3A_285 : i32
      %mul3A_288 = arith.constant 16 : i32
      %mul3A_289 = arith.muli %add3A_287, %mul3A_288 : i32
      %get3A_290 = arith.index_cast %mul3A_289 : i32 to index
      %get3A_291 = tpu.vector_load %arg5[%get3A_290] {strides = array<i32>} : memref<49152xf32, #tpu.memory_space<vmem>>, vector<16xf32>,
      %get3A_292 = vector.shape_cast %get3A_291 : vector<16xf32> to vector<16xf32>
      %get3A_293 = arith.index_cast %mul3A_289 : i32 to index
      %get3A_294 = tpu.vector_load %arg6[%get3A_293] {strides = array<i32>} : memref<49152xf32, #tpu.memory_space<vmem>>, vector<16xf32>,
      %get3A_295 = vector.shape_cast %get3A_294 : vector<16xf32> to vector<16xf32>
      %add3A_296 = arith.addf %get3A_292, %get3A_295 : vector<16xf32>
      %swap3A_297 = arith.index_cast %mul3A_289 : i32 to index
      %swap3A_298 = tpu.vector_load %arg5[%swap3A_297] {strides = array<i32>} : memref<49152xf32, #tpu.memory_space<vmem>>, vector<16xf32>,
      %swap3A_299 = vector.shape_cast %swap3A_298 : vector<16xf32> to vector<16xf32>
      %swap3A_300 = vector.shape_cast %add3A_296 : vector<16xf32> to vector<16xf32>
      tpu.vector_store %arg5[%swap3A_297], %swap3A_300 {strides = array<i32>} : memref<49152xf32, #tpu.memory_space<vmem>>, vector<16xf32>,
      %scan3A_301 = arith.constant 5 : i32
      %scan3A_302 = arith.addi %scan3A_209, %scan3A_301 : i32
      %mul3A_303 = arith.constant 1 : i32
      %mul3A_304 = arith.muli %scan3A_302, %mul3A_303 : i32
      %add3A_305 = arith.constant 0 : i32
      %add3A_306 = arith.addi %add3A_305, %mul3A_304 : i32
      %mul3A_307 = arith.constant 16 : i32
      %mul3A_308 = arith.muli %add3A_306, %mul3A_307 : i32
      %get3A_309 = arith.index_cast %mul3A_308 : i32 to index
      %get3A_310 = tpu.vector_load %arg5[%get3A_309] {strides = array<i32>} : memref<49152xf32, #tpu.memory_space<vmem>>, vector<16xf32>,
      %get3A_311 = vector.shape_cast %get3A_310 : vector<16xf32> to vector<16xf32>
      %get3A_312 = arith.index_cast %mul3A_308 : i32 to index
      %get3A_313 = tpu.vector_load %arg6[%get3A_312] {strides = array<i32>} : memref<49152xf32, #tpu.memory_space<vmem>>, vector<16xf32>,
      %get3A_314 = vector.shape_cast %get3A_313 : vector<16xf32> to vector<16xf32>
      %add3A_315 = arith.addf %get3A_311, %get3A_314 : vector<16xf32>
      %swap3A_316 = arith.index_cast %mul3A_308 : i32 to index
      %swap3A_317 = tpu.vector_load %arg5[%swap3A_316] {strides = array<i32>} : memref<49152xf32, #tpu.memory_space<vmem>>, vector<16xf32>,
      %swap3A_318 = vector.shape_cast %swap3A_317 : vector<16xf32> to vector<16xf32>
      %swap3A_319 = vector.shape_cast %add3A_315 : vector<16xf32> to vector<16xf32>
      tpu.vector_store %arg5[%swap3A_316], %swap3A_319 {strides = array<i32>} : memref<49152xf32, #tpu.memory_space<vmem>>, vector<16xf32>,
      %scan3A_320 = arith.constant 6 : i32
      %scan3A_321 = arith.addi %scan3A_209, %scan3A_320 : i32
      %mul3A_322 = arith.constant 1 : i32
      %mul3A_323 = arith.muli %scan3A_321, %mul3A_322 : i32
      %add3A_324 = arith.constant 0 : i32
      %add3A_325 = arith.addi %add3A_324, %mul3A_323 : i32
      %mul3A_326 = arith.constant 16 : i32
      %mul3A_327 = arith.muli %add3A_325, %mul3A_326 : i32
      %get3A_328 = arith.index_cast %mul3A_327 : i32 to index
      %get3A_329 = tpu.vector_load %arg5[%get3A_328] {strides = array<i32>} : memref<49152xf32, #tpu.memory_space<vmem>>, vector<16xf32>,
      %get3A_330 = vector.shape_cast %get3A_329 : vector<16xf32> to vector<16xf32>
      %get3A_331 = arith.index_cast %mul3A_327 : i32 to index
      %get3A_332 = tpu.vector_load %arg6[%get3A_331] {strides = array<i32>} : memref<49152xf32, #tpu.memory_space<vmem>>, vector<16xf32>,
      %get3A_333 = vector.shape_cast %get3A_332 : vector<16xf32> to vector<16xf32>
      %add3A_334 = arith.addf %get3A_330, %get3A_333 : vector<16xf32>
      %swap3A_335 = arith.index_cast %mul3A_327 : i32 to index
      %swap3A_336 = tpu.vector_load %arg5[%swap3A_335] {strides = array<i32>} : memref<49152xf32, #tpu.memory_space<vmem>>, vector<16xf32>,
      %swap3A_337 = vector.shape_cast %swap3A_336 : vector<16xf32> to vector<16xf32>
      %swap3A_338 = vector.shape_cast %add3A_334 : vector<16xf32> to vector<16xf32>
      tpu.vector_store %arg5[%swap3A_335], %swap3A_338 {strides = array<i32>} : memref<49152xf32, #tpu.memory_space<vmem>>, vector<16xf32>,
      %scan3A_339 = arith.constant 7 : i32
      %scan3A_340 = arith.addi %scan3A_209, %scan3A_339 : i32
      %mul3A_341 = arith.constant 1 : i32
      %mul3A_342 = arith.muli %scan3A_340, %mul3A_341 : i32
      %add3A_343 = arith.constant 0 : i32
      %add3A_344 = arith.addi %add3A_343, %mul3A_342 : i32
      %mul3A_345 = arith.constant 16 : i32
      %mul3A_346 = arith.muli %add3A_344, %mul3A_345 : i32
      %get3A_347 = arith.index_cast %mul3A_346 : i32 to index
      %get3A_348 = tpu.vector_load %arg5[%get3A_347] {strides = array<i32>} : memref<49152xf32, #tpu.memory_space<vmem>>, vector<16xf32>,
      %get3A_349 = vector.shape_cast %get3A_348 : vector<16xf32> to vector<16xf32>
      %get3A_350 = arith.index_cast %mul3A_346 : i32 to index
      %get3A_351 = tpu.vector_load %arg6[%get3A_350] {strides = array<i32>} : memref<49152xf32, #tpu.memory_space<vmem>>, vector<16xf32>,
      %get3A_352 = vector.shape_cast %get3A_351 : vector<16xf32> to vector<16xf32>
      %add3A_353 = arith.addf %get3A_349, %get3A_352 : vector<16xf32>
      %swap3A_354 = arith.index_cast %mul3A_346 : i32 to index
      %swap3A_355 = tpu.vector_load %arg5[%swap3A_354] {strides = array<i32>} : memref<49152xf32, #tpu.memory_space<vmem>>, vector<16xf32>,
      %swap3A_356 = vector.shape_cast %swap3A_355 : vector<16xf32> to vector<16xf32>
      %swap3A_357 = vector.shape_cast %add3A_353 : vector<16xf32> to vector<16xf32>
      tpu.vector_store %arg5[%swap3A_354], %swap3A_357 {strides = array<i32>} : memref<49152xf32, #tpu.memory_space<vmem>>, vector<16xf32>,
    }
    %scan3A_104 = arith.constant 3072 : i32
    "tpu.region"() ({
      %run_scoped3A = tpu.sem_alloc : memref<!tpu.dma_semaphore, #tpu.memory_space<semaphore_mem>>
      %dma_start3A = tpu.memref_slice %arg4[%mul3A_95] : memref<25165824xf32, #tpu.memory_space<hbm>> -> memref<49152xf32, #tpu.memory_space<hbm>>
      %dma_start3A_209 = tpu.memref_slice %arg4[%mul3A_95] : memref<25165824xf32, #tpu.memory_space<hbm>> -> memref<49152xf32, #tpu.memory_space<hbm>>
      tpu.enqueue_dma source(%arg5 : memref<49152xf32, #tpu.memory_space<vmem>>) target(%dma_start3A_209 : memref<49152xf32, #tpu.memory_space<hbm>>) target_semaphore(%run_scoped3A : memref<!tpu.dma_semaphore, #tpu.memory_space<semaphore_mem>>)
      %dma_wait3A = tpu.memref_slice %arg4[%mul3A_95] : memref<25165824xf32, #tpu.memory_space<hbm>> -> memref<49152xf32, #tpu.memory_space<hbm>>
      %dma_wait3A_210 = tpu.memref_slice %arg4[%mul3A_95] : memref<25165824xf32, #tpu.memory_space<hbm>> -> memref<49152xf32, #tpu.memory_space<hbm>>
      tpu.wait_dma2 semaphore(%run_scoped3A : memref<!tpu.dma_semaphore, #tpu.memory_space<semaphore_mem>>) src(%arg5 : memref<49152xf32, #tpu.memory_space<vmem>>) dst(%dma_wait3A_210 : memref<49152xf32, #tpu.memory_space<hbm>>)
      tpu.yield
    }) : () -> ()
    %add3A_105 = arith.constant 512 : i32
    %add3A_106 = arith.addi %mul3A_2, %add3A_105 : i32
    %mul3A_107 = arith.constant 768 : i32
    %mul3A_108 = arith.muli %add3A_106, %mul3A_107 : i32
    %rem3A_109 = arith.constant 8192 : i32
    %rem3A_110 = arith.remsi %add3A_106, %rem3A_109 : i32
    %mul3A_111 = arith.constant 768 : i32
    %mul3A_112 = arith.muli %rem3A_110, %mul3A_111 : i32
    "tpu.region"() ({
      %run_scoped3A = tpu.sem_alloc : memref<!tpu.dma_semaphore, #tpu.memory_space<semaphore_mem>>
      %dma_start3A = tpu.memref_slice %arg2[%mul3A_108] : memref<25165824xf32, #tpu.memory_space<hbm>> -> memref<49152xf32, #tpu.memory_space<hbm>>
      %dma_start3A_209 = tpu.memref_slice %arg2[%mul3A_108] : memref<25165824xf32, #tpu.memory_space<hbm>> -> memref<49152xf32, #tpu.memory_space<hbm>>
      tpu.enqueue_dma source(%dma_start3A_209 : memref<49152xf32, #tpu.memory_space<hbm>>) target(%arg5 : memref<49152xf32, #tpu.memory_space<vmem>>) target_semaphore(%run_scoped3A : memref<!tpu.dma_semaphore, #tpu.memory_space<semaphore_mem>>)
      %dma_wait3A = tpu.memref_slice %arg2[%mul3A_108] : memref<25165824xf32, #tpu.memory_space<hbm>> -> memref<49152xf32, #tpu.memory_space<hbm>>
      %dma_wait3A_210 = tpu.memref_slice %arg2[%mul3A_108] : memref<25165824xf32, #tpu.memory_space<hbm>> -> memref<49152xf32, #tpu.memory_space<hbm>>
      tpu.wait_dma2 semaphore(%run_scoped3A : memref<!tpu.dma_semaphore, #tpu.memory_space<semaphore_mem>>) src(%dma_wait3A_210 : memref<49152xf32, #tpu.memory_space<hbm>>) dst(%arg5 : memref<49152xf32, #tpu.memory_space<vmem>>)
      tpu.yield
    }) : () -> ()
    "tpu.region"() ({
      %run_scoped3A = tpu.sem_alloc : memref<!tpu.dma_semaphore, #tpu.memory_space<semaphore_mem>>
      %dma_start3A = tpu.memref_slice %arg3[%mul3A_112] : memref<6291456xf32, #tpu.memory_space<hbm>> -> memref<49152xf32, #tpu.memory_space<hbm>>
      %dma_start3A_209 = tpu.memref_slice %arg3[%mul3A_112] : memref<6291456xf32, #tpu.memory_space<hbm>> -> memref<49152xf32, #tpu.memory_space<hbm>>
      tpu.enqueue_dma source(%dma_start3A_209 : memref<49152xf32, #tpu.memory_space<hbm>>) target(%arg6 : memref<49152xf32, #tpu.memory_space<vmem>>) target_semaphore(%run_scoped3A : memref<!tpu.dma_semaphore, #tpu.memory_space<semaphore_mem>>)
      %dma_wait3A = tpu.memref_slice %arg3[%mul3A_112] : memref<6291456xf32, #tpu.memory_space<hbm>> -> memref<49152xf32, #tpu.memory_space<hbm>>
      %dma_wait3A_210 = tpu.memref_slice %arg3[%mul3A_112] : memref<6291456xf32, #tpu.memory_space<hbm>> -> memref<49152xf32, #tpu.memory_space<hbm>>
      tpu.wait_dma2 semaphore(%run_scoped3A : memref<!tpu.dma_semaphore, #tpu.memory_space<semaphore_mem>>) src(%dma_wait3A_210 : memref<49152xf32, #tpu.memory_space<hbm>>) dst(%arg6 : memref<49152xf32, #tpu.memory_space<vmem>>)
      tpu.yield
    }) : () -> ()
    %scan3A_113 = arith.constant 0 : i32
    %scan3A_114 = arith.constant 3072 : i32
    %scan3A_115 = arith.addi %scan3A_113, %scan3A_114 : i32
    %scan3A_116 = arith.constant 8 : i32
    scf.for %scan3A_209 = %scan3A_113 to %scan3A_115 step %scan3A_116  : i32 {
      %mul3A_210 = arith.constant 1 : i32
      %mul3A_211 = arith.muli %scan3A_209, %mul3A_210 : i32
      %add3A_212 = arith.constant 0 : i32
      %add3A_213 = arith.addi %add3A_212, %mul3A_211 : i32
      %mul3A_214 = arith.constant 16 : i32
      %mul3A_215 = arith.muli %add3A_213, %mul3A_214 : i32
      %get3A = arith.index_cast %mul3A_215 : i32 to index
      %get3A_216 = tpu.vector_load %arg5[%get3A] {strides = array<i32>} : memref<49152xf32, #tpu.memory_space<vmem>>, vector<16xf32>,
      %get3A_217 = vector.shape_cast %get3A_216 : vector<16xf32> to vector<16xf32>
      %get3A_218 = arith.index_cast %mul3A_215 : i32 to index
      %get3A_219 = tpu.vector_load %arg6[%get3A_218] {strides = array<i32>} : memref<49152xf32, #tpu.memory_space<vmem>>, vector<16xf32>,
      %get3A_220 = vector.shape_cast %get3A_219 : vector<16xf32> to vector<16xf32>
      %add3A_221 = arith.addf %get3A_217, %get3A_220 : vector<16xf32>
      %swap3A = arith.index_cast %mul3A_215 : i32 to index
      %swap3A_222 = tpu.vector_load %arg5[%swap3A] {strides = array<i32>} : memref<49152xf32, #tpu.memory_space<vmem>>, vector<16xf32>,
      %swap3A_223 = vector.shape_cast %swap3A_222 : vector<16xf32> to vector<16xf32>
      %swap3A_224 = vector.shape_cast %add3A_221 : vector<16xf32> to vector<16xf32>
      tpu.vector_store %arg5[%swap3A], %swap3A_224 {strides = array<i32>} : memref<49152xf32, #tpu.memory_space<vmem>>, vector<16xf32>,
      %scan3A_225 = arith.constant 1 : i32
      %scan3A_226 = arith.addi %scan3A_209, %scan3A_225 : i32
      %mul3A_227 = arith.constant 1 : i32
      %mul3A_228 = arith.muli %scan3A_226, %mul3A_227 : i32
      %add3A_229 = arith.constant 0 : i32
      %add3A_230 = arith.addi %add3A_229, %mul3A_228 : i32
      %mul3A_231 = arith.constant 16 : i32
      %mul3A_232 = arith.muli %add3A_230, %mul3A_231 : i32
      %get3A_233 = arith.index_cast %mul3A_232 : i32 to index
      %get3A_234 = tpu.vector_load %arg5[%get3A_233] {strides = array<i32>} : memref<49152xf32, #tpu.memory_space<vmem>>, vector<16xf32>,
      %get3A_235 = vector.shape_cast %get3A_234 : vector<16xf32> to vector<16xf32>
      %get3A_236 = arith.index_cast %mul3A_232 : i32 to index
      %get3A_237 = tpu.vector_load %arg6[%get3A_236] {strides = array<i32>} : memref<49152xf32, #tpu.memory_space<vmem>>, vector<16xf32>,
      %get3A_238 = vector.shape_cast %get3A_237 : vector<16xf32> to vector<16xf32>
      %add3A_239 = arith.addf %get3A_235, %get3A_238 : vector<16xf32>
      %swap3A_240 = arith.index_cast %mul3A_232 : i32 to index
      %swap3A_241 = tpu.vector_load %arg5[%swap3A_240] {strides = array<i32>} : memref<49152xf32, #tpu.memory_space<vmem>>, vector<16xf32>,
      %swap3A_242 = vector.shape_cast %swap3A_241 : vector<16xf32> to vector<16xf32>
      %swap3A_243 = vector.shape_cast %add3A_239 : vector<16xf32> to vector<16xf32>
      tpu.vector_store %arg5[%swap3A_240], %swap3A_243 {strides = array<i32>} : memref<49152xf32, #tpu.memory_space<vmem>>, vector<16xf32>,
      %scan3A_244 = arith.constant 2 : i32
      %scan3A_245 = arith.addi %scan3A_209, %scan3A_244 : i32
      %mul3A_246 = arith.constant 1 : i32
      %mul3A_247 = arith.muli %scan3A_245, %mul3A_246 : i32
      %add3A_248 = arith.constant 0 : i32
      %add3A_249 = arith.addi %add3A_248, %mul3A_247 : i32
      %mul3A_250 = arith.constant 16 : i32
      %mul3A_251 = arith.muli %add3A_249, %mul3A_250 : i32
      %get3A_252 = arith.index_cast %mul3A_251 : i32 to index
      %get3A_253 = tpu.vector_load %arg5[%get3A_252] {strides = array<i32>} : memref<49152xf32, #tpu.memory_space<vmem>>, vector<16xf32>,
      %get3A_254 = vector.shape_cast %get3A_253 : vector<16xf32> to vector<16xf32>
      %get3A_255 = arith.index_cast %mul3A_251 : i32 to index
      %get3A_256 = tpu.vector_load %arg6[%get3A_255] {strides = array<i32>} : memref<49152xf32, #tpu.memory_space<vmem>>, vector<16xf32>,
      %get3A_257 = vector.shape_cast %get3A_256 : vector<16xf32> to vector<16xf32>
      %add3A_258 = arith.addf %get3A_254, %get3A_257 : vector<16xf32>
      %swap3A_259 = arith.index_cast %mul3A_251 : i32 to index
      %swap3A_260 = tpu.vector_load %arg5[%swap3A_259] {strides = array<i32>} : memref<49152xf32, #tpu.memory_space<vmem>>, vector<16xf32>,
      %swap3A_261 = vector.shape_cast %swap3A_260 : vector<16xf32> to vector<16xf32>
      %swap3A_262 = vector.shape_cast %add3A_258 : vector<16xf32> to vector<16xf32>
      tpu.vector_store %arg5[%swap3A_259], %swap3A_262 {strides = array<i32>} : memref<49152xf32, #tpu.memory_space<vmem>>, vector<16xf32>,
      %scan3A_263 = arith.constant 3 : i32
      %scan3A_264 = arith.addi %scan3A_209, %scan3A_263 : i32
      %mul3A_265 = arith.constant 1 : i32
      %mul3A_266 = arith.muli %scan3A_264, %mul3A_265 : i32
      %add3A_267 = arith.constant 0 : i32
      %add3A_268 = arith.addi %add3A_267, %mul3A_266 : i32
      %mul3A_269 = arith.constant 16 : i32
      %mul3A_270 = arith.muli %add3A_268, %mul3A_269 : i32
      %get3A_271 = arith.index_cast %mul3A_270 : i32 to index
      %get3A_272 = tpu.vector_load %arg5[%get3A_271] {strides = array<i32>} : memref<49152xf32, #tpu.memory_space<vmem>>, vector<16xf32>,
      %get3A_273 = vector.shape_cast %get3A_272 : vector<16xf32> to vector<16xf32>
      %get3A_274 = arith.index_cast %mul3A_270 : i32 to index
      %get3A_275 = tpu.vector_load %arg6[%get3A_274] {strides = array<i32>} : memref<49152xf32, #tpu.memory_space<vmem>>, vector<16xf32>,
      %get3A_276 = vector.shape_cast %get3A_275 : vector<16xf32> to vector<16xf32>
      %add3A_277 = arith.addf %get3A_273, %get3A_276 : vector<16xf32>
      %swap3A_278 = arith.index_cast %mul3A_270 : i32 to index
      %swap3A_279 = tpu.vector_load %arg5[%swap3A_278] {strides = array<i32>} : memref<49152xf32, #tpu.memory_space<vmem>>, vector<16xf32>,
      %swap3A_280 = vector.shape_cast %swap3A_279 : vector<16xf32> to vector<16xf32>
      %swap3A_281 = vector.shape_cast %add3A_277 : vector<16xf32> to vector<16xf32>
      tpu.vector_store %arg5[%swap3A_278], %swap3A_281 {strides = array<i32>} : memref<49152xf32, #tpu.memory_space<vmem>>, vector<16xf32>,
      %scan3A_282 = arith.constant 4 : i32
      %scan3A_283 = arith.addi %scan3A_209, %scan3A_282 : i32
      %mul3A_284 = arith.constant 1 : i32
      %mul3A_285 = arith.muli %scan3A_283, %mul3A_284 : i32
      %add3A_286 = arith.constant 0 : i32
      %add3A_287 = arith.addi %add3A_286, %mul3A_285 : i32
      %mul3A_288 = arith.constant 16 : i32
      %mul3A_289 = arith.muli %add3A_287, %mul3A_288 : i32
      %get3A_290 = arith.index_cast %mul3A_289 : i32 to index
      %get3A_291 = tpu.vector_load %arg5[%get3A_290] {strides = array<i32>} : memref<49152xf32, #tpu.memory_space<vmem>>, vector<16xf32>,
      %get3A_292 = vector.shape_cast %get3A_291 : vector<16xf32> to vector<16xf32>
      %get3A_293 = arith.index_cast %mul3A_289 : i32 to index
      %get3A_294 = tpu.vector_load %arg6[%get3A_293] {strides = array<i32>} : memref<49152xf32, #tpu.memory_space<vmem>>, vector<16xf32>,
      %get3A_295 = vector.shape_cast %get3A_294 : vector<16xf32> to vector<16xf32>
      %add3A_296 = arith.addf %get3A_292, %get3A_295 : vector<16xf32>
      %swap3A_297 = arith.index_cast %mul3A_289 : i32 to index
      %swap3A_298 = tpu.vector_load %arg5[%swap3A_297] {strides = array<i32>} : memref<49152xf32, #tpu.memory_space<vmem>>, vector<16xf32>,
      %swap3A_299 = vector.shape_cast %swap3A_298 : vector<16xf32> to vector<16xf32>
      %swap3A_300 = vector.shape_cast %add3A_296 : vector<16xf32> to vector<16xf32>
      tpu.vector_store %arg5[%swap3A_297], %swap3A_300 {strides = array<i32>} : memref<49152xf32, #tpu.memory_space<vmem>>, vector<16xf32>,
      %scan3A_301 = arith.constant 5 : i32
      %scan3A_302 = arith.addi %scan3A_209, %scan3A_301 : i32
      %mul3A_303 = arith.constant 1 : i32
      %mul3A_304 = arith.muli %scan3A_302, %mul3A_303 : i32
      %add3A_305 = arith.constant 0 : i32
      %add3A_306 = arith.addi %add3A_305, %mul3A_304 : i32
      %mul3A_307 = arith.constant 16 : i32
      %mul3A_308 = arith.muli %add3A_306, %mul3A_307 : i32
      %get3A_309 = arith.index_cast %mul3A_308 : i32 to index
      %get3A_310 = tpu.vector_load %arg5[%get3A_309] {strides = array<i32>} : memref<49152xf32, #tpu.memory_space<vmem>>, vector<16xf32>,
      %get3A_311 = vector.shape_cast %get3A_310 : vector<16xf32> to vector<16xf32>
      %get3A_312 = arith.index_cast %mul3A_308 : i32 to index
      %get3A_313 = tpu.vector_load %arg6[%get3A_312] {strides = array<i32>} : memref<49152xf32, #tpu.memory_space<vmem>>, vector<16xf32>,
      %get3A_314 = vector.shape_cast %get3A_313 : vector<16xf32> to vector<16xf32>
      %add3A_315 = arith.addf %get3A_311, %get3A_314 : vector<16xf32>
      %swap3A_316 = arith.index_cast %mul3A_308 : i32 to index
      %swap3A_317 = tpu.vector_load %arg5[%swap3A_316] {strides = array<i32>} : memref<49152xf32, #tpu.memory_space<vmem>>, vector<16xf32>,
      %swap3A_318 = vector.shape_cast %swap3A_317 : vector<16xf32> to vector<16xf32>
      %swap3A_319 = vector.shape_cast %add3A_315 : vector<16xf32> to vector<16xf32>
      tpu.vector_store %arg5[%swap3A_316], %swap3A_319 {strides = array<i32>} : memref<49152xf32, #tpu.memory_space<vmem>>, vector<16xf32>,
      %scan3A_320 = arith.constant 6 : i32
      %scan3A_321 = arith.addi %scan3A_209, %scan3A_320 : i32
      %mul3A_322 = arith.constant 1 : i32
      %mul3A_323 = arith.muli %scan3A_321, %mul3A_322 : i32
      %add3A_324 = arith.constant 0 : i32
      %add3A_325 = arith.addi %add3A_324, %mul3A_323 : i32
      %mul3A_326 = arith.constant 16 : i32
      %mul3A_327 = arith.muli %add3A_325, %mul3A_326 : i32
      %get3A_328 = arith.index_cast %mul3A_327 : i32 to index
      %get3A_329 = tpu.vector_load %arg5[%get3A_328] {strides = array<i32>} : memref<49152xf32, #tpu.memory_space<vmem>>, vector<16xf32>,
      %get3A_330 = vector.shape_cast %get3A_329 : vector<16xf32> to vector<16xf32>
      %get3A_331 = arith.index_cast %mul3A_327 : i32 to index
      %get3A_332 = tpu.vector_load %arg6[%get3A_331] {strides = array<i32>} : memref<49152xf32, #tpu.memory_space<vmem>>, vector<16xf32>,
      %get3A_333 = vector.shape_cast %get3A_332 : vector<16xf32> to vector<16xf32>
      %add3A_334 = arith.addf %get3A_330, %get3A_333 : vector<16xf32>
      %swap3A_335 = arith.index_cast %mul3A_327 : i32 to index
      %swap3A_336 = tpu.vector_load %arg5[%swap3A_335] {strides = array<i32>} : memref<49152xf32, #tpu.memory_space<vmem>>, vector<16xf32>,
      %swap3A_337 = vector.shape_cast %swap3A_336 : vector<16xf32> to vector<16xf32>
      %swap3A_338 = vector.shape_cast %add3A_334 : vector<16xf32> to vector<16xf32>
      tpu.vector_store %arg5[%swap3A_335], %swap3A_338 {strides = array<i32>} : memref<49152xf32, #tpu.memory_space<vmem>>, vector<16xf32>,
      %scan3A_339 = arith.constant 7 : i32
      %scan3A_340 = arith.addi %scan3A_209, %scan3A_339 : i32
      %mul3A_341 = arith.constant 1 : i32
      %mul3A_342 = arith.muli %scan3A_340, %mul3A_341 : i32
      %add3A_343 = arith.constant 0 : i32
      %add3A_344 = arith.addi %add3A_343, %mul3A_342 : i32
      %mul3A_345 = arith.constant 16 : i32
      %mul3A_346 = arith.muli %add3A_344, %mul3A_345 : i32
      %get3A_347 = arith.index_cast %mul3A_346 : i32 to index
      %get3A_348 = tpu.vector_load %arg5[%get3A_347] {strides = array<i32>} : memref<49152xf32, #tpu.memory_space<vmem>>, vector<16xf32>,
      %get3A_349 = vector.shape_cast %get3A_348 : vector<16xf32> to vector<16xf32>
      %get3A_350 = arith.index_cast %mul3A_346 : i32 to index
      %get3A_351 = tpu.vector_load %arg6[%get3A_350] {strides = array<i32>} : memref<49152xf32, #tpu.memory_space<vmem>>, vector<16xf32>,
      %get3A_352 = vector.shape_cast %get3A_351 : vector<16xf32> to vector<16xf32>
      %add3A_353 = arith.addf %get3A_349, %get3A_352 : vector<16xf32>
      %swap3A_354 = arith.index_cast %mul3A_346 : i32 to index
      %swap3A_355 = tpu.vector_load %arg5[%swap3A_354] {strides = array<i32>} : memref<49152xf32, #tpu.memory_space<vmem>>, vector<16xf32>,
      %swap3A_356 = vector.shape_cast %swap3A_355 : vector<16xf32> to vector<16xf32>
      %swap3A_357 = vector.shape_cast %add3A_353 : vector<16xf32> to vector<16xf32>
      tpu.vector_store %arg5[%swap3A_354], %swap3A_357 {strides = array<i32>} : memref<49152xf32, #tpu.memory_space<vmem>>, vector<16xf32>,
    }
    %scan3A_117 = arith.constant 3072 : i32
    "tpu.region"() ({
      %run_scoped3A = tpu.sem_alloc : memref<!tpu.dma_semaphore, #tpu.memory_space<semaphore_mem>>
      %dma_start3A = tpu.memref_slice %arg4[%mul3A_108] : memref<25165824xf32, #tpu.memory_space<hbm>> -> memref<49152xf32, #tpu.memory_space<hbm>>
      %dma_start3A_209 = tpu.memref_slice %arg4[%mul3A_108] : memref<25165824xf32, #tpu.memory_space<hbm>> -> memref<49152xf32, #tpu.memory_space<hbm>>
      tpu.enqueue_dma source(%arg5 : memref<49152xf32, #tpu.memory_space<vmem>>) target(%dma_start3A_209 : memref<49152xf32, #tpu.memory_space<hbm>>) target_semaphore(%run_scoped3A : memref<!tpu.dma_semaphore, #tpu.memory_space<semaphore_mem>>)
      %dma_wait3A = tpu.memref_slice %arg4[%mul3A_108] : memref<25165824xf32, #tpu.memory_space<hbm>> -> memref<49152xf32, #tpu.memory_space<hbm>>
      %dma_wait3A_210 = tpu.memref_slice %arg4[%mul3A_108] : memref<25165824xf32, #tpu.memory_space<hbm>> -> memref<49152xf32, #tpu.memory_space<hbm>>
      tpu.wait_dma2 semaphore(%run_scoped3A : memref<!tpu.dma_semaphore, #tpu.memory_space<semaphore_mem>>) src(%arg5 : memref<49152xf32, #tpu.memory_space<vmem>>) dst(%dma_wait3A_210 : memref<49152xf32, #tpu.memory_space<hbm>>)
      tpu.yield
    }) : () -> ()
    %add3A_118 = arith.constant 576 : i32
    %add3A_119 = arith.addi %mul3A_2, %add3A_118 : i32
    %mul3A_120 = arith.constant 768 : i32
    %mul3A_121 = arith.muli %add3A_119, %mul3A_120 : i32
    %rem3A_122 = arith.constant 8192 : i32
    %rem3A_123 = arith.remsi %add3A_119, %rem3A_122 : i32
    %mul3A_124 = arith.constant 768 : i32
    %mul3A_125 = arith.muli %rem3A_123, %mul3A_124 : i32
    "tpu.region"() ({
      %run_scoped3A = tpu.sem_alloc : memref<!tpu.dma_semaphore, #tpu.memory_space<semaphore_mem>>
      %dma_start3A = tpu.memref_slice %arg2[%mul3A_121] : memref<25165824xf32, #tpu.memory_space<hbm>> -> memref<49152xf32, #tpu.memory_space<hbm>>
      %dma_start3A_209 = tpu.memref_slice %arg2[%mul3A_121] : memref<25165824xf32, #tpu.memory_space<hbm>> -> memref<49152xf32, #tpu.memory_space<hbm>>
      tpu.enqueue_dma source(%dma_start3A_209 : memref<49152xf32, #tpu.memory_space<hbm>>) target(%arg5 : memref<49152xf32, #tpu.memory_space<vmem>>) target_semaphore(%run_scoped3A : memref<!tpu.dma_semaphore, #tpu.memory_space<semaphore_mem>>)
      %dma_wait3A = tpu.memref_slice %arg2[%mul3A_121] : memref<25165824xf32, #tpu.memory_space<hbm>> -> memref<49152xf32, #tpu.memory_space<hbm>>
      %dma_wait3A_210 = tpu.memref_slice %arg2[%mul3A_121] : memref<25165824xf32, #tpu.memory_space<hbm>> -> memref<49152xf32, #tpu.memory_space<hbm>>
      tpu.wait_dma2 semaphore(%run_scoped3A : memref<!tpu.dma_semaphore, #tpu.memory_space<semaphore_mem>>) src(%dma_wait3A_210 : memref<49152xf32, #tpu.memory_space<hbm>>) dst(%arg5 : memref<49152xf32, #tpu.memory_space<vmem>>)
      tpu.yield
    }) : () -> ()
    "tpu.region"() ({
      %run_scoped3A = tpu.sem_alloc : memref<!tpu.dma_semaphore, #tpu.memory_space<semaphore_mem>>
      %dma_start3A = tpu.memref_slice %arg3[%mul3A_125] : memref<6291456xf32, #tpu.memory_space<hbm>> -> memref<49152xf32, #tpu.memory_space<hbm>>
      %dma_start3A_209 = tpu.memref_slice %arg3[%mul3A_125] : memref<6291456xf32, #tpu.memory_space<hbm>> -> memref<49152xf32, #tpu.memory_space<hbm>>
      tpu.enqueue_dma source(%dma_start3A_209 : memref<49152xf32, #tpu.memory_space<hbm>>) target(%arg6 : memref<49152xf32, #tpu.memory_space<vmem>>) target_semaphore(%run_scoped3A : memref<!tpu.dma_semaphore, #tpu.memory_space<semaphore_mem>>)
      %dma_wait3A = tpu.memref_slice %arg3[%mul3A_125] : memref<6291456xf32, #tpu.memory_space<hbm>> -> memref<49152xf32, #tpu.memory_space<hbm>>
      %dma_wait3A_210 = tpu.memref_slice %arg3[%mul3A_125] : memref<6291456xf32, #tpu.memory_space<hbm>> -> memref<49152xf32, #tpu.memory_space<hbm>>
      tpu.wait_dma2 semaphore(%run_scoped3A : memref<!tpu.dma_semaphore, #tpu.memory_space<semaphore_mem>>) src(%dma_wait3A_210 : memref<49152xf32, #tpu.memory_space<hbm>>) dst(%arg6 : memref<49152xf32, #tpu.memory_space<vmem>>)
      tpu.yield
    }) : () -> ()
    %scan3A_126 = arith.constant 0 : i32
    %scan3A_127 = arith.constant 3072 : i32
    %scan3A_128 = arith.addi %scan3A_126, %scan3A_127 : i32
    %scan3A_129 = arith.constant 8 : i32
    scf.for %scan3A_209 = %scan3A_126 to %scan3A_128 step %scan3A_129  : i32 {
      %mul3A_210 = arith.constant 1 : i32
      %mul3A_211 = arith.muli %scan3A_209, %mul3A_210 : i32
      %add3A_212 = arith.constant 0 : i32
      %add3A_213 = arith.addi %add3A_212, %mul3A_211 : i32
      %mul3A_214 = arith.constant 16 : i32
      %mul3A_215 = arith.muli %add3A_213, %mul3A_214 : i32
      %get3A = arith.index_cast %mul3A_215 : i32 to index
      %get3A_216 = tpu.vector_load %arg5[%get3A] {strides = array<i32>} : memref<49152xf32, #tpu.memory_space<vmem>>, vector<16xf32>,
      %get3A_217 = vector.shape_cast %get3A_216 : vector<16xf32> to vector<16xf32>
      %get3A_218 = arith.index_cast %mul3A_215 : i32 to index
      %get3A_219 = tpu.vector_load %arg6[%get3A_218] {strides = array<i32>} : memref<49152xf32, #tpu.memory_space<vmem>>, vector<16xf32>,
      %get3A_220 = vector.shape_cast %get3A_219 : vector<16xf32> to vector<16xf32>
      %add3A_221 = arith.addf %get3A_217, %get3A_220 : vector<16xf32>
      %swap3A = arith.index_cast %mul3A_215 : i32 to index
      %swap3A_222 = tpu.vector_load %arg5[%swap3A] {strides = array<i32>} : memref<49152xf32, #tpu.memory_space<vmem>>, vector<16xf32>,
      %swap3A_223 = vector.shape_cast %swap3A_222 : vector<16xf32> to vector<16xf32>
      %swap3A_224 = vector.shape_cast %add3A_221 : vector<16xf32> to vector<16xf32>
      tpu.vector_store %arg5[%swap3A], %swap3A_224 {strides = array<i32>} : memref<49152xf32, #tpu.memory_space<vmem>>, vector<16xf32>,
      %scan3A_225 = arith.constant 1 : i32
      %scan3A_226 = arith.addi %scan3A_209, %scan3A_225 : i32
      %mul3A_227 = arith.constant 1 : i32
      %mul3A_228 = arith.muli %scan3A_226, %mul3A_227 : i32
      %add3A_229 = arith.constant 0 : i32
      %add3A_230 = arith.addi %add3A_229, %mul3A_228 : i32
      %mul3A_231 = arith.constant 16 : i32
      %mul3A_232 = arith.muli %add3A_230, %mul3A_231 : i32
      %get3A_233 = arith.index_cast %mul3A_232 : i32 to index
      %get3A_234 = tpu.vector_load %arg5[%get3A_233] {strides = array<i32>} : memref<49152xf32, #tpu.memory_space<vmem>>, vector<16xf32>,
      %get3A_235 = vector.shape_cast %get3A_234 : vector<16xf32> to vector<16xf32>
      %get3A_236 = arith.index_cast %mul3A_232 : i32 to index
      %get3A_237 = tpu.vector_load %arg6[%get3A_236] {strides = array<i32>} : memref<49152xf32, #tpu.memory_space<vmem>>, vector<16xf32>,
      %get3A_238 = vector.shape_cast %get3A_237 : vector<16xf32> to vector<16xf32>
      %add3A_239 = arith.addf %get3A_235, %get3A_238 : vector<16xf32>
      %swap3A_240 = arith.index_cast %mul3A_232 : i32 to index
      %swap3A_241 = tpu.vector_load %arg5[%swap3A_240] {strides = array<i32>} : memref<49152xf32, #tpu.memory_space<vmem>>, vector<16xf32>,
      %swap3A_242 = vector.shape_cast %swap3A_241 : vector<16xf32> to vector<16xf32>
      %swap3A_243 = vector.shape_cast %add3A_239 : vector<16xf32> to vector<16xf32>
      tpu.vector_store %arg5[%swap3A_240], %swap3A_243 {strides = array<i32>} : memref<49152xf32, #tpu.memory_space<vmem>>, vector<16xf32>,
      %scan3A_244 = arith.constant 2 : i32
      %scan3A_245 = arith.addi %scan3A_209, %scan3A_244 : i32
      %mul3A_246 = arith.constant 1 : i32
      %mul3A_247 = arith.muli %scan3A_245, %mul3A_246 : i32
      %add3A_248 = arith.constant 0 : i32
      %add3A_249 = arith.addi %add3A_248, %mul3A_247 : i32
      %mul3A_250 = arith.constant 16 : i32
      %mul3A_251 = arith.muli %add3A_249, %mul3A_250 : i32
      %get3A_252 = arith.index_cast %mul3A_251 : i32 to index
      %get3A_253 = tpu.vector_load %arg5[%get3A_252] {strides = array<i32>} : memref<49152xf32, #tpu.memory_space<vmem>>, vector<16xf32>,
      %get3A_254 = vector.shape_cast %get3A_253 : vector<16xf32> to vector<16xf32>
      %get3A_255 = arith.index_cast %mul3A_251 : i32 to index
      %get3A_256 = tpu.vector_load %arg6[%get3A_255] {strides = array<i32>} : memref<49152xf32, #tpu.memory_space<vmem>>, vector<16xf32>,
      %get3A_257 = vector.shape_cast %get3A_256 : vector<16xf32> to vector<16xf32>
      %add3A_258 = arith.addf %get3A_254, %get3A_257 : vector<16xf32>
      %swap3A_259 = arith.index_cast %mul3A_251 : i32 to index
      %swap3A_260 = tpu.vector_load %arg5[%swap3A_259] {strides = array<i32>} : memref<49152xf32, #tpu.memory_space<vmem>>, vector<16xf32>,
      %swap3A_261 = vector.shape_cast %swap3A_260 : vector<16xf32> to vector<16xf32>
      %swap3A_262 = vector.shape_cast %add3A_258 : vector<16xf32> to vector<16xf32>
      tpu.vector_store %arg5[%swap3A_259], %swap3A_262 {strides = array<i32>} : memref<49152xf32, #tpu.memory_space<vmem>>, vector<16xf32>,
      %scan3A_263 = arith.constant 3 : i32
      %scan3A_264 = arith.addi %scan3A_209, %scan3A_263 : i32
      %mul3A_265 = arith.constant 1 : i32
      %mul3A_266 = arith.muli %scan3A_264, %mul3A_265 : i32
      %add3A_267 = arith.constant 0 : i32
      %add3A_268 = arith.addi %add3A_267, %mul3A_266 : i32
      %mul3A_269 = arith.constant 16 : i32
      %mul3A_270 = arith.muli %add3A_268, %mul3A_269 : i32
      %get3A_271 = arith.index_cast %mul3A_270 : i32 to index
      %get3A_272 = tpu.vector_load %arg5[%get3A_271] {strides = array<i32>} : memref<49152xf32, #tpu.memory_space<vmem>>, vector<16xf32>,
      %get3A_273 = vector.shape_cast %get3A_272 : vector<16xf32> to vector<16xf32>
      %get3A_274 = arith.index_cast %mul3A_270 : i32 to index
      %get3A_275 = tpu.vector_load %arg6[%get3A_274] {strides = array<i32>} : memref<49152xf32, #tpu.memory_space<vmem>>, vector<16xf32>,
      %get3A_276 = vector.shape_cast %get3A_275 : vector<16xf32> to vector<16xf32>
      %add3A_277 = arith.addf %get3A_273, %get3A_276 : vector<16xf32>
      %swap3A_278 = arith.index_cast %mul3A_270 : i32 to index
      %swap3A_279 = tpu.vector_load %arg5[%swap3A_278] {strides = array<i32>} : memref<49152xf32, #tpu.memory_space<vmem>>, vector<16xf32>,
      %swap3A_280 = vector.shape_cast %swap3A_279 : vector<16xf32> to vector<16xf32>
      %swap3A_281 = vector.shape_cast %add3A_277 : vector<16xf32> to vector<16xf32>
      tpu.vector_store %arg5[%swap3A_278], %swap3A_281 {strides = array<i32>} : memref<49152xf32, #tpu.memory_space<vmem>>, vector<16xf32>,
      %scan3A_282 = arith.constant 4 : i32
      %scan3A_283 = arith.addi %scan3A_209, %scan3A_282 : i32
      %mul3A_284 = arith.constant 1 : i32
      %mul3A_285 = arith.muli %scan3A_283, %mul3A_284 : i32
      %add3A_286 = arith.constant 0 : i32
      %add3A_287 = arith.addi %add3A_286, %mul3A_285 : i32
      %mul3A_288 = arith.constant 16 : i32
      %mul3A_289 = arith.muli %add3A_287, %mul3A_288 : i32
      %get3A_290 = arith.index_cast %mul3A_289 : i32 to index
      %get3A_291 = tpu.vector_load %arg5[%get3A_290] {strides = array<i32>} : memref<49152xf32, #tpu.memory_space<vmem>>, vector<16xf32>,
      %get3A_292 = vector.shape_cast %get3A_291 : vector<16xf32> to vector<16xf32>
      %get3A_293 = arith.index_cast %mul3A_289 : i32 to index
      %get3A_294 = tpu.vector_load %arg6[%get3A_293] {strides = array<i32>} : memref<49152xf32, #tpu.memory_space<vmem>>, vector<16xf32>,
      %get3A_295 = vector.shape_cast %get3A_294 : vector<16xf32> to vector<16xf32>
      %add3A_296 = arith.addf %get3A_292, %get3A_295 : vector<16xf32>
      %swap3A_297 = arith.index_cast %mul3A_289 : i32 to index
      %swap3A_298 = tpu.vector_load %arg5[%swap3A_297] {strides = array<i32>} : memref<49152xf32, #tpu.memory_space<vmem>>, vector<16xf32>,
      %swap3A_299 = vector.shape_cast %swap3A_298 : vector<16xf32> to vector<16xf32>
      %swap3A_300 = vector.shape_cast %add3A_296 : vector<16xf32> to vector<16xf32>
      tpu.vector_store %arg5[%swap3A_297], %swap3A_300 {strides = array<i32>} : memref<49152xf32, #tpu.memory_space<vmem>>, vector<16xf32>,
      %scan3A_301 = arith.constant 5 : i32
      %scan3A_302 = arith.addi %scan3A_209, %scan3A_301 : i32
      %mul3A_303 = arith.constant 1 : i32
      %mul3A_304 = arith.muli %scan3A_302, %mul3A_303 : i32
      %add3A_305 = arith.constant 0 : i32
      %add3A_306 = arith.addi %add3A_305, %mul3A_304 : i32
      %mul3A_307 = arith.constant 16 : i32
      %mul3A_308 = arith.muli %add3A_306, %mul3A_307 : i32
      %get3A_309 = arith.index_cast %mul3A_308 : i32 to index
      %get3A_310 = tpu.vector_load %arg5[%get3A_309] {strides = array<i32>} : memref<49152xf32, #tpu.memory_space<vmem>>, vector<16xf32>,
      %get3A_311 = vector.shape_cast %get3A_310 : vector<16xf32> to vector<16xf32>
      %get3A_312 = arith.index_cast %mul3A_308 : i32 to index
      %get3A_313 = tpu.vector_load %arg6[%get3A_312] {strides = array<i32>} : memref<49152xf32, #tpu.memory_space<vmem>>, vector<16xf32>,
      %get3A_314 = vector.shape_cast %get3A_313 : vector<16xf32> to vector<16xf32>
      %add3A_315 = arith.addf %get3A_311, %get3A_314 : vector<16xf32>
      %swap3A_316 = arith.index_cast %mul3A_308 : i32 to index
      %swap3A_317 = tpu.vector_load %arg5[%swap3A_316] {strides = array<i32>} : memref<49152xf32, #tpu.memory_space<vmem>>, vector<16xf32>,
      %swap3A_318 = vector.shape_cast %swap3A_317 : vector<16xf32> to vector<16xf32>
      %swap3A_319 = vector.shape_cast %add3A_315 : vector<16xf32> to vector<16xf32>
      tpu.vector_store %arg5[%swap3A_316], %swap3A_319 {strides = array<i32>} : memref<49152xf32, #tpu.memory_space<vmem>>, vector<16xf32>,
      %scan3A_320 = arith.constant 6 : i32
      %scan3A_321 = arith.addi %scan3A_209, %scan3A_320 : i32
      %mul3A_322 = arith.constant 1 : i32
      %mul3A_323 = arith.muli %scan3A_321, %mul3A_322 : i32
      %add3A_324 = arith.constant 0 : i32
      %add3A_325 = arith.addi %add3A_324, %mul3A_323 : i32
      %mul3A_326 = arith.constant 16 : i32
      %mul3A_327 = arith.muli %add3A_325, %mul3A_326 : i32
      %get3A_328 = arith.index_cast %mul3A_327 : i32 to index
      %get3A_329 = tpu.vector_load %arg5[%get3A_328] {strides = array<i32>} : memref<49152xf32, #tpu.memory_space<vmem>>, vector<16xf32>,
      %get3A_330 = vector.shape_cast %get3A_329 : vector<16xf32> to vector<16xf32>
      %get3A_331 = arith.index_cast %mul3A_327 : i32 to index
      %get3A_332 = tpu.vector_load %arg6[%get3A_331] {strides = array<i32>} : memref<49152xf32, #tpu.memory_space<vmem>>, vector<16xf32>,
      %get3A_333 = vector.shape_cast %get3A_332 : vector<16xf32> to vector<16xf32>
      %add3A_334 = arith.addf %get3A_330, %get3A_333 : vector<16xf32>
      %swap3A_335 = arith.index_cast %mul3A_327 : i32 to index
      %swap3A_336 = tpu.vector_load %arg5[%swap3A_335] {strides = array<i32>} : memref<49152xf32, #tpu.memory_space<vmem>>, vector<16xf32>,
      %swap3A_337 = vector.shape_cast %swap3A_336 : vector<16xf32> to vector<16xf32>
      %swap3A_338 = vector.shape_cast %add3A_334 : vector<16xf32> to vector<16xf32>
      tpu.vector_store %arg5[%swap3A_335], %swap3A_338 {strides = array<i32>} : memref<49152xf32, #tpu.memory_space<vmem>>, vector<16xf32>,
      %scan3A_339 = arith.constant 7 : i32
      %scan3A_340 = arith.addi %scan3A_209, %scan3A_339 : i32
      %mul3A_341 = arith.constant 1 : i32
      %mul3A_342 = arith.muli %scan3A_340, %mul3A_341 : i32
      %add3A_343 = arith.constant 0 : i32
      %add3A_344 = arith.addi %add3A_343, %mul3A_342 : i32
      %mul3A_345 = arith.constant 16 : i32
      %mul3A_346 = arith.muli %add3A_344, %mul3A_345 : i32
      %get3A_347 = arith.index_cast %mul3A_346 : i32 to index
      %get3A_348 = tpu.vector_load %arg5[%get3A_347] {strides = array<i32>} : memref<49152xf32, #tpu.memory_space<vmem>>, vector<16xf32>,
      %get3A_349 = vector.shape_cast %get3A_348 : vector<16xf32> to vector<16xf32>
      %get3A_350 = arith.index_cast %mul3A_346 : i32 to index
      %get3A_351 = tpu.vector_load %arg6[%get3A_350] {strides = array<i32>} : memref<49152xf32, #tpu.memory_space<vmem>>, vector<16xf32>,
      %get3A_352 = vector.shape_cast %get3A_351 : vector<16xf32> to vector<16xf32>
      %add3A_353 = arith.addf %get3A_349, %get3A_352 : vector<16xf32>
      %swap3A_354 = arith.index_cast %mul3A_346 : i32 to index
      %swap3A_355 = tpu.vector_load %arg5[%swap3A_354] {strides = array<i32>} : memref<49152xf32, #tpu.memory_space<vmem>>, vector<16xf32>,
      %swap3A_356 = vector.shape_cast %swap3A_355 : vector<16xf32> to vector<16xf32>
      %swap3A_357 = vector.shape_cast %add3A_353 : vector<16xf32> to vector<16xf32>
      tpu.vector_store %arg5[%swap3A_354], %swap3A_357 {strides = array<i32>} : memref<49152xf32, #tpu.memory_space<vmem>>, vector<16xf32>,
    }
    %scan3A_130 = arith.constant 3072 : i32
    "tpu.region"() ({
      %run_scoped3A = tpu.sem_alloc : memref<!tpu.dma_semaphore, #tpu.memory_space<semaphore_mem>>
      %dma_start3A = tpu.memref_slice %arg4[%mul3A_121] : memref<25165824xf32, #tpu.memory_space<hbm>> -> memref<49152xf32, #tpu.memory_space<hbm>>
      %dma_start3A_209 = tpu.memref_slice %arg4[%mul3A_121] : memref<25165824xf32, #tpu.memory_space<hbm>> -> memref<49152xf32, #tpu.memory_space<hbm>>
      tpu.enqueue_dma source(%arg5 : memref<49152xf32, #tpu.memory_space<vmem>>) target(%dma_start3A_209 : memref<49152xf32, #tpu.memory_space<hbm>>) target_semaphore(%run_scoped3A : memref<!tpu.dma_semaphore, #tpu.memory_space<semaphore_mem>>)
      %dma_wait3A = tpu.memref_slice %arg4[%mul3A_121] : memref<25165824xf32, #tpu.memory_space<hbm>> -> memref<49152xf32, #tpu.memory_space<hbm>>
      %dma_wait3A_210 = tpu.memref_slice %arg4[%mul3A_121] : memref<25165824xf32, #tpu.memory_space<hbm>> -> memref<49152xf32, #tpu.memory_space<hbm>>
      tpu.wait_dma2 semaphore(%run_scoped3A : memref<!tpu.dma_semaphore, #tpu.memory_space<semaphore_mem>>) src(%arg5 : memref<49152xf32, #tpu.memory_space<vmem>>) dst(%dma_wait3A_210 : memref<49152xf32, #tpu.memory_space<hbm>>)
      tpu.yield
    }) : () -> ()
    %add3A_131 = arith.constant 640 : i32
    %add3A_132 = arith.addi %mul3A_2, %add3A_131 : i32
    %mul3A_133 = arith.constant 768 : i32
    %mul3A_134 = arith.muli %add3A_132, %mul3A_133 : i32
    %rem3A_135 = arith.constant 8192 : i32
    %rem3A_136 = arith.remsi %add3A_132, %rem3A_135 : i32
    %mul3A_137 = arith.constant 768 : i32
    %mul3A_138 = arith.muli %rem3A_136, %mul3A_137 : i32
    "tpu.region"() ({
      %run_scoped3A = tpu.sem_alloc : memref<!tpu.dma_semaphore, #tpu.memory_space<semaphore_mem>>
      %dma_start3A = tpu.memref_slice %arg2[%mul3A_134] : memref<25165824xf32, #tpu.memory_space<hbm>> -> memref<49152xf32, #tpu.memory_space<hbm>>
      %dma_start3A_209 = tpu.memref_slice %arg2[%mul3A_134] : memref<25165824xf32, #tpu.memory_space<hbm>> -> memref<49152xf32, #tpu.memory_space<hbm>>
      tpu.enqueue_dma source(%dma_start3A_209 : memref<49152xf32, #tpu.memory_space<hbm>>) target(%arg5 : memref<49152xf32, #tpu.memory_space<vmem>>) target_semaphore(%run_scoped3A : memref<!tpu.dma_semaphore, #tpu.memory_space<semaphore_mem>>)
      %dma_wait3A = tpu.memref_slice %arg2[%mul3A_134] : memref<25165824xf32, #tpu.memory_space<hbm>> -> memref<49152xf32, #tpu.memory_space<hbm>>
      %dma_wait3A_210 = tpu.memref_slice %arg2[%mul3A_134] : memref<25165824xf32, #tpu.memory_space<hbm>> -> memref<49152xf32, #tpu.memory_space<hbm>>
      tpu.wait_dma2 semaphore(%run_scoped3A : memref<!tpu.dma_semaphore, #tpu.memory_space<semaphore_mem>>) src(%dma_wait3A_210 : memref<49152xf32, #tpu.memory_space<hbm>>) dst(%arg5 : memref<49152xf32, #tpu.memory_space<vmem>>)
      tpu.yield
    }) : () -> ()
    "tpu.region"() ({
      %run_scoped3A = tpu.sem_alloc : memref<!tpu.dma_semaphore, #tpu.memory_space<semaphore_mem>>
      %dma_start3A = tpu.memref_slice %arg3[%mul3A_138] : memref<6291456xf32, #tpu.memory_space<hbm>> -> memref<49152xf32, #tpu.memory_space<hbm>>
      %dma_start3A_209 = tpu.memref_slice %arg3[%mul3A_138] : memref<6291456xf32, #tpu.memory_space<hbm>> -> memref<49152xf32, #tpu.memory_space<hbm>>
      tpu.enqueue_dma source(%dma_start3A_209 : memref<49152xf32, #tpu.memory_space<hbm>>) target(%arg6 : memref<49152xf32, #tpu.memory_space<vmem>>) target_semaphore(%run_scoped3A : memref<!tpu.dma_semaphore, #tpu.memory_space<semaphore_mem>>)
      %dma_wait3A = tpu.memref_slice %arg3[%mul3A_138] : memref<6291456xf32, #tpu.memory_space<hbm>> -> memref<49152xf32, #tpu.memory_space<hbm>>
      %dma_wait3A_210 = tpu.memref_slice %arg3[%mul3A_138] : memref<6291456xf32, #tpu.memory_space<hbm>> -> memref<49152xf32, #tpu.memory_space<hbm>>
      tpu.wait_dma2 semaphore(%run_scoped3A : memref<!tpu.dma_semaphore, #tpu.memory_space<semaphore_mem>>) src(%dma_wait3A_210 : memref<49152xf32, #tpu.memory_space<hbm>>) dst(%arg6 : memref<49152xf32, #tpu.memory_space<vmem>>)
      tpu.yield
    }) : () -> ()
    %scan3A_139 = arith.constant 0 : i32
    %scan3A_140 = arith.constant 3072 : i32
    %scan3A_141 = arith.addi %scan3A_139, %scan3A_140 : i32
    %scan3A_142 = arith.constant 8 : i32
    scf.for %scan3A_209 = %scan3A_139 to %scan3A_141 step %scan3A_142  : i32 {
      %mul3A_210 = arith.constant 1 : i32
      %mul3A_211 = arith.muli %scan3A_209, %mul3A_210 : i32
      %add3A_212 = arith.constant 0 : i32
      %add3A_213 = arith.addi %add3A_212, %mul3A_211 : i32
      %mul3A_214 = arith.constant 16 : i32
      %mul3A_215 = arith.muli %add3A_213, %mul3A_214 : i32
      %get3A = arith.index_cast %mul3A_215 : i32 to index
      %get3A_216 = tpu.vector_load %arg5[%get3A] {strides = array<i32>} : memref<49152xf32, #tpu.memory_space<vmem>>, vector<16xf32>,
      %get3A_217 = vector.shape_cast %get3A_216 : vector<16xf32> to vector<16xf32>
      %get3A_218 = arith.index_cast %mul3A_215 : i32 to index
      %get3A_219 = tpu.vector_load %arg6[%get3A_218] {strides = array<i32>} : memref<49152xf32, #tpu.memory_space<vmem>>, vector<16xf32>,
      %get3A_220 = vector.shape_cast %get3A_219 : vector<16xf32> to vector<16xf32>
      %add3A_221 = arith.addf %get3A_217, %get3A_220 : vector<16xf32>
      %swap3A = arith.index_cast %mul3A_215 : i32 to index
      %swap3A_222 = tpu.vector_load %arg5[%swap3A] {strides = array<i32>} : memref<49152xf32, #tpu.memory_space<vmem>>, vector<16xf32>,
      %swap3A_223 = vector.shape_cast %swap3A_222 : vector<16xf32> to vector<16xf32>
      %swap3A_224 = vector.shape_cast %add3A_221 : vector<16xf32> to vector<16xf32>
      tpu.vector_store %arg5[%swap3A], %swap3A_224 {strides = array<i32>} : memref<49152xf32, #tpu.memory_space<vmem>>, vector<16xf32>,
      %scan3A_225 = arith.constant 1 : i32
      %scan3A_226 = arith.addi %scan3A_209, %scan3A_225 : i32
      %mul3A_227 = arith.constant 1 : i32
      %mul3A_228 = arith.muli %scan3A_226, %mul3A_227 : i32
      %add3A_229 = arith.constant 0 : i32
      %add3A_230 = arith.addi %add3A_229, %mul3A_228 : i32
      %mul3A_231 = arith.constant 16 : i32
      %mul3A_232 = arith.muli %add3A_230, %mul3A_231 : i32
      %get3A_233 = arith.index_cast %mul3A_232 : i32 to index
      %get3A_234 = tpu.vector_load %arg5[%get3A_233] {strides = array<i32>} : memref<49152xf32, #tpu.memory_space<vmem>>, vector<16xf32>,
      %get3A_235 = vector.shape_cast %get3A_234 : vector<16xf32> to vector<16xf32>
      %get3A_236 = arith.index_cast %mul3A_232 : i32 to index
      %get3A_237 = tpu.vector_load %arg6[%get3A_236] {strides = array<i32>} : memref<49152xf32, #tpu.memory_space<vmem>>, vector<16xf32>,
      %get3A_238 = vector.shape_cast %get3A_237 : vector<16xf32> to vector<16xf32>
      %add3A_239 = arith.addf %get3A_235, %get3A_238 : vector<16xf32>
      %swap3A_240 = arith.index_cast %mul3A_232 : i32 to index
      %swap3A_241 = tpu.vector_load %arg5[%swap3A_240] {strides = array<i32>} : memref<49152xf32, #tpu.memory_space<vmem>>, vector<16xf32>,
      %swap3A_242 = vector.shape_cast %swap3A_241 : vector<16xf32> to vector<16xf32>
      %swap3A_243 = vector.shape_cast %add3A_239 : vector<16xf32> to vector<16xf32>
      tpu.vector_store %arg5[%swap3A_240], %swap3A_243 {strides = array<i32>} : memref<49152xf32, #tpu.memory_space<vmem>>, vector<16xf32>,
      %scan3A_244 = arith.constant 2 : i32
      %scan3A_245 = arith.addi %scan3A_209, %scan3A_244 : i32
      %mul3A_246 = arith.constant 1 : i32
      %mul3A_247 = arith.muli %scan3A_245, %mul3A_246 : i32
      %add3A_248 = arith.constant 0 : i32
      %add3A_249 = arith.addi %add3A_248, %mul3A_247 : i32
      %mul3A_250 = arith.constant 16 : i32
      %mul3A_251 = arith.muli %add3A_249, %mul3A_250 : i32
      %get3A_252 = arith.index_cast %mul3A_251 : i32 to index
      %get3A_253 = tpu.vector_load %arg5[%get3A_252] {strides = array<i32>} : memref<49152xf32, #tpu.memory_space<vmem>>, vector<16xf32>,
      %get3A_254 = vector.shape_cast %get3A_253 : vector<16xf32> to vector<16xf32>
      %get3A_255 = arith.index_cast %mul3A_251 : i32 to index
      %get3A_256 = tpu.vector_load %arg6[%get3A_255] {strides = array<i32>} : memref<49152xf32, #tpu.memory_space<vmem>>, vector<16xf32>,
      %get3A_257 = vector.shape_cast %get3A_256 : vector<16xf32> to vector<16xf32>
      %add3A_258 = arith.addf %get3A_254, %get3A_257 : vector<16xf32>
      %swap3A_259 = arith.index_cast %mul3A_251 : i32 to index
      %swap3A_260 = tpu.vector_load %arg5[%swap3A_259] {strides = array<i32>} : memref<49152xf32, #tpu.memory_space<vmem>>, vector<16xf32>,
      %swap3A_261 = vector.shape_cast %swap3A_260 : vector<16xf32> to vector<16xf32>
      %swap3A_262 = vector.shape_cast %add3A_258 : vector<16xf32> to vector<16xf32>
      tpu.vector_store %arg5[%swap3A_259], %swap3A_262 {strides = array<i32>} : memref<49152xf32, #tpu.memory_space<vmem>>, vector<16xf32>,
      %scan3A_263 = arith.constant 3 : i32
      %scan3A_264 = arith.addi %scan3A_209, %scan3A_263 : i32
      %mul3A_265 = arith.constant 1 : i32
      %mul3A_266 = arith.muli %scan3A_264, %mul3A_265 : i32
      %add3A_267 = arith.constant 0 : i32
      %add3A_268 = arith.addi %add3A_267, %mul3A_266 : i32
      %mul3A_269 = arith.constant 16 : i32
      %mul3A_270 = arith.muli %add3A_268, %mul3A_269 : i32
      %get3A_271 = arith.index_cast %mul3A_270 : i32 to index
      %get3A_272 = tpu.vector_load %arg5[%get3A_271] {strides = array<i32>} : memref<49152xf32, #tpu.memory_space<vmem>>, vector<16xf32>,
      %get3A_273 = vector.shape_cast %get3A_272 : vector<16xf32> to vector<16xf32>
      %get3A_274 = arith.index_cast %mul3A_270 : i32 to index
      %get3A_275 = tpu.vector_load %arg6[%get3A_274] {strides = array<i32>} : memref<49152xf32, #tpu.memory_space<vmem>>, vector<16xf32>,
      %get3A_276 = vector.shape_cast %get3A_275 : vector<16xf32> to vector<16xf32>
      %add3A_277 = arith.addf %get3A_273, %get3A_276 : vector<16xf32>
      %swap3A_278 = arith.index_cast %mul3A_270 : i32 to index
      %swap3A_279 = tpu.vector_load %arg5[%swap3A_278] {strides = array<i32>} : memref<49152xf32, #tpu.memory_space<vmem>>, vector<16xf32>,
      %swap3A_280 = vector.shape_cast %swap3A_279 : vector<16xf32> to vector<16xf32>
      %swap3A_281 = vector.shape_cast %add3A_277 : vector<16xf32> to vector<16xf32>
      tpu.vector_store %arg5[%swap3A_278], %swap3A_281 {strides = array<i32>} : memref<49152xf32, #tpu.memory_space<vmem>>, vector<16xf32>,
      %scan3A_282 = arith.constant 4 : i32
      %scan3A_283 = arith.addi %scan3A_209, %scan3A_282 : i32
      %mul3A_284 = arith.constant 1 : i32
      %mul3A_285 = arith.muli %scan3A_283, %mul3A_284 : i32
      %add3A_286 = arith.constant 0 : i32
      %add3A_287 = arith.addi %add3A_286, %mul3A_285 : i32
      %mul3A_288 = arith.constant 16 : i32
      %mul3A_289 = arith.muli %add3A_287, %mul3A_288 : i32
      %get3A_290 = arith.index_cast %mul3A_289 : i32 to index
      %get3A_291 = tpu.vector_load %arg5[%get3A_290] {strides = array<i32>} : memref<49152xf32, #tpu.memory_space<vmem>>, vector<16xf32>,
      %get3A_292 = vector.shape_cast %get3A_291 : vector<16xf32> to vector<16xf32>
      %get3A_293 = arith.index_cast %mul3A_289 : i32 to index
      %get3A_294 = tpu.vector_load %arg6[%get3A_293] {strides = array<i32>} : memref<49152xf32, #tpu.memory_space<vmem>>, vector<16xf32>,
      %get3A_295 = vector.shape_cast %get3A_294 : vector<16xf32> to vector<16xf32>
      %add3A_296 = arith.addf %get3A_292, %get3A_295 : vector<16xf32>
      %swap3A_297 = arith.index_cast %mul3A_289 : i32 to index
      %swap3A_298 = tpu.vector_load %arg5[%swap3A_297] {strides = array<i32>} : memref<49152xf32, #tpu.memory_space<vmem>>, vector<16xf32>,
      %swap3A_299 = vector.shape_cast %swap3A_298 : vector<16xf32> to vector<16xf32>
      %swap3A_300 = vector.shape_cast %add3A_296 : vector<16xf32> to vector<16xf32>
      tpu.vector_store %arg5[%swap3A_297], %swap3A_300 {strides = array<i32>} : memref<49152xf32, #tpu.memory_space<vmem>>, vector<16xf32>,
      %scan3A_301 = arith.constant 5 : i32
      %scan3A_302 = arith.addi %scan3A_209, %scan3A_301 : i32
      %mul3A_303 = arith.constant 1 : i32
      %mul3A_304 = arith.muli %scan3A_302, %mul3A_303 : i32
      %add3A_305 = arith.constant 0 : i32
      %add3A_306 = arith.addi %add3A_305, %mul3A_304 : i32
      %mul3A_307 = arith.constant 16 : i32
      %mul3A_308 = arith.muli %add3A_306, %mul3A_307 : i32
      %get3A_309 = arith.index_cast %mul3A_308 : i32 to index
      %get3A_310 = tpu.vector_load %arg5[%get3A_309] {strides = array<i32>} : memref<49152xf32, #tpu.memory_space<vmem>>, vector<16xf32>,
      %get3A_311 = vector.shape_cast %get3A_310 : vector<16xf32> to vector<16xf32>
      %get3A_312 = arith.index_cast %mul3A_308 : i32 to index
      %get3A_313 = tpu.vector_load %arg6[%get3A_312] {strides = array<i32>} : memref<49152xf32, #tpu.memory_space<vmem>>, vector<16xf32>,
      %get3A_314 = vector.shape_cast %get3A_313 : vector<16xf32> to vector<16xf32>
      %add3A_315 = arith.addf %get3A_311, %get3A_314 : vector<16xf32>
      %swap3A_316 = arith.index_cast %mul3A_308 : i32 to index
      %swap3A_317 = tpu.vector_load %arg5[%swap3A_316] {strides = array<i32>} : memref<49152xf32, #tpu.memory_space<vmem>>, vector<16xf32>,
      %swap3A_318 = vector.shape_cast %swap3A_317 : vector<16xf32> to vector<16xf32>
      %swap3A_319 = vector.shape_cast %add3A_315 : vector<16xf32> to vector<16xf32>
      tpu.vector_store %arg5[%swap3A_316], %swap3A_319 {strides = array<i32>} : memref<49152xf32, #tpu.memory_space<vmem>>, vector<16xf32>,
      %scan3A_320 = arith.constant 6 : i32
      %scan3A_321 = arith.addi %scan3A_209, %scan3A_320 : i32
      %mul3A_322 = arith.constant 1 : i32
      %mul3A_323 = arith.muli %scan3A_321, %mul3A_322 : i32
      %add3A_324 = arith.constant 0 : i32
      %add3A_325 = arith.addi %add3A_324, %mul3A_323 : i32
      %mul3A_326 = arith.constant 16 : i32
      %mul3A_327 = arith.muli %add3A_325, %mul3A_326 : i32
      %get3A_328 = arith.index_cast %mul3A_327 : i32 to index
      %get3A_329 = tpu.vector_load %arg5[%get3A_328] {strides = array<i32>} : memref<49152xf32, #tpu.memory_space<vmem>>, vector<16xf32>,
      %get3A_330 = vector.shape_cast %get3A_329 : vector<16xf32> to vector<16xf32>
      %get3A_331 = arith.index_cast %mul3A_327 : i32 to index
      %get3A_332 = tpu.vector_load %arg6[%get3A_331] {strides = array<i32>} : memref<49152xf32, #tpu.memory_space<vmem>>, vector<16xf32>,
      %get3A_333 = vector.shape_cast %get3A_332 : vector<16xf32> to vector<16xf32>
      %add3A_334 = arith.addf %get3A_330, %get3A_333 : vector<16xf32>
      %swap3A_335 = arith.index_cast %mul3A_327 : i32 to index
      %swap3A_336 = tpu.vector_load %arg5[%swap3A_335] {strides = array<i32>} : memref<49152xf32, #tpu.memory_space<vmem>>, vector<16xf32>,
      %swap3A_337 = vector.shape_cast %swap3A_336 : vector<16xf32> to vector<16xf32>
      %swap3A_338 = vector.shape_cast %add3A_334 : vector<16xf32> to vector<16xf32>
      tpu.vector_store %arg5[%swap3A_335], %swap3A_338 {strides = array<i32>} : memref<49152xf32, #tpu.memory_space<vmem>>, vector<16xf32>,
      %scan3A_339 = arith.constant 7 : i32
      %scan3A_340 = arith.addi %scan3A_209, %scan3A_339 : i32
      %mul3A_341 = arith.constant 1 : i32
      %mul3A_342 = arith.muli %scan3A_340, %mul3A_341 : i32
      %add3A_343 = arith.constant 0 : i32
      %add3A_344 = arith.addi %add3A_343, %mul3A_342 : i32
      %mul3A_345 = arith.constant 16 : i32
      %mul3A_346 = arith.muli %add3A_344, %mul3A_345 : i32
      %get3A_347 = arith.index_cast %mul3A_346 : i32 to index
      %get3A_348 = tpu.vector_load %arg5[%get3A_347] {strides = array<i32>} : memref<49152xf32, #tpu.memory_space<vmem>>, vector<16xf32>,
      %get3A_349 = vector.shape_cast %get3A_348 : vector<16xf32> to vector<16xf32>
      %get3A_350 = arith.index_cast %mul3A_346 : i32 to index
      %get3A_351 = tpu.vector_load %arg6[%get3A_350] {strides = array<i32>} : memref<49152xf32, #tpu.memory_space<vmem>>, vector<16xf32>,
      %get3A_352 = vector.shape_cast %get3A_351 : vector<16xf32> to vector<16xf32>
      %add3A_353 = arith.addf %get3A_349, %get3A_352 : vector<16xf32>
      %swap3A_354 = arith.index_cast %mul3A_346 : i32 to index
      %swap3A_355 = tpu.vector_load %arg5[%swap3A_354] {strides = array<i32>} : memref<49152xf32, #tpu.memory_space<vmem>>, vector<16xf32>,
      %swap3A_356 = vector.shape_cast %swap3A_355 : vector<16xf32> to vector<16xf32>
      %swap3A_357 = vector.shape_cast %add3A_353 : vector<16xf32> to vector<16xf32>
      tpu.vector_store %arg5[%swap3A_354], %swap3A_357 {strides = array<i32>} : memref<49152xf32, #tpu.memory_space<vmem>>, vector<16xf32>,
    }
    %scan3A_143 = arith.constant 3072 : i32
    "tpu.region"() ({
      %run_scoped3A = tpu.sem_alloc : memref<!tpu.dma_semaphore, #tpu.memory_space<semaphore_mem>>
      %dma_start3A = tpu.memref_slice %arg4[%mul3A_134] : memref<25165824xf32, #tpu.memory_space<hbm>> -> memref<49152xf32, #tpu.memory_space<hbm>>
      %dma_start3A_209 = tpu.memref_slice %arg4[%mul3A_134] : memref<25165824xf32, #tpu.memory_space<hbm>> -> memref<49152xf32, #tpu.memory_space<hbm>>
      tpu.enqueue_dma source(%arg5 : memref<49152xf32, #tpu.memory_space<vmem>>) target(%dma_start3A_209 : memref<49152xf32, #tpu.memory_space<hbm>>) target_semaphore(%run_scoped3A : memref<!tpu.dma_semaphore, #tpu.memory_space<semaphore_mem>>)
      %dma_wait3A = tpu.memref_slice %arg4[%mul3A_134] : memref<25165824xf32, #tpu.memory_space<hbm>> -> memref<49152xf32, #tpu.memory_space<hbm>>
      %dma_wait3A_210 = tpu.memref_slice %arg4[%mul3A_134] : memref<25165824xf32, #tpu.memory_space<hbm>> -> memref<49152xf32, #tpu.memory_space<hbm>>
      tpu.wait_dma2 semaphore(%run_scoped3A : memref<!tpu.dma_semaphore, #tpu.memory_space<semaphore_mem>>) src(%arg5 : memref<49152xf32, #tpu.memory_space<vmem>>) dst(%dma_wait3A_210 : memref<49152xf32, #tpu.memory_space<hbm>>)
      tpu.yield
    }) : () -> ()
    %add3A_144 = arith.constant 704 : i32
    %add3A_145 = arith.addi %mul3A_2, %add3A_144 : i32
    %mul3A_146 = arith.constant 768 : i32
    %mul3A_147 = arith.muli %add3A_145, %mul3A_146 : i32
    %rem3A_148 = arith.constant 8192 : i32
    %rem3A_149 = arith.remsi %add3A_145, %rem3A_148 : i32
    %mul3A_150 = arith.constant 768 : i32
    %mul3A_151 = arith.muli %rem3A_149, %mul3A_150 : i32
    "tpu.region"() ({
      %run_scoped3A = tpu.sem_alloc : memref<!tpu.dma_semaphore, #tpu.memory_space<semaphore_mem>>
      %dma_start3A = tpu.memref_slice %arg2[%mul3A_147] : memref<25165824xf32, #tpu.memory_space<hbm>> -> memref<49152xf32, #tpu.memory_space<hbm>>
      %dma_start3A_209 = tpu.memref_slice %arg2[%mul3A_147] : memref<25165824xf32, #tpu.memory_space<hbm>> -> memref<49152xf32, #tpu.memory_space<hbm>>
      tpu.enqueue_dma source(%dma_start3A_209 : memref<49152xf32, #tpu.memory_space<hbm>>) target(%arg5 : memref<49152xf32, #tpu.memory_space<vmem>>) target_semaphore(%run_scoped3A : memref<!tpu.dma_semaphore, #tpu.memory_space<semaphore_mem>>)
      %dma_wait3A = tpu.memref_slice %arg2[%mul3A_147] : memref<25165824xf32, #tpu.memory_space<hbm>> -> memref<49152xf32, #tpu.memory_space<hbm>>
      %dma_wait3A_210 = tpu.memref_slice %arg2[%mul3A_147] : memref<25165824xf32, #tpu.memory_space<hbm>> -> memref<49152xf32, #tpu.memory_space<hbm>>
      tpu.wait_dma2 semaphore(%run_scoped3A : memref<!tpu.dma_semaphore, #tpu.memory_space<semaphore_mem>>) src(%dma_wait3A_210 : memref<49152xf32, #tpu.memory_space<hbm>>) dst(%arg5 : memref<49152xf32, #tpu.memory_space<vmem>>)
      tpu.yield
    }) : () -> ()
    "tpu.region"() ({
      %run_scoped3A = tpu.sem_alloc : memref<!tpu.dma_semaphore, #tpu.memory_space<semaphore_mem>>
      %dma_start3A = tpu.memref_slice %arg3[%mul3A_151] : memref<6291456xf32, #tpu.memory_space<hbm>> -> memref<49152xf32, #tpu.memory_space<hbm>>
      %dma_start3A_209 = tpu.memref_slice %arg3[%mul3A_151] : memref<6291456xf32, #tpu.memory_space<hbm>> -> memref<49152xf32, #tpu.memory_space<hbm>>
      tpu.enqueue_dma source(%dma_start3A_209 : memref<49152xf32, #tpu.memory_space<hbm>>) target(%arg6 : memref<49152xf32, #tpu.memory_space<vmem>>) target_semaphore(%run_scoped3A : memref<!tpu.dma_semaphore, #tpu.memory_space<semaphore_mem>>)
      %dma_wait3A = tpu.memref_slice %arg3[%mul3A_151] : memref<6291456xf32, #tpu.memory_space<hbm>> -> memref<49152xf32, #tpu.memory_space<hbm>>
      %dma_wait3A_210 = tpu.memref_slice %arg3[%mul3A_151] : memref<6291456xf32, #tpu.memory_space<hbm>> -> memref<49152xf32, #tpu.memory_space<hbm>>
      tpu.wait_dma2 semaphore(%run_scoped3A : memref<!tpu.dma_semaphore, #tpu.memory_space<semaphore_mem>>) src(%dma_wait3A_210 : memref<49152xf32, #tpu.memory_space<hbm>>) dst(%arg6 : memref<49152xf32, #tpu.memory_space<vmem>>)
      tpu.yield
    }) : () -> ()
    %scan3A_152 = arith.constant 0 : i32
    %scan3A_153 = arith.constant 3072 : i32
    %scan3A_154 = arith.addi %scan3A_152, %scan3A_153 : i32
    %scan3A_155 = arith.constant 8 : i32
    scf.for %scan3A_209 = %scan3A_152 to %scan3A_154 step %scan3A_155  : i32 {
      %mul3A_210 = arith.constant 1 : i32
      %mul3A_211 = arith.muli %scan3A_209, %mul3A_210 : i32
      %add3A_212 = arith.constant 0 : i32
      %add3A_213 = arith.addi %add3A_212, %mul3A_211 : i32
      %mul3A_214 = arith.constant 16 : i32
      %mul3A_215 = arith.muli %add3A_213, %mul3A_214 : i32
      %get3A = arith.index_cast %mul3A_215 : i32 to index
      %get3A_216 = tpu.vector_load %arg5[%get3A] {strides = array<i32>} : memref<49152xf32, #tpu.memory_space<vmem>>, vector<16xf32>,
      %get3A_217 = vector.shape_cast %get3A_216 : vector<16xf32> to vector<16xf32>
      %get3A_218 = arith.index_cast %mul3A_215 : i32 to index
      %get3A_219 = tpu.vector_load %arg6[%get3A_218] {strides = array<i32>} : memref<49152xf32, #tpu.memory_space<vmem>>, vector<16xf32>,
      %get3A_220 = vector.shape_cast %get3A_219 : vector<16xf32> to vector<16xf32>
      %add3A_221 = arith.addf %get3A_217, %get3A_220 : vector<16xf32>
      %swap3A = arith.index_cast %mul3A_215 : i32 to index
      %swap3A_222 = tpu.vector_load %arg5[%swap3A] {strides = array<i32>} : memref<49152xf32, #tpu.memory_space<vmem>>, vector<16xf32>,
      %swap3A_223 = vector.shape_cast %swap3A_222 : vector<16xf32> to vector<16xf32>
      %swap3A_224 = vector.shape_cast %add3A_221 : vector<16xf32> to vector<16xf32>
      tpu.vector_store %arg5[%swap3A], %swap3A_224 {strides = array<i32>} : memref<49152xf32, #tpu.memory_space<vmem>>, vector<16xf32>,
      %scan3A_225 = arith.constant 1 : i32
      %scan3A_226 = arith.addi %scan3A_209, %scan3A_225 : i32
      %mul3A_227 = arith.constant 1 : i32
      %mul3A_228 = arith.muli %scan3A_226, %mul3A_227 : i32
      %add3A_229 = arith.constant 0 : i32
      %add3A_230 = arith.addi %add3A_229, %mul3A_228 : i32
      %mul3A_231 = arith.constant 16 : i32
      %mul3A_232 = arith.muli %add3A_230, %mul3A_231 : i32
      %get3A_233 = arith.index_cast %mul3A_232 : i32 to index
      %get3A_234 = tpu.vector_load %arg5[%get3A_233] {strides = array<i32>} : memref<49152xf32, #tpu.memory_space<vmem>>, vector<16xf32>,
      %get3A_235 = vector.shape_cast %get3A_234 : vector<16xf32> to vector<16xf32>
      %get3A_236 = arith.index_cast %mul3A_232 : i32 to index
      %get3A_237 = tpu.vector_load %arg6[%get3A_236] {strides = array<i32>} : memref<49152xf32, #tpu.memory_space<vmem>>, vector<16xf32>,
      %get3A_238 = vector.shape_cast %get3A_237 : vector<16xf32> to vector<16xf32>
      %add3A_239 = arith.addf %get3A_235, %get3A_238 : vector<16xf32>
      %swap3A_240 = arith.index_cast %mul3A_232 : i32 to index
      %swap3A_241 = tpu.vector_load %arg5[%swap3A_240] {strides = array<i32>} : memref<49152xf32, #tpu.memory_space<vmem>>, vector<16xf32>,
      %swap3A_242 = vector.shape_cast %swap3A_241 : vector<16xf32> to vector<16xf32>
      %swap3A_243 = vector.shape_cast %add3A_239 : vector<16xf32> to vector<16xf32>
      tpu.vector_store %arg5[%swap3A_240], %swap3A_243 {strides = array<i32>} : memref<49152xf32, #tpu.memory_space<vmem>>, vector<16xf32>,
      %scan3A_244 = arith.constant 2 : i32
      %scan3A_245 = arith.addi %scan3A_209, %scan3A_244 : i32
      %mul3A_246 = arith.constant 1 : i32
      %mul3A_247 = arith.muli %scan3A_245, %mul3A_246 : i32
      %add3A_248 = arith.constant 0 : i32
      %add3A_249 = arith.addi %add3A_248, %mul3A_247 : i32
      %mul3A_250 = arith.constant 16 : i32
      %mul3A_251 = arith.muli %add3A_249, %mul3A_250 : i32
      %get3A_252 = arith.index_cast %mul3A_251 : i32 to index
      %get3A_253 = tpu.vector_load %arg5[%get3A_252] {strides = array<i32>} : memref<49152xf32, #tpu.memory_space<vmem>>, vector<16xf32>,
      %get3A_254 = vector.shape_cast %get3A_253 : vector<16xf32> to vector<16xf32>
      %get3A_255 = arith.index_cast %mul3A_251 : i32 to index
      %get3A_256 = tpu.vector_load %arg6[%get3A_255] {strides = array<i32>} : memref<49152xf32, #tpu.memory_space<vmem>>, vector<16xf32>,
      %get3A_257 = vector.shape_cast %get3A_256 : vector<16xf32> to vector<16xf32>
      %add3A_258 = arith.addf %get3A_254, %get3A_257 : vector<16xf32>
      %swap3A_259 = arith.index_cast %mul3A_251 : i32 to index
      %swap3A_260 = tpu.vector_load %arg5[%swap3A_259] {strides = array<i32>} : memref<49152xf32, #tpu.memory_space<vmem>>, vector<16xf32>,
      %swap3A_261 = vector.shape_cast %swap3A_260 : vector<16xf32> to vector<16xf32>
      %swap3A_262 = vector.shape_cast %add3A_258 : vector<16xf32> to vector<16xf32>
      tpu.vector_store %arg5[%swap3A_259], %swap3A_262 {strides = array<i32>} : memref<49152xf32, #tpu.memory_space<vmem>>, vector<16xf32>,
      %scan3A_263 = arith.constant 3 : i32
      %scan3A_264 = arith.addi %scan3A_209, %scan3A_263 : i32
      %mul3A_265 = arith.constant 1 : i32
      %mul3A_266 = arith.muli %scan3A_264, %mul3A_265 : i32
      %add3A_267 = arith.constant 0 : i32
      %add3A_268 = arith.addi %add3A_267, %mul3A_266 : i32
      %mul3A_269 = arith.constant 16 : i32
      %mul3A_270 = arith.muli %add3A_268, %mul3A_269 : i32
      %get3A_271 = arith.index_cast %mul3A_270 : i32 to index
      %get3A_272 = tpu.vector_load %arg5[%get3A_271] {strides = array<i32>} : memref<49152xf32, #tpu.memory_space<vmem>>, vector<16xf32>,
      %get3A_273 = vector.shape_cast %get3A_272 : vector<16xf32> to vector<16xf32>
      %get3A_274 = arith.index_cast %mul3A_270 : i32 to index
      %get3A_275 = tpu.vector_load %arg6[%get3A_274] {strides = array<i32>} : memref<49152xf32, #tpu.memory_space<vmem>>, vector<16xf32>,
      %get3A_276 = vector.shape_cast %get3A_275 : vector<16xf32> to vector<16xf32>
      %add3A_277 = arith.addf %get3A_273, %get3A_276 : vector<16xf32>
      %swap3A_278 = arith.index_cast %mul3A_270 : i32 to index
      %swap3A_279 = tpu.vector_load %arg5[%swap3A_278] {strides = array<i32>} : memref<49152xf32, #tpu.memory_space<vmem>>, vector<16xf32>,
      %swap3A_280 = vector.shape_cast %swap3A_279 : vector<16xf32> to vector<16xf32>
      %swap3A_281 = vector.shape_cast %add3A_277 : vector<16xf32> to vector<16xf32>
      tpu.vector_store %arg5[%swap3A_278], %swap3A_281 {strides = array<i32>} : memref<49152xf32, #tpu.memory_space<vmem>>, vector<16xf32>,
      %scan3A_282 = arith.constant 4 : i32
      %scan3A_283 = arith.addi %scan3A_209, %scan3A_282 : i32
      %mul3A_284 = arith.constant 1 : i32
      %mul3A_285 = arith.muli %scan3A_283, %mul3A_284 : i32
      %add3A_286 = arith.constant 0 : i32
      %add3A_287 = arith.addi %add3A_286, %mul3A_285 : i32
      %mul3A_288 = arith.constant 16 : i32
      %mul3A_289 = arith.muli %add3A_287, %mul3A_288 : i32
      %get3A_290 = arith.index_cast %mul3A_289 : i32 to index
      %get3A_291 = tpu.vector_load %arg5[%get3A_290] {strides = array<i32>} : memref<49152xf32, #tpu.memory_space<vmem>>, vector<16xf32>,
      %get3A_292 = vector.shape_cast %get3A_291 : vector<16xf32> to vector<16xf32>
      %get3A_293 = arith.index_cast %mul3A_289 : i32 to index
      %get3A_294 = tpu.vector_load %arg6[%get3A_293] {strides = array<i32>} : memref<49152xf32, #tpu.memory_space<vmem>>, vector<16xf32>,
      %get3A_295 = vector.shape_cast %get3A_294 : vector<16xf32> to vector<16xf32>
      %add3A_296 = arith.addf %get3A_292, %get3A_295 : vector<16xf32>
      %swap3A_297 = arith.index_cast %mul3A_289 : i32 to index
      %swap3A_298 = tpu.vector_load %arg5[%swap3A_297] {strides = array<i32>} : memref<49152xf32, #tpu.memory_space<vmem>>, vector<16xf32>,
      %swap3A_299 = vector.shape_cast %swap3A_298 : vector<16xf32> to vector<16xf32>
      %swap3A_300 = vector.shape_cast %add3A_296 : vector<16xf32> to vector<16xf32>
      tpu.vector_store %arg5[%swap3A_297], %swap3A_300 {strides = array<i32>} : memref<49152xf32, #tpu.memory_space<vmem>>, vector<16xf32>,
      %scan3A_301 = arith.constant 5 : i32
      %scan3A_302 = arith.addi %scan3A_209, %scan3A_301 : i32
      %mul3A_303 = arith.constant 1 : i32
      %mul3A_304 = arith.muli %scan3A_302, %mul3A_303 : i32
      %add3A_305 = arith.constant 0 : i32
      %add3A_306 = arith.addi %add3A_305, %mul3A_304 : i32
      %mul3A_307 = arith.constant 16 : i32
      %mul3A_308 = arith.muli %add3A_306, %mul3A_307 : i32
      %get3A_309 = arith.index_cast %mul3A_308 : i32 to index
      %get3A_310 = tpu.vector_load %arg5[%get3A_309] {strides = array<i32>} : memref<49152xf32, #tpu.memory_space<vmem>>, vector<16xf32>,
      %get3A_311 = vector.shape_cast %get3A_310 : vector<16xf32> to vector<16xf32>
      %get3A_312 = arith.index_cast %mul3A_308 : i32 to index
      %get3A_313 = tpu.vector_load %arg6[%get3A_312] {strides = array<i32>} : memref<49152xf32, #tpu.memory_space<vmem>>, vector<16xf32>,
      %get3A_314 = vector.shape_cast %get3A_313 : vector<16xf32> to vector<16xf32>
      %add3A_315 = arith.addf %get3A_311, %get3A_314 : vector<16xf32>
      %swap3A_316 = arith.index_cast %mul3A_308 : i32 to index
      %swap3A_317 = tpu.vector_load %arg5[%swap3A_316] {strides = array<i32>} : memref<49152xf32, #tpu.memory_space<vmem>>, vector<16xf32>,
      %swap3A_318 = vector.shape_cast %swap3A_317 : vector<16xf32> to vector<16xf32>
      %swap3A_319 = vector.shape_cast %add3A_315 : vector<16xf32> to vector<16xf32>
      tpu.vector_store %arg5[%swap3A_316], %swap3A_319 {strides = array<i32>} : memref<49152xf32, #tpu.memory_space<vmem>>, vector<16xf32>,
      %scan3A_320 = arith.constant 6 : i32
      %scan3A_321 = arith.addi %scan3A_209, %scan3A_320 : i32
      %mul3A_322 = arith.constant 1 : i32
      %mul3A_323 = arith.muli %scan3A_321, %mul3A_322 : i32
      %add3A_324 = arith.constant 0 : i32
      %add3A_325 = arith.addi %add3A_324, %mul3A_323 : i32
      %mul3A_326 = arith.constant 16 : i32
      %mul3A_327 = arith.muli %add3A_325, %mul3A_326 : i32
      %get3A_328 = arith.index_cast %mul3A_327 : i32 to index
      %get3A_329 = tpu.vector_load %arg5[%get3A_328] {strides = array<i32>} : memref<49152xf32, #tpu.memory_space<vmem>>, vector<16xf32>,
      %get3A_330 = vector.shape_cast %get3A_329 : vector<16xf32> to vector<16xf32>
      %get3A_331 = arith.index_cast %mul3A_327 : i32 to index
      %get3A_332 = tpu.vector_load %arg6[%get3A_331] {strides = array<i32>} : memref<49152xf32, #tpu.memory_space<vmem>>, vector<16xf32>,
      %get3A_333 = vector.shape_cast %get3A_332 : vector<16xf32> to vector<16xf32>
      %add3A_334 = arith.addf %get3A_330, %get3A_333 : vector<16xf32>
      %swap3A_335 = arith.index_cast %mul3A_327 : i32 to index
      %swap3A_336 = tpu.vector_load %arg5[%swap3A_335] {strides = array<i32>} : memref<49152xf32, #tpu.memory_space<vmem>>, vector<16xf32>,
      %swap3A_337 = vector.shape_cast %swap3A_336 : vector<16xf32> to vector<16xf32>
      %swap3A_338 = vector.shape_cast %add3A_334 : vector<16xf32> to vector<16xf32>
      tpu.vector_store %arg5[%swap3A_335], %swap3A_338 {strides = array<i32>} : memref<49152xf32, #tpu.memory_space<vmem>>, vector<16xf32>,
      %scan3A_339 = arith.constant 7 : i32
      %scan3A_340 = arith.addi %scan3A_209, %scan3A_339 : i32
      %mul3A_341 = arith.constant 1 : i32
      %mul3A_342 = arith.muli %scan3A_340, %mul3A_341 : i32
      %add3A_343 = arith.constant 0 : i32
      %add3A_344 = arith.addi %add3A_343, %mul3A_342 : i32
      %mul3A_345 = arith.constant 16 : i32
      %mul3A_346 = arith.muli %add3A_344, %mul3A_345 : i32
      %get3A_347 = arith.index_cast %mul3A_346 : i32 to index
      %get3A_348 = tpu.vector_load %arg5[%get3A_347] {strides = array<i32>} : memref<49152xf32, #tpu.memory_space<vmem>>, vector<16xf32>,
      %get3A_349 = vector.shape_cast %get3A_348 : vector<16xf32> to vector<16xf32>
      %get3A_350 = arith.index_cast %mul3A_346 : i32 to index
      %get3A_351 = tpu.vector_load %arg6[%get3A_350] {strides = array<i32>} : memref<49152xf32, #tpu.memory_space<vmem>>, vector<16xf32>,
      %get3A_352 = vector.shape_cast %get3A_351 : vector<16xf32> to vector<16xf32>
      %add3A_353 = arith.addf %get3A_349, %get3A_352 : vector<16xf32>
      %swap3A_354 = arith.index_cast %mul3A_346 : i32 to index
      %swap3A_355 = tpu.vector_load %arg5[%swap3A_354] {strides = array<i32>} : memref<49152xf32, #tpu.memory_space<vmem>>, vector<16xf32>,
      %swap3A_356 = vector.shape_cast %swap3A_355 : vector<16xf32> to vector<16xf32>
      %swap3A_357 = vector.shape_cast %add3A_353 : vector<16xf32> to vector<16xf32>
      tpu.vector_store %arg5[%swap3A_354], %swap3A_357 {strides = array<i32>} : memref<49152xf32, #tpu.memory_space<vmem>>, vector<16xf32>,
    }
    %scan3A_156 = arith.constant 3072 : i32
    "tpu.region"() ({
      %run_scoped3A = tpu.sem_alloc : memref<!tpu.dma_semaphore, #tpu.memory_space<semaphore_mem>>
      %dma_start3A = tpu.memref_slice %arg4[%mul3A_147] : memref<25165824xf32, #tpu.memory_space<hbm>> -> memref<49152xf32, #tpu.memory_space<hbm>>
      %dma_start3A_209 = tpu.memref_slice %arg4[%mul3A_147] : memref<25165824xf32, #tpu.memory_space<hbm>> -> memref<49152xf32, #tpu.memory_space<hbm>>
      tpu.enqueue_dma source(%arg5 : memref<49152xf32, #tpu.memory_space<vmem>>) target(%dma_start3A_209 : memref<49152xf32, #tpu.memory_space<hbm>>) target_semaphore(%run_scoped3A : memref<!tpu.dma_semaphore, #tpu.memory_space<semaphore_mem>>)
      %dma_wait3A = tpu.memref_slice %arg4[%mul3A_147] : memref<25165824xf32, #tpu.memory_space<hbm>> -> memref<49152xf32, #tpu.memory_space<hbm>>
      %dma_wait3A_210 = tpu.memref_slice %arg4[%mul3A_147] : memref<25165824xf32, #tpu.memory_space<hbm>> -> memref<49152xf32, #tpu.memory_space<hbm>>
      tpu.wait_dma2 semaphore(%run_scoped3A : memref<!tpu.dma_semaphore, #tpu.memory_space<semaphore_mem>>) src(%arg5 : memref<49152xf32, #tpu.memory_space<vmem>>) dst(%dma_wait3A_210 : memref<49152xf32, #tpu.memory_space<hbm>>)
      tpu.yield
    }) : () -> ()
    %add3A_157 = arith.constant 768 : i32
    %add3A_158 = arith.addi %mul3A_2, %add3A_157 : i32
    %mul3A_159 = arith.constant 768 : i32
    %mul3A_160 = arith.muli %add3A_158, %mul3A_159 : i32
    %rem3A_161 = arith.constant 8192 : i32
    %rem3A_162 = arith.remsi %add3A_158, %rem3A_161 : i32
    %mul3A_163 = arith.constant 768 : i32
    %mul3A_164 = arith.muli %rem3A_162, %mul3A_163 : i32
    "tpu.region"() ({
      %run_scoped3A = tpu.sem_alloc : memref<!tpu.dma_semaphore, #tpu.memory_space<semaphore_mem>>
      %dma_start3A = tpu.memref_slice %arg2[%mul3A_160] : memref<25165824xf32, #tpu.memory_space<hbm>> -> memref<49152xf32, #tpu.memory_space<hbm>>
      %dma_start3A_209 = tpu.memref_slice %arg2[%mul3A_160] : memref<25165824xf32, #tpu.memory_space<hbm>> -> memref<49152xf32, #tpu.memory_space<hbm>>
      tpu.enqueue_dma source(%dma_start3A_209 : memref<49152xf32, #tpu.memory_space<hbm>>) target(%arg5 : memref<49152xf32, #tpu.memory_space<vmem>>) target_semaphore(%run_scoped3A : memref<!tpu.dma_semaphore, #tpu.memory_space<semaphore_mem>>)
      %dma_wait3A = tpu.memref_slice %arg2[%mul3A_160] : memref<25165824xf32, #tpu.memory_space<hbm>> -> memref<49152xf32, #tpu.memory_space<hbm>>
      %dma_wait3A_210 = tpu.memref_slice %arg2[%mul3A_160] : memref<25165824xf32, #tpu.memory_space<hbm>> -> memref<49152xf32, #tpu.memory_space<hbm>>
      tpu.wait_dma2 semaphore(%run_scoped3A : memref<!tpu.dma_semaphore, #tpu.memory_space<semaphore_mem>>) src(%dma_wait3A_210 : memref<49152xf32, #tpu.memory_space<hbm>>) dst(%arg5 : memref<49152xf32, #tpu.memory_space<vmem>>)
      tpu.yield
    }) : () -> ()
    "tpu.region"() ({
      %run_scoped3A = tpu.sem_alloc : memref<!tpu.dma_semaphore, #tpu.memory_space<semaphore_mem>>
      %dma_start3A = tpu.memref_slice %arg3[%mul3A_164] : memref<6291456xf32, #tpu.memory_space<hbm>> -> memref<49152xf32, #tpu.memory_space<hbm>>
      %dma_start3A_209 = tpu.memref_slice %arg3[%mul3A_164] : memref<6291456xf32, #tpu.memory_space<hbm>> -> memref<49152xf32, #tpu.memory_space<hbm>>
      tpu.enqueue_dma source(%dma_start3A_209 : memref<49152xf32, #tpu.memory_space<hbm>>) target(%arg6 : memref<49152xf32, #tpu.memory_space<vmem>>) target_semaphore(%run_scoped3A : memref<!tpu.dma_semaphore, #tpu.memory_space<semaphore_mem>>)
      %dma_wait3A = tpu.memref_slice %arg3[%mul3A_164] : memref<6291456xf32, #tpu.memory_space<hbm>> -> memref<49152xf32, #tpu.memory_space<hbm>>
      %dma_wait3A_210 = tpu.memref_slice %arg3[%mul3A_164] : memref<6291456xf32, #tpu.memory_space<hbm>> -> memref<49152xf32, #tpu.memory_space<hbm>>
      tpu.wait_dma2 semaphore(%run_scoped3A : memref<!tpu.dma_semaphore, #tpu.memory_space<semaphore_mem>>) src(%dma_wait3A_210 : memref<49152xf32, #tpu.memory_space<hbm>>) dst(%arg6 : memref<49152xf32, #tpu.memory_space<vmem>>)
      tpu.yield
    }) : () -> ()
    %scan3A_165 = arith.constant 0 : i32
    %scan3A_166 = arith.constant 3072 : i32
    %scan3A_167 = arith.addi %scan3A_165, %scan3A_166 : i32
    %scan3A_168 = arith.constant 8 : i32
    scf.for %scan3A_209 = %scan3A_165 to %scan3A_167 step %scan3A_168  : i32 {
      %mul3A_210 = arith.constant 1 : i32
      %mul3A_211 = arith.muli %scan3A_209, %mul3A_210 : i32
      %add3A_212 = arith.constant 0 : i32
      %add3A_213 = arith.addi %add3A_212, %mul3A_211 : i32
      %mul3A_214 = arith.constant 16 : i32
      %mul3A_215 = arith.muli %add3A_213, %mul3A_214 : i32
      %get3A = arith.index_cast %mul3A_215 : i32 to index
      %get3A_216 = tpu.vector_load %arg5[%get3A] {strides = array<i32>} : memref<49152xf32, #tpu.memory_space<vmem>>, vector<16xf32>,
      %get3A_217 = vector.shape_cast %get3A_216 : vector<16xf32> to vector<16xf32>
      %get3A_218 = arith.index_cast %mul3A_215 : i32 to index
      %get3A_219 = tpu.vector_load %arg6[%get3A_218] {strides = array<i32>} : memref<49152xf32, #tpu.memory_space<vmem>>, vector<16xf32>,
      %get3A_220 = vector.shape_cast %get3A_219 : vector<16xf32> to vector<16xf32>
      %add3A_221 = arith.addf %get3A_217, %get3A_220 : vector<16xf32>
      %swap3A = arith.index_cast %mul3A_215 : i32 to index
      %swap3A_222 = tpu.vector_load %arg5[%swap3A] {strides = array<i32>} : memref<49152xf32, #tpu.memory_space<vmem>>, vector<16xf32>,
      %swap3A_223 = vector.shape_cast %swap3A_222 : vector<16xf32> to vector<16xf32>
      %swap3A_224 = vector.shape_cast %add3A_221 : vector<16xf32> to vector<16xf32>
      tpu.vector_store %arg5[%swap3A], %swap3A_224 {strides = array<i32>} : memref<49152xf32, #tpu.memory_space<vmem>>, vector<16xf32>,
      %scan3A_225 = arith.constant 1 : i32
      %scan3A_226 = arith.addi %scan3A_209, %scan3A_225 : i32
      %mul3A_227 = arith.constant 1 : i32
      %mul3A_228 = arith.muli %scan3A_226, %mul3A_227 : i32
      %add3A_229 = arith.constant 0 : i32
      %add3A_230 = arith.addi %add3A_229, %mul3A_228 : i32
      %mul3A_231 = arith.constant 16 : i32
      %mul3A_232 = arith.muli %add3A_230, %mul3A_231 : i32
      %get3A_233 = arith.index_cast %mul3A_232 : i32 to index
      %get3A_234 = tpu.vector_load %arg5[%get3A_233] {strides = array<i32>} : memref<49152xf32, #tpu.memory_space<vmem>>, vector<16xf32>,
      %get3A_235 = vector.shape_cast %get3A_234 : vector<16xf32> to vector<16xf32>
      %get3A_236 = arith.index_cast %mul3A_232 : i32 to index
      %get3A_237 = tpu.vector_load %arg6[%get3A_236] {strides = array<i32>} : memref<49152xf32, #tpu.memory_space<vmem>>, vector<16xf32>,
      %get3A_238 = vector.shape_cast %get3A_237 : vector<16xf32> to vector<16xf32>
      %add3A_239 = arith.addf %get3A_235, %get3A_238 : vector<16xf32>
      %swap3A_240 = arith.index_cast %mul3A_232 : i32 to index
      %swap3A_241 = tpu.vector_load %arg5[%swap3A_240] {strides = array<i32>} : memref<49152xf32, #tpu.memory_space<vmem>>, vector<16xf32>,
      %swap3A_242 = vector.shape_cast %swap3A_241 : vector<16xf32> to vector<16xf32>
      %swap3A_243 = vector.shape_cast %add3A_239 : vector<16xf32> to vector<16xf32>
      tpu.vector_store %arg5[%swap3A_240], %swap3A_243 {strides = array<i32>} : memref<49152xf32, #tpu.memory_space<vmem>>, vector<16xf32>,
      %scan3A_244 = arith.constant 2 : i32
      %scan3A_245 = arith.addi %scan3A_209, %scan3A_244 : i32
      %mul3A_246 = arith.constant 1 : i32
      %mul3A_247 = arith.muli %scan3A_245, %mul3A_246 : i32
      %add3A_248 = arith.constant 0 : i32
      %add3A_249 = arith.addi %add3A_248, %mul3A_247 : i32
      %mul3A_250 = arith.constant 16 : i32
      %mul3A_251 = arith.muli %add3A_249, %mul3A_250 : i32
      %get3A_252 = arith.index_cast %mul3A_251 : i32 to index
      %get3A_253 = tpu.vector_load %arg5[%get3A_252] {strides = array<i32>} : memref<49152xf32, #tpu.memory_space<vmem>>, vector<16xf32>,
      %get3A_254 = vector.shape_cast %get3A_253 : vector<16xf32> to vector<16xf32>
      %get3A_255 = arith.index_cast %mul3A_251 : i32 to index
      %get3A_256 = tpu.vector_load %arg6[%get3A_255] {strides = array<i32>} : memref<49152xf32, #tpu.memory_space<vmem>>, vector<16xf32>,
      %get3A_257 = vector.shape_cast %get3A_256 : vector<16xf32> to vector<16xf32>
      %add3A_258 = arith.addf %get3A_254, %get3A_257 : vector<16xf32>
      %swap3A_259 = arith.index_cast %mul3A_251 : i32 to index
      %swap3A_260 = tpu.vector_load %arg5[%swap3A_259] {strides = array<i32>} : memref<49152xf32, #tpu.memory_space<vmem>>, vector<16xf32>,
      %swap3A_261 = vector.shape_cast %swap3A_260 : vector<16xf32> to vector<16xf32>
      %swap3A_262 = vector.shape_cast %add3A_258 : vector<16xf32> to vector<16xf32>
      tpu.vector_store %arg5[%swap3A_259], %swap3A_262 {strides = array<i32>} : memref<49152xf32, #tpu.memory_space<vmem>>, vector<16xf32>,
      %scan3A_263 = arith.constant 3 : i32
      %scan3A_264 = arith.addi %scan3A_209, %scan3A_263 : i32
      %mul3A_265 = arith.constant 1 : i32
      %mul3A_266 = arith.muli %scan3A_264, %mul3A_265 : i32
      %add3A_267 = arith.constant 0 : i32
      %add3A_268 = arith.addi %add3A_267, %mul3A_266 : i32
      %mul3A_269 = arith.constant 16 : i32
      %mul3A_270 = arith.muli %add3A_268, %mul3A_269 : i32
      %get3A_271 = arith.index_cast %mul3A_270 : i32 to index
      %get3A_272 = tpu.vector_load %arg5[%get3A_271] {strides = array<i32>} : memref<49152xf32, #tpu.memory_space<vmem>>, vector<16xf32>,
      %get3A_273 = vector.shape_cast %get3A_272 : vector<16xf32> to vector<16xf32>
      %get3A_274 = arith.index_cast %mul3A_270 : i32 to index
      %get3A_275 = tpu.vector_load %arg6[%get3A_274] {strides = array<i32>} : memref<49152xf32, #tpu.memory_space<vmem>>, vector<16xf32>,
      %get3A_276 = vector.shape_cast %get3A_275 : vector<16xf32> to vector<16xf32>
      %add3A_277 = arith.addf %get3A_273, %get3A_276 : vector<16xf32>
      %swap3A_278 = arith.index_cast %mul3A_270 : i32 to index
      %swap3A_279 = tpu.vector_load %arg5[%swap3A_278] {strides = array<i32>} : memref<49152xf32, #tpu.memory_space<vmem>>, vector<16xf32>,
      %swap3A_280 = vector.shape_cast %swap3A_279 : vector<16xf32> to vector<16xf32>
      %swap3A_281 = vector.shape_cast %add3A_277 : vector<16xf32> to vector<16xf32>
      tpu.vector_store %arg5[%swap3A_278], %swap3A_281 {strides = array<i32>} : memref<49152xf32, #tpu.memory_space<vmem>>, vector<16xf32>,
      %scan3A_282 = arith.constant 4 : i32
      %scan3A_283 = arith.addi %scan3A_209, %scan3A_282 : i32
      %mul3A_284 = arith.constant 1 : i32
      %mul3A_285 = arith.muli %scan3A_283, %mul3A_284 : i32
      %add3A_286 = arith.constant 0 : i32
      %add3A_287 = arith.addi %add3A_286, %mul3A_285 : i32
      %mul3A_288 = arith.constant 16 : i32
      %mul3A_289 = arith.muli %add3A_287, %mul3A_288 : i32
      %get3A_290 = arith.index_cast %mul3A_289 : i32 to index
      %get3A_291 = tpu.vector_load %arg5[%get3A_290] {strides = array<i32>} : memref<49152xf32, #tpu.memory_space<vmem>>, vector<16xf32>,
      %get3A_292 = vector.shape_cast %get3A_291 : vector<16xf32> to vector<16xf32>
      %get3A_293 = arith.index_cast %mul3A_289 : i32 to index
      %get3A_294 = tpu.vector_load %arg6[%get3A_293] {strides = array<i32>} : memref<49152xf32, #tpu.memory_space<vmem>>, vector<16xf32>,
      %get3A_295 = vector.shape_cast %get3A_294 : vector<16xf32> to vector<16xf32>
      %add3A_296 = arith.addf %get3A_292, %get3A_295 : vector<16xf32>
      %swap3A_297 = arith.index_cast %mul3A_289 : i32 to index
      %swap3A_298 = tpu.vector_load %arg5[%swap3A_297] {strides = array<i32>} : memref<49152xf32, #tpu.memory_space<vmem>>, vector<16xf32>,
      %swap3A_299 = vector.shape_cast %swap3A_298 : vector<16xf32> to vector<16xf32>
      %swap3A_300 = vector.shape_cast %add3A_296 : vector<16xf32> to vector<16xf32>
      tpu.vector_store %arg5[%swap3A_297], %swap3A_300 {strides = array<i32>} : memref<49152xf32, #tpu.memory_space<vmem>>, vector<16xf32>,
      %scan3A_301 = arith.constant 5 : i32
      %scan3A_302 = arith.addi %scan3A_209, %scan3A_301 : i32
      %mul3A_303 = arith.constant 1 : i32
      %mul3A_304 = arith.muli %scan3A_302, %mul3A_303 : i32
      %add3A_305 = arith.constant 0 : i32
      %add3A_306 = arith.addi %add3A_305, %mul3A_304 : i32
      %mul3A_307 = arith.constant 16 : i32
      %mul3A_308 = arith.muli %add3A_306, %mul3A_307 : i32
      %get3A_309 = arith.index_cast %mul3A_308 : i32 to index
      %get3A_310 = tpu.vector_load %arg5[%get3A_309] {strides = array<i32>} : memref<49152xf32, #tpu.memory_space<vmem>>, vector<16xf32>,
      %get3A_311 = vector.shape_cast %get3A_310 : vector<16xf32> to vector<16xf32>
      %get3A_312 = arith.index_cast %mul3A_308 : i32 to index
      %get3A_313 = tpu.vector_load %arg6[%get3A_312] {strides = array<i32>} : memref<49152xf32, #tpu.memory_space<vmem>>, vector<16xf32>,
      %get3A_314 = vector.shape_cast %get3A_313 : vector<16xf32> to vector<16xf32>
      %add3A_315 = arith.addf %get3A_311, %get3A_314 : vector<16xf32>
      %swap3A_316 = arith.index_cast %mul3A_308 : i32 to index
      %swap3A_317 = tpu.vector_load %arg5[%swap3A_316] {strides = array<i32>} : memref<49152xf32, #tpu.memory_space<vmem>>, vector<16xf32>,
      %swap3A_318 = vector.shape_cast %swap3A_317 : vector<16xf32> to vector<16xf32>
      %swap3A_319 = vector.shape_cast %add3A_315 : vector<16xf32> to vector<16xf32>
      tpu.vector_store %arg5[%swap3A_316], %swap3A_319 {strides = array<i32>} : memref<49152xf32, #tpu.memory_space<vmem>>, vector<16xf32>,
      %scan3A_320 = arith.constant 6 : i32
      %scan3A_321 = arith.addi %scan3A_209, %scan3A_320 : i32
      %mul3A_322 = arith.constant 1 : i32
      %mul3A_323 = arith.muli %scan3A_321, %mul3A_322 : i32
      %add3A_324 = arith.constant 0 : i32
      %add3A_325 = arith.addi %add3A_324, %mul3A_323 : i32
      %mul3A_326 = arith.constant 16 : i32
      %mul3A_327 = arith.muli %add3A_325, %mul3A_326 : i32
      %get3A_328 = arith.index_cast %mul3A_327 : i32 to index
      %get3A_329 = tpu.vector_load %arg5[%get3A_328] {strides = array<i32>} : memref<49152xf32, #tpu.memory_space<vmem>>, vector<16xf32>,
      %get3A_330 = vector.shape_cast %get3A_329 : vector<16xf32> to vector<16xf32>
      %get3A_331 = arith.index_cast %mul3A_327 : i32 to index
      %get3A_332 = tpu.vector_load %arg6[%get3A_331] {strides = array<i32>} : memref<49152xf32, #tpu.memory_space<vmem>>, vector<16xf32>,
      %get3A_333 = vector.shape_cast %get3A_332 : vector<16xf32> to vector<16xf32>
      %add3A_334 = arith.addf %get3A_330, %get3A_333 : vector<16xf32>
      %swap3A_335 = arith.index_cast %mul3A_327 : i32 to index
      %swap3A_336 = tpu.vector_load %arg5[%swap3A_335] {strides = array<i32>} : memref<49152xf32, #tpu.memory_space<vmem>>, vector<16xf32>,
      %swap3A_337 = vector.shape_cast %swap3A_336 : vector<16xf32> to vector<16xf32>
      %swap3A_338 = vector.shape_cast %add3A_334 : vector<16xf32> to vector<16xf32>
      tpu.vector_store %arg5[%swap3A_335], %swap3A_338 {strides = array<i32>} : memref<49152xf32, #tpu.memory_space<vmem>>, vector<16xf32>,
      %scan3A_339 = arith.constant 7 : i32
      %scan3A_340 = arith.addi %scan3A_209, %scan3A_339 : i32
      %mul3A_341 = arith.constant 1 : i32
      %mul3A_342 = arith.muli %scan3A_340, %mul3A_341 : i32
      %add3A_343 = arith.constant 0 : i32
      %add3A_344 = arith.addi %add3A_343, %mul3A_342 : i32
      %mul3A_345 = arith.constant 16 : i32
      %mul3A_346 = arith.muli %add3A_344, %mul3A_345 : i32
      %get3A_347 = arith.index_cast %mul3A_346 : i32 to index
      %get3A_348 = tpu.vector_load %arg5[%get3A_347] {strides = array<i32>} : memref<49152xf32, #tpu.memory_space<vmem>>, vector<16xf32>,
      %get3A_349 = vector.shape_cast %get3A_348 : vector<16xf32> to vector<16xf32>
      %get3A_350 = arith.index_cast %mul3A_346 : i32 to index
      %get3A_351 = tpu.vector_load %arg6[%get3A_350] {strides = array<i32>} : memref<49152xf32, #tpu.memory_space<vmem>>, vector<16xf32>,
      %get3A_352 = vector.shape_cast %get3A_351 : vector<16xf32> to vector<16xf32>
      %add3A_353 = arith.addf %get3A_349, %get3A_352 : vector<16xf32>
      %swap3A_354 = arith.index_cast %mul3A_346 : i32 to index
      %swap3A_355 = tpu.vector_load %arg5[%swap3A_354] {strides = array<i32>} : memref<49152xf32, #tpu.memory_space<vmem>>, vector<16xf32>,
      %swap3A_356 = vector.shape_cast %swap3A_355 : vector<16xf32> to vector<16xf32>
      %swap3A_357 = vector.shape_cast %add3A_353 : vector<16xf32> to vector<16xf32>
      tpu.vector_store %arg5[%swap3A_354], %swap3A_357 {strides = array<i32>} : memref<49152xf32, #tpu.memory_space<vmem>>, vector<16xf32>,
    }
    %scan3A_169 = arith.constant 3072 : i32
    "tpu.region"() ({
      %run_scoped3A = tpu.sem_alloc : memref<!tpu.dma_semaphore, #tpu.memory_space<semaphore_mem>>
      %dma_start3A = tpu.memref_slice %arg4[%mul3A_160] : memref<25165824xf32, #tpu.memory_space<hbm>> -> memref<49152xf32, #tpu.memory_space<hbm>>
      %dma_start3A_209 = tpu.memref_slice %arg4[%mul3A_160] : memref<25165824xf32, #tpu.memory_space<hbm>> -> memref<49152xf32, #tpu.memory_space<hbm>>
      tpu.enqueue_dma source(%arg5 : memref<49152xf32, #tpu.memory_space<vmem>>) target(%dma_start3A_209 : memref<49152xf32, #tpu.memory_space<hbm>>) target_semaphore(%run_scoped3A : memref<!tpu.dma_semaphore, #tpu.memory_space<semaphore_mem>>)
      %dma_wait3A = tpu.memref_slice %arg4[%mul3A_160] : memref<25165824xf32, #tpu.memory_space<hbm>> -> memref<49152xf32, #tpu.memory_space<hbm>>
      %dma_wait3A_210 = tpu.memref_slice %arg4[%mul3A_160] : memref<25165824xf32, #tpu.memory_space<hbm>> -> memref<49152xf32, #tpu.memory_space<hbm>>
      tpu.wait_dma2 semaphore(%run_scoped3A : memref<!tpu.dma_semaphore, #tpu.memory_space<semaphore_mem>>) src(%arg5 : memref<49152xf32, #tpu.memory_space<vmem>>) dst(%dma_wait3A_210 : memref<49152xf32, #tpu.memory_space<hbm>>)
      tpu.yield
    }) : () -> ()
    %add3A_170 = arith.constant 832 : i32
    %add3A_171 = arith.addi %mul3A_2, %add3A_170 : i32
    %mul3A_172 = arith.constant 768 : i32
    %mul3A_173 = arith.muli %add3A_171, %mul3A_172 : i32
    %rem3A_174 = arith.constant 8192 : i32
    %rem3A_175 = arith.remsi %add3A_171, %rem3A_174 : i32
    %mul3A_176 = arith.constant 768 : i32
    %mul3A_177 = arith.muli %rem3A_175, %mul3A_176 : i32
    "tpu.region"() ({
      %run_scoped3A = tpu.sem_alloc : memref<!tpu.dma_semaphore, #tpu.memory_space<semaphore_mem>>
      %dma_start3A = tpu.memref_slice %arg2[%mul3A_173] : memref<25165824xf32, #tpu.memory_space<hbm>> -> memref<49152xf32, #tpu.memory_space<hbm>>
      %dma_start3A_209 = tpu.memref_slice %arg2[%mul3A_173] : memref<25165824xf32, #tpu.memory_space<hbm>> -> memref<49152xf32, #tpu.memory_space<hbm>>
      tpu.enqueue_dma source(%dma_start3A_209 : memref<49152xf32, #tpu.memory_space<hbm>>) target(%arg5 : memref<49152xf32, #tpu.memory_space<vmem>>) target_semaphore(%run_scoped3A : memref<!tpu.dma_semaphore, #tpu.memory_space<semaphore_mem>>)
      %dma_wait3A = tpu.memref_slice %arg2[%mul3A_173] : memref<25165824xf32, #tpu.memory_space<hbm>> -> memref<49152xf32, #tpu.memory_space<hbm>>
      %dma_wait3A_210 = tpu.memref_slice %arg2[%mul3A_173] : memref<25165824xf32, #tpu.memory_space<hbm>> -> memref<49152xf32, #tpu.memory_space<hbm>>
      tpu.wait_dma2 semaphore(%run_scoped3A : memref<!tpu.dma_semaphore, #tpu.memory_space<semaphore_mem>>) src(%dma_wait3A_210 : memref<49152xf32, #tpu.memory_space<hbm>>) dst(%arg5 : memref<49152xf32, #tpu.memory_space<vmem>>)
      tpu.yield
    }) : () -> ()
    "tpu.region"() ({
      %run_scoped3A = tpu.sem_alloc : memref<!tpu.dma_semaphore, #tpu.memory_space<semaphore_mem>>
      %dma_start3A = tpu.memref_slice %arg3[%mul3A_177] : memref<6291456xf32, #tpu.memory_space<hbm>> -> memref<49152xf32, #tpu.memory_space<hbm>>
      %dma_start3A_209 = tpu.memref_slice %arg3[%mul3A_177] : memref<6291456xf32, #tpu.memory_space<hbm>> -> memref<49152xf32, #tpu.memory_space<hbm>>
      tpu.enqueue_dma source(%dma_start3A_209 : memref<49152xf32, #tpu.memory_space<hbm>>) target(%arg6 : memref<49152xf32, #tpu.memory_space<vmem>>) target_semaphore(%run_scoped3A : memref<!tpu.dma_semaphore, #tpu.memory_space<semaphore_mem>>)
      %dma_wait3A = tpu.memref_slice %arg3[%mul3A_177] : memref<6291456xf32, #tpu.memory_space<hbm>> -> memref<49152xf32, #tpu.memory_space<hbm>>
      %dma_wait3A_210 = tpu.memref_slice %arg3[%mul3A_177] : memref<6291456xf32, #tpu.memory_space<hbm>> -> memref<49152xf32, #tpu.memory_space<hbm>>
      tpu.wait_dma2 semaphore(%run_scoped3A : memref<!tpu.dma_semaphore, #tpu.memory_space<semaphore_mem>>) src(%dma_wait3A_210 : memref<49152xf32, #tpu.memory_space<hbm>>) dst(%arg6 : memref<49152xf32, #tpu.memory_space<vmem>>)
      tpu.yield
    }) : () -> ()
    %scan3A_178 = arith.constant 0 : i32
    %scan3A_179 = arith.constant 3072 : i32
    %scan3A_180 = arith.addi %scan3A_178, %scan3A_179 : i32
    %scan3A_181 = arith.constant 8 : i32
    scf.for %scan3A_209 = %scan3A_178 to %scan3A_180 step %scan3A_181  : i32 {
      %mul3A_210 = arith.constant 1 : i32
      %mul3A_211 = arith.muli %scan3A_209, %mul3A_210 : i32
      %add3A_212 = arith.constant 0 : i32
      %add3A_213 = arith.addi %add3A_212, %mul3A_211 : i32
      %mul3A_214 = arith.constant 16 : i32
      %mul3A_215 = arith.muli %add3A_213, %mul3A_214 : i32
      %get3A = arith.index_cast %mul3A_215 : i32 to index
      %get3A_216 = tpu.vector_load %arg5[%get3A] {strides = array<i32>} : memref<49152xf32, #tpu.memory_space<vmem>>, vector<16xf32>,
      %get3A_217 = vector.shape_cast %get3A_216 : vector<16xf32> to vector<16xf32>
      %get3A_218 = arith.index_cast %mul3A_215 : i32 to index
      %get3A_219 = tpu.vector_load %arg6[%get3A_218] {strides = array<i32>} : memref<49152xf32, #tpu.memory_space<vmem>>, vector<16xf32>,
      %get3A_220 = vector.shape_cast %get3A_219 : vector<16xf32> to vector<16xf32>
      %add3A_221 = arith.addf %get3A_217, %get3A_220 : vector<16xf32>
      %swap3A = arith.index_cast %mul3A_215 : i32 to index
      %swap3A_222 = tpu.vector_load %arg5[%swap3A] {strides = array<i32>} : memref<49152xf32, #tpu.memory_space<vmem>>, vector<16xf32>,
      %swap3A_223 = vector.shape_cast %swap3A_222 : vector<16xf32> to vector<16xf32>
      %swap3A_224 = vector.shape_cast %add3A_221 : vector<16xf32> to vector<16xf32>
      tpu.vector_store %arg5[%swap3A], %swap3A_224 {strides = array<i32>} : memref<49152xf32, #tpu.memory_space<vmem>>, vector<16xf32>,
      %scan3A_225 = arith.constant 1 : i32
      %scan3A_226 = arith.addi %scan3A_209, %scan3A_225 : i32
      %mul3A_227 = arith.constant 1 : i32
      %mul3A_228 = arith.muli %scan3A_226, %mul3A_227 : i32
      %add3A_229 = arith.constant 0 : i32
      %add3A_230 = arith.addi %add3A_229, %mul3A_228 : i32
      %mul3A_231 = arith.constant 16 : i32
      %mul3A_232 = arith.muli %add3A_230, %mul3A_231 : i32
      %get3A_233 = arith.index_cast %mul3A_232 : i32 to index
      %get3A_234 = tpu.vector_load %arg5[%get3A_233] {strides = array<i32>} : memref<49152xf32, #tpu.memory_space<vmem>>, vector<16xf32>,
      %get3A_235 = vector.shape_cast %get3A_234 : vector<16xf32> to vector<16xf32>
      %get3A_236 = arith.index_cast %mul3A_232 : i32 to index
      %get3A_237 = tpu.vector_load %arg6[%get3A_236] {strides = array<i32>} : memref<49152xf32, #tpu.memory_space<vmem>>, vector<16xf32>,
      %get3A_238 = vector.shape_cast %get3A_237 : vector<16xf32> to vector<16xf32>
      %add3A_239 = arith.addf %get3A_235, %get3A_238 : vector<16xf32>
      %swap3A_240 = arith.index_cast %mul3A_232 : i32 to index
      %swap3A_241 = tpu.vector_load %arg5[%swap3A_240] {strides = array<i32>} : memref<49152xf32, #tpu.memory_space<vmem>>, vector<16xf32>,
      %swap3A_242 = vector.shape_cast %swap3A_241 : vector<16xf32> to vector<16xf32>
      %swap3A_243 = vector.shape_cast %add3A_239 : vector<16xf32> to vector<16xf32>
      tpu.vector_store %arg5[%swap3A_240], %swap3A_243 {strides = array<i32>} : memref<49152xf32, #tpu.memory_space<vmem>>, vector<16xf32>,
      %scan3A_244 = arith.constant 2 : i32
      %scan3A_245 = arith.addi %scan3A_209, %scan3A_244 : i32
      %mul3A_246 = arith.constant 1 : i32
      %mul3A_247 = arith.muli %scan3A_245, %mul3A_246 : i32
      %add3A_248 = arith.constant 0 : i32
      %add3A_249 = arith.addi %add3A_248, %mul3A_247 : i32
      %mul3A_250 = arith.constant 16 : i32
      %mul3A_251 = arith.muli %add3A_249, %mul3A_250 : i32
      %get3A_252 = arith.index_cast %mul3A_251 : i32 to index
      %get3A_253 = tpu.vector_load %arg5[%get3A_252] {strides = array<i32>} : memref<49152xf32, #tpu.memory_space<vmem>>, vector<16xf32>,
      %get3A_254 = vector.shape_cast %get3A_253 : vector<16xf32> to vector<16xf32>
      %get3A_255 = arith.index_cast %mul3A_251 : i32 to index
      %get3A_256 = tpu.vector_load %arg6[%get3A_255] {strides = array<i32>} : memref<49152xf32, #tpu.memory_space<vmem>>, vector<16xf32>,
      %get3A_257 = vector.shape_cast %get3A_256 : vector<16xf32> to vector<16xf32>
      %add3A_258 = arith.addf %get3A_254, %get3A_257 : vector<16xf32>
      %swap3A_259 = arith.index_cast %mul3A_251 : i32 to index
      %swap3A_260 = tpu.vector_load %arg5[%swap3A_259] {strides = array<i32>} : memref<49152xf32, #tpu.memory_space<vmem>>, vector<16xf32>,
      %swap3A_261 = vector.shape_cast %swap3A_260 : vector<16xf32> to vector<16xf32>
      %swap3A_262 = vector.shape_cast %add3A_258 : vector<16xf32> to vector<16xf32>
      tpu.vector_store %arg5[%swap3A_259], %swap3A_262 {strides = array<i32>} : memref<49152xf32, #tpu.memory_space<vmem>>, vector<16xf32>,
      %scan3A_263 = arith.constant 3 : i32
      %scan3A_264 = arith.addi %scan3A_209, %scan3A_263 : i32
      %mul3A_265 = arith.constant 1 : i32
      %mul3A_266 = arith.muli %scan3A_264, %mul3A_265 : i32
      %add3A_267 = arith.constant 0 : i32
      %add3A_268 = arith.addi %add3A_267, %mul3A_266 : i32
      %mul3A_269 = arith.constant 16 : i32
      %mul3A_270 = arith.muli %add3A_268, %mul3A_269 : i32
      %get3A_271 = arith.index_cast %mul3A_270 : i32 to index
      %get3A_272 = tpu.vector_load %arg5[%get3A_271] {strides = array<i32>} : memref<49152xf32, #tpu.memory_space<vmem>>, vector<16xf32>,
      %get3A_273 = vector.shape_cast %get3A_272 : vector<16xf32> to vector<16xf32>
      %get3A_274 = arith.index_cast %mul3A_270 : i32 to index
      %get3A_275 = tpu.vector_load %arg6[%get3A_274] {strides = array<i32>} : memref<49152xf32, #tpu.memory_space<vmem>>, vector<16xf32>,
      %get3A_276 = vector.shape_cast %get3A_275 : vector<16xf32> to vector<16xf32>
      %add3A_277 = arith.addf %get3A_273, %get3A_276 : vector<16xf32>
      %swap3A_278 = arith.index_cast %mul3A_270 : i32 to index
      %swap3A_279 = tpu.vector_load %arg5[%swap3A_278] {strides = array<i32>} : memref<49152xf32, #tpu.memory_space<vmem>>, vector<16xf32>,
      %swap3A_280 = vector.shape_cast %swap3A_279 : vector<16xf32> to vector<16xf32>
      %swap3A_281 = vector.shape_cast %add3A_277 : vector<16xf32> to vector<16xf32>
      tpu.vector_store %arg5[%swap3A_278], %swap3A_281 {strides = array<i32>} : memref<49152xf32, #tpu.memory_space<vmem>>, vector<16xf32>,
      %scan3A_282 = arith.constant 4 : i32
      %scan3A_283 = arith.addi %scan3A_209, %scan3A_282 : i32
      %mul3A_284 = arith.constant 1 : i32
      %mul3A_285 = arith.muli %scan3A_283, %mul3A_284 : i32
      %add3A_286 = arith.constant 0 : i32
      %add3A_287 = arith.addi %add3A_286, %mul3A_285 : i32
      %mul3A_288 = arith.constant 16 : i32
      %mul3A_289 = arith.muli %add3A_287, %mul3A_288 : i32
      %get3A_290 = arith.index_cast %mul3A_289 : i32 to index
      %get3A_291 = tpu.vector_load %arg5[%get3A_290] {strides = array<i32>} : memref<49152xf32, #tpu.memory_space<vmem>>, vector<16xf32>,
      %get3A_292 = vector.shape_cast %get3A_291 : vector<16xf32> to vector<16xf32>
      %get3A_293 = arith.index_cast %mul3A_289 : i32 to index
      %get3A_294 = tpu.vector_load %arg6[%get3A_293] {strides = array<i32>} : memref<49152xf32, #tpu.memory_space<vmem>>, vector<16xf32>,
      %get3A_295 = vector.shape_cast %get3A_294 : vector<16xf32> to vector<16xf32>
      %add3A_296 = arith.addf %get3A_292, %get3A_295 : vector<16xf32>
      %swap3A_297 = arith.index_cast %mul3A_289 : i32 to index
      %swap3A_298 = tpu.vector_load %arg5[%swap3A_297] {strides = array<i32>} : memref<49152xf32, #tpu.memory_space<vmem>>, vector<16xf32>,
      %swap3A_299 = vector.shape_cast %swap3A_298 : vector<16xf32> to vector<16xf32>
      %swap3A_300 = vector.shape_cast %add3A_296 : vector<16xf32> to vector<16xf32>
      tpu.vector_store %arg5[%swap3A_297], %swap3A_300 {strides = array<i32>} : memref<49152xf32, #tpu.memory_space<vmem>>, vector<16xf32>,
      %scan3A_301 = arith.constant 5 : i32
      %scan3A_302 = arith.addi %scan3A_209, %scan3A_301 : i32
      %mul3A_303 = arith.constant 1 : i32
      %mul3A_304 = arith.muli %scan3A_302, %mul3A_303 : i32
      %add3A_305 = arith.constant 0 : i32
      %add3A_306 = arith.addi %add3A_305, %mul3A_304 : i32
      %mul3A_307 = arith.constant 16 : i32
      %mul3A_308 = arith.muli %add3A_306, %mul3A_307 : i32
      %get3A_309 = arith.index_cast %mul3A_308 : i32 to index
      %get3A_310 = tpu.vector_load %arg5[%get3A_309] {strides = array<i32>} : memref<49152xf32, #tpu.memory_space<vmem>>, vector<16xf32>,
      %get3A_311 = vector.shape_cast %get3A_310 : vector<16xf32> to vector<16xf32>
      %get3A_312 = arith.index_cast %mul3A_308 : i32 to index
      %get3A_313 = tpu.vector_load %arg6[%get3A_312] {strides = array<i32>} : memref<49152xf32, #tpu.memory_space<vmem>>, vector<16xf32>,
      %get3A_314 = vector.shape_cast %get3A_313 : vector<16xf32> to vector<16xf32>
      %add3A_315 = arith.addf %get3A_311, %get3A_314 : vector<16xf32>
      %swap3A_316 = arith.index_cast %mul3A_308 : i32 to index
      %swap3A_317 = tpu.vector_load %arg5[%swap3A_316] {strides = array<i32>} : memref<49152xf32, #tpu.memory_space<vmem>>, vector<16xf32>,
      %swap3A_318 = vector.shape_cast %swap3A_317 : vector<16xf32> to vector<16xf32>
      %swap3A_319 = vector.shape_cast %add3A_315 : vector<16xf32> to vector<16xf32>
      tpu.vector_store %arg5[%swap3A_316], %swap3A_319 {strides = array<i32>} : memref<49152xf32, #tpu.memory_space<vmem>>, vector<16xf32>,
      %scan3A_320 = arith.constant 6 : i32
      %scan3A_321 = arith.addi %scan3A_209, %scan3A_320 : i32
      %mul3A_322 = arith.constant 1 : i32
      %mul3A_323 = arith.muli %scan3A_321, %mul3A_322 : i32
      %add3A_324 = arith.constant 0 : i32
      %add3A_325 = arith.addi %add3A_324, %mul3A_323 : i32
      %mul3A_326 = arith.constant 16 : i32
      %mul3A_327 = arith.muli %add3A_325, %mul3A_326 : i32
      %get3A_328 = arith.index_cast %mul3A_327 : i32 to index
      %get3A_329 = tpu.vector_load %arg5[%get3A_328] {strides = array<i32>} : memref<49152xf32, #tpu.memory_space<vmem>>, vector<16xf32>,
      %get3A_330 = vector.shape_cast %get3A_329 : vector<16xf32> to vector<16xf32>
      %get3A_331 = arith.index_cast %mul3A_327 : i32 to index
      %get3A_332 = tpu.vector_load %arg6[%get3A_331] {strides = array<i32>} : memref<49152xf32, #tpu.memory_space<vmem>>, vector<16xf32>,
      %get3A_333 = vector.shape_cast %get3A_332 : vector<16xf32> to vector<16xf32>
      %add3A_334 = arith.addf %get3A_330, %get3A_333 : vector<16xf32>
      %swap3A_335 = arith.index_cast %mul3A_327 : i32 to index
      %swap3A_336 = tpu.vector_load %arg5[%swap3A_335] {strides = array<i32>} : memref<49152xf32, #tpu.memory_space<vmem>>, vector<16xf32>,
      %swap3A_337 = vector.shape_cast %swap3A_336 : vector<16xf32> to vector<16xf32>
      %swap3A_338 = vector.shape_cast %add3A_334 : vector<16xf32> to vector<16xf32>
      tpu.vector_store %arg5[%swap3A_335], %swap3A_338 {strides = array<i32>} : memref<49152xf32, #tpu.memory_space<vmem>>, vector<16xf32>,
      %scan3A_339 = arith.constant 7 : i32
      %scan3A_340 = arith.addi %scan3A_209, %scan3A_339 : i32
      %mul3A_341 = arith.constant 1 : i32
      %mul3A_342 = arith.muli %scan3A_340, %mul3A_341 : i32
      %add3A_343 = arith.constant 0 : i32
      %add3A_344 = arith.addi %add3A_343, %mul3A_342 : i32
      %mul3A_345 = arith.constant 16 : i32
      %mul3A_346 = arith.muli %add3A_344, %mul3A_345 : i32
      %get3A_347 = arith.index_cast %mul3A_346 : i32 to index
      %get3A_348 = tpu.vector_load %arg5[%get3A_347] {strides = array<i32>} : memref<49152xf32, #tpu.memory_space<vmem>>, vector<16xf32>,
      %get3A_349 = vector.shape_cast %get3A_348 : vector<16xf32> to vector<16xf32>
      %get3A_350 = arith.index_cast %mul3A_346 : i32 to index
      %get3A_351 = tpu.vector_load %arg6[%get3A_350] {strides = array<i32>} : memref<49152xf32, #tpu.memory_space<vmem>>, vector<16xf32>,
      %get3A_352 = vector.shape_cast %get3A_351 : vector<16xf32> to vector<16xf32>
      %add3A_353 = arith.addf %get3A_349, %get3A_352 : vector<16xf32>
      %swap3A_354 = arith.index_cast %mul3A_346 : i32 to index
      %swap3A_355 = tpu.vector_load %arg5[%swap3A_354] {strides = array<i32>} : memref<49152xf32, #tpu.memory_space<vmem>>, vector<16xf32>,
      %swap3A_356 = vector.shape_cast %swap3A_355 : vector<16xf32> to vector<16xf32>
      %swap3A_357 = vector.shape_cast %add3A_353 : vector<16xf32> to vector<16xf32>
      tpu.vector_store %arg5[%swap3A_354], %swap3A_357 {strides = array<i32>} : memref<49152xf32, #tpu.memory_space<vmem>>, vector<16xf32>,
    }
    %scan3A_182 = arith.constant 3072 : i32
    "tpu.region"() ({
      %run_scoped3A = tpu.sem_alloc : memref<!tpu.dma_semaphore, #tpu.memory_space<semaphore_mem>>
      %dma_start3A = tpu.memref_slice %arg4[%mul3A_173] : memref<25165824xf32, #tpu.memory_space<hbm>> -> memref<49152xf32, #tpu.memory_space<hbm>>
      %dma_start3A_209 = tpu.memref_slice %arg4[%mul3A_173] : memref<25165824xf32, #tpu.memory_space<hbm>> -> memref<49152xf32, #tpu.memory_space<hbm>>
      tpu.enqueue_dma source(%arg5 : memref<49152xf32, #tpu.memory_space<vmem>>) target(%dma_start3A_209 : memref<49152xf32, #tpu.memory_space<hbm>>) target_semaphore(%run_scoped3A : memref<!tpu.dma_semaphore, #tpu.memory_space<semaphore_mem>>)
      %dma_wait3A = tpu.memref_slice %arg4[%mul3A_173] : memref<25165824xf32, #tpu.memory_space<hbm>> -> memref<49152xf32, #tpu.memory_space<hbm>>
      %dma_wait3A_210 = tpu.memref_slice %arg4[%mul3A_173] : memref<25165824xf32, #tpu.memory_space<hbm>> -> memref<49152xf32, #tpu.memory_space<hbm>>
      tpu.wait_dma2 semaphore(%run_scoped3A : memref<!tpu.dma_semaphore, #tpu.memory_space<semaphore_mem>>) src(%arg5 : memref<49152xf32, #tpu.memory_space<vmem>>) dst(%dma_wait3A_210 : memref<49152xf32, #tpu.memory_space<hbm>>)
      tpu.yield
    }) : () -> ()
    %add3A_183 = arith.constant 896 : i32
    %add3A_184 = arith.addi %mul3A_2, %add3A_183 : i32
    %mul3A_185 = arith.constant 768 : i32
    %mul3A_186 = arith.muli %add3A_184, %mul3A_185 : i32
    %rem3A_187 = arith.constant 8192 : i32
    %rem3A_188 = arith.remsi %add3A_184, %rem3A_187 : i32
    %mul3A_189 = arith.constant 768 : i32
    %mul3A_190 = arith.muli %rem3A_188, %mul3A_189 : i32
    "tpu.region"() ({
      %run_scoped3A = tpu.sem_alloc : memref<!tpu.dma_semaphore, #tpu.memory_space<semaphore_mem>>
      %dma_start3A = tpu.memref_slice %arg2[%mul3A_186] : memref<25165824xf32, #tpu.memory_space<hbm>> -> memref<49152xf32, #tpu.memory_space<hbm>>
      %dma_start3A_209 = tpu.memref_slice %arg2[%mul3A_186] : memref<25165824xf32, #tpu.memory_space<hbm>> -> memref<49152xf32, #tpu.memory_space<hbm>>
      tpu.enqueue_dma source(%dma_start3A_209 : memref<49152xf32, #tpu.memory_space<hbm>>) target(%arg5 : memref<49152xf32, #tpu.memory_space<vmem>>) target_semaphore(%run_scoped3A : memref<!tpu.dma_semaphore, #tpu.memory_space<semaphore_mem>>)
      %dma_wait3A = tpu.memref_slice %arg2[%mul3A_186] : memref<25165824xf32, #tpu.memory_space<hbm>> -> memref<49152xf32, #tpu.memory_space<hbm>>
      %dma_wait3A_210 = tpu.memref_slice %arg2[%mul3A_186] : memref<25165824xf32, #tpu.memory_space<hbm>> -> memref<49152xf32, #tpu.memory_space<hbm>>
      tpu.wait_dma2 semaphore(%run_scoped3A : memref<!tpu.dma_semaphore, #tpu.memory_space<semaphore_mem>>) src(%dma_wait3A_210 : memref<49152xf32, #tpu.memory_space<hbm>>) dst(%arg5 : memref<49152xf32, #tpu.memory_space<vmem>>)
      tpu.yield
    }) : () -> ()
    "tpu.region"() ({
      %run_scoped3A = tpu.sem_alloc : memref<!tpu.dma_semaphore, #tpu.memory_space<semaphore_mem>>
      %dma_start3A = tpu.memref_slice %arg3[%mul3A_190] : memref<6291456xf32, #tpu.memory_space<hbm>> -> memref<49152xf32, #tpu.memory_space<hbm>>
      %dma_start3A_209 = tpu.memref_slice %arg3[%mul3A_190] : memref<6291456xf32, #tpu.memory_space<hbm>> -> memref<49152xf32, #tpu.memory_space<hbm>>
      tpu.enqueue_dma source(%dma_start3A_209 : memref<49152xf32, #tpu.memory_space<hbm>>) target(%arg6 : memref<49152xf32, #tpu.memory_space<vmem>>) target_semaphore(%run_scoped3A : memref<!tpu.dma_semaphore, #tpu.memory_space<semaphore_mem>>)
      %dma_wait3A = tpu.memref_slice %arg3[%mul3A_190] : memref<6291456xf32, #tpu.memory_space<hbm>> -> memref<49152xf32, #tpu.memory_space<hbm>>
      %dma_wait3A_210 = tpu.memref_slice %arg3[%mul3A_190] : memref<6291456xf32, #tpu.memory_space<hbm>> -> memref<49152xf32, #tpu.memory_space<hbm>>
      tpu.wait_dma2 semaphore(%run_scoped3A : memref<!tpu.dma_semaphore, #tpu.memory_space<semaphore_mem>>) src(%dma_wait3A_210 : memref<49152xf32, #tpu.memory_space<hbm>>) dst(%arg6 : memref<49152xf32, #tpu.memory_space<vmem>>)
      tpu.yield
    }) : () -> ()
    %scan3A_191 = arith.constant 0 : i32
    %scan3A_192 = arith.constant 3072 : i32
    %scan3A_193 = arith.addi %scan3A_191, %scan3A_192 : i32
    %scan3A_194 = arith.constant 8 : i32
    scf.for %scan3A_209 = %scan3A_191 to %scan3A_193 step %scan3A_194  : i32 {
      %mul3A_210 = arith.constant 1 : i32
      %mul3A_211 = arith.muli %scan3A_209, %mul3A_210 : i32
      %add3A_212 = arith.constant 0 : i32
      %add3A_213 = arith.addi %add3A_212, %mul3A_211 : i32
      %mul3A_214 = arith.constant 16 : i32
      %mul3A_215 = arith.muli %add3A_213, %mul3A_214 : i32
      %get3A = arith.index_cast %mul3A_215 : i32 to index
      %get3A_216 = tpu.vector_load %arg5[%get3A] {strides = array<i32>} : memref<49152xf32, #tpu.memory_space<vmem>>, vector<16xf32>,
      %get3A_217 = vector.shape_cast %get3A_216 : vector<16xf32> to vector<16xf32>
      %get3A_218 = arith.index_cast %mul3A_215 : i32 to index
      %get3A_219 = tpu.vector_load %arg6[%get3A_218] {strides = array<i32>} : memref<49152xf32, #tpu.memory_space<vmem>>, vector<16xf32>,
      %get3A_220 = vector.shape_cast %get3A_219 : vector<16xf32> to vector<16xf32>
      %add3A_221 = arith.addf %get3A_217, %get3A_220 : vector<16xf32>
      %swap3A = arith.index_cast %mul3A_215 : i32 to index
      %swap3A_222 = tpu.vector_load %arg5[%swap3A] {strides = array<i32>} : memref<49152xf32, #tpu.memory_space<vmem>>, vector<16xf32>,
      %swap3A_223 = vector.shape_cast %swap3A_222 : vector<16xf32> to vector<16xf32>
      %swap3A_224 = vector.shape_cast %add3A_221 : vector<16xf32> to vector<16xf32>
      tpu.vector_store %arg5[%swap3A], %swap3A_224 {strides = array<i32>} : memref<49152xf32, #tpu.memory_space<vmem>>, vector<16xf32>,
      %scan3A_225 = arith.constant 1 : i32
      %scan3A_226 = arith.addi %scan3A_209, %scan3A_225 : i32
      %mul3A_227 = arith.constant 1 : i32
      %mul3A_228 = arith.muli %scan3A_226, %mul3A_227 : i32
      %add3A_229 = arith.constant 0 : i32
      %add3A_230 = arith.addi %add3A_229, %mul3A_228 : i32
      %mul3A_231 = arith.constant 16 : i32
      %mul3A_232 = arith.muli %add3A_230, %mul3A_231 : i32
      %get3A_233 = arith.index_cast %mul3A_232 : i32 to index
      %get3A_234 = tpu.vector_load %arg5[%get3A_233] {strides = array<i32>} : memref<49152xf32, #tpu.memory_space<vmem>>, vector<16xf32>,
      %get3A_235 = vector.shape_cast %get3A_234 : vector<16xf32> to vector<16xf32>
      %get3A_236 = arith.index_cast %mul3A_232 : i32 to index
      %get3A_237 = tpu.vector_load %arg6[%get3A_236] {strides = array<i32>} : memref<49152xf32, #tpu.memory_space<vmem>>, vector<16xf32>,
      %get3A_238 = vector.shape_cast %get3A_237 : vector<16xf32> to vector<16xf32>
      %add3A_239 = arith.addf %get3A_235, %get3A_238 : vector<16xf32>
      %swap3A_240 = arith.index_cast %mul3A_232 : i32 to index
      %swap3A_241 = tpu.vector_load %arg5[%swap3A_240] {strides = array<i32>} : memref<49152xf32, #tpu.memory_space<vmem>>, vector<16xf32>,
      %swap3A_242 = vector.shape_cast %swap3A_241 : vector<16xf32> to vector<16xf32>
      %swap3A_243 = vector.shape_cast %add3A_239 : vector<16xf32> to vector<16xf32>
      tpu.vector_store %arg5[%swap3A_240], %swap3A_243 {strides = array<i32>} : memref<49152xf32, #tpu.memory_space<vmem>>, vector<16xf32>,
      %scan3A_244 = arith.constant 2 : i32
      %scan3A_245 = arith.addi %scan3A_209, %scan3A_244 : i32
      %mul3A_246 = arith.constant 1 : i32
      %mul3A_247 = arith.muli %scan3A_245, %mul3A_246 : i32
      %add3A_248 = arith.constant 0 : i32
      %add3A_249 = arith.addi %add3A_248, %mul3A_247 : i32
      %mul3A_250 = arith.constant 16 : i32
      %mul3A_251 = arith.muli %add3A_249, %mul3A_250 : i32
      %get3A_252 = arith.index_cast %mul3A_251 : i32 to index
      %get3A_253 = tpu.vector_load %arg5[%get3A_252] {strides = array<i32>} : memref<49152xf32, #tpu.memory_space<vmem>>, vector<16xf32>,
      %get3A_254 = vector.shape_cast %get3A_253 : vector<16xf32> to vector<16xf32>
      %get3A_255 = arith.index_cast %mul3A_251 : i32 to index
      %get3A_256 = tpu.vector_load %arg6[%get3A_255] {strides = array<i32>} : memref<49152xf32, #tpu.memory_space<vmem>>, vector<16xf32>,
      %get3A_257 = vector.shape_cast %get3A_256 : vector<16xf32> to vector<16xf32>
      %add3A_258 = arith.addf %get3A_254, %get3A_257 : vector<16xf32>
      %swap3A_259 = arith.index_cast %mul3A_251 : i32 to index
      %swap3A_260 = tpu.vector_load %arg5[%swap3A_259] {strides = array<i32>} : memref<49152xf32, #tpu.memory_space<vmem>>, vector<16xf32>,
      %swap3A_261 = vector.shape_cast %swap3A_260 : vector<16xf32> to vector<16xf32>
      %swap3A_262 = vector.shape_cast %add3A_258 : vector<16xf32> to vector<16xf32>
      tpu.vector_store %arg5[%swap3A_259], %swap3A_262 {strides = array<i32>} : memref<49152xf32, #tpu.memory_space<vmem>>, vector<16xf32>,
      %scan3A_263 = arith.constant 3 : i32
      %scan3A_264 = arith.addi %scan3A_209, %scan3A_263 : i32
      %mul3A_265 = arith.constant 1 : i32
      %mul3A_266 = arith.muli %scan3A_264, %mul3A_265 : i32
      %add3A_267 = arith.constant 0 : i32
      %add3A_268 = arith.addi %add3A_267, %mul3A_266 : i32
      %mul3A_269 = arith.constant 16 : i32
      %mul3A_270 = arith.muli %add3A_268, %mul3A_269 : i32
      %get3A_271 = arith.index_cast %mul3A_270 : i32 to index
      %get3A_272 = tpu.vector_load %arg5[%get3A_271] {strides = array<i32>} : memref<49152xf32, #tpu.memory_space<vmem>>, vector<16xf32>,
      %get3A_273 = vector.shape_cast %get3A_272 : vector<16xf32> to vector<16xf32>
      %get3A_274 = arith.index_cast %mul3A_270 : i32 to index
      %get3A_275 = tpu.vector_load %arg6[%get3A_274] {strides = array<i32>} : memref<49152xf32, #tpu.memory_space<vmem>>, vector<16xf32>,
      %get3A_276 = vector.shape_cast %get3A_275 : vector<16xf32> to vector<16xf32>
      %add3A_277 = arith.addf %get3A_273, %get3A_276 : vector<16xf32>
      %swap3A_278 = arith.index_cast %mul3A_270 : i32 to index
      %swap3A_279 = tpu.vector_load %arg5[%swap3A_278] {strides = array<i32>} : memref<49152xf32, #tpu.memory_space<vmem>>, vector<16xf32>,
      %swap3A_280 = vector.shape_cast %swap3A_279 : vector<16xf32> to vector<16xf32>
      %swap3A_281 = vector.shape_cast %add3A_277 : vector<16xf32> to vector<16xf32>
      tpu.vector_store %arg5[%swap3A_278], %swap3A_281 {strides = array<i32>} : memref<49152xf32, #tpu.memory_space<vmem>>, vector<16xf32>,
      %scan3A_282 = arith.constant 4 : i32
      %scan3A_283 = arith.addi %scan3A_209, %scan3A_282 : i32
      %mul3A_284 = arith.constant 1 : i32
      %mul3A_285 = arith.muli %scan3A_283, %mul3A_284 : i32
      %add3A_286 = arith.constant 0 : i32
      %add3A_287 = arith.addi %add3A_286, %mul3A_285 : i32
      %mul3A_288 = arith.constant 16 : i32
      %mul3A_289 = arith.muli %add3A_287, %mul3A_288 : i32
      %get3A_290 = arith.index_cast %mul3A_289 : i32 to index
      %get3A_291 = tpu.vector_load %arg5[%get3A_290] {strides = array<i32>} : memref<49152xf32, #tpu.memory_space<vmem>>, vector<16xf32>,
      %get3A_292 = vector.shape_cast %get3A_291 : vector<16xf32> to vector<16xf32>
      %get3A_293 = arith.index_cast %mul3A_289 : i32 to index
      %get3A_294 = tpu.vector_load %arg6[%get3A_293] {strides = array<i32>} : memref<49152xf32, #tpu.memory_space<vmem>>, vector<16xf32>,
      %get3A_295 = vector.shape_cast %get3A_294 : vector<16xf32> to vector<16xf32>
      %add3A_296 = arith.addf %get3A_292, %get3A_295 : vector<16xf32>
      %swap3A_297 = arith.index_cast %mul3A_289 : i32 to index
      %swap3A_298 = tpu.vector_load %arg5[%swap3A_297] {strides = array<i32>} : memref<49152xf32, #tpu.memory_space<vmem>>, vector<16xf32>,
      %swap3A_299 = vector.shape_cast %swap3A_298 : vector<16xf32> to vector<16xf32>
      %swap3A_300 = vector.shape_cast %add3A_296 : vector<16xf32> to vector<16xf32>
      tpu.vector_store %arg5[%swap3A_297], %swap3A_300 {strides = array<i32>} : memref<49152xf32, #tpu.memory_space<vmem>>, vector<16xf32>,
      %scan3A_301 = arith.constant 5 : i32
      %scan3A_302 = arith.addi %scan3A_209, %scan3A_301 : i32
      %mul3A_303 = arith.constant 1 : i32
      %mul3A_304 = arith.muli %scan3A_302, %mul3A_303 : i32
      %add3A_305 = arith.constant 0 : i32
      %add3A_306 = arith.addi %add3A_305, %mul3A_304 : i32
      %mul3A_307 = arith.constant 16 : i32
      %mul3A_308 = arith.muli %add3A_306, %mul3A_307 : i32
      %get3A_309 = arith.index_cast %mul3A_308 : i32 to index
      %get3A_310 = tpu.vector_load %arg5[%get3A_309] {strides = array<i32>} : memref<49152xf32, #tpu.memory_space<vmem>>, vector<16xf32>,
      %get3A_311 = vector.shape_cast %get3A_310 : vector<16xf32> to vector<16xf32>
      %get3A_312 = arith.index_cast %mul3A_308 : i32 to index
      %get3A_313 = tpu.vector_load %arg6[%get3A_312] {strides = array<i32>} : memref<49152xf32, #tpu.memory_space<vmem>>, vector<16xf32>,
      %get3A_314 = vector.shape_cast %get3A_313 : vector<16xf32> to vector<16xf32>
      %add3A_315 = arith.addf %get3A_311, %get3A_314 : vector<16xf32>
      %swap3A_316 = arith.index_cast %mul3A_308 : i32 to index
      %swap3A_317 = tpu.vector_load %arg5[%swap3A_316] {strides = array<i32>} : memref<49152xf32, #tpu.memory_space<vmem>>, vector<16xf32>,
      %swap3A_318 = vector.shape_cast %swap3A_317 : vector<16xf32> to vector<16xf32>
      %swap3A_319 = vector.shape_cast %add3A_315 : vector<16xf32> to vector<16xf32>
      tpu.vector_store %arg5[%swap3A_316], %swap3A_319 {strides = array<i32>} : memref<49152xf32, #tpu.memory_space<vmem>>, vector<16xf32>,
      %scan3A_320 = arith.constant 6 : i32
      %scan3A_321 = arith.addi %scan3A_209, %scan3A_320 : i32
      %mul3A_322 = arith.constant 1 : i32
      %mul3A_323 = arith.muli %scan3A_321, %mul3A_322 : i32
      %add3A_324 = arith.constant 0 : i32
      %add3A_325 = arith.addi %add3A_324, %mul3A_323 : i32
      %mul3A_326 = arith.constant 16 : i32
      %mul3A_327 = arith.muli %add3A_325, %mul3A_326 : i32
      %get3A_328 = arith.index_cast %mul3A_327 : i32 to index
      %get3A_329 = tpu.vector_load %arg5[%get3A_328] {strides = array<i32>} : memref<49152xf32, #tpu.memory_space<vmem>>, vector<16xf32>,
      %get3A_330 = vector.shape_cast %get3A_329 : vector<16xf32> to vector<16xf32>
      %get3A_331 = arith.index_cast %mul3A_327 : i32 to index
      %get3A_332 = tpu.vector_load %arg6[%get3A_331] {strides = array<i32>} : memref<49152xf32, #tpu.memory_space<vmem>>, vector<16xf32>,
      %get3A_333 = vector.shape_cast %get3A_332 : vector<16xf32> to vector<16xf32>
      %add3A_334 = arith.addf %get3A_330, %get3A_333 : vector<16xf32>
      %swap3A_335 = arith.index_cast %mul3A_327 : i32 to index
      %swap3A_336 = tpu.vector_load %arg5[%swap3A_335] {strides = array<i32>} : memref<49152xf32, #tpu.memory_space<vmem>>, vector<16xf32>,
      %swap3A_337 = vector.shape_cast %swap3A_336 : vector<16xf32> to vector<16xf32>
      %swap3A_338 = vector.shape_cast %add3A_334 : vector<16xf32> to vector<16xf32>
      tpu.vector_store %arg5[%swap3A_335], %swap3A_338 {strides = array<i32>} : memref<49152xf32, #tpu.memory_space<vmem>>, vector<16xf32>,
      %scan3A_339 = arith.constant 7 : i32
      %scan3A_340 = arith.addi %scan3A_209, %scan3A_339 : i32
      %mul3A_341 = arith.constant 1 : i32
      %mul3A_342 = arith.muli %scan3A_340, %mul3A_341 : i32
      %add3A_343 = arith.constant 0 : i32
      %add3A_344 = arith.addi %add3A_343, %mul3A_342 : i32
      %mul3A_345 = arith.constant 16 : i32
      %mul3A_346 = arith.muli %add3A_344, %mul3A_345 : i32
      %get3A_347 = arith.index_cast %mul3A_346 : i32 to index
      %get3A_348 = tpu.vector_load %arg5[%get3A_347] {strides = array<i32>} : memref<49152xf32, #tpu.memory_space<vmem>>, vector<16xf32>,
      %get3A_349 = vector.shape_cast %get3A_348 : vector<16xf32> to vector<16xf32>
      %get3A_350 = arith.index_cast %mul3A_346 : i32 to index
      %get3A_351 = tpu.vector_load %arg6[%get3A_350] {strides = array<i32>} : memref<49152xf32, #tpu.memory_space<vmem>>, vector<16xf32>,
      %get3A_352 = vector.shape_cast %get3A_351 : vector<16xf32> to vector<16xf32>
      %add3A_353 = arith.addf %get3A_349, %get3A_352 : vector<16xf32>
      %swap3A_354 = arith.index_cast %mul3A_346 : i32 to index
      %swap3A_355 = tpu.vector_load %arg5[%swap3A_354] {strides = array<i32>} : memref<49152xf32, #tpu.memory_space<vmem>>, vector<16xf32>,
      %swap3A_356 = vector.shape_cast %swap3A_355 : vector<16xf32> to vector<16xf32>
      %swap3A_357 = vector.shape_cast %add3A_353 : vector<16xf32> to vector<16xf32>
      tpu.vector_store %arg5[%swap3A_354], %swap3A_357 {strides = array<i32>} : memref<49152xf32, #tpu.memory_space<vmem>>, vector<16xf32>,
    }
    %scan3A_195 = arith.constant 3072 : i32
    "tpu.region"() ({
      %run_scoped3A = tpu.sem_alloc : memref<!tpu.dma_semaphore, #tpu.memory_space<semaphore_mem>>
      %dma_start3A = tpu.memref_slice %arg4[%mul3A_186] : memref<25165824xf32, #tpu.memory_space<hbm>> -> memref<49152xf32, #tpu.memory_space<hbm>>
      %dma_start3A_209 = tpu.memref_slice %arg4[%mul3A_186] : memref<25165824xf32, #tpu.memory_space<hbm>> -> memref<49152xf32, #tpu.memory_space<hbm>>
      tpu.enqueue_dma source(%arg5 : memref<49152xf32, #tpu.memory_space<vmem>>) target(%dma_start3A_209 : memref<49152xf32, #tpu.memory_space<hbm>>) target_semaphore(%run_scoped3A : memref<!tpu.dma_semaphore, #tpu.memory_space<semaphore_mem>>)
      %dma_wait3A = tpu.memref_slice %arg4[%mul3A_186] : memref<25165824xf32, #tpu.memory_space<hbm>> -> memref<49152xf32, #tpu.memory_space<hbm>>
      %dma_wait3A_210 = tpu.memref_slice %arg4[%mul3A_186] : memref<25165824xf32, #tpu.memory_space<hbm>> -> memref<49152xf32, #tpu.memory_space<hbm>>
      tpu.wait_dma2 semaphore(%run_scoped3A : memref<!tpu.dma_semaphore, #tpu.memory_space<semaphore_mem>>) src(%arg5 : memref<49152xf32, #tpu.memory_space<vmem>>) dst(%dma_wait3A_210 : memref<49152xf32, #tpu.memory_space<hbm>>)
      tpu.yield
    }) : () -> ()
    %add3A_196 = arith.constant 960 : i32
    %add3A_197 = arith.addi %mul3A_2, %add3A_196 : i32
    %mul3A_198 = arith.constant 768 : i32
    %mul3A_199 = arith.muli %add3A_197, %mul3A_198 : i32
    %rem3A_200 = arith.constant 8192 : i32
    %rem3A_201 = arith.remsi %add3A_197, %rem3A_200 : i32
    %mul3A_202 = arith.constant 768 : i32
    %mul3A_203 = arith.muli %rem3A_201, %mul3A_202 : i32
    "tpu.region"() ({
      %run_scoped3A = tpu.sem_alloc : memref<!tpu.dma_semaphore, #tpu.memory_space<semaphore_mem>>
      %dma_start3A = tpu.memref_slice %arg2[%mul3A_199] : memref<25165824xf32, #tpu.memory_space<hbm>> -> memref<49152xf32, #tpu.memory_space<hbm>>
      %dma_start3A_209 = tpu.memref_slice %arg2[%mul3A_199] : memref<25165824xf32, #tpu.memory_space<hbm>> -> memref<49152xf32, #tpu.memory_space<hbm>>
      tpu.enqueue_dma source(%dma_start3A_209 : memref<49152xf32, #tpu.memory_space<hbm>>) target(%arg5 : memref<49152xf32, #tpu.memory_space<vmem>>) target_semaphore(%run_scoped3A : memref<!tpu.dma_semaphore, #tpu.memory_space<semaphore_mem>>)
      %dma_wait3A = tpu.memref_slice %arg2[%mul3A_199] : memref<25165824xf32, #tpu.memory_space<hbm>> -> memref<49152xf32, #tpu.memory_space<hbm>>
      %dma_wait3A_210 = tpu.memref_slice %arg2[%mul3A_199] : memref<25165824xf32, #tpu.memory_space<hbm>> -> memref<49152xf32, #tpu.memory_space<hbm>>
      tpu.wait_dma2 semaphore(%run_scoped3A : memref<!tpu.dma_semaphore, #tpu.memory_space<semaphore_mem>>) src(%dma_wait3A_210 : memref<49152xf32, #tpu.memory_space<hbm>>) dst(%arg5 : memref<49152xf32, #tpu.memory_space<vmem>>)
      tpu.yield
    }) : () -> ()
    "tpu.region"() ({
      %run_scoped3A = tpu.sem_alloc : memref<!tpu.dma_semaphore, #tpu.memory_space<semaphore_mem>>
      %dma_start3A = tpu.memref_slice %arg3[%mul3A_203] : memref<6291456xf32, #tpu.memory_space<hbm>> -> memref<49152xf32, #tpu.memory_space<hbm>>
      %dma_start3A_209 = tpu.memref_slice %arg3[%mul3A_203] : memref<6291456xf32, #tpu.memory_space<hbm>> -> memref<49152xf32, #tpu.memory_space<hbm>>
      tpu.enqueue_dma source(%dma_start3A_209 : memref<49152xf32, #tpu.memory_space<hbm>>) target(%arg6 : memref<49152xf32, #tpu.memory_space<vmem>>) target_semaphore(%run_scoped3A : memref<!tpu.dma_semaphore, #tpu.memory_space<semaphore_mem>>)
      %dma_wait3A = tpu.memref_slice %arg3[%mul3A_203] : memref<6291456xf32, #tpu.memory_space<hbm>> -> memref<49152xf32, #tpu.memory_space<hbm>>
      %dma_wait3A_210 = tpu.memref_slice %arg3[%mul3A_203] : memref<6291456xf32, #tpu.memory_space<hbm>> -> memref<49152xf32, #tpu.memory_space<hbm>>
      tpu.wait_dma2 semaphore(%run_scoped3A : memref<!tpu.dma_semaphore, #tpu.memory_space<semaphore_mem>>) src(%dma_wait3A_210 : memref<49152xf32, #tpu.memory_space<hbm>>) dst(%arg6 : memref<49152xf32, #tpu.memory_space<vmem>>)
      tpu.yield
    }) : () -> ()
    %scan3A_204 = arith.constant 0 : i32
    %scan3A_205 = arith.constant 3072 : i32
    %scan3A_206 = arith.addi %scan3A_204, %scan3A_205 : i32
    %scan3A_207 = arith.constant 8 : i32
    scf.for %scan3A_209 = %scan3A_204 to %scan3A_206 step %scan3A_207  : i32 {
      %mul3A_210 = arith.constant 1 : i32
      %mul3A_211 = arith.muli %scan3A_209, %mul3A_210 : i32
      %add3A_212 = arith.constant 0 : i32
      %add3A_213 = arith.addi %add3A_212, %mul3A_211 : i32
      %mul3A_214 = arith.constant 16 : i32
      %mul3A_215 = arith.muli %add3A_213, %mul3A_214 : i32
      %get3A = arith.index_cast %mul3A_215 : i32 to index
      %get3A_216 = tpu.vector_load %arg5[%get3A] {strides = array<i32>} : memref<49152xf32, #tpu.memory_space<vmem>>, vector<16xf32>,
      %get3A_217 = vector.shape_cast %get3A_216 : vector<16xf32> to vector<16xf32>
      %get3A_218 = arith.index_cast %mul3A_215 : i32 to index
      %get3A_219 = tpu.vector_load %arg6[%get3A_218] {strides = array<i32>} : memref<49152xf32, #tpu.memory_space<vmem>>, vector<16xf32>,
      %get3A_220 = vector.shape_cast %get3A_219 : vector<16xf32> to vector<16xf32>
      %add3A_221 = arith.addf %get3A_217, %get3A_220 : vector<16xf32>
      %swap3A = arith.index_cast %mul3A_215 : i32 to index
      %swap3A_222 = tpu.vector_load %arg5[%swap3A] {strides = array<i32>} : memref<49152xf32, #tpu.memory_space<vmem>>, vector<16xf32>,
      %swap3A_223 = vector.shape_cast %swap3A_222 : vector<16xf32> to vector<16xf32>
      %swap3A_224 = vector.shape_cast %add3A_221 : vector<16xf32> to vector<16xf32>
      tpu.vector_store %arg5[%swap3A], %swap3A_224 {strides = array<i32>} : memref<49152xf32, #tpu.memory_space<vmem>>, vector<16xf32>,
      %scan3A_225 = arith.constant 1 : i32
      %scan3A_226 = arith.addi %scan3A_209, %scan3A_225 : i32
      %mul3A_227 = arith.constant 1 : i32
      %mul3A_228 = arith.muli %scan3A_226, %mul3A_227 : i32
      %add3A_229 = arith.constant 0 : i32
      %add3A_230 = arith.addi %add3A_229, %mul3A_228 : i32
      %mul3A_231 = arith.constant 16 : i32
      %mul3A_232 = arith.muli %add3A_230, %mul3A_231 : i32
      %get3A_233 = arith.index_cast %mul3A_232 : i32 to index
      %get3A_234 = tpu.vector_load %arg5[%get3A_233] {strides = array<i32>} : memref<49152xf32, #tpu.memory_space<vmem>>, vector<16xf32>,
      %get3A_235 = vector.shape_cast %get3A_234 : vector<16xf32> to vector<16xf32>
      %get3A_236 = arith.index_cast %mul3A_232 : i32 to index
      %get3A_237 = tpu.vector_load %arg6[%get3A_236] {strides = array<i32>} : memref<49152xf32, #tpu.memory_space<vmem>>, vector<16xf32>,
      %get3A_238 = vector.shape_cast %get3A_237 : vector<16xf32> to vector<16xf32>
      %add3A_239 = arith.addf %get3A_235, %get3A_238 : vector<16xf32>
      %swap3A_240 = arith.index_cast %mul3A_232 : i32 to index
      %swap3A_241 = tpu.vector_load %arg5[%swap3A_240] {strides = array<i32>} : memref<49152xf32, #tpu.memory_space<vmem>>, vector<16xf32>,
      %swap3A_242 = vector.shape_cast %swap3A_241 : vector<16xf32> to vector<16xf32>
      %swap3A_243 = vector.shape_cast %add3A_239 : vector<16xf32> to vector<16xf32>
      tpu.vector_store %arg5[%swap3A_240], %swap3A_243 {strides = array<i32>} : memref<49152xf32, #tpu.memory_space<vmem>>, vector<16xf32>,
      %scan3A_244 = arith.constant 2 : i32
      %scan3A_245 = arith.addi %scan3A_209, %scan3A_244 : i32
      %mul3A_246 = arith.constant 1 : i32
      %mul3A_247 = arith.muli %scan3A_245, %mul3A_246 : i32
      %add3A_248 = arith.constant 0 : i32
      %add3A_249 = arith.addi %add3A_248, %mul3A_247 : i32
      %mul3A_250 = arith.constant 16 : i32
      %mul3A_251 = arith.muli %add3A_249, %mul3A_250 : i32
      %get3A_252 = arith.index_cast %mul3A_251 : i32 to index
      %get3A_253 = tpu.vector_load %arg5[%get3A_252] {strides = array<i32>} : memref<49152xf32, #tpu.memory_space<vmem>>, vector<16xf32>,
      %get3A_254 = vector.shape_cast %get3A_253 : vector<16xf32> to vector<16xf32>
      %get3A_255 = arith.index_cast %mul3A_251 : i32 to index
      %get3A_256 = tpu.vector_load %arg6[%get3A_255] {strides = array<i32>} : memref<49152xf32, #tpu.memory_space<vmem>>, vector<16xf32>,
      %get3A_257 = vector.shape_cast %get3A_256 : vector<16xf32> to vector<16xf32>
      %add3A_258 = arith.addf %get3A_254, %get3A_257 : vector<16xf32>
      %swap3A_259 = arith.index_cast %mul3A_251 : i32 to index
      %swap3A_260 = tpu.vector_load %arg5[%swap3A_259] {strides = array<i32>} : memref<49152xf32, #tpu.memory_space<vmem>>, vector<16xf32>,
      %swap3A_261 = vector.shape_cast %swap3A_260 : vector<16xf32> to vector<16xf32>
      %swap3A_262 = vector.shape_cast %add3A_258 : vector<16xf32> to vector<16xf32>
      tpu.vector_store %arg5[%swap3A_259], %swap3A_262 {strides = array<i32>} : memref<49152xf32, #tpu.memory_space<vmem>>, vector<16xf32>,
      %scan3A_263 = arith.constant 3 : i32
      %scan3A_264 = arith.addi %scan3A_209, %scan3A_263 : i32
      %mul3A_265 = arith.constant 1 : i32
      %mul3A_266 = arith.muli %scan3A_264, %mul3A_265 : i32
      %add3A_267 = arith.constant 0 : i32
      %add3A_268 = arith.addi %add3A_267, %mul3A_266 : i32
      %mul3A_269 = arith.constant 16 : i32
      %mul3A_270 = arith.muli %add3A_268, %mul3A_269 : i32
      %get3A_271 = arith.index_cast %mul3A_270 : i32 to index
      %get3A_272 = tpu.vector_load %arg5[%get3A_271] {strides = array<i32>} : memref<49152xf32, #tpu.memory_space<vmem>>, vector<16xf32>,
      %get3A_273 = vector.shape_cast %get3A_272 : vector<16xf32> to vector<16xf32>
      %get3A_274 = arith.index_cast %mul3A_270 : i32 to index
      %get3A_275 = tpu.vector_load %arg6[%get3A_274] {strides = array<i32>} : memref<49152xf32, #tpu.memory_space<vmem>>, vector<16xf32>,
      %get3A_276 = vector.shape_cast %get3A_275 : vector<16xf32> to vector<16xf32>
      %add3A_277 = arith.addf %get3A_273, %get3A_276 : vector<16xf32>
      %swap3A_278 = arith.index_cast %mul3A_270 : i32 to index
      %swap3A_279 = tpu.vector_load %arg5[%swap3A_278] {strides = array<i32>} : memref<49152xf32, #tpu.memory_space<vmem>>, vector<16xf32>,
      %swap3A_280 = vector.shape_cast %swap3A_279 : vector<16xf32> to vector<16xf32>
      %swap3A_281 = vector.shape_cast %add3A_277 : vector<16xf32> to vector<16xf32>
      tpu.vector_store %arg5[%swap3A_278], %swap3A_281 {strides = array<i32>} : memref<49152xf32, #tpu.memory_space<vmem>>, vector<16xf32>,
      %scan3A_282 = arith.constant 4 : i32
      %scan3A_283 = arith.addi %scan3A_209, %scan3A_282 : i32
      %mul3A_284 = arith.constant 1 : i32
      %mul3A_285 = arith.muli %scan3A_283, %mul3A_284 : i32
      %add3A_286 = arith.constant 0 : i32
      %add3A_287 = arith.addi %add3A_286, %mul3A_285 : i32
      %mul3A_288 = arith.constant 16 : i32
      %mul3A_289 = arith.muli %add3A_287, %mul3A_288 : i32
      %get3A_290 = arith.index_cast %mul3A_289 : i32 to index
      %get3A_291 = tpu.vector_load %arg5[%get3A_290] {strides = array<i32>} : memref<49152xf32, #tpu.memory_space<vmem>>, vector<16xf32>,
      %get3A_292 = vector.shape_cast %get3A_291 : vector<16xf32> to vector<16xf32>
      %get3A_293 = arith.index_cast %mul3A_289 : i32 to index
      %get3A_294 = tpu.vector_load %arg6[%get3A_293] {strides = array<i32>} : memref<49152xf32, #tpu.memory_space<vmem>>, vector<16xf32>,
      %get3A_295 = vector.shape_cast %get3A_294 : vector<16xf32> to vector<16xf32>
      %add3A_296 = arith.addf %get3A_292, %get3A_295 : vector<16xf32>
      %swap3A_297 = arith.index_cast %mul3A_289 : i32 to index
      %swap3A_298 = tpu.vector_load %arg5[%swap3A_297] {strides = array<i32>} : memref<49152xf32, #tpu.memory_space<vmem>>, vector<16xf32>,
      %swap3A_299 = vector.shape_cast %swap3A_298 : vector<16xf32> to vector<16xf32>
      %swap3A_300 = vector.shape_cast %add3A_296 : vector<16xf32> to vector<16xf32>
      tpu.vector_store %arg5[%swap3A_297], %swap3A_300 {strides = array<i32>} : memref<49152xf32, #tpu.memory_space<vmem>>, vector<16xf32>,
      %scan3A_301 = arith.constant 5 : i32
      %scan3A_302 = arith.addi %scan3A_209, %scan3A_301 : i32
      %mul3A_303 = arith.constant 1 : i32
      %mul3A_304 = arith.muli %scan3A_302, %mul3A_303 : i32
      %add3A_305 = arith.constant 0 : i32
      %add3A_306 = arith.addi %add3A_305, %mul3A_304 : i32
      %mul3A_307 = arith.constant 16 : i32
      %mul3A_308 = arith.muli %add3A_306, %mul3A_307 : i32
      %get3A_309 = arith.index_cast %mul3A_308 : i32 to index
      %get3A_310 = tpu.vector_load %arg5[%get3A_309] {strides = array<i32>} : memref<49152xf32, #tpu.memory_space<vmem>>, vector<16xf32>,
      %get3A_311 = vector.shape_cast %get3A_310 : vector<16xf32> to vector<16xf32>
      %get3A_312 = arith.index_cast %mul3A_308 : i32 to index
      %get3A_313 = tpu.vector_load %arg6[%get3A_312] {strides = array<i32>} : memref<49152xf32, #tpu.memory_space<vmem>>, vector<16xf32>,
      %get3A_314 = vector.shape_cast %get3A_313 : vector<16xf32> to vector<16xf32>
      %add3A_315 = arith.addf %get3A_311, %get3A_314 : vector<16xf32>
      %swap3A_316 = arith.index_cast %mul3A_308 : i32 to index
      %swap3A_317 = tpu.vector_load %arg5[%swap3A_316] {strides = array<i32>} : memref<49152xf32, #tpu.memory_space<vmem>>, vector<16xf32>,
      %swap3A_318 = vector.shape_cast %swap3A_317 : vector<16xf32> to vector<16xf32>
      %swap3A_319 = vector.shape_cast %add3A_315 : vector<16xf32> to vector<16xf32>
      tpu.vector_store %arg5[%swap3A_316], %swap3A_319 {strides = array<i32>} : memref<49152xf32, #tpu.memory_space<vmem>>, vector<16xf32>,
      %scan3A_320 = arith.constant 6 : i32
      %scan3A_321 = arith.addi %scan3A_209, %scan3A_320 : i32
      %mul3A_322 = arith.constant 1 : i32
      %mul3A_323 = arith.muli %scan3A_321, %mul3A_322 : i32
      %add3A_324 = arith.constant 0 : i32
      %add3A_325 = arith.addi %add3A_324, %mul3A_323 : i32
      %mul3A_326 = arith.constant 16 : i32
      %mul3A_327 = arith.muli %add3A_325, %mul3A_326 : i32
      %get3A_328 = arith.index_cast %mul3A_327 : i32 to index
      %get3A_329 = tpu.vector_load %arg5[%get3A_328] {strides = array<i32>} : memref<49152xf32, #tpu.memory_space<vmem>>, vector<16xf32>,
      %get3A_330 = vector.shape_cast %get3A_329 : vector<16xf32> to vector<16xf32>
      %get3A_331 = arith.index_cast %mul3A_327 : i32 to index
      %get3A_332 = tpu.vector_load %arg6[%get3A_331] {strides = array<i32>} : memref<49152xf32, #tpu.memory_space<vmem>>, vector<16xf32>,
      %get3A_333 = vector.shape_cast %get3A_332 : vector<16xf32> to vector<16xf32>
      %add3A_334 = arith.addf %get3A_330, %get3A_333 : vector<16xf32>
      %swap3A_335 = arith.index_cast %mul3A_327 : i32 to index
      %swap3A_336 = tpu.vector_load %arg5[%swap3A_335] {strides = array<i32>} : memref<49152xf32, #tpu.memory_space<vmem>>, vector<16xf32>,
      %swap3A_337 = vector.shape_cast %swap3A_336 : vector<16xf32> to vector<16xf32>
      %swap3A_338 = vector.shape_cast %add3A_334 : vector<16xf32> to vector<16xf32>
      tpu.vector_store %arg5[%swap3A_335], %swap3A_338 {strides = array<i32>} : memref<49152xf32, #tpu.memory_space<vmem>>, vector<16xf32>,
      %scan3A_339 = arith.constant 7 : i32
      %scan3A_340 = arith.addi %scan3A_209, %scan3A_339 : i32
      %mul3A_341 = arith.constant 1 : i32
      %mul3A_342 = arith.muli %scan3A_340, %mul3A_341 : i32
      %add3A_343 = arith.constant 0 : i32
      %add3A_344 = arith.addi %add3A_343, %mul3A_342 : i32
      %mul3A_345 = arith.constant 16 : i32
      %mul3A_346 = arith.muli %add3A_344, %mul3A_345 : i32
      %get3A_347 = arith.index_cast %mul3A_346 : i32 to index
      %get3A_348 = tpu.vector_load %arg5[%get3A_347] {strides = array<i32>} : memref<49152xf32, #tpu.memory_space<vmem>>, vector<16xf32>,
      %get3A_349 = vector.shape_cast %get3A_348 : vector<16xf32> to vector<16xf32>
      %get3A_350 = arith.index_cast %mul3A_346 : i32 to index
      %get3A_351 = tpu.vector_load %arg6[%get3A_350] {strides = array<i32>} : memref<49152xf32, #tpu.memory_space<vmem>>, vector<16xf32>,
      %get3A_352 = vector.shape_cast %get3A_351 : vector<16xf32> to vector<16xf32>
      %add3A_353 = arith.addf %get3A_349, %get3A_352 : vector<16xf32>
      %swap3A_354 = arith.index_cast %mul3A_346 : i32 to index
      %swap3A_355 = tpu.vector_load %arg5[%swap3A_354] {strides = array<i32>} : memref<49152xf32, #tpu.memory_space<vmem>>, vector<16xf32>,
      %swap3A_356 = vector.shape_cast %swap3A_355 : vector<16xf32> to vector<16xf32>
      %swap3A_357 = vector.shape_cast %add3A_353 : vector<16xf32> to vector<16xf32>
      tpu.vector_store %arg5[%swap3A_354], %swap3A_357 {strides = array<i32>} : memref<49152xf32, #tpu.memory_space<vmem>>, vector<16xf32>,
    }
    %scan3A_208 = arith.constant 3072 : i32
    "tpu.region"() ({
      %run_scoped3A = tpu.sem_alloc : memref<!tpu.dma_semaphore, #tpu.memory_space<semaphore_mem>>
      %dma_start3A = tpu.memref_slice %arg4[%mul3A_199] : memref<25165824xf32, #tpu.memory_space<hbm>> -> memref<49152xf32, #tpu.memory_space<hbm>>
      %dma_start3A_209 = tpu.memref_slice %arg4[%mul3A_199] : memref<25165824xf32, #tpu.memory_space<hbm>> -> memref<49152xf32, #tpu.memory_space<hbm>>
      tpu.enqueue_dma source(%arg5 : memref<49152xf32, #tpu.memory_space<vmem>>) target(%dma_start3A_209 : memref<49152xf32, #tpu.memory_space<hbm>>) target_semaphore(%run_scoped3A : memref<!tpu.dma_semaphore, #tpu.memory_space<semaphore_mem>>)
      %dma_wait3A = tpu.memref_slice %arg4[%mul3A_199] : memref<25165824xf32, #tpu.memory_space<hbm>> -> memref<49152xf32, #tpu.memory_space<hbm>>
      %dma_wait3A_210 = tpu.memref_slice %arg4[%mul3A_199] : memref<25165824xf32, #tpu.memory_space<hbm>> -> memref<49152xf32, #tpu.memory_space<hbm>>
      tpu.wait_dma2 semaphore(%run_scoped3A : memref<!tpu.dma_semaphore, #tpu.memory_space<semaphore_mem>>) src(%arg5 : memref<49152xf32, #tpu.memory_space<vmem>>) dst(%dma_wait3A_210 : memref<49152xf32, #tpu.memory_space<hbm>>)
      tpu.yield
    }) : () -> ()
    return
  }
}

</mosaic_0001>

<sc_bundles>
// kernel: kernel.3.cloned.1.call-start
scs
__scs_entry_jumppad:
0x0: {  	(pc) =	sbr.rel $0x88, $3  }
0x1: {  	(tag) =	ssettag $0x0;
	lr =	simm.s32 $0x1  }
0x2: {  	[smem:$0x3F9F] =	sst lr;
	_ =	strace $0xD0000000  }
0x3: {  	_ = 	snop  }
0x4: {  	_ = 	snop  }
0x5: {  	_ = 	snop  }
0x6: {  	_ = 	snop  }
0x7: {  	_ = 	snop  }
__scs_overlays_trampoline_lowered:
0x8: {  	[smem:$0x3FAE] =	sst s0  }
0x9: {  	[smem:$0x3FAF] =	sst s1  }
0xa: {  	[smem:$0x3FB0] =	sst s2  }
0xb: {  	[smem:$0x3FB1] =	sst s3  }
0xc: {  	[smem:$0x3FB2] =	sst s4  }
0xd: {  	[smem:$0x3FB3] =	sst s5  }
0xe: {  	[smem:$0x3FB4] =	sst s6  }
0xf: {  	[smem:$0x3FB5] =	sst s7  }
0x10: {  	[smem:$0x3FB6] =	sst s8  }
0x11: {  	[smem:$0x3FB7] =	sst s9;
	s0 =	simm.s32 @!p0 $0x0  }
0x12: {  	s1 =	sld [smem:$0x3F9D];
	s0 =	simm.s32 @p0 $0x1  }
0x13: {  	[smem:$0x3FB8] =	sst s0;
	s0 =	simm.s32 @!p1 $0x0  }
0x14: {  	s2 =	sld [smem:$0x3F9C];
	s0 =	simm.s32 @p1 $0x1  }
0x15: {  	[smem:$0x3FB9] =	sst s0;
	s0 =	simm.s32 @!p2 $0x0  }
0x16: {  	s3 =	sld [smem:$0x3FDB];
	s0 =	simm.s32 @p2 $0x1  }
0x17: {  	s4 =	simm.s32 $0x1BF5;
	[smem:$0x3FBB] =	sst s0  }
0x18: {  	s0 =	sld [smem:$0x3F9E];
	_ =	swait.ge [sflag:s4], $0x0  }
0x19: {  	s7 =	sld [smem:$0x3F9F]  }
0x1a: {  	s8 =	sadd.s32 $0xFFFFE003, lr  }
0x1b: {  	s9 =	sadd.s32 $0xFFFFFEF7, lr;
	s5 =	simm.s32 $0xFFFFFFFF;
	p2 =	slt.u32 s8, $0xFFFFF086  }
0x1c: {  	p1 =	slt.u32 s9, $0xF7A;
	s5 =	simm.s32 @!p2 $0x0  }
0x1d: {  	s5 =	simm.s32 @p1 $0x1;
	p0 =	seq.s32 s7, s2  }
0x1e: {  	s7 =	smul.u32 @!p0 $0xF7A, s2;
	p2 =	seq.s32 @!p0 s5, $0x0  }
0x1f: {  	s9 =	smul.u32 $0xF7A, s1;
	s8 =	simm.s32 @!p0 $0x1BF5;
	p2 =	por !p2, p0  }
0x20: {  	[sflag:s8] =	ssyncset.s32 @!p0 $0xFFFFF086;
	s6 =	sadd.s32 @!p0 s3, s7;
	s7 =	simm.s32 @!p0 $0x108  }
0x21: {  	s3 =	sadd.s32 s3, s9;
	s6 =	sadd.s32 @!p0 $0x88, s6;
	s7 =	simm.s32 @p2 $0x1082  }
0x22: {  	[simem:s7], [sflag:s8] =	dma.local @!p0 [hbm:s6], $0xF7A  }
0x23: {  	s9 =	sor.u32 $0xD0000000, s2;
	s6 =	simm.s32 $0x108;
	_ =	swait.ge @!p0 [sflag:s8], $0x0  }
0x24: {  	s3 =	sadd.s32 $0x88, s3;
	s6 =	simm.s32 @!p1 $0x1082;
	[sflag:s4] =	ssyncset.s32 $0xFFFFF086  }
0x25: {  	[simem:s6], [sflag:s4] =	dma.local [hbm:s3], $0xF7A  }
0x26: {  	[smem:$0x3F9F] =	sst s1;
	(tag) =	ssettag s2;
	_ =	strace s9  }
0x27: {  	s1 =	sld [smem:$0x3FAF]  }
0x28: {  	s2 =	sld [smem:$0x3FB0]  }
0x29: {  	s4 =	sld [smem:$0x3FB2]  }
0x2a: {  	p0 =	seq.s32 s5, $0x0;
	s5 =	sld [smem:$0x3FB3]  }
0x2b: {  	s6 =	sld [smem:$0x3FB4]  }
0x2c: {  	s7 =	sld [smem:$0x3FB5]  }
0x2d: {  	s3 =	simm.s32 $0x108;
	s8 =	sld [smem:$0x3FB6]  }
0x2e: {  	s3 =	simm.s32 @!p0 $0x1082;
	s9 =	sld [smem:$0x3FB7]  }
0x2f: {  	lr =	sadd.s32 s0, s3;
	s0 =	sld [smem:$0x3FAE]  }
0x30: {  	s3 =	sld [smem:$0x3FB1]  }
0x31: {  	[smem:$0x3FBA] =	sst s10  }
0x32: {  	s10 =	sld [smem:$0x3FB8];
	_ =	sdelay $0x3  }
0x33: {  	p0 =	seq.s32 s10, $0x1;
	s10 =	sld [smem:$0x3FBA];
	_ =	sdelay $0x3  }
0x34: {  	[smem:$0x3FBA] =	sst s10  }
0x35: {  	s10 =	sld [smem:$0x3FB9];
	_ =	sdelay $0x3  }
0x36: {  	p1 =	seq.s32 s10, $0x1;
	s10 =	sld [smem:$0x3FBA];
	_ =	sdelay $0x3  }
0x37: {  	[smem:$0x3FBA] =	sst s10  }
0x38: {  	s10 =	sld [smem:$0x3FBB]  }
0x39: {  	_ = 	snop;
	(pc) =	sbr.ind lr, $3  }
0x3a: {  	_ = 	snop  }
0x3b: {  	_ = 	snop  }
0x3c: {  	p2 =	seq.s32 s10, $0x1;
	s10 =	sld [smem:$0x3FBA]  }
0x3d: {  	_ =	shalt  }
0x3e: {  	_ =	shalt  }
0x3f: {  	_ =	shalt  }
0x40: {  	_ =	shalt  }
0x41: {  	_ =	shalt  }
0x42: {  	_ =	shalt  }
0x43: {  	_ =	shalt  }
0x44: {  	_ =	shalt  }
0x45: {  	_ =	shalt  }
0x46: {  	_ =	shalt  }
0x47: {  	_ =	shalt  }
0x48: {  	_ =	shalt  }
0x49: {  	_ =	shalt  }
0x4a: {  	_ =	shalt  }
0x4b: {  	_ =	shalt  }
0x4c: {  	_ =	shalt  }
0x4d: {  	_ =	shalt  }
0x4e: {  	_ =	shalt  }
0x4f: {  	_ =	shalt  }
0x50: {  	_ =	shalt  }
0x51: {  	_ =	shalt  }
0x52: {  	_ =	shalt  }
0x53: {  	_ =	shalt  }
0x54: {  	_ =	shalt  }
0x55: {  	_ =	shalt  }
0x56: {  	_ =	shalt  }
0x57: {  	_ =	shalt  }
0x58: {  	_ =	shalt  }
0x59: {  	_ =	shalt  }
0x5a: {  	_ =	shalt  }
0x5b: {  	_ =	shalt  }
0x5c: {  	_ =	shalt  }
0x5d: {  	_ =	shalt  }
0x5e: {  	_ =	shalt  }
0x5f: {  	_ =	shalt  }
0x60: {  	_ =	shalt  }
0x61: {  	_ =	shalt  }
0x62: {  	_ =	shalt  }
0x63: {  	_ =	shalt  }
0x64: {  	_ =	shalt  }
0x65: {  	_ =	shalt  }
0x66: {  	_ =	shalt  }
0x67: {  	_ =	shalt  }
0x68: {  	_ =	shalt  }
0x69: {  	_ =	shalt  }
0x6a: {  	_ =	shalt  }
0x6b: {  	_ =	shalt  }
0x6c: {  	_ =	shalt  }
0x6d: {  	_ =	shalt  }
0x6e: {  	_ =	shalt  }
0x6f: {  	_ =	shalt  }
0x70: {  	_ =	shalt  }
0x71: {  	_ =	shalt  }
0x72: {  	_ =	shalt  }
0x73: {  	_ =	shalt  }
0x74: {  	_ =	shalt  }
0x75: {  	_ =	shalt  }
0x76: {  	_ =	shalt  }
0x77: {  	_ =	shalt  }
0x78: {  	_ =	shalt  }
0x79: {  	_ =	shalt  }
0x7a: {  	_ =	shalt  }
0x7b: {  	_ =	shalt  }
0x7c: {  	_ =	shalt  }
0x7d: {  	_ =	shalt  }
0x7e: {  	_ =	shalt  }
0x7f: {  	_ =	shalt  }
0x80: {  	_ =	shalt  }
0x81: {  	_ =	shalt  }
0x82: {  	_ =	shalt  }
0x83: {  	_ =	shalt  }
0x84: {  	_ =	shalt  }
0x85: {  	_ =	shalt  }
0x86: {  	_ =	shalt  }
0x87: {  	_ =	shalt  }
.Lfunc_end0:
.L_simem_size_0:
called_computation_lowered:
.L_overlay_start_0:
0x88: {  	s2 =	sld [smem:$0x3FD9]  }
0x89: {  	s3 =	sld [smem:$0x3FFE];
	_ =	sdelay $0x1  }
0x8a: {  	s1 =	srdreg.scid  }
0x8b: {  	s0 =	sand.u32 $0x1, s1  }
0x8c: {  	s17 =	sshll.u32 s0, $0xA;
	s2 =	sadd.s32 s3, s2  }
0x8d: {  	s2 =	sadd.s32 s2, s17  }
0x8e: {  	[smem:$0x3FC6] =	sst s2  }
0x8f: {  	_ = 	snop  }
0x90: {  	s2 =	sld [smem:$0x3FD0];
	(tm) =	ssettm $0x1  }
0x91: {  	s18 =	sld [smem:$0x3FFB];
	_ =	sdelay $0x3  }
0x92: {  	_ =	strace s18  }
0x93: {  	s3 =	sld [smem:$0x3FFC];
	_ =	sdelay $0x3  }
0x94: {  	_ =	strace s3  }
0x95: {  	s3 =	sld [smem:$0x3FFD];
	_ =	sdelay $0x3  }
0x96: {  	_ =	strace s3  }
0x97: {  	_ =	strace $0x8FFFFFFF  }
0x98: {  	s19 =	sld [smem:$0x3FDB];
	_ =	sdelay $0x1  }
0x99: {  	s4 =	simm.s32 $_scs_section_size  }
0x9a: {  	s5 =	simm.s32 $_size__tile_overlayer_lowered;
	s6 =	simm.s32 $_tile_overlayer_lowered  }
0x9b: {  	s22 =	simm.s32 $0x1BFF;
	s21 =	sshll.u32 s6, $0x1;
	s3 =	sadd.s32 s4, s19  }
0x9c: {  	s7 =	simm.s32 $0x0;
	s20 =	sshll.u32 s5, $0x1;
	s5 =	sadd.s32 s21, s3  }
0x9d: {  	[timem:s7], [sflag:s22] =	dma.local [hbm:s5], s20  }
0x9e: {  	_ =	swait.ge [sflag:s22], s20  }
0x9f: {  	s4 =	ssub.s32 $0x0, s20;
	[sflag:s22] =	ssyncset.done $0x0  }
0xa0: {  	[sflag:s22] =	ssyncadd.s32 s4;
	_ =	sdelay $0x1  }
0xa1: {  	s23 =	simm.s32 $0x1B8B  }
0xa2: {  	_ =	swait.ge [sflag:s23], $0x1  }
0xa3: {  	[sflag:s23] =	ssyncset.done $0x0  }
0xa4: {  	s25 =	simm.s32 $0x1B8E;
	s24 =	sld [smem:$0x3FFE];
	[sflag:s23] =	ssyncadd.s32 $0xFFFFFFFF  }
0xa5: {  	s26 =	simm.s32 $execute0_lowered;
	[smem:$0x3FD2] =	sst s25  }
0xa6: {  	s5 =	sshll.u32 s26, $0x1;
	_ =	strace $0x80000046;
	[dreg:$0x1] =	wrdreg $0xFFFFFFFF  }
0xa7: {  	s28 =	simm.s32 $_size_execute0_lowered;
	s3 =	sadd.s32 s3, s5;
	[dreg:$0x0] =	wrdreg $0x0  }
0xa8: {  	s5 =	sshll.u32 s28, $0x1;
	[dreg:$0x2] =	wrdreg s3  }
0xa9: {  	[dreg:$0x3] =	wrdreg s5  }
0xaa: {  	[dreg:$0x4] =	wrdreg $0xC0  }
0xab: {  	_ =	task [dreg:s7], $0x5FFFF  }
0xac: {  	[dreg:$0x1] =	wrdreg $0xFFFFFFFF  }
0xad: {  	[dreg:$0x0] =	wrdreg $0x60  }
0xae: {  	[dreg:$0x2] =	wrdreg s2  }
0xaf: {  	[dreg:$0x3] =	wrdreg s24  }
0xb0: {  	[dreg:$0x4] =	wrdreg $0x9  }
0xb1: {  	_ =	task.clear_ibuf [dreg:s7], $0x5FFFF;
	_ =	strace $0x90000046  }
0xb2: {  	s29 =	simm.s32 $0x9;
	_ =	strace $0x80000048  }
0xb3: {  	_ =	swait.ge [sflag:s29], $0x1  }
0xb4: {  	[sflag:s29] =	ssyncadd.s32 $0xFFFFFFFF  }
0xb5: {  	_ =	strace $0x90000048  }
0xb6: {  	_ =	sfence  }
0xb7: {  	s30 =	sld [smem:$0x0];
	_ =	sdelay $0x2  }
0xb8: {  	s31 =	sshll.u32 s1, $0xD;
	s1 =	sshrl.u32 s1, $0x2  }
0xb9: {  	s3 =	sand.u32 $0x4000, s31;
	s1 =	sadd.s32 s1, s30  }
0xba: {  	s0 =	sor.u32 s3, s0;
	s1 =	sshll.u32 s1, $0x11  }
0xbb: {  	s0 =	sor.u32 s1, s0  }
0xbc: {  	s0 =	sadd.s32 $0x8F2B, s0  }
0xbd: {  	[sflag:s0] =	ssyncadd.remote.s32 $0x1  }
0xbe: {  	_ =	sfence.sel $0xFFFF  }
0xbf: {  	[dreg:$0x0] =	wrdreg $0xFFFFFFFF;
	(pc) =	sbr.abs _section_cstart, $3  }
0xc0: {  	[dreg:$0x1] =	wrdreg $0xFFFFFFFF  }
0xc1: {  	_ =	task.clear_ibuf [dreg:s7], $0x2FFFF;
	_ =	strace $0x9FFFFFFF  }
0xc2: {  	(tm) =	ssettm $0x7FFFFFFF  }
0xc3: {  	_ =	shalt  }
tec
execute0_lowered:
.L_overlay_start_1:
0x0: {  	(tag) =	ssettag $0x1  }
0x1: {  	s0 =	srdreg.scid;
	s2 =	stileid.u32  }
0x2: {  	s1 =	sand.u32 $0x1, s0;
	s2 =	sshll.u32 s2, $0x1  }
0x3: {  	s0 =	rddreg [dreg:$0x1];
	s3 =	sor.u32 s1, s2  }
0x4: {  	s2 =	sadd.s32 $0x400, s0;
	s6 =	ssub.s32 $0x2, s1;
	s7 =	sshll.u32 s3, $0xA  }
0x5: {  	s1 =	smul.u32 $0x18000, s3;
	s11 =	sshrl.u32 s6, $0x1;
	s4 =	sand.u32 $0x1C00, s7  }
0x6: {  	s3 =	sor.u32 $0x40, s7;
	s5 =	sor.u32 $0x80, s7;
	s20 =	ssub.s32 s6, s11  }
0x7: {  	s11 =	sor.u32 $0x180, s7;
	s8 =	smul.u32 $0x60, s4;
	s17 =	sand.u32 $0x1C40, s3  }
0x8: {  	s13 =	sor.u32 $0x1C0, s7;
	s10 =	sand.u32 $0x1C80, s5;
	s9 =	smul.u32 $0x60, s17  }
0x9: {  	s15 =	sor.u32 $0x200, s7;
	s14 =	sand.u32 $0x1DC0, s13;
	s10 =	smul.u32 $0x60, s10  }
0xa: {  	s4 =	sor.u32 $0xC0, s7;
	s16 =	sand.u32 $0x1E00, s15;
	s14 =	smul.u32 $0x60, s14  }
0xb: {  	s25 =	sand.u32 $0x1D80, s11;
	s12 =	sand.u32 $0x1CC0, s4;
	s26 =	smul.u32 $0x60, s16  }
0xc: {  	s17 =	sor.u32 $0x240, s7;
	s18 =	sadd.s32 s2, s8;
	s19 =	smul.u32 $0x60, s12  }
0xd: {  	s8 =	sor.u32 $0x100, s7;
	s12 =	smul.u32 $0x60, s25;
	s28 =	sand.u32 $0x1E40, s17  }
0xe: {  	[dreg:$0x3] =	wrdreg s18;
	s21 =	sadd.s32 s2, s9;
	s22 =	sadd.s32 s2, s10  }
0xf: {  	s23 =	sand.u32 $0x1D00, s8;
	s9 =	sor.u32 $0x140, s7;
	[dreg:$0x4] =	wrdreg s21  }
0x10: {  	s18 =	smul.u32 $0x60, s28;
	[dreg:$0x5] =	wrdreg s22;
	s6 =	sadd.s32 s2, s19  }
0x11: {  	s24 =	sand.u32 $0x1D40, s9;
	s12 =	sadd.s32 s2, s12;
	[dreg:$0x6] =	wrdreg s6  }
0x12: {  	s19 =	sadd.s32 s2, s14;
	s6 =	smul.u32 $0x60, s23;
	[dreg:$0x9] =	wrdreg s12  }
0x13: {  	s10 =	smul.u32 $0x60, s24;
	[dreg:$0xa] =	wrdreg s19  }
0x14: {  	s12 =	sor.u32 $0x2C0, s7;
	s19 =	sor.u32 $0x340, s7;
	s6 =	sadd.s32 s2, s6  }
0x15: {  	s22 =	sand.u32 $0x1EC0, s12;
	s10 =	sadd.s32 s2, s10;
	[dreg:$0x7] =	wrdreg s6  }
0x16: {  	s14 =	smul.u32 $0x60, s22;
	s22 =	sor.u32 $0x380, s7;
	[dreg:$0x8] =	wrdreg s10  }
0x17: {  	s6 =	sadd.s32 s2, s26;
	s10 =	sadd.s32 s2, s18;
	s18 =	sor.u32 $0x300, s7  }
0x18: {  	s24 =	sand.u32 $0x1F80, s22;
	s23 =	sand.u32 $0x1F00, s18;
	s18 =	smul.u32 $0x60, s18  }
0x19: {  	[dreg:$0xb] =	wrdreg s6;
	s6 =	sor.u32 $0x280, s7;
	s16 =	smul.u32 $0x60, s23  }
0x1a: {  	s14 =	sadd.s32 s2, s14;
	s23 =	sor.u32 $0x3C0, s7;
	s7 =	smul.u32 $0x60, s24  }
0x1b: {  	s21 =	sand.u32 $0x1E80, s6;
	[dreg:$0xe] =	wrdreg s14;
	s14 =	smul.u32 $0x60, s5  }
0x1c: {  	[dreg:$0xc] =	wrdreg s10;
	s10 =	smul.u32 $0x60, s21;
	s21 =	sand.u32 $0x1F40, s19  }
0x1d: {  	s21 =	smul.u32 $0x60, s21;
	s26 =	sadd.s32 s2, s16  }
0x1e: {  	[dreg:$0xf] =	wrdreg s26;
	s26 =	smul.u32 $0x60, s4  }
0x1f: {  	s7 =	sadd.s32 s2, s7;
	s4 =	smul.u32 $0x60, s8  }
0x20: {  	[dreg:$0x11] =	wrdreg s7;
	s7 =	smul.u32 $0x60, s9  }
0x21: {  	s20 =	smax.u32 s20, $0x1;
	s24 =	rddreg [dreg:$0x0];
	s9 =	smul.u32 $0x60, s11  }
0x22: {  	s25 =	sand.u32 $0x1FC0, s23;
	s16 =	simm.s32 $0x0;
	s11 =	smul.u32 $0x60, s13  }
0x23: {  	s5 =	sadd.s32 s24, s14;
	[smem:$0x7FF] =	sst s16;
	s13 =	smul.u32 $0x60, s15  }
0x24: {  	s10 =	sadd.s32 s2, s10;
	[dreg:$0x17] =	wrdreg s5;
	s15 =	smul.u32 $0x60, s6  }
0x25: {  	[dreg:$0xd] =	wrdreg s10;
	s10 =	smul.u32 $0x60, s25;
	s28 =	sadd.s32 s2, s21  }
0x26: {  	s21 =	sadd.s32 $0xC0400, s0;
	s25 =	sadd.s32 s24, s1;
	[dreg:$0x10] =	wrdreg s28  }
0x27: {  	[dreg:$0x13] =	wrdreg s25;
	s1 =	sadd.s32 s21, s1;
	s0 =	sadd.s32 s21, s14  }
0x28: {  	s8 =	sadd.s32 s24, s26;
	s29 =	sadd.s32 s24, s7;
	s14 =	smul.u32 $0x60, s17  }
0x29: {  	s30 =	sadd.s32 s21, s7;
	s31 =	sadd.s32 s24, s9;
	s17 =	smul.u32 $0x60, s12  }
0x2a: {  	s7 =	sadd.s32 s24, s15;
	s25 =	smul.u32 $0x60, s19;
	[dreg:$0x14] =	wrdreg s1  }
0x2b: {  	s12 =	sadd.s32 s21, s18;
	s2 =	sadd.s32 s2, s10;
	[dreg:$0x18] =	wrdreg s0  }
0x2c: {  	s10 =	smul.u32 $0x60, s3;
	[dreg:$0x19] =	wrdreg s8;
	s1 =	sadd.s32 s21, s26  }
0x2d: {  	s0 =	sadd.s32 s21, s9;
	s3 =	sadd.s32 s24, s13;
	s8 =	sadd.s32 s21, s15  }
0x2e: {  	s26 =	smul.u32 $0x60, s22;
	s22 =	simm.s32 $0xC000;
	[dreg:$0x12] =	wrdreg s2  }
0x2f: {  	[dreg:$0x1a] =	wrdreg s1;
	s1 =	sadd.s32 s24, s11;
	s5 =	sadd.s32 s24, s14  }
0x30: {  	s6 =	sadd.s32 s21, s14;
	s9 =	sadd.s32 s24, s17;
	s28 =	sadd.s32 s24, s10  }
0x31: {  	s14 =	sadd.s32 s21, s25;
	s2 =	sadd.s32 s21, s10;
	[dreg:$0x15] =	wrdreg s28  }
0x32: {  	s10 =	sadd.s32 s24, s4;
	s15 =	sadd.s32 s24, s26;
	[dreg:$0x16] =	wrdreg s2  }
0x33: {  	[dreg:$0x1b] =	wrdreg s10;
	s2 =	sadd.s32 s21, s4;
	s4 =	sadd.s32 s21, s13  }
0x34: {  	s10 =	sadd.s32 s21, s17;
	s28 =	smul.u32 $0x60, s23;
	s13 =	sadd.s32 s24, s25  }
0x35: {  	s17 =	sadd.s32 s21, s26;
	s23 =	simm.s32 $0x0;
	[dreg:$0x1c] =	wrdreg s2  }
0x36: {  	s2 =	sadd.s32 s21, s11;
	s11 =	sadd.s32 s24, s18;
	s18 =	sadd.s32 s24, s28  }
0x37: {  	s19 =	sadd.s32 s21, s28;
	_ =	strace $0x80000047;
	s21 =	simm.s32 $0x1  }
.LBB2_1:
0x38: {  	s24 =	rddreg [dreg:$0x13]  }
0x39: {  	[tilespmem:s16], [sflag:$0x1] =	stream.linear.gather [hbm4b:s24+s16], $0xC000, $0x38;
	[tilespmem:$0x18000] =	vst v63  }
0x3a: {  	_ =	swait.ge [sflag:s21], $0xC000  }
0x3b: {  	[sflag:s21] =	ssyncset.done $0x0  }
0x3c: {  	s26 =	rddreg [dreg:$0x3];
	[sflag:s21] =	ssyncadd.s32 $0xFFFF4000  }
0x3d: {  	[tilespmem:s22], [sflag:$0x1] =	stream.linear.gather [hbm4b:s26+s16], $0xC000, $0x38;
	[tilespmem:$0x18000] =	vst v63  }
0x3e: {  	_ =	swait.ge [sflag:s21], $0xC000  }
0x3f: {  	[sflag:s21] =	ssyncset.done $0x0  }
0x40: {  	s24 =	simm.s32 $0x40;
	[sflag:s21] =	ssyncadd.s32 $0xFFFF4000  }
0x41: {  	s25 =	simm.s32 $0xC040;
	v0 =	vld [tilespmem:s24+$0xFFFFFFC0]  }
0x42: {  	v1 =	vld [tilespmem:s25+$0xFFFFFFC0];
	_ =	sdelay $0x4  }
0x43: {  	v0 =	vadd.f32 v1, v0;
	_ =	sdelay $0x1  }
0x44: {  	[tilespmem:s24+$0xFFFFFFC0] =	vst v0;
	v0 =	vld [tilespmem:s24+$0xFFFFFFD0]  }
0x45: {  	v1 =	vld [tilespmem:s25+$0xFFFFFFD0];
	_ =	sdelay $0x4  }
0x46: {  	v0 =	vadd.f32 v1, v0;
	_ =	sdelay $0x1  }
0x47: {  	[tilespmem:s24+$0xFFFFFFD0] =	vst v0;
	v0 =	vld [tilespmem:s24+$0xFFFFFFE0]  }
0x48: {  	v1 =	vld [tilespmem:s25+$0xFFFFFFE0];
	_ =	sdelay $0x4  }
0x49: {  	v0 =	vadd.f32 v1, v0;
	_ =	sdelay $0x1  }
0x4a: {  	[tilespmem:s24+$0xFFFFFFE0] =	vst v0;
	v0 =	vld [tilespmem:s24+$0xFFFFFFF0]  }
0x4b: {  	v1 =	vld [tilespmem:s25+$0xFFFFFFF0];
	_ =	sdelay $0x4  }
0x4c: {  	v0 =	vadd.f32 v1, v0;
	_ =	sdelay $0x1  }
0x4d: {  	[tilespmem:s24+$0xFFFFFFF0] =	vst v0;
	v0 =	vld [tilespmem:s24+$0x0]  }
0x4e: {  	v1 =	vld [tilespmem:s25+$0x0];
	_ =	sdelay $0x4  }
0x4f: {  	v0 =	vadd.f32 v1, v0;
	_ =	sdelay $0x1  }
0x50: {  	[tilespmem:s24+$0x0] =	vst v0;
	v0 =	vld [tilespmem:s24+$0x10]  }
0x51: {  	v1 =	vld [tilespmem:s25+$0x10];
	_ =	sdelay $0x4  }
0x52: {  	v0 =	vadd.f32 v1, v0;
	_ =	sdelay $0x1  }
0x53: {  	[tilespmem:s24+$0x10] =	vst v0;
	v0 =	vld [tilespmem:s24+$0x20]  }
0x54: {  	v1 =	vld [tilespmem:s25+$0x20];
	_ =	sdelay $0x4  }
0x55: {  	v0 =	vadd.f32 v1, v0;
	_ =	sdelay $0x1  }
0x56: {  	[tilespmem:s24+$0x20] =	vst v0;
	v0 =	vld [tilespmem:s24+$0x30]  }
0x57: {  	v1 =	vld [tilespmem:s25+$0x30];
	_ =	sdelay $0x4  }
0x58: {  	v0 =	vadd.f32 v1, v0  }
0x59: {  	s28 =	simm.s32 $0xC0;
	s26 =	simm.s32 $0x0  }
.LBB2_2:
0x5a: {  	v1 =	vld [tilespmem:s28+$0xFFFFFFC0];
	[tilespmem:s24+$0x30] =	vst v0;
	s25 =	sadd.s32 $0x80, s25;
	s24 =	smov.u32 s28  }
0x5b: {  	s26 =	sadd.s32 $0x8, s26;
	v0 =	vld [tilespmem:s25+$0xFFFFFFC0]  }
0x5c: {  	p0 =	slt.u32 s26, $0xBF8;
	_ =	sdelay $0x3  }
0x5d: {  	v0 =	vadd.f32 v0, v1;
	_ =	sdelay $0x1  }
0x5e: {  	[tilespmem:s28+$0xFFFFFFC0] =	vst v0;
	v0 =	vld [tilespmem:s28+$0xFFFFFFD0]  }
0x5f: {  	v1 =	vld [tilespmem:s25+$0xFFFFFFD0];
	_ =	sdelay $0x4  }
0x60: {  	v0 =	vadd.f32 v1, v0;
	_ =	sdelay $0x1  }
0x61: {  	[tilespmem:s28+$0xFFFFFFD0] =	vst v0;
	v0 =	vld [tilespmem:s28+$0xFFFFFFE0]  }
0x62: {  	v1 =	vld [tilespmem:s25+$0xFFFFFFE0];
	_ =	sdelay $0x4  }
0x63: {  	v0 =	vadd.f32 v1, v0;
	_ =	sdelay $0x1  }
0x64: {  	[tilespmem:s28+$0xFFFFFFE0] =	vst v0;
	v0 =	vld [tilespmem:s28+$0xFFFFFFF0]  }
0x65: {  	v1 =	vld [tilespmem:s25+$0xFFFFFFF0];
	_ =	sdelay $0x4  }
0x66: {  	v0 =	vadd.f32 v1, v0;
	_ =	sdelay $0x1  }
0x67: {  	[tilespmem:s28+$0xFFFFFFF0] =	vst v0;
	v0 =	vld [tilespmem:s28+$0x0]  }
0x68: {  	v1 =	vld [tilespmem:s25+$0x0];
	_ =	sdelay $0x4  }
0x69: {  	v0 =	vadd.f32 v1, v0;
	_ =	sdelay $0x1  }
0x6a: {  	[tilespmem:s28+$0x0] =	vst v0;
	v0 =	vld [tilespmem:s28+$0x10]  }
0x6b: {  	v1 =	vld [tilespmem:s25+$0x10];
	_ =	sdelay $0x4  }
0x6c: {  	v0 =	vadd.f32 v1, v0;
	_ =	sdelay $0x1  }
0x6d: {  	[tilespmem:s28+$0x10] =	vst v0;
	v0 =	vld [tilespmem:s28+$0x20]  }
0x6e: {  	v1 =	vld [tilespmem:s25+$0x20];
	_ =	sdelay $0x4  }
0x6f: {  	v0 =	vadd.f32 v1, v0;
	_ =	sdelay $0x1  }
0x70: {  	[tilespmem:s28+$0x20] =	vst v0;
	v0 =	vld [tilespmem:s28+$0x30]  }
0x71: {  	v1 =	vld [tilespmem:s25+$0x30];
	_ =	sdelay $0x1  }
.Ltmp0:
0x72: {  	(pc) =	sbr.rel @p0 .LBB2_2-.Ltmp0, $3  }
0x73: {  	_ =	sdelay $0x1  }
0x74: {  	v0 =	vadd.f32 v1, v0  }
0x75: {  	s28 =	sadd.s32 $0x80, s28  }
0x76: {  	[tilespmem:s24+$0x30] =	vst v0;
	s26 =	rddreg [dreg:$0x14]  }
0x77: {  	[hbm4b:s26+s16] =	stream.linear.scatter [tilespmem:s16], [sflag:$0x1], $0xC000, $0x38;
	[tilespmem:$0x18000] =	vst v63  }
0x78: {  	_ =	swait.ge [sflag:s21], $0xC000  }
0x79: {  	[sflag:s21] =	ssyncset.done $0x0  }
0x7a: {  	s25 =	rddreg [dreg:$0x15];
	[sflag:s21] =	ssyncadd.s32 $0xFFFF4000  }
0x7b: {  	[tilespmem:s16], [sflag:$0x1] =	stream.linear.gather [hbm4b:s25+s16], $0xC000, $0x38;
	[tilespmem:$0x18000] =	vst v63  }
0x7c: {  	_ =	swait.ge [sflag:s21], $0xC000  }
0x7d: {  	[sflag:s21] =	ssyncset.done $0x0  }
0x7e: {  	s26 =	rddreg [dreg:$0x4];
	[sflag:s21] =	ssyncadd.s32 $0xFFFF4000  }
0x7f: {  	[tilespmem:s22], [sflag:$0x1] =	stream.linear.gather [hbm4b:s26+s16], $0xC000, $0x38;
	[tilespmem:$0x18000] =	vst v63  }
0x80: {  	_ =	swait.ge [sflag:s21], $0xC000  }
0x81: {  	[sflag:s21] =	ssyncset.done $0x0  }
0x82: {  	s24 =	simm.s32 $0x40;
	[sflag:s21] =	ssyncadd.s32 $0xFFFF4000  }
0x83: {  	s25 =	simm.s32 $0xC040;
	v0 =	vld [tilespmem:s24+$0xFFFFFFC0]  }
0x84: {  	v1 =	vld [tilespmem:s25+$0xFFFFFFC0];
	_ =	sdelay $0x4  }
0x85: {  	v0 =	vadd.f32 v1, v0;
	_ =	sdelay $0x1  }
0x86: {  	[tilespmem:s24+$0xFFFFFFC0] =	vst v0;
	v0 =	vld [tilespmem:s24+$0xFFFFFFD0]  }
0x87: {  	v1 =	vld [tilespmem:s25+$0xFFFFFFD0];
	_ =	sdelay $0x4  }
0x88: {  	v0 =	vadd.f32 v1, v0;
	_ =	sdelay $0x1  }
0x89: {  	[tilespmem:s24+$0xFFFFFFD0] =	vst v0;
	v0 =	vld [tilespmem:s24+$0xFFFFFFE0]  }
0x8a: {  	v1 =	vld [tilespmem:s25+$0xFFFFFFE0];
	_ =	sdelay $0x4  }
0x8b: {  	v0 =	vadd.f32 v1, v0;
	_ =	sdelay $0x1  }
0x8c: {  	[tilespmem:s24+$0xFFFFFFE0] =	vst v0;
	v0 =	vld [tilespmem:s24+$0xFFFFFFF0]  }
0x8d: {  	v1 =	vld [tilespmem:s25+$0xFFFFFFF0];
	_ =	sdelay $0x4  }
0x8e: {  	v0 =	vadd.f32 v1, v0;
	_ =	sdelay $0x1  }
0x8f: {  	[tilespmem:s24+$0xFFFFFFF0] =	vst v0;
	v0 =	vld [tilespmem:s24+$0x0]  }
0x90: {  	v1 =	vld [tilespmem:s25+$0x0];
	_ =	sdelay $0x4  }
0x91: {  	v0 =	vadd.f32 v1, v0;
	_ =	sdelay $0x1  }
0x92: {  	[tilespmem:s24+$0x0] =	vst v0;
	v0 =	vld [tilespmem:s24+$0x10]  }
0x93: {  	v1 =	vld [tilespmem:s25+$0x10];
	_ =	sdelay $0x4  }
0x94: {  	v0 =	vadd.f32 v1, v0;
	_ =	sdelay $0x1  }
0x95: {  	[tilespmem:s24+$0x10] =	vst v0;
	v0 =	vld [tilespmem:s24+$0x20]  }
0x96: {  	v1 =	vld [tilespmem:s25+$0x20];
	_ =	sdelay $0x4  }
0x97: {  	v0 =	vadd.f32 v1, v0;
	_ =	sdelay $0x1  }
0x98: {  	[tilespmem:s24+$0x20] =	vst v0;
	v0 =	vld [tilespmem:s24+$0x30]  }
0x99: {  	v1 =	vld [tilespmem:s25+$0x30];
	_ =	sdelay $0x4  }
0x9a: {  	v0 =	vadd.f32 v1, v0  }
0x9b: {  	s28 =	simm.s32 $0xC0;
	s26 =	simm.s32 $0x0  }
.LBB2_4:
0x9c: {  	v1 =	vld [tilespmem:s28+$0xFFFFFFC0];
	[tilespmem:s24+$0x30] =	vst v0;
	s25 =	sadd.s32 $0x80, s25;
	s24 =	smov.u32 s28  }
0x9d: {  	s26 =	sadd.s32 $0x8, s26;
	v0 =	vld [tilespmem:s25+$0xFFFFFFC0]  }
0x9e: {  	p0 =	slt.u32 s26, $0xBF8;
	_ =	sdelay $0x3  }
0x9f: {  	v0 =	vadd.f32 v0, v1;
	_ =	sdelay $0x1  }
0xa0: {  	[tilespmem:s28+$0xFFFFFFC0] =	vst v0;
	v0 =	vld [tilespmem:s28+$0xFFFFFFD0]  }
0xa1: {  	v1 =	vld [tilespmem:s25+$0xFFFFFFD0];
	_ =	sdelay $0x4  }
0xa2: {  	v0 =	vadd.f32 v1, v0;
	_ =	sdelay $0x1  }
0xa3: {  	[tilespmem:s28+$0xFFFFFFD0] =	vst v0;
	v0 =	vld [tilespmem:s28+$0xFFFFFFE0]  }
0xa4: {  	v1 =	vld [tilespmem:s25+$0xFFFFFFE0];
	_ =	sdelay $0x4  }
0xa5: {  	v0 =	vadd.f32 v1, v0;
	_ =	sdelay $0x1  }
0xa6: {  	[tilespmem:s28+$0xFFFFFFE0] =	vst v0;
	v0 =	vld [tilespmem:s28+$0xFFFFFFF0]  }
0xa7: {  	v1 =	vld [tilespmem:s25+$0xFFFFFFF0];
	_ =	sdelay $0x4  }
0xa8: {  	v0 =	vadd.f32 v1, v0;
	_ =	sdelay $0x1  }
0xa9: {  	[tilespmem:s28+$0xFFFFFFF0] =	vst v0;
	v0 =	vld [tilespmem:s28+$0x0]  }
0xaa: {  	v1 =	vld [tilespmem:s25+$0x0];
	_ =	sdelay $0x4  }
0xab: {  	v0 =	vadd.f32 v1, v0;
	_ =	sdelay $0x1  }
0xac: {  	[tilespmem:s28+$0x0] =	vst v0;
	v0 =	vld [tilespmem:s28+$0x10]  }
0xad: {  	v1 =	vld [tilespmem:s25+$0x10];
	_ =	sdelay $0x4  }
0xae: {  	v0 =	vadd.f32 v1, v0;
	_ =	sdelay $0x1  }
0xaf: {  	[tilespmem:s28+$0x10] =	vst v0;
	v0 =	vld [tilespmem:s28+$0x20]  }
0xb0: {  	v1 =	vld [tilespmem:s25+$0x20];
	_ =	sdelay $0x4  }
0xb1: {  	v0 =	vadd.f32 v1, v0;
	_ =	sdelay $0x1  }
0xb2: {  	[tilespmem:s28+$0x20] =	vst v0;
	v0 =	vld [tilespmem:s28+$0x30]  }
0xb3: {  	v1 =	vld [tilespmem:s25+$0x30];
	_ =	sdelay $0x1  }
.Ltmp1:
0xb4: {  	(pc) =	sbr.rel @p0 .LBB2_4-.Ltmp1, $3  }
0xb5: {  	_ =	sdelay $0x1  }
0xb6: {  	v0 =	vadd.f32 v1, v0  }
0xb7: {  	s28 =	sadd.s32 $0x80, s28  }
0xb8: {  	[tilespmem:s24+$0x30] =	vst v0;
	s26 =	rddreg [dreg:$0x16]  }
0xb9: {  	[hbm4b:s26+s16] =	stream.linear.scatter [tilespmem:s16], [sflag:$0x1], $0xC000, $0x38;
	[tilespmem:$0x18000] =	vst v63  }
0xba: {  	_ =	swait.ge [sflag:s21], $0xC000  }
0xbb: {  	[sflag:s21] =	ssyncset.done $0x0  }
0xbc: {  	s25 =	rddreg [dreg:$0x17];
	[sflag:s21] =	ssyncadd.s32 $0xFFFF4000  }
0xbd: {  	[tilespmem:s16], [sflag:$0x1] =	stream.linear.gather [hbm4b:s25+s16], $0xC000, $0x38;
	[tilespmem:$0x18000] =	vst v63  }
0xbe: {  	_ =	swait.ge [sflag:s21], $0xC000  }
0xbf: {  	[sflag:s21] =	ssyncset.done $0x0  }
0xc0: {  	s26 =	rddreg [dreg:$0x5];
	[sflag:s21] =	ssyncadd.s32 $0xFFFF4000  }
0xc1: {  	[tilespmem:s22], [sflag:$0x1] =	stream.linear.gather [hbm4b:s26+s16], $0xC000, $0x38;
	[tilespmem:$0x18000] =	vst v63  }
0xc2: {  	_ =	swait.ge [sflag:s21], $0xC000  }
0xc3: {  	[sflag:s21] =	ssyncset.done $0x0  }
0xc4: {  	s24 =	simm.s32 $0x40;
	[sflag:s21] =	ssyncadd.s32 $0xFFFF4000  }
0xc5: {  	s25 =	simm.s32 $0xC040;
	v0 =	vld [tilespmem:s24+$0xFFFFFFC0]  }
0xc6: {  	v1 =	vld [tilespmem:s25+$0xFFFFFFC0];
	_ =	sdelay $0x4  }
0xc7: {  	v0 =	vadd.f32 v1, v0;
	_ =	sdelay $0x1  }
0xc8: {  	[tilespmem:s24+$0xFFFFFFC0] =	vst v0;
	v0 =	vld [tilespmem:s24+$0xFFFFFFD0]  }
0xc9: {  	v1 =	vld [tilespmem:s25+$0xFFFFFFD0];
	_ =	sdelay $0x4  }
0xca: {  	v0 =	vadd.f32 v1, v0;
	_ =	sdelay $0x1  }
0xcb: {  	[tilespmem:s24+$0xFFFFFFD0] =	vst v0;
	v0 =	vld [tilespmem:s24+$0xFFFFFFE0]  }
0xcc: {  	v1 =	vld [tilespmem:s25+$0xFFFFFFE0];
	_ =	sdelay $0x4  }
0xcd: {  	v0 =	vadd.f32 v1, v0;
	_ =	sdelay $0x1  }
0xce: {  	[tilespmem:s24+$0xFFFFFFE0] =	vst v0;
	v0 =	vld [tilespmem:s24+$0xFFFFFFF0]  }
0xcf: {  	v1 =	vld [tilespmem:s25+$0xFFFFFFF0];
	_ =	sdelay $0x4  }
0xd0: {  	v0 =	vadd.f32 v1, v0;
	_ =	sdelay $0x1  }
0xd1: {  	[tilespmem:s24+$0xFFFFFFF0] =	vst v0;
	v0 =	vld [tilespmem:s24+$0x0]  }
0xd2: {  	v1 =	vld [tilespmem:s25+$0x0];
	_ =	sdelay $0x4  }
0xd3: {  	v0 =	vadd.f32 v1, v0;
	_ =	sdelay $0x1  }
0xd4: {  	[tilespmem:s24+$0x0] =	vst v0;
	v0 =	vld [tilespmem:s24+$0x10]  }
0xd5: {  	v1 =	vld [tilespmem:s25+$0x10];
	_ =	sdelay $0x4  }
0xd6: {  	v0 =	vadd.f32 v1, v0;
	_ =	sdelay $0x1  }
0xd7: {  	[tilespmem:s24+$0x10] =	vst v0;
	v0 =	vld [tilespmem:s24+$0x20]  }
0xd8: {  	v1 =	vld [tilespmem:s25+$0x20];
	_ =	sdelay $0x4  }
0xd9: {  	v0 =	vadd.f32 v1, v0;
	_ =	sdelay $0x1  }
0xda: {  	[tilespmem:s24+$0x20] =	vst v0;
	v0 =	vld [tilespmem:s24+$0x30]  }
0xdb: {  	v1 =	vld [tilespmem:s25+$0x30];
	_ =	sdelay $0x4  }
0xdc: {  	v0 =	vadd.f32 v1, v0  }
0xdd: {  	s28 =	simm.s32 $0xC0;
	s26 =	simm.s32 $0x0  }
.LBB2_6:
0xde: {  	v1 =	vld [tilespmem:s28+$0xFFFFFFC0];
	[tilespmem:s24+$0x30] =	vst v0;
	s25 =	sadd.s32 $0x80, s25;
	s24 =	smov.u32 s28  }
0xdf: {  	s26 =	sadd.s32 $0x8, s26;
	v0 =	vld [tilespmem:s25+$0xFFFFFFC0]  }
0xe0: {  	p0 =	slt.u32 s26, $0xBF8;
	_ =	sdelay $0x3  }
0xe1: {  	v0 =	vadd.f32 v0, v1;
	_ =	sdelay $0x1  }
0xe2: {  	[tilespmem:s28+$0xFFFFFFC0] =	vst v0;
	v0 =	vld [tilespmem:s28+$0xFFFFFFD0]  }
0xe3: {  	v1 =	vld [tilespmem:s25+$0xFFFFFFD0];
	_ =	sdelay $0x4  }
0xe4: {  	v0 =	vadd.f32 v1, v0;
	_ =	sdelay $0x1  }
0xe5: {  	[tilespmem:s28+$0xFFFFFFD0] =	vst v0;
	v0 =	vld [tilespmem:s28+$0xFFFFFFE0]  }
0xe6: {  	v1 =	vld [tilespmem:s25+$0xFFFFFFE0];
	_ =	sdelay $0x4  }
0xe7: {  	v0 =	vadd.f32 v1, v0;
	_ =	sdelay $0x1  }
0xe8: {  	[tilespmem:s28+$0xFFFFFFE0] =	vst v0;
	v0 =	vld [tilespmem:s28+$0xFFFFFFF0]  }
0xe9: {  	v1 =	vld [tilespmem:s25+$0xFFFFFFF0];
	_ =	sdelay $0x4  }
0xea: {  	v0 =	vadd.f32 v1, v0;
	_ =	sdelay $0x1  }
0xeb: {  	[tilespmem:s28+$0xFFFFFFF0] =	vst v0;
	v0 =	vld [tilespmem:s28+$0x0]  }
0xec: {  	v1 =	vld [tilespmem:s25+$0x0];
	_ =	sdelay $0x4  }
0xed: {  	v0 =	vadd.f32 v1, v0;
	_ =	sdelay $0x1  }
0xee: {  	[tilespmem:s28+$0x0] =	vst v0;
	v0 =	vld [tilespmem:s28+$0x10]  }
0xef: {  	v1 =	vld [tilespmem:s25+$0x10];
	_ =	sdelay $0x4  }
0xf0: {  	v0 =	vadd.f32 v1, v0;
	_ =	sdelay $0x1  }
0xf1: {  	[tilespmem:s28+$0x10] =	vst v0;
	v0 =	vld [tilespmem:s28+$0x20]  }
0xf2: {  	v1 =	vld [tilespmem:s25+$0x20];
	_ =	sdelay $0x4  }
0xf3: {  	v0 =	vadd.f32 v1, v0;
	_ =	sdelay $0x1  }
0xf4: {  	[tilespmem:s28+$0x20] =	vst v0;
	v0 =	vld [tilespmem:s28+$0x30]  }
0xf5: {  	v1 =	vld [tilespmem:s25+$0x30];
	_ =	sdelay $0x1  }
.Ltmp2:
0xf6: {  	(pc) =	sbr.rel @p0 .LBB2_6-.Ltmp2, $3  }
0xf7: {  	_ =	sdelay $0x1  }
0xf8: {  	v0 =	vadd.f32 v1, v0  }
0xf9: {  	s28 =	sadd.s32 $0x80, s28  }
0xfa: {  	[tilespmem:s24+$0x30] =	vst v0;
	s26 =	rddreg [dreg:$0x18]  }
0xfb: {  	[hbm4b:s26+s16] =	stream.linear.scatter [tilespmem:s16], [sflag:$0x1], $0xC000, $0x38;
	[tilespmem:$0x18000] =	vst v63  }
0xfc: {  	_ =	swait.ge [sflag:s21], $0xC000  }
0xfd: {  	[sflag:s21] =	ssyncset.done $0x0  }
0xfe: {  	s25 =	rddreg [dreg:$0x19];
	[sflag:s21] =	ssyncadd.s32 $0xFFFF4000  }
0xff: {  	[tilespmem:s16], [sflag:$0x1] =	stream.linear.gather [hbm4b:s25+s16], $0xC000, $0x38;
	[tilespmem:$0x18000] =	vst v63  }
0x100: {  	_ =	swait.ge [sflag:s21], $0xC000  }
0x101: {  	[sflag:s21] =	ssyncset.done $0x0  }
0x102: {  	s26 =	rddreg [dreg:$0x6];
	[sflag:s21] =	ssyncadd.s32 $0xFFFF4000  }
0x103: {  	[tilespmem:s22], [sflag:$0x1] =	stream.linear.gather [hbm4b:s26+s16], $0xC000, $0x38;
	[tilespmem:$0x18000] =	vst v63  }
0x104: {  	_ =	swait.ge [sflag:s21], $0xC000  }
0x105: {  	[sflag:s21] =	ssyncset.done $0x0  }
0x106: {  	s24 =	simm.s32 $0x40;
	[sflag:s21] =	ssyncadd.s32 $0xFFFF4000  }
0x107: {  	s25 =	simm.s32 $0xC040;
	v0 =	vld [tilespmem:s24+$0xFFFFFFC0]  }
0x108: {  	v1 =	vld [tilespmem:s25+$0xFFFFFFC0];
	_ =	sdelay $0x4  }
0x109: {  	v0 =	vadd.f32 v1, v0;
	_ =	sdelay $0x1  }
0x10a: {  	[tilespmem:s24+$0xFFFFFFC0] =	vst v0;
	v0 =	vld [tilespmem:s24+$0xFFFFFFD0]  }
0x10b: {  	v1 =	vld [tilespmem:s25+$0xFFFFFFD0];
	_ =	sdelay $0x4  }
0x10c: {  	v0 =	vadd.f32 v1, v0;
	_ =	sdelay $0x1  }
0x10d: {  	[tilespmem:s24+$0xFFFFFFD0] =	vst v0;
	v0 =	vld [tilespmem:s24+$0xFFFFFFE0]  }
0x10e: {  	v1 =	vld [tilespmem:s25+$0xFFFFFFE0];
	_ =	sdelay $0x4  }
0x10f: {  	v0 =	vadd.f32 v1, v0;
	_ =	sdelay $0x1  }
0x110: {  	[tilespmem:s24+$0xFFFFFFE0] =	vst v0;
	v0 =	vld [tilespmem:s24+$0xFFFFFFF0]  }
0x111: {  	v1 =	vld [tilespmem:s25+$0xFFFFFFF0];
	_ =	sdelay $0x4  }
0x112: {  	v0 =	vadd.f32 v1, v0;
	_ =	sdelay $0x1  }
0x113: {  	[tilespmem:s24+$0xFFFFFFF0] =	vst v0;
	v0 =	vld [tilespmem:s24+$0x0]  }
0x114: {  	v1 =	vld [tilespmem:s25+$0x0];
	_ =	sdelay $0x4  }
0x115: {  	v0 =	vadd.f32 v1, v0;
	_ =	sdelay $0x1  }
0x116: {  	[tilespmem:s24+$0x0] =	vst v0;
	v0 =	vld [tilespmem:s24+$0x10]  }
0x117: {  	v1 =	vld [tilespmem:s25+$0x10];
	_ =	sdelay $0x4  }
0x118: {  	v0 =	vadd.f32 v1, v0;
	_ =	sdelay $0x1  }
0x119: {  	[tilespmem:s24+$0x10] =	vst v0;
	v0 =	vld [tilespmem:s24+$0x20]  }
0x11a: {  	v1 =	vld [tilespmem:s25+$0x20];
	_ =	sdelay $0x4  }
0x11b: {  	v0 =	vadd.f32 v1, v0;
	_ =	sdelay $0x1  }
0x11c: {  	[tilespmem:s24+$0x20] =	vst v0;
	v0 =	vld [tilespmem:s24+$0x30]  }
0x11d: {  	v1 =	vld [tilespmem:s25+$0x30];
	_ =	sdelay $0x4  }
0x11e: {  	v0 =	vadd.f32 v1, v0  }
0x11f: {  	s28 =	simm.s32 $0xC0;
	s26 =	simm.s32 $0x0  }
.LBB2_8:
0x120: {  	v1 =	vld [tilespmem:s28+$0xFFFFFFC0];
	[tilespmem:s24+$0x30] =	vst v0;
	s25 =	sadd.s32 $0x80, s25;
	s24 =	smov.u32 s28  }
0x121: {  	s26 =	sadd.s32 $0x8, s26;
	v0 =	vld [tilespmem:s25+$0xFFFFFFC0]  }
0x122: {  	p0 =	slt.u32 s26, $0xBF8;
	_ =	sdelay $0x3  }
0x123: {  	v0 =	vadd.f32 v0, v1;
	_ =	sdelay $0x1  }
0x124: {  	[tilespmem:s28+$0xFFFFFFC0] =	vst v0;
	v0 =	vld [tilespmem:s28+$0xFFFFFFD0]  }
0x125: {  	v1 =	vld [tilespmem:s25+$0xFFFFFFD0];
	_ =	sdelay $0x4  }
0x126: {  	v0 =	vadd.f32 v1, v0;
	_ =	sdelay $0x1  }
0x127: {  	[tilespmem:s28+$0xFFFFFFD0] =	vst v0;
	v0 =	vld [tilespmem:s28+$0xFFFFFFE0]  }
0x128: {  	v1 =	vld [tilespmem:s25+$0xFFFFFFE0];
	_ =	sdelay $0x4  }
0x129: {  	v0 =	vadd.f32 v1, v0;
	_ =	sdelay $0x1  }
0x12a: {  	[tilespmem:s28+$0xFFFFFFE0] =	vst v0;
	v0 =	vld [tilespmem:s28+$0xFFFFFFF0]  }
0x12b: {  	v1 =	vld [tilespmem:s25+$0xFFFFFFF0];
	_ =	sdelay $0x4  }
0x12c: {  	v0 =	vadd.f32 v1, v0;
	_ =	sdelay $0x1  }
0x12d: {  	[tilespmem:s28+$0xFFFFFFF0] =	vst v0;
	v0 =	vld [tilespmem:s28+$0x0]  }
0x12e: {  	v1 =	vld [tilespmem:s25+$0x0];
	_ =	sdelay $0x4  }
0x12f: {  	v0 =	vadd.f32 v1, v0;
	_ =	sdelay $0x1  }
0x130: {  	[tilespmem:s28+$0x0] =	vst v0;
	v0 =	vld [tilespmem:s28+$0x10]  }
0x131: {  	v1 =	vld [tilespmem:s25+$0x10];
	_ =	sdelay $0x4  }
0x132: {  	v0 =	vadd.f32 v1, v0;
	_ =	sdelay $0x1  }
0x133: {  	[tilespmem:s28+$0x10] =	vst v0;
	v0 =	vld [tilespmem:s28+$0x20]  }
0x134: {  	v1 =	vld [tilespmem:s25+$0x20];
	_ =	sdelay $0x4  }
0x135: {  	v0 =	vadd.f32 v1, v0;
	_ =	sdelay $0x1  }
0x136: {  	[tilespmem:s28+$0x20] =	vst v0;
	v0 =	vld [tilespmem:s28+$0x30]  }
0x137: {  	v1 =	vld [tilespmem:s25+$0x30];
	_ =	sdelay $0x1  }
.Ltmp3:
0x138: {  	(pc) =	sbr.rel @p0 .LBB2_8-.Ltmp3, $3  }
0x139: {  	_ =	sdelay $0x1  }
0x13a: {  	v0 =	vadd.f32 v1, v0  }
0x13b: {  	s28 =	sadd.s32 $0x80, s28  }
0x13c: {  	[tilespmem:s24+$0x30] =	vst v0;
	s26 =	rddreg [dreg:$0x1a]  }
0x13d: {  	[hbm4b:s26+s16] =	stream.linear.scatter [tilespmem:s16], [sflag:$0x1], $0xC000, $0x38;
	[tilespmem:$0x18000] =	vst v63  }
0x13e: {  	_ =	swait.ge [sflag:s21], $0xC000  }
0x13f: {  	[sflag:s21] =	ssyncset.done $0x0  }
0x140: {  	s25 =	rddreg [dreg:$0x1b];
	[sflag:s21] =	ssyncadd.s32 $0xFFFF4000  }
0x141: {  	[tilespmem:s16], [sflag:$0x1] =	stream.linear.gather [hbm4b:s25+s16], $0xC000, $0x38;
	[tilespmem:$0x18000] =	vst v63  }
0x142: {  	_ =	swait.ge [sflag:s21], $0xC000  }
0x143: {  	[sflag:s21] =	ssyncset.done $0x0  }
0x144: {  	s26 =	rddreg [dreg:$0x7];
	[sflag:s21] =	ssyncadd.s32 $0xFFFF4000  }
0x145: {  	[tilespmem:s22], [sflag:$0x1] =	stream.linear.gather [hbm4b:s26+s16], $0xC000, $0x38;
	[tilespmem:$0x18000] =	vst v63  }
0x146: {  	_ =	swait.ge [sflag:s21], $0xC000  }
0x147: {  	[sflag:s21] =	ssyncset.done $0x0  }
0x148: {  	s24 =	simm.s32 $0x40;
	[sflag:s21] =	ssyncadd.s32 $0xFFFF4000  }
0x149: {  	s25 =	simm.s32 $0xC040;
	v0 =	vld [tilespmem:s24+$0xFFFFFFC0]  }
0x14a: {  	v1 =	vld [tilespmem:s25+$0xFFFFFFC0];
	_ =	sdelay $0x4  }
0x14b: {  	v0 =	vadd.f32 v1, v0;
	_ =	sdelay $0x1  }
0x14c: {  	[tilespmem:s24+$0xFFFFFFC0] =	vst v0;
	v0 =	vld [tilespmem:s24+$0xFFFFFFD0]  }
0x14d: {  	v1 =	vld [tilespmem:s25+$0xFFFFFFD0];
	_ =	sdelay $0x4  }
0x14e: {  	v0 =	vadd.f32 v1, v0;
	_ =	sdelay $0x1  }
0x14f: {  	[tilespmem:s24+$0xFFFFFFD0] =	vst v0;
	v0 =	vld [tilespmem:s24+$0xFFFFFFE0]  }
0x150: {  	v1 =	vld [tilespmem:s25+$0xFFFFFFE0];
	_ =	sdelay $0x4  }
0x151: {  	v0 =	vadd.f32 v1, v0;
	_ =	sdelay $0x1  }
0x152: {  	[tilespmem:s24+$0xFFFFFFE0] =	vst v0;
	v0 =	vld [tilespmem:s24+$0xFFFFFFF0]  }
0x153: {  	v1 =	vld [tilespmem:s25+$0xFFFFFFF0];
	_ =	sdelay $0x4  }
0x154: {  	v0 =	vadd.f32 v1, v0;
	_ =	sdelay $0x1  }
0x155: {  	[tilespmem:s24+$0xFFFFFFF0] =	vst v0;
	v0 =	vld [tilespmem:s24+$0x0]  }
0x156: {  	v1 =	vld [tilespmem:s25+$0x0];
	_ =	sdelay $0x4  }
0x157: {  	v0 =	vadd.f32 v1, v0;
	_ =	sdelay $0x1  }
0x158: {  	[tilespmem:s24+$0x0] =	vst v0;
	v0 =	vld [tilespmem:s24+$0x10]  }
0x159: {  	v1 =	vld [tilespmem:s25+$0x10];
	_ =	sdelay $0x4  }
0x15a: {  	v0 =	vadd.f32 v1, v0;
	_ =	sdelay $0x1  }
0x15b: {  	[tilespmem:s24+$0x10] =	vst v0;
	v0 =	vld [tilespmem:s24+$0x20]  }
0x15c: {  	v1 =	vld [tilespmem:s25+$0x20];
	_ =	sdelay $0x4  }
0x15d: {  	v0 =	vadd.f32 v1, v0;
	_ =	sdelay $0x1  }
0x15e: {  	[tilespmem:s24+$0x20] =	vst v0;
	v0 =	vld [tilespmem:s24+$0x30]  }
0x15f: {  	v1 =	vld [tilespmem:s25+$0x30];
	_ =	sdelay $0x4  }
0x160: {  	v0 =	vadd.f32 v1, v0  }
0x161: {  	s28 =	simm.s32 $0xC0;
	s26 =	simm.s32 $0x0  }
.LBB2_10:
0x162: {  	v1 =	vld [tilespmem:s28+$0xFFFFFFC0];
	[tilespmem:s24+$0x30] =	vst v0;
	s25 =	sadd.s32 $0x80, s25;
	s24 =	smov.u32 s28  }
0x163: {  	s26 =	sadd.s32 $0x8, s26;
	v0 =	vld [tilespmem:s25+$0xFFFFFFC0]  }
0x164: {  	p0 =	slt.u32 s26, $0xBF8;
	_ =	sdelay $0x3  }
0x165: {  	v0 =	vadd.f32 v0, v1;
	_ =	sdelay $0x1  }
0x166: {  	[tilespmem:s28+$0xFFFFFFC0] =	vst v0;
	v0 =	vld [tilespmem:s28+$0xFFFFFFD0]  }
0x167: {  	v1 =	vld [tilespmem:s25+$0xFFFFFFD0];
	_ =	sdelay $0x4  }
0x168: {  	v0 =	vadd.f32 v1, v0;
	_ =	sdelay $0x1  }
0x169: {  	[tilespmem:s28+$0xFFFFFFD0] =	vst v0;
	v0 =	vld [tilespmem:s28+$0xFFFFFFE0]  }
0x16a: {  	v1 =	vld [tilespmem:s25+$0xFFFFFFE0];
	_ =	sdelay $0x4  }
0x16b: {  	v0 =	vadd.f32 v1, v0;
	_ =	sdelay $0x1  }
0x16c: {  	[tilespmem:s28+$0xFFFFFFE0] =	vst v0;
	v0 =	vld [tilespmem:s28+$0xFFFFFFF0]  }
0x16d: {  	v1 =	vld [tilespmem:s25+$0xFFFFFFF0];
	_ =	sdelay $0x4  }
0x16e: {  	v0 =	vadd.f32 v1, v0;
	_ =	sdelay $0x1  }
0x16f: {  	[tilespmem:s28+$0xFFFFFFF0] =	vst v0;
	v0 =	vld [tilespmem:s28+$0x0]  }
0x170: {  	v1 =	vld [tilespmem:s25+$0x0];
	_ =	sdelay $0x4  }
0x171: {  	v0 =	vadd.f32 v1, v0;
	_ =	sdelay $0x1  }
0x172: {  	[tilespmem:s28+$0x0] =	vst v0;
	v0 =	vld [tilespmem:s28+$0x10]  }
0x173: {  	v1 =	vld [tilespmem:s25+$0x10];
	_ =	sdelay $0x4  }
0x174: {  	v0 =	vadd.f32 v1, v0;
	_ =	sdelay $0x1  }
0x175: {  	[tilespmem:s28+$0x10] =	vst v0;
	v0 =	vld [tilespmem:s28+$0x20]  }
0x176: {  	v1 =	vld [tilespmem:s25+$0x20];
	_ =	sdelay $0x4  }
0x177: {  	v0 =	vadd.f32 v1, v0;
	_ =	sdelay $0x1  }
0x178: {  	[tilespmem:s28+$0x20] =	vst v0;
	v0 =	vld [tilespmem:s28+$0x30]  }
0x179: {  	v1 =	vld [tilespmem:s25+$0x30];
	_ =	sdelay $0x1  }
.Ltmp4:
0x17a: {  	(pc) =	sbr.rel @p0 .LBB2_10-.Ltmp4, $3  }
0x17b: {  	_ =	sdelay $0x1  }
0x17c: {  	v0 =	vadd.f32 v1, v0  }
0x17d: {  	s28 =	sadd.s32 $0x80, s28  }
0x17e: {  	[tilespmem:s24+$0x30] =	vst v0;
	s25 =	rddreg [dreg:$0x1c]  }
0x17f: {  	[hbm4b:s25+s16] =	stream.linear.scatter [tilespmem:s16], [sflag:$0x1], $0xC000, $0x38;
	[tilespmem:$0x18000] =	vst v63  }
0x180: {  	_ =	swait.ge [sflag:s21], $0xC000  }
0x181: {  	[sflag:s21] =	ssyncset.done $0x0  }
0x182: {  	[sflag:s21] =	ssyncadd.s32 $0xFFFF4000  }
0x183: {  	[tilespmem:s16], [sflag:$0x1] =	stream.linear.gather [hbm4b:s29+s16], $0xC000, $0x38;
	[tilespmem:$0x18000] =	vst v63  }
0x184: {  	_ =	swait.ge [sflag:s21], $0xC000  }
0x185: {  	[sflag:s21] =	ssyncset.done $0x0  }
0x186: {  	s26 =	rddreg [dreg:$0x8];
	[sflag:s21] =	ssyncadd.s32 $0xFFFF4000  }
0x187: {  	[tilespmem:s22], [sflag:$0x1] =	stream.linear.gather [hbm4b:s26+s16], $0xC000, $0x38;
	[tilespmem:$0x18000] =	vst v63  }
0x188: {  	_ =	swait.ge [sflag:s21], $0xC000  }
0x189: {  	[sflag:s21] =	ssyncset.done $0x0  }
0x18a: {  	s24 =	simm.s32 $0x40;
	[sflag:s21] =	ssyncadd.s32 $0xFFFF4000  }
0x18b: {  	s25 =	simm.s32 $0xC040;
	v0 =	vld [tilespmem:s24+$0xFFFFFFC0]  }
0x18c: {  	v1 =	vld [tilespmem:s25+$0xFFFFFFC0];
	_ =	sdelay $0x4  }
0x18d: {  	v0 =	vadd.f32 v1, v0;
	_ =	sdelay $0x1  }
0x18e: {  	[tilespmem:s24+$0xFFFFFFC0] =	vst v0;
	v0 =	vld [tilespmem:s24+$0xFFFFFFD0]  }
0x18f: {  	v1 =	vld [tilespmem:s25+$0xFFFFFFD0];
	_ =	sdelay $0x4  }
0x190: {  	v0 =	vadd.f32 v1, v0;
	_ =	sdelay $0x1  }
0x191: {  	[tilespmem:s24+$0xFFFFFFD0] =	vst v0;
	v0 =	vld [tilespmem:s24+$0xFFFFFFE0]  }
0x192: {  	v1 =	vld [tilespmem:s25+$0xFFFFFFE0];
	_ =	sdelay $0x4  }
0x193: {  	v0 =	vadd.f32 v1, v0;
	_ =	sdelay $0x1  }
0x194: {  	[tilespmem:s24+$0xFFFFFFE0] =	vst v0;
	v0 =	vld [tilespmem:s24+$0xFFFFFFF0]  }
0x195: {  	v1 =	vld [tilespmem:s25+$0xFFFFFFF0];
	_ =	sdelay $0x4  }
0x196: {  	v0 =	vadd.f32 v1, v0;
	_ =	sdelay $0x1  }
0x197: {  	[tilespmem:s24+$0xFFFFFFF0] =	vst v0;
	v0 =	vld [tilespmem:s24+$0x0]  }
0x198: {  	v1 =	vld [tilespmem:s25+$0x0];
	_ =	sdelay $0x4  }
0x199: {  	v0 =	vadd.f32 v1, v0;
	_ =	sdelay $0x1  }
0x19a: {  	[tilespmem:s24+$0x0] =	vst v0;
	v0 =	vld [tilespmem:s24+$0x10]  }
0x19b: {  	v1 =	vld [tilespmem:s25+$0x10];
	_ =	sdelay $0x4  }
0x19c: {  	v0 =	vadd.f32 v1, v0;
	_ =	sdelay $0x1  }
0x19d: {  	[tilespmem:s24+$0x10] =	vst v0;
	v0 =	vld [tilespmem:s24+$0x20]  }
0x19e: {  	v1 =	vld [tilespmem:s25+$0x20];
	_ =	sdelay $0x4  }
0x19f: {  	v0 =	vadd.f32 v1, v0;
	_ =	sdelay $0x1  }
0x1a0: {  	[tilespmem:s24+$0x20] =	vst v0;
	v0 =	vld [tilespmem:s24+$0x30]  }
0x1a1: {  	v1 =	vld [tilespmem:s25+$0x30];
	_ =	sdelay $0x4  }
0x1a2: {  	v0 =	vadd.f32 v1, v0  }
0x1a3: {  	s28 =	simm.s32 $0xC0;
	s26 =	simm.s32 $0x0  }
.LBB2_12:
0x1a4: {  	v1 =	vld [tilespmem:s28+$0xFFFFFFC0];
	[tilespmem:s24+$0x30] =	vst v0;
	s25 =	sadd.s32 $0x80, s25;
	s24 =	smov.u32 s28  }
0x1a5: {  	s26 =	sadd.s32 $0x8, s26;
	v0 =	vld [tilespmem:s25+$0xFFFFFFC0]  }
0x1a6: {  	p0 =	slt.u32 s26, $0xBF8;
	_ =	sdelay $0x3  }
0x1a7: {  	v0 =	vadd.f32 v0, v1;
	_ =	sdelay $0x1  }
0x1a8: {  	[tilespmem:s28+$0xFFFFFFC0] =	vst v0;
	v0 =	vld [tilespmem:s28+$0xFFFFFFD0]  }
0x1a9: {  	v1 =	vld [tilespmem:s25+$0xFFFFFFD0];
	_ =	sdelay $0x4  }
0x1aa: {  	v0 =	vadd.f32 v1, v0;
	_ =	sdelay $0x1  }
0x1ab: {  	[tilespmem:s28+$0xFFFFFFD0] =	vst v0;
	v0 =	vld [tilespmem:s28+$0xFFFFFFE0]  }
0x1ac: {  	v1 =	vld [tilespmem:s25+$0xFFFFFFE0];
	_ =	sdelay $0x4  }
0x1ad: {  	v0 =	vadd.f32 v1, v0;
	_ =	sdelay $0x1  }
0x1ae: {  	[tilespmem:s28+$0xFFFFFFE0] =	vst v0;
	v0 =	vld [tilespmem:s28+$0xFFFFFFF0]  }
0x1af: {  	v1 =	vld [tilespmem:s25+$0xFFFFFFF0];
	_ =	sdelay $0x4  }
0x1b0: {  	v0 =	vadd.f32 v1, v0;
	_ =	sdelay $0x1  }
0x1b1: {  	[tilespmem:s28+$0xFFFFFFF0] =	vst v0;
	v0 =	vld [tilespmem:s28+$0x0]  }
0x1b2: {  	v1 =	vld [tilespmem:s25+$0x0];
	_ =	sdelay $0x4  }
0x1b3: {  	v0 =	vadd.f32 v1, v0;
	_ =	sdelay $0x1  }
0x1b4: {  	[tilespmem:s28+$0x0] =	vst v0;
	v0 =	vld [tilespmem:s28+$0x10]  }
0x1b5: {  	v1 =	vld [tilespmem:s25+$0x10];
	_ =	sdelay $0x4  }
0x1b6: {  	v0 =	vadd.f32 v1, v0;
	_ =	sdelay $0x1  }
0x1b7: {  	[tilespmem:s28+$0x10] =	vst v0;
	v0 =	vld [tilespmem:s28+$0x20]  }
0x1b8: {  	v1 =	vld [tilespmem:s25+$0x20];
	_ =	sdelay $0x4  }
0x1b9: {  	v0 =	vadd.f32 v1, v0;
	_ =	sdelay $0x1  }
0x1ba: {  	[tilespmem:s28+$0x20] =	vst v0;
	v0 =	vld [tilespmem:s28+$0x30]  }
0x1bb: {  	v1 =	vld [tilespmem:s25+$0x30];
	_ =	sdelay $0x1  }
.Ltmp5:
0x1bc: {  	(pc) =	sbr.rel @p0 .LBB2_12-.Ltmp5, $3  }
0x1bd: {  	_ =	sdelay $0x1  }
0x1be: {  	v0 =	vadd.f32 v1, v0  }
0x1bf: {  	s28 =	sadd.s32 $0x80, s28  }
0x1c0: {  	[tilespmem:s24+$0x30] =	vst v0  }
0x1c1: {  	[hbm4b:s30+s16] =	stream.linear.scatter [tilespmem:s16], [sflag:$0x1], $0xC000, $0x38;
	[tilespmem:$0x18000] =	vst v63  }
0x1c2: {  	_ =	swait.ge [sflag:s21], $0xC000  }
0x1c3: {  	[sflag:s21] =	ssyncset.done $0x0  }
0x1c4: {  	[sflag:s21] =	ssyncadd.s32 $0xFFFF4000  }
0x1c5: {  	[tilespmem:s16], [sflag:$0x1] =	stream.linear.gather [hbm4b:s31+s16], $0xC000, $0x38;
	[tilespmem:$0x18000] =	vst v63  }
0x1c6: {  	_ =	swait.ge [sflag:s21], $0xC000  }
0x1c7: {  	[sflag:s21] =	ssyncset.done $0x0  }
0x1c8: {  	s26 =	rddreg [dreg:$0x9];
	[sflag:s21] =	ssyncadd.s32 $0xFFFF4000  }
0x1c9: {  	[tilespmem:s22], [sflag:$0x1] =	stream.linear.gather [hbm4b:s26+s16], $0xC000, $0x38;
	[tilespmem:$0x18000] =	vst v63  }
0x1ca: {  	_ =	swait.ge [sflag:s21], $0xC000  }
0x1cb: {  	[sflag:s21] =	ssyncset.done $0x0  }
0x1cc: {  	s24 =	simm.s32 $0x40;
	[sflag:s21] =	ssyncadd.s32 $0xFFFF4000  }
0x1cd: {  	s25 =	simm.s32 $0xC040;
	v0 =	vld [tilespmem:s24+$0xFFFFFFC0]  }
0x1ce: {  	v1 =	vld [tilespmem:s25+$0xFFFFFFC0];
	_ =	sdelay $0x4  }
0x1cf: {  	v0 =	vadd.f32 v1, v0;
	_ =	sdelay $0x1  }
0x1d0: {  	[tilespmem:s24+$0xFFFFFFC0] =	vst v0;
	v0 =	vld [tilespmem:s24+$0xFFFFFFD0]  }
0x1d1: {  	v1 =	vld [tilespmem:s25+$0xFFFFFFD0];
	_ =	sdelay $0x4  }
0x1d2: {  	v0 =	vadd.f32 v1, v0;
	_ =	sdelay $0x1  }
0x1d3: {  	[tilespmem:s24+$0xFFFFFFD0] =	vst v0;
	v0 =	vld [tilespmem:s24+$0xFFFFFFE0]  }
0x1d4: {  	v1 =	vld [tilespmem:s25+$0xFFFFFFE0];
	_ =	sdelay $0x4  }
0x1d5: {  	v0 =	vadd.f32 v1, v0;
	_ =	sdelay $0x1  }
0x1d6: {  	[tilespmem:s24+$0xFFFFFFE0] =	vst v0;
	v0 =	vld [tilespmem:s24+$0xFFFFFFF0]  }
0x1d7: {  	v1 =	vld [tilespmem:s25+$0xFFFFFFF0];
	_ =	sdelay $0x4  }
0x1d8: {  	v0 =	vadd.f32 v1, v0;
	_ =	sdelay $0x1  }
0x1d9: {  	[tilespmem:s24+$0xFFFFFFF0] =	vst v0;
	v0 =	vld [tilespmem:s24+$0x0]  }
0x1da: {  	v1 =	vld [tilespmem:s25+$0x0];
	_ =	sdelay $0x4  }
0x1db: {  	v0 =	vadd.f32 v1, v0;
	_ =	sdelay $0x1  }
0x1dc: {  	[tilespmem:s24+$0x0] =	vst v0;
	v0 =	vld [tilespmem:s24+$0x10]  }
0x1dd: {  	v1 =	vld [tilespmem:s25+$0x10];
	_ =	sdelay $0x4  }
0x1de: {  	v0 =	vadd.f32 v1, v0;
	_ =	sdelay $0x1  }
0x1df: {  	[tilespmem:s24+$0x10] =	vst v0;
	v0 =	vld [tilespmem:s24+$0x20]  }
0x1e0: {  	v1 =	vld [tilespmem:s25+$0x20];
	_ =	sdelay $0x4  }
0x1e1: {  	v0 =	vadd.f32 v1, v0;
	_ =	sdelay $0x1  }
0x1e2: {  	[tilespmem:s24+$0x20] =	vst v0;
	v0 =	vld [tilespmem:s24+$0x30]  }
0x1e3: {  	v1 =	vld [tilespmem:s25+$0x30];
	_ =	sdelay $0x4  }
0x1e4: {  	v0 =	vadd.f32 v1, v0  }
0x1e5: {  	s28 =	simm.s32 $0xC0;
	s26 =	simm.s32 $0x0  }
.LBB2_14:
0x1e6: {  	v1 =	vld [tilespmem:s28+$0xFFFFFFC0];
	[tilespmem:s24+$0x30] =	vst v0;
	s25 =	sadd.s32 $0x80, s25;
	s24 =	smov.u32 s28  }
0x1e7: {  	s26 =	sadd.s32 $0x8, s26;
	v0 =	vld [tilespmem:s25+$0xFFFFFFC0]  }
0x1e8: {  	p0 =	slt.u32 s26, $0xBF8;
	_ =	sdelay $0x3  }
0x1e9: {  	v0 =	vadd.f32 v0, v1;
	_ =	sdelay $0x1  }
0x1ea: {  	[tilespmem:s28+$0xFFFFFFC0] =	vst v0;
	v0 =	vld [tilespmem:s28+$0xFFFFFFD0]  }
0x1eb: {  	v1 =	vld [tilespmem:s25+$0xFFFFFFD0];
	_ =	sdelay $0x4  }
0x1ec: {  	v0 =	vadd.f32 v1, v0;
	_ =	sdelay $0x1  }
0x1ed: {  	[tilespmem:s28+$0xFFFFFFD0] =	vst v0;
	v0 =	vld [tilespmem:s28+$0xFFFFFFE0]  }
0x1ee: {  	v1 =	vld [tilespmem:s25+$0xFFFFFFE0];
	_ =	sdelay $0x4  }
0x1ef: {  	v0 =	vadd.f32 v1, v0;
	_ =	sdelay $0x1  }
0x1f0: {  	[tilespmem:s28+$0xFFFFFFE0] =	vst v0;
	v0 =	vld [tilespmem:s28+$0xFFFFFFF0]  }
0x1f1: {  	v1 =	vld [tilespmem:s25+$0xFFFFFFF0];
	_ =	sdelay $0x4  }
0x1f2: {  	v0 =	vadd.f32 v1, v0;
	_ =	sdelay $0x1  }
0x1f3: {  	[tilespmem:s28+$0xFFFFFFF0] =	vst v0;
	v0 =	vld [tilespmem:s28+$0x0]  }
0x1f4: {  	v1 =	vld [tilespmem:s25+$0x0];
	_ =	sdelay $0x4  }
0x1f5: {  	v0 =	vadd.f32 v1, v0;
	_ =	sdelay $0x1  }
0x1f6: {  	[tilespmem:s28+$0x0] =	vst v0;
	v0 =	vld [tilespmem:s28+$0x10]  }
0x1f7: {  	v1 =	vld [tilespmem:s25+$0x10];
	_ =	sdelay $0x4  }
0x1f8: {  	v0 =	vadd.f32 v1, v0;
	_ =	sdelay $0x1  }
0x1f9: {  	[tilespmem:s28+$0x10] =	vst v0;
	v0 =	vld [tilespmem:s28+$0x20]  }
0x1fa: {  	v1 =	vld [tilespmem:s25+$0x20];
	_ =	sdelay $0x4  }
0x1fb: {  	v0 =	vadd.f32 v1, v0;
	_ =	sdelay $0x1  }
0x1fc: {  	[tilespmem:s28+$0x20] =	vst v0;
	v0 =	vld [tilespmem:s28+$0x30]  }
0x1fd: {  	v1 =	vld [tilespmem:s25+$0x30];
	_ =	sdelay $0x1  }
.Ltmp6:
0x1fe: {  	(pc) =	sbr.rel @p0 .LBB2_14-.Ltmp6, $3  }
0x1ff: {  	_ =	sdelay $0x1  }
0x200: {  	v0 =	vadd.f32 v1, v0  }
0x201: {  	s28 =	sadd.s32 $0x80, s28  }
0x202: {  	[tilespmem:s24+$0x30] =	vst v0  }
0x203: {  	[hbm4b:s0+s16] =	stream.linear.scatter [tilespmem:s16], [sflag:$0x1], $0xC000, $0x38;
	[tilespmem:$0x18000] =	vst v63  }
0x204: {  	_ =	swait.ge [sflag:s21], $0xC000  }
0x205: {  	[sflag:s21] =	ssyncset.done $0x0  }
0x206: {  	[sflag:s21] =	ssyncadd.s32 $0xFFFF4000  }
0x207: {  	[tilespmem:s16], [sflag:$0x1] =	stream.linear.gather [hbm4b:s1+s16], $0xC000, $0x38;
	[tilespmem:$0x18000] =	vst v63  }
0x208: {  	_ =	swait.ge [sflag:s21], $0xC000  }
0x209: {  	[sflag:s21] =	ssyncset.done $0x0  }
0x20a: {  	s26 =	rddreg [dreg:$0xa];
	[sflag:s21] =	ssyncadd.s32 $0xFFFF4000  }
0x20b: {  	[tilespmem:s22], [sflag:$0x1] =	stream.linear.gather [hbm4b:s26+s16], $0xC000, $0x38;
	[tilespmem:$0x18000] =	vst v63  }
0x20c: {  	_ =	swait.ge [sflag:s21], $0xC000  }
0x20d: {  	[sflag:s21] =	ssyncset.done $0x0  }
0x20e: {  	s24 =	simm.s32 $0x40;
	[sflag:s21] =	ssyncadd.s32 $0xFFFF4000  }
0x20f: {  	s25 =	simm.s32 $0xC040;
	v0 =	vld [tilespmem:s24+$0xFFFFFFC0]  }
0x210: {  	v1 =	vld [tilespmem:s25+$0xFFFFFFC0];
	_ =	sdelay $0x4  }
0x211: {  	v0 =	vadd.f32 v1, v0;
	_ =	sdelay $0x1  }
0x212: {  	[tilespmem:s24+$0xFFFFFFC0] =	vst v0;
	v0 =	vld [tilespmem:s24+$0xFFFFFFD0]  }
0x213: {  	v1 =	vld [tilespmem:s25+$0xFFFFFFD0];
	_ =	sdelay $0x4  }
0x214: {  	v0 =	vadd.f32 v1, v0;
	_ =	sdelay $0x1  }
0x215: {  	[tilespmem:s24+$0xFFFFFFD0] =	vst v0;
	v0 =	vld [tilespmem:s24+$0xFFFFFFE0]  }
0x216: {  	v1 =	vld [tilespmem:s25+$0xFFFFFFE0];
	_ =	sdelay $0x4  }
0x217: {  	v0 =	vadd.f32 v1, v0;
	_ =	sdelay $0x1  }
0x218: {  	[tilespmem:s24+$0xFFFFFFE0] =	vst v0;
	v0 =	vld [tilespmem:s24+$0xFFFFFFF0]  }
0x219: {  	v1 =	vld [tilespmem:s25+$0xFFFFFFF0];
	_ =	sdelay $0x4  }
0x21a: {  	v0 =	vadd.f32 v1, v0;
	_ =	sdelay $0x1  }
0x21b: {  	[tilespmem:s24+$0xFFFFFFF0] =	vst v0;
	v0 =	vld [tilespmem:s24+$0x0]  }
0x21c: {  	v1 =	vld [tilespmem:s25+$0x0];
	_ =	sdelay $0x4  }
0x21d: {  	v0 =	vadd.f32 v1, v0;
	_ =	sdelay $0x1  }
0x21e: {  	[tilespmem:s24+$0x0] =	vst v0;
	v0 =	vld [tilespmem:s24+$0x10]  }
0x21f: {  	v1 =	vld [tilespmem:s25+$0x10];
	_ =	sdelay $0x4  }
0x220: {  	v0 =	vadd.f32 v1, v0;
	_ =	sdelay $0x1  }
0x221: {  	[tilespmem:s24+$0x10] =	vst v0;
	v0 =	vld [tilespmem:s24+$0x20]  }
0x222: {  	v1 =	vld [tilespmem:s25+$0x20];
	_ =	sdelay $0x4  }
0x223: {  	v0 =	vadd.f32 v1, v0;
	_ =	sdelay $0x1  }
0x224: {  	[tilespmem:s24+$0x20] =	vst v0;
	v0 =	vld [tilespmem:s24+$0x30]  }
0x225: {  	v1 =	vld [tilespmem:s25+$0x30];
	_ =	sdelay $0x4  }
0x226: {  	v0 =	vadd.f32 v1, v0  }
0x227: {  	s28 =	simm.s32 $0xC0;
	s26 =	simm.s32 $0x0  }
.LBB2_16:
0x228: {  	v1 =	vld [tilespmem:s28+$0xFFFFFFC0];
	[tilespmem:s24+$0x30] =	vst v0;
	s25 =	sadd.s32 $0x80, s25;
	s24 =	smov.u32 s28  }
0x229: {  	s26 =	sadd.s32 $0x8, s26;
	v0 =	vld [tilespmem:s25+$0xFFFFFFC0]  }
0x22a: {  	p0 =	slt.u32 s26, $0xBF8;
	_ =	sdelay $0x3  }
0x22b: {  	v0 =	vadd.f32 v0, v1;
	_ =	sdelay $0x1  }
0x22c: {  	[tilespmem:s28+$0xFFFFFFC0] =	vst v0;
	v0 =	vld [tilespmem:s28+$0xFFFFFFD0]  }
0x22d: {  	v1 =	vld [tilespmem:s25+$0xFFFFFFD0];
	_ =	sdelay $0x4  }
0x22e: {  	v0 =	vadd.f32 v1, v0;
	_ =	sdelay $0x1  }
0x22f: {  	[tilespmem:s28+$0xFFFFFFD0] =	vst v0;
	v0 =	vld [tilespmem:s28+$0xFFFFFFE0]  }
0x230: {  	v1 =	vld [tilespmem:s25+$0xFFFFFFE0];
	_ =	sdelay $0x4  }
0x231: {  	v0 =	vadd.f32 v1, v0;
	_ =	sdelay $0x1  }
0x232: {  	[tilespmem:s28+$0xFFFFFFE0] =	vst v0;
	v0 =	vld [tilespmem:s28+$0xFFFFFFF0]  }
0x233: {  	v1 =	vld [tilespmem:s25+$0xFFFFFFF0];
	_ =	sdelay $0x4  }
0x234: {  	v0 =	vadd.f32 v1, v0;
	_ =	sdelay $0x1  }
0x235: {  	[tilespmem:s28+$0xFFFFFFF0] =	vst v0;
	v0 =	vld [tilespmem:s28+$0x0]  }
0x236: {  	v1 =	vld [tilespmem:s25+$0x0];
	_ =	sdelay $0x4  }
0x237: {  	v0 =	vadd.f32 v1, v0;
	_ =	sdelay $0x1  }
0x238: {  	[tilespmem:s28+$0x0] =	vst v0;
	v0 =	vld [tilespmem:s28+$0x10]  }
0x239: {  	v1 =	vld [tilespmem:s25+$0x10];
	_ =	sdelay $0x4  }
0x23a: {  	v0 =	vadd.f32 v1, v0;
	_ =	sdelay $0x1  }
0x23b: {  	[tilespmem:s28+$0x10] =	vst v0;
	v0 =	vld [tilespmem:s28+$0x20]  }
0x23c: {  	v1 =	vld [tilespmem:s25+$0x20];
	_ =	sdelay $0x4  }
0x23d: {  	v0 =	vadd.f32 v1, v0;
	_ =	sdelay $0x1  }
0x23e: {  	[tilespmem:s28+$0x20] =	vst v0;
	v0 =	vld [tilespmem:s28+$0x30]  }
0x23f: {  	v1 =	vld [tilespmem:s25+$0x30];
	_ =	sdelay $0x1  }
.Ltmp7:
0x240: {  	(pc) =	sbr.rel @p0 .LBB2_16-.Ltmp7, $3  }
0x241: {  	_ =	sdelay $0x1  }
0x242: {  	v0 =	vadd.f32 v1, v0  }
0x243: {  	s28 =	sadd.s32 $0x80, s28  }
0x244: {  	[tilespmem:s24+$0x30] =	vst v0  }
0x245: {  	[hbm4b:s2+s16] =	stream.linear.scatter [tilespmem:s16], [sflag:$0x1], $0xC000, $0x38;
	[tilespmem:$0x18000] =	vst v63  }
0x246: {  	_ =	swait.ge [sflag:s21], $0xC000  }
0x247: {  	[sflag:s21] =	ssyncset.done $0x0  }
0x248: {  	[sflag:s21] =	ssyncadd.s32 $0xFFFF4000  }
0x249: {  	[tilespmem:s16], [sflag:$0x1] =	stream.linear.gather [hbm4b:s3+s16], $0xC000, $0x38;
	[tilespmem:$0x18000] =	vst v63  }
0x24a: {  	_ =	swait.ge [sflag:s21], $0xC000  }
0x24b: {  	[sflag:s21] =	ssyncset.done $0x0  }
0x24c: {  	s26 =	rddreg [dreg:$0xb];
	[sflag:s21] =	ssyncadd.s32 $0xFFFF4000  }
0x24d: {  	[tilespmem:s22], [sflag:$0x1] =	stream.linear.gather [hbm4b:s26+s16], $0xC000, $0x38;
	[tilespmem:$0x18000] =	vst v63  }
0x24e: {  	_ =	swait.ge [sflag:s21], $0xC000  }
0x24f: {  	[sflag:s21] =	ssyncset.done $0x0  }
0x250: {  	s24 =	simm.s32 $0x40;
	[sflag:s21] =	ssyncadd.s32 $0xFFFF4000  }
0x251: {  	s25 =	simm.s32 $0xC040;
	v0 =	vld [tilespmem:s24+$0xFFFFFFC0]  }
0x252: {  	v1 =	vld [tilespmem:s25+$0xFFFFFFC0];
	_ =	sdelay $0x4  }
0x253: {  	v0 =	vadd.f32 v1, v0;
	_ =	sdelay $0x1  }
0x254: {  	[tilespmem:s24+$0xFFFFFFC0] =	vst v0;
	v0 =	vld [tilespmem:s24+$0xFFFFFFD0]  }
0x255: {  	v1 =	vld [tilespmem:s25+$0xFFFFFFD0];
	_ =	sdelay $0x4  }
0x256: {  	v0 =	vadd.f32 v1, v0;
	_ =	sdelay $0x1  }
0x257: {  	[tilespmem:s24+$0xFFFFFFD0] =	vst v0;
	v0 =	vld [tilespmem:s24+$0xFFFFFFE0]  }
0x258: {  	v1 =	vld [tilespmem:s25+$0xFFFFFFE0];
	_ =	sdelay $0x4  }
0x259: {  	v0 =	vadd.f32 v1, v0;
	_ =	sdelay $0x1  }
0x25a: {  	[tilespmem:s24+$0xFFFFFFE0] =	vst v0;
	v0 =	vld [tilespmem:s24+$0xFFFFFFF0]  }
0x25b: {  	v1 =	vld [tilespmem:s25+$0xFFFFFFF0];
	_ =	sdelay $0x4  }
0x25c: {  	v0 =	vadd.f32 v1, v0;
	_ =	sdelay $0x1  }
0x25d: {  	[tilespmem:s24+$0xFFFFFFF0] =	vst v0;
	v0 =	vld [tilespmem:s24+$0x0]  }
0x25e: {  	v1 =	vld [tilespmem:s25+$0x0];
	_ =	sdelay $0x4  }
0x25f: {  	v0 =	vadd.f32 v1, v0;
	_ =	sdelay $0x1  }
0x260: {  	[tilespmem:s24+$0x0] =	vst v0;
	v0 =	vld [tilespmem:s24+$0x10]  }
0x261: {  	v1 =	vld [tilespmem:s25+$0x10];
	_ =	sdelay $0x4  }
0x262: {  	v0 =	vadd.f32 v1, v0;
	_ =	sdelay $0x1  }
0x263: {  	[tilespmem:s24+$0x10] =	vst v0;
	v0 =	vld [tilespmem:s24+$0x20]  }
0x264: {  	v1 =	vld [tilespmem:s25+$0x20];
	_ =	sdelay $0x4  }
0x265: {  	v0 =	vadd.f32 v1, v0;
	_ =	sdelay $0x1  }
0x266: {  	[tilespmem:s24+$0x20] =	vst v0;
	v0 =	vld [tilespmem:s24+$0x30]  }
0x267: {  	v1 =	vld [tilespmem:s25+$0x30];
	_ =	sdelay $0x4  }
0x268: {  	v0 =	vadd.f32 v1, v0  }
0x269: {  	s28 =	simm.s32 $0xC0;
	s26 =	simm.s32 $0x0  }
.LBB2_18:
0x26a: {  	v1 =	vld [tilespmem:s28+$0xFFFFFFC0];
	[tilespmem:s24+$0x30] =	vst v0;
	s25 =	sadd.s32 $0x80, s25;
	s24 =	smov.u32 s28  }
0x26b: {  	s26 =	sadd.s32 $0x8, s26;
	v0 =	vld [tilespmem:s25+$0xFFFFFFC0]  }
0x26c: {  	p0 =	slt.u32 s26, $0xBF8;
	_ =	sdelay $0x3  }
0x26d: {  	v0 =	vadd.f32 v0, v1;
	_ =	sdelay $0x1  }
0x26e: {  	[tilespmem:s28+$0xFFFFFFC0] =	vst v0;
	v0 =	vld [tilespmem:s28+$0xFFFFFFD0]  }
0x26f: {  	v1 =	vld [tilespmem:s25+$0xFFFFFFD0];
	_ =	sdelay $0x4  }
0x270: {  	v0 =	vadd.f32 v1, v0;
	_ =	sdelay $0x1  }
0x271: {  	[tilespmem:s28+$0xFFFFFFD0] =	vst v0;
	v0 =	vld [tilespmem:s28+$0xFFFFFFE0]  }
0x272: {  	v1 =	vld [tilespmem:s25+$0xFFFFFFE0];
	_ =	sdelay $0x4  }
0x273: {  	v0 =	vadd.f32 v1, v0;
	_ =	sdelay $0x1  }
0x274: {  	[tilespmem:s28+$0xFFFFFFE0] =	vst v0;
	v0 =	vld [tilespmem:s28+$0xFFFFFFF0]  }
0x275: {  	v1 =	vld [tilespmem:s25+$0xFFFFFFF0];
	_ =	sdelay $0x4  }
0x276: {  	v0 =	vadd.f32 v1, v0;
	_ =	sdelay $0x1  }
0x277: {  	[tilespmem:s28+$0xFFFFFFF0] =	vst v0;
	v0 =	vld [tilespmem:s28+$0x0]  }
0x278: {  	v1 =	vld [tilespmem:s25+$0x0];
	_ =	sdelay $0x4  }
0x279: {  	v0 =	vadd.f32 v1, v0;
	_ =	sdelay $0x1  }
0x27a: {  	[tilespmem:s28+$0x0] =	vst v0;
	v0 =	vld [tilespmem:s28+$0x10]  }
0x27b: {  	v1 =	vld [tilespmem:s25+$0x10];
	_ =	sdelay $0x4  }
0x27c: {  	v0 =	vadd.f32 v1, v0;
	_ =	sdelay $0x1  }
0x27d: {  	[tilespmem:s28+$0x10] =	vst v0;
	v0 =	vld [tilespmem:s28+$0x20]  }
0x27e: {  	v1 =	vld [tilespmem:s25+$0x20];
	_ =	sdelay $0x4  }
0x27f: {  	v0 =	vadd.f32 v1, v0;
	_ =	sdelay $0x1  }
0x280: {  	[tilespmem:s28+$0x20] =	vst v0;
	v0 =	vld [tilespmem:s28+$0x30]  }
0x281: {  	v1 =	vld [tilespmem:s25+$0x30];
	_ =	sdelay $0x1  }
.Ltmp8:
0x282: {  	(pc) =	sbr.rel @p0 .LBB2_18-.Ltmp8, $3  }
0x283: {  	_ =	sdelay $0x1  }
0x284: {  	v0 =	vadd.f32 v1, v0  }
0x285: {  	s28 =	sadd.s32 $0x80, s28  }
0x286: {  	[tilespmem:s24+$0x30] =	vst v0  }
0x287: {  	[hbm4b:s4+s16] =	stream.linear.scatter [tilespmem:s16], [sflag:$0x1], $0xC000, $0x38;
	[tilespmem:$0x18000] =	vst v63  }
0x288: {  	_ =	swait.ge [sflag:s21], $0xC000  }
0x289: {  	[sflag:s21] =	ssyncset.done $0x0  }
0x28a: {  	[sflag:s21] =	ssyncadd.s32 $0xFFFF4000  }
0x28b: {  	[tilespmem:s16], [sflag:$0x1] =	stream.linear.gather [hbm4b:s5+s16], $0xC000, $0x38;
	[tilespmem:$0x18000] =	vst v63  }
0x28c: {  	_ =	swait.ge [sflag:s21], $0xC000  }
0x28d: {  	[sflag:s21] =	ssyncset.done $0x0  }
0x28e: {  	s26 =	rddreg [dreg:$0xc];
	[sflag:s21] =	ssyncadd.s32 $0xFFFF4000  }
0x28f: {  	[tilespmem:s22], [sflag:$0x1] =	stream.linear.gather [hbm4b:s26+s16], $0xC000, $0x38;
	[tilespmem:$0x18000] =	vst v63  }
0x290: {  	_ =	swait.ge [sflag:s21], $0xC000  }
0x291: {  	[sflag:s21] =	ssyncset.done $0x0  }
0x292: {  	s24 =	simm.s32 $0x40;
	[sflag:s21] =	ssyncadd.s32 $0xFFFF4000  }
0x293: {  	s25 =	simm.s32 $0xC040;
	v0 =	vld [tilespmem:s24+$0xFFFFFFC0]  }
0x294: {  	v1 =	vld [tilespmem:s25+$0xFFFFFFC0];
	_ =	sdelay $0x4  }
0x295: {  	v0 =	vadd.f32 v1, v0;
	_ =	sdelay $0x1  }
0x296: {  	[tilespmem:s24+$0xFFFFFFC0] =	vst v0;
	v0 =	vld [tilespmem:s24+$0xFFFFFFD0]  }
0x297: {  	v1 =	vld [tilespmem:s25+$0xFFFFFFD0];
	_ =	sdelay $0x4  }
0x298: {  	v0 =	vadd.f32 v1, v0;
	_ =	sdelay $0x1  }
0x299: {  	[tilespmem:s24+$0xFFFFFFD0] =	vst v0;
	v0 =	vld [tilespmem:s24+$0xFFFFFFE0]  }
0x29a: {  	v1 =	vld [tilespmem:s25+$0xFFFFFFE0];
	_ =	sdelay $0x4  }
0x29b: {  	v0 =	vadd.f32 v1, v0;
	_ =	sdelay $0x1  }
0x29c: {  	[tilespmem:s24+$0xFFFFFFE0] =	vst v0;
	v0 =	vld [tilespmem:s24+$0xFFFFFFF0]  }
0x29d: {  	v1 =	vld [tilespmem:s25+$0xFFFFFFF0];
	_ =	sdelay $0x4  }
0x29e: {  	v0 =	vadd.f32 v1, v0;
	_ =	sdelay $0x1  }
0x29f: {  	[tilespmem:s24+$0xFFFFFFF0] =	vst v0;
	v0 =	vld [tilespmem:s24+$0x0]  }
0x2a0: {  	v1 =	vld [tilespmem:s25+$0x0];
	_ =	sdelay $0x4  }
0x2a1: {  	v0 =	vadd.f32 v1, v0;
	_ =	sdelay $0x1  }
0x2a2: {  	[tilespmem:s24+$0x0] =	vst v0;
	v0 =	vld [tilespmem:s24+$0x10]  }
0x2a3: {  	v1 =	vld [tilespmem:s25+$0x10];
	_ =	sdelay $0x4  }
0x2a4: {  	v0 =	vadd.f32 v1, v0;
	_ =	sdelay $0x1  }
0x2a5: {  	[tilespmem:s24+$0x10] =	vst v0;
	v0 =	vld [tilespmem:s24+$0x20]  }
0x2a6: {  	v1 =	vld [tilespmem:s25+$0x20];
	_ =	sdelay $0x4  }
0x2a7: {  	v0 =	vadd.f32 v1, v0;
	_ =	sdelay $0x1  }
0x2a8: {  	[tilespmem:s24+$0x20] =	vst v0;
	v0 =	vld [tilespmem:s24+$0x30]  }
0x2a9: {  	v1 =	vld [tilespmem:s25+$0x30];
	_ =	sdelay $0x4  }
0x2aa: {  	v0 =	vadd.f32 v1, v0  }
0x2ab: {  	s28 =	simm.s32 $0xC0;
	s26 =	simm.s32 $0x0  }
.LBB2_20:
0x2ac: {  	v1 =	vld [tilespmem:s28+$0xFFFFFFC0];
	[tilespmem:s24+$0x30] =	vst v0;
	s25 =	sadd.s32 $0x80, s25;
	s24 =	smov.u32 s28  }
0x2ad: {  	s26 =	sadd.s32 $0x8, s26;
	v0 =	vld [tilespmem:s25+$0xFFFFFFC0]  }
0x2ae: {  	p0 =	slt.u32 s26, $0xBF8;
	_ =	sdelay $0x3  }
0x2af: {  	v0 =	vadd.f32 v0, v1;
	_ =	sdelay $0x1  }
0x2b0: {  	[tilespmem:s28+$0xFFFFFFC0] =	vst v0;
	v0 =	vld [tilespmem:s28+$0xFFFFFFD0]  }
0x2b1: {  	v1 =	vld [tilespmem:s25+$0xFFFFFFD0];
	_ =	sdelay $0x4  }
0x2b2: {  	v0 =	vadd.f32 v1, v0;
	_ =	sdelay $0x1  }
0x2b3: {  	[tilespmem:s28+$0xFFFFFFD0] =	vst v0;
	v0 =	vld [tilespmem:s28+$0xFFFFFFE0]  }
0x2b4: {  	v1 =	vld [tilespmem:s25+$0xFFFFFFE0];
	_ =	sdelay $0x4  }
0x2b5: {  	v0 =	vadd.f32 v1, v0;
	_ =	sdelay $0x1  }
0x2b6: {  	[tilespmem:s28+$0xFFFFFFE0] =	vst v0;
	v0 =	vld [tilespmem:s28+$0xFFFFFFF0]  }
0x2b7: {  	v1 =	vld [tilespmem:s25+$0xFFFFFFF0];
	_ =	sdelay $0x4  }
0x2b8: {  	v0 =	vadd.f32 v1, v0;
	_ =	sdelay $0x1  }
0x2b9: {  	[tilespmem:s28+$0xFFFFFFF0] =	vst v0;
	v0 =	vld [tilespmem:s28+$0x0]  }
0x2ba: {  	v1 =	vld [tilespmem:s25+$0x0];
	_ =	sdelay $0x4  }
0x2bb: {  	v0 =	vadd.f32 v1, v0;
	_ =	sdelay $0x1  }
0x2bc: {  	[tilespmem:s28+$0x0] =	vst v0;
	v0 =	vld [tilespmem:s28+$0x10]  }
0x2bd: {  	v1 =	vld [tilespmem:s25+$0x10];
	_ =	sdelay $0x4  }
0x2be: {  	v0 =	vadd.f32 v1, v0;
	_ =	sdelay $0x1  }
0x2bf: {  	[tilespmem:s28+$0x10] =	vst v0;
	v0 =	vld [tilespmem:s28+$0x20]  }
0x2c0: {  	v1 =	vld [tilespmem:s25+$0x20];
	_ =	sdelay $0x4  }
0x2c1: {  	v0 =	vadd.f32 v1, v0;
	_ =	sdelay $0x1  }
0x2c2: {  	[tilespmem:s28+$0x20] =	vst v0;
	v0 =	vld [tilespmem:s28+$0x30]  }
0x2c3: {  	v1 =	vld [tilespmem:s25+$0x30];
	_ =	sdelay $0x1  }
.Ltmp9:
0x2c4: {  	(pc) =	sbr.rel @p0 .LBB2_20-.Ltmp9, $3  }
0x2c5: {  	_ =	sdelay $0x1  }
0x2c6: {  	v0 =	vadd.f32 v1, v0  }
0x2c7: {  	s28 =	sadd.s32 $0x80, s28  }
0x2c8: {  	[tilespmem:s24+$0x30] =	vst v0  }
0x2c9: {  	[hbm4b:s6+s16] =	stream.linear.scatter [tilespmem:s16], [sflag:$0x1], $0xC000, $0x38;
	[tilespmem:$0x18000] =	vst v63  }
0x2ca: {  	_ =	swait.ge [sflag:s21], $0xC000  }
0x2cb: {  	[sflag:s21] =	ssyncset.done $0x0  }
0x2cc: {  	[sflag:s21] =	ssyncadd.s32 $0xFFFF4000  }
0x2cd: {  	[tilespmem:s16], [sflag:$0x1] =	stream.linear.gather [hbm4b:s7+s16], $0xC000, $0x38;
	[tilespmem:$0x18000] =	vst v63  }
0x2ce: {  	_ =	swait.ge [sflag:s21], $0xC000  }
0x2cf: {  	[sflag:s21] =	ssyncset.done $0x0  }
0x2d0: {  	s26 =	rddreg [dreg:$0xd];
	[sflag:s21] =	ssyncadd.s32 $0xFFFF4000  }
0x2d1: {  	[tilespmem:s22], [sflag:$0x1] =	stream.linear.gather [hbm4b:s26+s16], $0xC000, $0x38;
	[tilespmem:$0x18000] =	vst v63  }
0x2d2: {  	_ =	swait.ge [sflag:s21], $0xC000  }
0x2d3: {  	[sflag:s21] =	ssyncset.done $0x0  }
0x2d4: {  	s24 =	simm.s32 $0x40;
	[sflag:s21] =	ssyncadd.s32 $0xFFFF4000  }
0x2d5: {  	s25 =	simm.s32 $0xC040;
	v0 =	vld [tilespmem:s24+$0xFFFFFFC0]  }
0x2d6: {  	v1 =	vld [tilespmem:s25+$0xFFFFFFC0];
	_ =	sdelay $0x4  }
0x2d7: {  	v0 =	vadd.f32 v1, v0;
	_ =	sdelay $0x1  }
0x2d8: {  	[tilespmem:s24+$0xFFFFFFC0] =	vst v0;
	v0 =	vld [tilespmem:s24+$0xFFFFFFD0]  }
0x2d9: {  	v1 =	vld [tilespmem:s25+$0xFFFFFFD0];
	_ =	sdelay $0x4  }
0x2da: {  	v0 =	vadd.f32 v1, v0;
	_ =	sdelay $0x1  }
0x2db: {  	[tilespmem:s24+$0xFFFFFFD0] =	vst v0;
	v0 =	vld [tilespmem:s24+$0xFFFFFFE0]  }
0x2dc: {  	v1 =	vld [tilespmem:s25+$0xFFFFFFE0];
	_ =	sdelay $0x4  }
0x2dd: {  	v0 =	vadd.f32 v1, v0;
	_ =	sdelay $0x1  }
0x2de: {  	[tilespmem:s24+$0xFFFFFFE0] =	vst v0;
	v0 =	vld [tilespmem:s24+$0xFFFFFFF0]  }
0x2df: {  	v1 =	vld [tilespmem:s25+$0xFFFFFFF0];
	_ =	sdelay $0x4  }
0x2e0: {  	v0 =	vadd.f32 v1, v0;
	_ =	sdelay $0x1  }
0x2e1: {  	[tilespmem:s24+$0xFFFFFFF0] =	vst v0;
	v0 =	vld [tilespmem:s24+$0x0]  }
0x2e2: {  	v1 =	vld [tilespmem:s25+$0x0];
	_ =	sdelay $0x4  }
0x2e3: {  	v0 =	vadd.f32 v1, v0;
	_ =	sdelay $0x1  }
0x2e4: {  	[tilespmem:s24+$0x0] =	vst v0;
	v0 =	vld [tilespmem:s24+$0x10]  }
0x2e5: {  	v1 =	vld [tilespmem:s25+$0x10];
	_ =	sdelay $0x4  }
0x2e6: {  	v0 =	vadd.f32 v1, v0;
	_ =	sdelay $0x1  }
0x2e7: {  	[tilespmem:s24+$0x10] =	vst v0;
	v0 =	vld [tilespmem:s24+$0x20]  }
0x2e8: {  	v1 =	vld [tilespmem:s25+$0x20];
	_ =	sdelay $0x4  }
0x2e9: {  	v0 =	vadd.f32 v1, v0;
	_ =	sdelay $0x1  }
0x2ea: {  	[tilespmem:s24+$0x20] =	vst v0;
	v0 =	vld [tilespmem:s24+$0x30]  }
0x2eb: {  	v1 =	vld [tilespmem:s25+$0x30];
	_ =	sdelay $0x4  }
0x2ec: {  	v0 =	vadd.f32 v1, v0  }
0x2ed: {  	s28 =	simm.s32 $0xC0;
	s26 =	simm.s32 $0x0  }
.LBB2_22:
0x2ee: {  	v1 =	vld [tilespmem:s28+$0xFFFFFFC0];
	[tilespmem:s24+$0x30] =	vst v0;
	s25 =	sadd.s32 $0x80, s25;
	s24 =	smov.u32 s28  }
0x2ef: {  	s26 =	sadd.s32 $0x8, s26;
	v0 =	vld [tilespmem:s25+$0xFFFFFFC0]  }
0x2f0: {  	p0 =	slt.u32 s26, $0xBF8;
	_ =	sdelay $0x3  }
0x2f1: {  	v0 =	vadd.f32 v0, v1;
	_ =	sdelay $0x1  }
0x2f2: {  	[tilespmem:s28+$0xFFFFFFC0] =	vst v0;
	v0 =	vld [tilespmem:s28+$0xFFFFFFD0]  }
0x2f3: {  	v1 =	vld [tilespmem:s25+$0xFFFFFFD0];
	_ =	sdelay $0x4  }
0x2f4: {  	v0 =	vadd.f32 v1, v0;
	_ =	sdelay $0x1  }
0x2f5: {  	[tilespmem:s28+$0xFFFFFFD0] =	vst v0;
	v0 =	vld [tilespmem:s28+$0xFFFFFFE0]  }
0x2f6: {  	v1 =	vld [tilespmem:s25+$0xFFFFFFE0];
	_ =	sdelay $0x4  }
0x2f7: {  	v0 =	vadd.f32 v1, v0;
	_ =	sdelay $0x1  }
0x2f8: {  	[tilespmem:s28+$0xFFFFFFE0] =	vst v0;
	v0 =	vld [tilespmem:s28+$0xFFFFFFF0]  }
0x2f9: {  	v1 =	vld [tilespmem:s25+$0xFFFFFFF0];
	_ =	sdelay $0x4  }
0x2fa: {  	v0 =	vadd.f32 v1, v0;
	_ =	sdelay $0x1  }
0x2fb: {  	[tilespmem:s28+$0xFFFFFFF0] =	vst v0;
	v0 =	vld [tilespmem:s28+$0x0]  }
0x2fc: {  	v1 =	vld [tilespmem:s25+$0x0];
	_ =	sdelay $0x4  }
0x2fd: {  	v0 =	vadd.f32 v1, v0;
	_ =	sdelay $0x1  }
0x2fe: {  	[tilespmem:s28+$0x0] =	vst v0;
	v0 =	vld [tilespmem:s28+$0x10]  }
0x2ff: {  	v1 =	vld [tilespmem:s25+$0x10];
	_ =	sdelay $0x4  }
0x300: {  	v0 =	vadd.f32 v1, v0;
	_ =	sdelay $0x1  }
0x301: {  	[tilespmem:s28+$0x10] =	vst v0;
	v0 =	vld [tilespmem:s28+$0x20]  }
0x302: {  	v1 =	vld [tilespmem:s25+$0x20];
	_ =	sdelay $0x4  }
0x303: {  	v0 =	vadd.f32 v1, v0;
	_ =	sdelay $0x1  }
0x304: {  	[tilespmem:s28+$0x20] =	vst v0;
	v0 =	vld [tilespmem:s28+$0x30]  }
0x305: {  	v1 =	vld [tilespmem:s25+$0x30];
	_ =	sdelay $0x1  }
.Ltmp10:
0x306: {  	(pc) =	sbr.rel @p0 .LBB2_22-.Ltmp10, $3  }
0x307: {  	_ =	sdelay $0x1  }
0x308: {  	v0 =	vadd.f32 v1, v0  }
0x309: {  	s28 =	sadd.s32 $0x80, s28  }
0x30a: {  	[tilespmem:s24+$0x30] =	vst v0  }
0x30b: {  	[hbm4b:s8+s16] =	stream.linear.scatter [tilespmem:s16], [sflag:$0x1], $0xC000, $0x38;
	[tilespmem:$0x18000] =	vst v63  }
0x30c: {  	_ =	swait.ge [sflag:s21], $0xC000  }
0x30d: {  	[sflag:s21] =	ssyncset.done $0x0  }
0x30e: {  	[sflag:s21] =	ssyncadd.s32 $0xFFFF4000  }
0x30f: {  	[tilespmem:s16], [sflag:$0x1] =	stream.linear.gather [hbm4b:s9+s16], $0xC000, $0x38;
	[tilespmem:$0x18000] =	vst v63  }
0x310: {  	_ =	swait.ge [sflag:s21], $0xC000  }
0x311: {  	[sflag:s21] =	ssyncset.done $0x0  }
0x312: {  	s26 =	rddreg [dreg:$0xe];
	[sflag:s21] =	ssyncadd.s32 $0xFFFF4000  }
0x313: {  	[tilespmem:s22], [sflag:$0x1] =	stream.linear.gather [hbm4b:s26+s16], $0xC000, $0x38;
	[tilespmem:$0x18000] =	vst v63  }
0x314: {  	_ =	swait.ge [sflag:s21], $0xC000  }
0x315: {  	[sflag:s21] =	ssyncset.done $0x0  }
0x316: {  	s24 =	simm.s32 $0x40;
	[sflag:s21] =	ssyncadd.s32 $0xFFFF4000  }
0x317: {  	s25 =	simm.s32 $0xC040;
	v0 =	vld [tilespmem:s24+$0xFFFFFFC0]  }
0x318: {  	v1 =	vld [tilespmem:s25+$0xFFFFFFC0];
	_ =	sdelay $0x4  }
0x319: {  	v0 =	vadd.f32 v1, v0;
	_ =	sdelay $0x1  }
0x31a: {  	[tilespmem:s24+$0xFFFFFFC0] =	vst v0;
	v0 =	vld [tilespmem:s24+$0xFFFFFFD0]  }
0x31b: {  	v1 =	vld [tilespmem:s25+$0xFFFFFFD0];
	_ =	sdelay $0x4  }
0x31c: {  	v0 =	vadd.f32 v1, v0;
	_ =	sdelay $0x1  }
0x31d: {  	[tilespmem:s24+$0xFFFFFFD0] =	vst v0;
	v0 =	vld [tilespmem:s24+$0xFFFFFFE0]  }
0x31e: {  	v1 =	vld [tilespmem:s25+$0xFFFFFFE0];
	_ =	sdelay $0x4  }
0x31f: {  	v0 =	vadd.f32 v1, v0;
	_ =	sdelay $0x1  }
0x320: {  	[tilespmem:s24+$0xFFFFFFE0] =	vst v0;
	v0 =	vld [tilespmem:s24+$0xFFFFFFF0]  }
0x321: {  	v1 =	vld [tilespmem:s25+$0xFFFFFFF0];
	_ =	sdelay $0x4  }
0x322: {  	v0 =	vadd.f32 v1, v0;
	_ =	sdelay $0x1  }
0x323: {  	[tilespmem:s24+$0xFFFFFFF0] =	vst v0;
	v0 =	vld [tilespmem:s24+$0x0]  }
0x324: {  	v1 =	vld [tilespmem:s25+$0x0];
	_ =	sdelay $0x4  }
0x325: {  	v0 =	vadd.f32 v1, v0;
	_ =	sdelay $0x1  }
0x326: {  	[tilespmem:s24+$0x0] =	vst v0;
	v0 =	vld [tilespmem:s24+$0x10]  }
0x327: {  	v1 =	vld [tilespmem:s25+$0x10];
	_ =	sdelay $0x4  }
0x328: {  	v0 =	vadd.f32 v1, v0;
	_ =	sdelay $0x1  }
0x329: {  	[tilespmem:s24+$0x10] =	vst v0;
	v0 =	vld [tilespmem:s24+$0x20]  }
0x32a: {  	v1 =	vld [tilespmem:s25+$0x20];
	_ =	sdelay $0x4  }
0x32b: {  	v0 =	vadd.f32 v1, v0;
	_ =	sdelay $0x1  }
0x32c: {  	[tilespmem:s24+$0x20] =	vst v0;
	v0 =	vld [tilespmem:s24+$0x30]  }
0x32d: {  	v1 =	vld [tilespmem:s25+$0x30];
	_ =	sdelay $0x4  }
0x32e: {  	v0 =	vadd.f32 v1, v0  }
0x32f: {  	s28 =	simm.s32 $0xC0;
	s26 =	simm.s32 $0x0  }
.LBB2_24:
0x330: {  	v1 =	vld [tilespmem:s28+$0xFFFFFFC0];
	[tilespmem:s24+$0x30] =	vst v0;
	s25 =	sadd.s32 $0x80, s25;
	s24 =	smov.u32 s28  }
0x331: {  	s26 =	sadd.s32 $0x8, s26;
	v0 =	vld [tilespmem:s25+$0xFFFFFFC0]  }
0x332: {  	p0 =	slt.u32 s26, $0xBF8;
	_ =	sdelay $0x3  }
0x333: {  	v0 =	vadd.f32 v0, v1;
	_ =	sdelay $0x1  }
0x334: {  	[tilespmem:s28+$0xFFFFFFC0] =	vst v0;
	v0 =	vld [tilespmem:s28+$0xFFFFFFD0]  }
0x335: {  	v1 =	vld [tilespmem:s25+$0xFFFFFFD0];
	_ =	sdelay $0x4  }
0x336: {  	v0 =	vadd.f32 v1, v0;
	_ =	sdelay $0x1  }
0x337: {  	[tilespmem:s28+$0xFFFFFFD0] =	vst v0;
	v0 =	vld [tilespmem:s28+$0xFFFFFFE0]  }
0x338: {  	v1 =	vld [tilespmem:s25+$0xFFFFFFE0];
	_ =	sdelay $0x4  }
0x339: {  	v0 =	vadd.f32 v1, v0;
	_ =	sdelay $0x1  }
0x33a: {  	[tilespmem:s28+$0xFFFFFFE0] =	vst v0;
	v0 =	vld [tilespmem:s28+$0xFFFFFFF0]  }
0x33b: {  	v1 =	vld [tilespmem:s25+$0xFFFFFFF0];
	_ =	sdelay $0x4  }
0x33c: {  	v0 =	vadd.f32 v1, v0;
	_ =	sdelay $0x1  }
0x33d: {  	[tilespmem:s28+$0xFFFFFFF0] =	vst v0;
	v0 =	vld [tilespmem:s28+$0x0]  }
0x33e: {  	v1 =	vld [tilespmem:s25+$0x0];
	_ =	sdelay $0x4  }
0x33f: {  	v0 =	vadd.f32 v1, v0;
	_ =	sdelay $0x1  }
0x340: {  	[tilespmem:s28+$0x0] =	vst v0;
	v0 =	vld [tilespmem:s28+$0x10]  }
0x341: {  	v1 =	vld [tilespmem:s25+$0x10];
	_ =	sdelay $0x4  }
0x342: {  	v0 =	vadd.f32 v1, v0;
	_ =	sdelay $0x1  }
0x343: {  	[tilespmem:s28+$0x10] =	vst v0;
	v0 =	vld [tilespmem:s28+$0x20]  }
0x344: {  	v1 =	vld [tilespmem:s25+$0x20];
	_ =	sdelay $0x4  }
0x345: {  	v0 =	vadd.f32 v1, v0;
	_ =	sdelay $0x1  }
0x346: {  	[tilespmem:s28+$0x20] =	vst v0;
	v0 =	vld [tilespmem:s28+$0x30]  }
0x347: {  	v1 =	vld [tilespmem:s25+$0x30];
	_ =	sdelay $0x1  }
.Ltmp11:
0x348: {  	(pc) =	sbr.rel @p0 .LBB2_24-.Ltmp11, $3  }
0x349: {  	_ =	sdelay $0x1  }
0x34a: {  	v0 =	vadd.f32 v1, v0  }
0x34b: {  	s28 =	sadd.s32 $0x80, s28  }
0x34c: {  	[tilespmem:s24+$0x30] =	vst v0  }
0x34d: {  	[hbm4b:s10+s16] =	stream.linear.scatter [tilespmem:s16], [sflag:$0x1], $0xC000, $0x38;
	[tilespmem:$0x18000] =	vst v63  }
0x34e: {  	_ =	swait.ge [sflag:s21], $0xC000  }
0x34f: {  	[sflag:s21] =	ssyncset.done $0x0  }
0x350: {  	[sflag:s21] =	ssyncadd.s32 $0xFFFF4000  }
0x351: {  	[tilespmem:s16], [sflag:$0x1] =	stream.linear.gather [hbm4b:s11+s16], $0xC000, $0x38;
	[tilespmem:$0x18000] =	vst v63  }
0x352: {  	_ =	swait.ge [sflag:s21], $0xC000  }
0x353: {  	[sflag:s21] =	ssyncset.done $0x0  }
0x354: {  	s26 =	rddreg [dreg:$0xf];
	[sflag:s21] =	ssyncadd.s32 $0xFFFF4000  }
0x355: {  	[tilespmem:s22], [sflag:$0x1] =	stream.linear.gather [hbm4b:s26+s16], $0xC000, $0x38;
	[tilespmem:$0x18000] =	vst v63  }
0x356: {  	_ =	swait.ge [sflag:s21], $0xC000  }
0x357: {  	[sflag:s21] =	ssyncset.done $0x0  }
0x358: {  	s24 =	simm.s32 $0x40;
	[sflag:s21] =	ssyncadd.s32 $0xFFFF4000  }
0x359: {  	s25 =	simm.s32 $0xC040;
	v0 =	vld [tilespmem:s24+$0xFFFFFFC0]  }
0x35a: {  	v1 =	vld [tilespmem:s25+$0xFFFFFFC0];
	_ =	sdelay $0x4  }
0x35b: {  	v0 =	vadd.f32 v1, v0;
	_ =	sdelay $0x1  }
0x35c: {  	[tilespmem:s24+$0xFFFFFFC0] =	vst v0;
	v0 =	vld [tilespmem:s24+$0xFFFFFFD0]  }
0x35d: {  	v1 =	vld [tilespmem:s25+$0xFFFFFFD0];
	_ =	sdelay $0x4  }
0x35e: {  	v0 =	vadd.f32 v1, v0;
	_ =	sdelay $0x1  }
0x35f: {  	[tilespmem:s24+$0xFFFFFFD0] =	vst v0;
	v0 =	vld [tilespmem:s24+$0xFFFFFFE0]  }
0x360: {  	v1 =	vld [tilespmem:s25+$0xFFFFFFE0];
	_ =	sdelay $0x4  }
0x361: {  	v0 =	vadd.f32 v1, v0;
	_ =	sdelay $0x1  }
0x362: {  	[tilespmem:s24+$0xFFFFFFE0] =	vst v0;
	v0 =	vld [tilespmem:s24+$0xFFFFFFF0]  }
0x363: {  	v1 =	vld [tilespmem:s25+$0xFFFFFFF0];
	_ =	sdelay $0x4  }
0x364: {  	v0 =	vadd.f32 v1, v0;
	_ =	sdelay $0x1  }
0x365: {  	[tilespmem:s24+$0xFFFFFFF0] =	vst v0;
	v0 =	vld [tilespmem:s24+$0x0]  }
0x366: {  	v1 =	vld [tilespmem:s25+$0x0];
	_ =	sdelay $0x4  }
0x367: {  	v0 =	vadd.f32 v1, v0;
	_ =	sdelay $0x1  }
0x368: {  	[tilespmem:s24+$0x0] =	vst v0;
	v0 =	vld [tilespmem:s24+$0x10]  }
0x369: {  	v1 =	vld [tilespmem:s25+$0x10];
	_ =	sdelay $0x4  }
0x36a: {  	v0 =	vadd.f32 v1, v0;
	_ =	sdelay $0x1  }
0x36b: {  	[tilespmem:s24+$0x10] =	vst v0;
	v0 =	vld [tilespmem:s24+$0x20]  }
0x36c: {  	v1 =	vld [tilespmem:s25+$0x20];
	_ =	sdelay $0x4  }
0x36d: {  	v0 =	vadd.f32 v1, v0;
	_ =	sdelay $0x1  }
0x36e: {  	[tilespmem:s24+$0x20] =	vst v0;
	v0 =	vld [tilespmem:s24+$0x30]  }
0x36f: {  	v1 =	vld [tilespmem:s25+$0x30];
	_ =	sdelay $0x4  }
0x370: {  	v0 =	vadd.f32 v1, v0  }
0x371: {  	s28 =	simm.s32 $0xC0;
	s26 =	simm.s32 $0x0  }
.LBB2_26:
0x372: {  	v1 =	vld [tilespmem:s28+$0xFFFFFFC0];
	[tilespmem:s24+$0x30] =	vst v0;
	s25 =	sadd.s32 $0x80, s25;
	s24 =	smov.u32 s28  }
0x373: {  	s26 =	sadd.s32 $0x8, s26;
	v0 =	vld [tilespmem:s25+$0xFFFFFFC0]  }
0x374: {  	p0 =	slt.u32 s26, $0xBF8;
	_ =	sdelay $0x3  }
0x375: {  	v0 =	vadd.f32 v0, v1;
	_ =	sdelay $0x1  }
0x376: {  	[tilespmem:s28+$0xFFFFFFC0] =	vst v0;
	v0 =	vld [tilespmem:s28+$0xFFFFFFD0]  }
0x377: {  	v1 =	vld [tilespmem:s25+$0xFFFFFFD0];
	_ =	sdelay $0x4  }
0x378: {  	v0 =	vadd.f32 v1, v0;
	_ =	sdelay $0x1  }
0x379: {  	[tilespmem:s28+$0xFFFFFFD0] =	vst v0;
	v0 =	vld [tilespmem:s28+$0xFFFFFFE0]  }
0x37a: {  	v1 =	vld [tilespmem:s25+$0xFFFFFFE0];
	_ =	sdelay $0x4  }
0x37b: {  	v0 =	vadd.f32 v1, v0;
	_ =	sdelay $0x1  }
0x37c: {  	[tilespmem:s28+$0xFFFFFFE0] =	vst v0;
	v0 =	vld [tilespmem:s28+$0xFFFFFFF0]  }
0x37d: {  	v1 =	vld [tilespmem:s25+$0xFFFFFFF0];
	_ =	sdelay $0x4  }
0x37e: {  	v0 =	vadd.f32 v1, v0;
	_ =	sdelay $0x1  }
0x37f: {  	[tilespmem:s28+$0xFFFFFFF0] =	vst v0;
	v0 =	vld [tilespmem:s28+$0x0]  }
0x380: {  	v1 =	vld [tilespmem:s25+$0x0];
	_ =	sdelay $0x4  }
0x381: {  	v0 =	vadd.f32 v1, v0;
	_ =	sdelay $0x1  }
0x382: {  	[tilespmem:s28+$0x0] =	vst v0;
	v0 =	vld [tilespmem:s28+$0x10]  }
0x383: {  	v1 =	vld [tilespmem:s25+$0x10];
	_ =	sdelay $0x4  }
0x384: {  	v0 =	vadd.f32 v1, v0;
	_ =	sdelay $0x1  }
0x385: {  	[tilespmem:s28+$0x10] =	vst v0;
	v0 =	vld [tilespmem:s28+$0x20]  }
0x386: {  	v1 =	vld [tilespmem:s25+$0x20];
	_ =	sdelay $0x4  }
0x387: {  	v0 =	vadd.f32 v1, v0;
	_ =	sdelay $0x1  }
0x388: {  	[tilespmem:s28+$0x20] =	vst v0;
	v0 =	vld [tilespmem:s28+$0x30]  }
0x389: {  	v1 =	vld [tilespmem:s25+$0x30];
	_ =	sdelay $0x1  }
.Ltmp12:
0x38a: {  	(pc) =	sbr.rel @p0 .LBB2_26-.Ltmp12, $3  }
0x38b: {  	_ =	sdelay $0x1  }
0x38c: {  	v0 =	vadd.f32 v1, v0  }
0x38d: {  	s28 =	sadd.s32 $0x80, s28  }
0x38e: {  	[tilespmem:s24+$0x30] =	vst v0  }
0x38f: {  	[hbm4b:s12+s16] =	stream.linear.scatter [tilespmem:s16], [sflag:$0x1], $0xC000, $0x38;
	[tilespmem:$0x18000] =	vst v63  }
0x390: {  	_ =	swait.ge [sflag:s21], $0xC000  }
0x391: {  	[sflag:s21] =	ssyncset.done $0x0  }
0x392: {  	[sflag:s21] =	ssyncadd.s32 $0xFFFF4000  }
0x393: {  	[tilespmem:s16], [sflag:$0x1] =	stream.linear.gather [hbm4b:s13+s16], $0xC000, $0x38;
	[tilespmem:$0x18000] =	vst v63  }
0x394: {  	_ =	swait.ge [sflag:s21], $0xC000  }
0x395: {  	[sflag:s21] =	ssyncset.done $0x0  }
0x396: {  	s26 =	rddreg [dreg:$0x10];
	[sflag:s21] =	ssyncadd.s32 $0xFFFF4000  }
0x397: {  	[tilespmem:s22], [sflag:$0x1] =	stream.linear.gather [hbm4b:s26+s16], $0xC000, $0x38;
	[tilespmem:$0x18000] =	vst v63  }
0x398: {  	_ =	swait.ge [sflag:s21], $0xC000  }
0x399: {  	[sflag:s21] =	ssyncset.done $0x0  }
0x39a: {  	s24 =	simm.s32 $0x40;
	[sflag:s21] =	ssyncadd.s32 $0xFFFF4000  }
0x39b: {  	s25 =	simm.s32 $0xC040;
	v0 =	vld [tilespmem:s24+$0xFFFFFFC0]  }
0x39c: {  	v1 =	vld [tilespmem:s25+$0xFFFFFFC0];
	_ =	sdelay $0x4  }
0x39d: {  	v0 =	vadd.f32 v1, v0;
	_ =	sdelay $0x1  }
0x39e: {  	[tilespmem:s24+$0xFFFFFFC0] =	vst v0;
	v0 =	vld [tilespmem:s24+$0xFFFFFFD0]  }
0x39f: {  	v1 =	vld [tilespmem:s25+$0xFFFFFFD0];
	_ =	sdelay $0x4  }
0x3a0: {  	v0 =	vadd.f32 v1, v0;
	_ =	sdelay $0x1  }
0x3a1: {  	[tilespmem:s24+$0xFFFFFFD0] =	vst v0;
	v0 =	vld [tilespmem:s24+$0xFFFFFFE0]  }
0x3a2: {  	v1 =	vld [tilespmem:s25+$0xFFFFFFE0];
	_ =	sdelay $0x4  }
0x3a3: {  	v0 =	vadd.f32 v1, v0;
	_ =	sdelay $0x1  }
0x3a4: {  	[tilespmem:s24+$0xFFFFFFE0] =	vst v0;
	v0 =	vld [tilespmem:s24+$0xFFFFFFF0]  }
0x3a5: {  	v1 =	vld [tilespmem:s25+$0xFFFFFFF0];
	_ =	sdelay $0x4  }
0x3a6: {  	v0 =	vadd.f32 v1, v0;
	_ =	sdelay $0x1  }
0x3a7: {  	[tilespmem:s24+$0xFFFFFFF0] =	vst v0;
	v0 =	vld [tilespmem:s24+$0x0]  }
0x3a8: {  	v1 =	vld [tilespmem:s25+$0x0];
	_ =	sdelay $0x4  }
0x3a9: {  	v0 =	vadd.f32 v1, v0;
	_ =	sdelay $0x1  }
0x3aa: {  	[tilespmem:s24+$0x0] =	vst v0;
	v0 =	vld [tilespmem:s24+$0x10]  }
0x3ab: {  	v1 =	vld [tilespmem:s25+$0x10];
	_ =	sdelay $0x4  }
0x3ac: {  	v0 =	vadd.f32 v1, v0;
	_ =	sdelay $0x1  }
0x3ad: {  	[tilespmem:s24+$0x10] =	vst v0;
	v0 =	vld [tilespmem:s24+$0x20]  }
0x3ae: {  	v1 =	vld [tilespmem:s25+$0x20];
	_ =	sdelay $0x4  }
0x3af: {  	v0 =	vadd.f32 v1, v0;
	_ =	sdelay $0x1  }
0x3b0: {  	[tilespmem:s24+$0x20] =	vst v0;
	v0 =	vld [tilespmem:s24+$0x30]  }
0x3b1: {  	v1 =	vld [tilespmem:s25+$0x30];
	_ =	sdelay $0x4  }
0x3b2: {  	v0 =	vadd.f32 v1, v0  }
0x3b3: {  	s28 =	simm.s32 $0xC0;
	s26 =	simm.s32 $0x0  }
.LBB2_28:
0x3b4: {  	v1 =	vld [tilespmem:s28+$0xFFFFFFC0];
	[tilespmem:s24+$0x30] =	vst v0;
	s25 =	sadd.s32 $0x80, s25;
	s24 =	smov.u32 s28  }
0x3b5: {  	s26 =	sadd.s32 $0x8, s26;
	v0 =	vld [tilespmem:s25+$0xFFFFFFC0]  }
0x3b6: {  	p0 =	slt.u32 s26, $0xBF8;
	_ =	sdelay $0x3  }
0x3b7: {  	v0 =	vadd.f32 v0, v1;
	_ =	sdelay $0x1  }
0x3b8: {  	[tilespmem:s28+$0xFFFFFFC0] =	vst v0;
	v0 =	vld [tilespmem:s28+$0xFFFFFFD0]  }
0x3b9: {  	v1 =	vld [tilespmem:s25+$0xFFFFFFD0];
	_ =	sdelay $0x4  }
0x3ba: {  	v0 =	vadd.f32 v1, v0;
	_ =	sdelay $0x1  }
0x3bb: {  	[tilespmem:s28+$0xFFFFFFD0] =	vst v0;
	v0 =	vld [tilespmem:s28+$0xFFFFFFE0]  }
0x3bc: {  	v1 =	vld [tilespmem:s25+$0xFFFFFFE0];
	_ =	sdelay $0x4  }
0x3bd: {  	v0 =	vadd.f32 v1, v0;
	_ =	sdelay $0x1  }
0x3be: {  	[tilespmem:s28+$0xFFFFFFE0] =	vst v0;
	v0 =	vld [tilespmem:s28+$0xFFFFFFF0]  }
0x3bf: {  	v1 =	vld [tilespmem:s25+$0xFFFFFFF0];
	_ =	sdelay $0x4  }
0x3c0: {  	v0 =	vadd.f32 v1, v0;
	_ =	sdelay $0x1  }
0x3c1: {  	[tilespmem:s28+$0xFFFFFFF0] =	vst v0;
	v0 =	vld [tilespmem:s28+$0x0]  }
0x3c2: {  	v1 =	vld [tilespmem:s25+$0x0];
	_ =	sdelay $0x4  }
0x3c3: {  	v0 =	vadd.f32 v1, v0;
	_ =	sdelay $0x1  }
0x3c4: {  	[tilespmem:s28+$0x0] =	vst v0;
	v0 =	vld [tilespmem:s28+$0x10]  }
0x3c5: {  	v1 =	vld [tilespmem:s25+$0x10];
	_ =	sdelay $0x4  }
0x3c6: {  	v0 =	vadd.f32 v1, v0;
	_ =	sdelay $0x1  }
0x3c7: {  	[tilespmem:s28+$0x10] =	vst v0;
	v0 =	vld [tilespmem:s28+$0x20]  }
0x3c8: {  	v1 =	vld [tilespmem:s25+$0x20];
	_ =	sdelay $0x4  }
0x3c9: {  	v0 =	vadd.f32 v1, v0;
	_ =	sdelay $0x1  }
0x3ca: {  	[tilespmem:s28+$0x20] =	vst v0;
	v0 =	vld [tilespmem:s28+$0x30]  }
0x3cb: {  	v1 =	vld [tilespmem:s25+$0x30];
	_ =	sdelay $0x1  }
.Ltmp13:
0x3cc: {  	(pc) =	sbr.rel @p0 .LBB2_28-.Ltmp13, $3  }
0x3cd: {  	_ =	sdelay $0x1  }
0x3ce: {  	v0 =	vadd.f32 v1, v0  }
0x3cf: {  	s28 =	sadd.s32 $0x80, s28  }
0x3d0: {  	[tilespmem:s24+$0x30] =	vst v0  }
0x3d1: {  	[hbm4b:s14+s16] =	stream.linear.scatter [tilespmem:s16], [sflag:$0x1], $0xC000, $0x38;
	[tilespmem:$0x18000] =	vst v63  }
0x3d2: {  	_ =	swait.ge [sflag:s21], $0xC000  }
0x3d3: {  	[sflag:s21] =	ssyncset.done $0x0  }
0x3d4: {  	[sflag:s21] =	ssyncadd.s32 $0xFFFF4000  }
0x3d5: {  	[tilespmem:s16], [sflag:$0x1] =	stream.linear.gather [hbm4b:s15+s16], $0xC000, $0x38;
	[tilespmem:$0x18000] =	vst v63  }
0x3d6: {  	_ =	swait.ge [sflag:s21], $0xC000  }
0x3d7: {  	[sflag:s21] =	ssyncset.done $0x0  }
0x3d8: {  	s26 =	rddreg [dreg:$0x11];
	[sflag:s21] =	ssyncadd.s32 $0xFFFF4000  }
0x3d9: {  	[tilespmem:s22], [sflag:$0x1] =	stream.linear.gather [hbm4b:s26+s16], $0xC000, $0x38;
	[tilespmem:$0x18000] =	vst v63  }
0x3da: {  	_ =	swait.ge [sflag:s21], $0xC000  }
0x3db: {  	[sflag:s21] =	ssyncset.done $0x0  }
0x3dc: {  	s24 =	simm.s32 $0x40;
	[sflag:s21] =	ssyncadd.s32 $0xFFFF4000  }
0x3dd: {  	s25 =	simm.s32 $0xC040;
	v0 =	vld [tilespmem:s24+$0xFFFFFFC0]  }
0x3de: {  	v1 =	vld [tilespmem:s25+$0xFFFFFFC0];
	_ =	sdelay $0x4  }
0x3df: {  	v0 =	vadd.f32 v1, v0;
	_ =	sdelay $0x1  }
0x3e0: {  	[tilespmem:s24+$0xFFFFFFC0] =	vst v0;
	v0 =	vld [tilespmem:s24+$0xFFFFFFD0]  }
0x3e1: {  	v1 =	vld [tilespmem:s25+$0xFFFFFFD0];
	_ =	sdelay $0x4  }
0x3e2: {  	v0 =	vadd.f32 v1, v0;
	_ =	sdelay $0x1  }
0x3e3: {  	[tilespmem:s24+$0xFFFFFFD0] =	vst v0;
	v0 =	vld [tilespmem:s24+$0xFFFFFFE0]  }
0x3e4: {  	v1 =	vld [tilespmem:s25+$0xFFFFFFE0];
	_ =	sdelay $0x4  }
0x3e5: {  	v0 =	vadd.f32 v1, v0;
	_ =	sdelay $0x1  }
0x3e6: {  	[tilespmem:s24+$0xFFFFFFE0] =	vst v0;
	v0 =	vld [tilespmem:s24+$0xFFFFFFF0]  }
0x3e7: {  	v1 =	vld [tilespmem:s25+$0xFFFFFFF0];
	_ =	sdelay $0x4  }
0x3e8: {  	v0 =	vadd.f32 v1, v0;
	_ =	sdelay $0x1  }
0x3e9: {  	[tilespmem:s24+$0xFFFFFFF0] =	vst v0;
	v0 =	vld [tilespmem:s24+$0x0]  }
0x3ea: {  	v1 =	vld [tilespmem:s25+$0x0];
	_ =	sdelay $0x4  }
0x3eb: {  	v0 =	vadd.f32 v1, v0;
	_ =	sdelay $0x1  }
0x3ec: {  	[tilespmem:s24+$0x0] =	vst v0;
	v0 =	vld [tilespmem:s24+$0x10]  }
0x3ed: {  	v1 =	vld [tilespmem:s25+$0x10];
	_ =	sdelay $0x4  }
0x3ee: {  	v0 =	vadd.f32 v1, v0;
	_ =	sdelay $0x1  }
0x3ef: {  	[tilespmem:s24+$0x10] =	vst v0;
	v0 =	vld [tilespmem:s24+$0x20]  }
0x3f0: {  	v1 =	vld [tilespmem:s25+$0x20];
	_ =	sdelay $0x4  }
0x3f1: {  	v0 =	vadd.f32 v1, v0;
	_ =	sdelay $0x1  }
0x3f2: {  	[tilespmem:s24+$0x20] =	vst v0;
	v0 =	vld [tilespmem:s24+$0x30]  }
0x3f3: {  	v1 =	vld [tilespmem:s25+$0x30];
	_ =	sdelay $0x4  }
0x3f4: {  	v0 =	vadd.f32 v1, v0  }
0x3f5: {  	s28 =	simm.s32 $0xC0;
	s26 =	simm.s32 $0x0  }
.LBB2_30:
0x3f6: {  	v1 =	vld [tilespmem:s28+$0xFFFFFFC0];
	[tilespmem:s24+$0x30] =	vst v0;
	s25 =	sadd.s32 $0x80, s25;
	s24 =	smov.u32 s28  }
0x3f7: {  	s26 =	sadd.s32 $0x8, s26;
	v0 =	vld [tilespmem:s25+$0xFFFFFFC0]  }
0x3f8: {  	p0 =	slt.u32 s26, $0xBF8;
	_ =	sdelay $0x3  }
0x3f9: {  	v0 =	vadd.f32 v0, v1;
	_ =	sdelay $0x1  }
0x3fa: {  	[tilespmem:s28+$0xFFFFFFC0] =	vst v0;
	v0 =	vld [tilespmem:s28+$0xFFFFFFD0]  }
0x3fb: {  	v1 =	vld [tilespmem:s25+$0xFFFFFFD0];
	_ =	sdelay $0x4  }
0x3fc: {  	v0 =	vadd.f32 v1, v0;
	_ =	sdelay $0x1  }
0x3fd: {  	[tilespmem:s28+$0xFFFFFFD0] =	vst v0;
	v0 =	vld [tilespmem:s28+$0xFFFFFFE0]  }
0x3fe: {  	v1 =	vld [tilespmem:s25+$0xFFFFFFE0];
	_ =	sdelay $0x4  }
0x3ff: {  	v0 =	vadd.f32 v1, v0;
	_ =	sdelay $0x1  }
0x400: {  	[tilespmem:s28+$0xFFFFFFE0] =	vst v0;
	v0 =	vld [tilespmem:s28+$0xFFFFFFF0]  }
0x401: {  	v1 =	vld [tilespmem:s25+$0xFFFFFFF0];
	_ =	sdelay $0x4  }
0x402: {  	v0 =	vadd.f32 v1, v0;
	_ =	sdelay $0x1  }
0x403: {  	[tilespmem:s28+$0xFFFFFFF0] =	vst v0;
	v0 =	vld [tilespmem:s28+$0x0]  }
0x404: {  	v1 =	vld [tilespmem:s25+$0x0];
	_ =	sdelay $0x4  }
0x405: {  	v0 =	vadd.f32 v1, v0;
	_ =	sdelay $0x1  }
0x406: {  	[tilespmem:s28+$0x0] =	vst v0;
	v0 =	vld [tilespmem:s28+$0x10]  }
0x407: {  	v1 =	vld [tilespmem:s25+$0x10];
	_ =	sdelay $0x4  }
0x408: {  	v0 =	vadd.f32 v1, v0;
	_ =	sdelay $0x1  }
0x409: {  	[tilespmem:s28+$0x10] =	vst v0;
	v0 =	vld [tilespmem:s28+$0x20]  }
0x40a: {  	v1 =	vld [tilespmem:s25+$0x20];
	_ =	sdelay $0x4  }
0x40b: {  	v0 =	vadd.f32 v1, v0;
	_ =	sdelay $0x1  }
0x40c: {  	[tilespmem:s28+$0x20] =	vst v0;
	v0 =	vld [tilespmem:s28+$0x30]  }
0x40d: {  	v1 =	vld [tilespmem:s25+$0x30];
	_ =	sdelay $0x1  }
.Ltmp14:
0x40e: {  	(pc) =	sbr.rel @p0 .LBB2_30-.Ltmp14, $3  }
0x40f: {  	_ =	sdelay $0x1  }
0x410: {  	v0 =	vadd.f32 v1, v0  }
0x411: {  	s28 =	sadd.s32 $0x80, s28  }
0x412: {  	[tilespmem:s24+$0x30] =	vst v0  }
0x413: {  	[hbm4b:s17+s16] =	stream.linear.scatter [tilespmem:s16], [sflag:$0x1], $0xC000, $0x38;
	[tilespmem:$0x18000] =	vst v63  }
0x414: {  	_ =	swait.ge [sflag:s21], $0xC000  }
0x415: {  	[sflag:s21] =	ssyncset.done $0x0  }
0x416: {  	[sflag:s21] =	ssyncadd.s32 $0xFFFF4000  }
0x417: {  	[tilespmem:s16], [sflag:$0x1] =	stream.linear.gather [hbm4b:s18+s16], $0xC000, $0x38;
	[tilespmem:$0x18000] =	vst v63  }
0x418: {  	_ =	swait.ge [sflag:s21], $0xC000  }
0x419: {  	[sflag:s21] =	ssyncset.done $0x0  }
0x41a: {  	s26 =	rddreg [dreg:$0x12];
	[sflag:s21] =	ssyncadd.s32 $0xFFFF4000  }
0x41b: {  	[tilespmem:s22], [sflag:$0x1] =	stream.linear.gather [hbm4b:s26+s16], $0xC000, $0x38;
	[tilespmem:$0x18000] =	vst v63  }
0x41c: {  	_ =	swait.ge [sflag:s21], $0xC000  }
0x41d: {  	[sflag:s21] =	ssyncset.done $0x0  }
0x41e: {  	s24 =	simm.s32 $0x40;
	[sflag:s21] =	ssyncadd.s32 $0xFFFF4000  }
0x41f: {  	s25 =	simm.s32 $0xC040;
	v0 =	vld [tilespmem:s24+$0xFFFFFFC0]  }
0x420: {  	v1 =	vld [tilespmem:s25+$0xFFFFFFC0];
	_ =	sdelay $0x4  }
0x421: {  	v0 =	vadd.f32 v1, v0;
	_ =	sdelay $0x1  }
0x422: {  	[tilespmem:s24+$0xFFFFFFC0] =	vst v0;
	v0 =	vld [tilespmem:s24+$0xFFFFFFD0]  }
0x423: {  	v1 =	vld [tilespmem:s25+$0xFFFFFFD0];
	_ =	sdelay $0x4  }
0x424: {  	v0 =	vadd.f32 v1, v0;
	_ =	sdelay $0x1  }
0x425: {  	[tilespmem:s24+$0xFFFFFFD0] =	vst v0;
	v0 =	vld [tilespmem:s24+$0xFFFFFFE0]  }
0x426: {  	v1 =	vld [tilespmem:s25+$0xFFFFFFE0];
	_ =	sdelay $0x4  }
0x427: {  	v0 =	vadd.f32 v1, v0;
	_ =	sdelay $0x1  }
0x428: {  	[tilespmem:s24+$0xFFFFFFE0] =	vst v0;
	v0 =	vld [tilespmem:s24+$0xFFFFFFF0]  }
0x429: {  	v1 =	vld [tilespmem:s25+$0xFFFFFFF0];
	_ =	sdelay $0x4  }
0x42a: {  	v0 =	vadd.f32 v1, v0;
	_ =	sdelay $0x1  }
0x42b: {  	[tilespmem:s24+$0xFFFFFFF0] =	vst v0;
	v0 =	vld [tilespmem:s24+$0x0]  }
0x42c: {  	v1 =	vld [tilespmem:s25+$0x0];
	_ =	sdelay $0x4  }
0x42d: {  	v0 =	vadd.f32 v1, v0;
	_ =	sdelay $0x1  }
0x42e: {  	[tilespmem:s24+$0x0] =	vst v0;
	v0 =	vld [tilespmem:s24+$0x10]  }
0x42f: {  	v1 =	vld [tilespmem:s25+$0x10];
	_ =	sdelay $0x4  }
0x430: {  	v0 =	vadd.f32 v1, v0;
	_ =	sdelay $0x1  }
0x431: {  	[tilespmem:s24+$0x10] =	vst v0;
	v0 =	vld [tilespmem:s24+$0x20]  }
0x432: {  	v1 =	vld [tilespmem:s25+$0x20];
	_ =	sdelay $0x4  }
0x433: {  	v0 =	vadd.f32 v1, v0;
	_ =	sdelay $0x1  }
0x434: {  	[tilespmem:s24+$0x20] =	vst v0;
	v0 =	vld [tilespmem:s24+$0x30]  }
0x435: {  	v1 =	vld [tilespmem:s25+$0x30];
	_ =	sdelay $0x4  }
0x436: {  	v0 =	vadd.f32 v1, v0  }
0x437: {  	s28 =	simm.s32 $0xC0;
	s26 =	simm.s32 $0x0  }
.LBB2_32:
0x438: {  	v1 =	vld [tilespmem:s28+$0xFFFFFFC0];
	[tilespmem:s24+$0x30] =	vst v0;
	s25 =	sadd.s32 $0x80, s25;
	s24 =	smov.u32 s28  }
0x439: {  	s26 =	sadd.s32 $0x8, s26;
	v0 =	vld [tilespmem:s25+$0xFFFFFFC0]  }
0x43a: {  	p0 =	slt.u32 s26, $0xBF8;
	_ =	sdelay $0x3  }
0x43b: {  	v0 =	vadd.f32 v0, v1;
	_ =	sdelay $0x1  }
0x43c: {  	[tilespmem:s28+$0xFFFFFFC0] =	vst v0;
	v0 =	vld [tilespmem:s28+$0xFFFFFFD0]  }
0x43d: {  	v1 =	vld [tilespmem:s25+$0xFFFFFFD0];
	_ =	sdelay $0x4  }
0x43e: {  	v0 =	vadd.f32 v1, v0;
	_ =	sdelay $0x1  }
0x43f: {  	[tilespmem:s28+$0xFFFFFFD0] =	vst v0;
	v0 =	vld [tilespmem:s28+$0xFFFFFFE0]  }
0x440: {  	v1 =	vld [tilespmem:s25+$0xFFFFFFE0];
	_ =	sdelay $0x4  }
0x441: {  	v0 =	vadd.f32 v1, v0;
	_ =	sdelay $0x1  }
0x442: {  	[tilespmem:s28+$0xFFFFFFE0] =	vst v0;
	v0 =	vld [tilespmem:s28+$0xFFFFFFF0]  }
0x443: {  	v1 =	vld [tilespmem:s25+$0xFFFFFFF0];
	_ =	sdelay $0x4  }
0x444: {  	v0 =	vadd.f32 v1, v0;
	_ =	sdelay $0x1  }
0x445: {  	[tilespmem:s28+$0xFFFFFFF0] =	vst v0;
	v0 =	vld [tilespmem:s28+$0x0]  }
0x446: {  	v1 =	vld [tilespmem:s25+$0x0];
	_ =	sdelay $0x4  }
0x447: {  	v0 =	vadd.f32 v1, v0;
	_ =	sdelay $0x1  }
0x448: {  	[tilespmem:s28+$0x0] =	vst v0;
	v0 =	vld [tilespmem:s28+$0x10]  }
0x449: {  	v1 =	vld [tilespmem:s25+$0x10];
	_ =	sdelay $0x4  }
0x44a: {  	v0 =	vadd.f32 v1, v0;
	_ =	sdelay $0x1  }
0x44b: {  	[tilespmem:s28+$0x10] =	vst v0;
	v0 =	vld [tilespmem:s28+$0x20]  }
0x44c: {  	v1 =	vld [tilespmem:s25+$0x20];
	_ =	sdelay $0x4  }
0x44d: {  	v0 =	vadd.f32 v1, v0;
	_ =	sdelay $0x1  }
0x44e: {  	[tilespmem:s28+$0x20] =	vst v0;
	v0 =	vld [tilespmem:s28+$0x30]  }
0x44f: {  	v1 =	vld [tilespmem:s25+$0x30];
	_ =	sdelay $0x1  }
.Ltmp15:
0x450: {  	(pc) =	sbr.rel @p0 .LBB2_32-.Ltmp15, $3  }
0x451: {  	_ =	sdelay $0x1  }
0x452: {  	v0 =	vadd.f32 v1, v0  }
0x453: {  	s28 =	sadd.s32 $0x80, s28  }
0x454: {  	s23 =	sadd.s32 $0x1, s23  }
0x455: {  	p0 =	sne.s32 s23, s20  }
.Ltmp16:
0x456: {  	[tilespmem:s24+$0x30] =	vst v0;
	(pc) =	sbr.rel @p0 .LBB2_1-.Ltmp16, $4  }
0x457: {  	[hbm4b:s19+s16] =	stream.linear.scatter [tilespmem:s16], [sflag:$0x1], $0xC000, $0x38;
	[tilespmem:$0x18000] =	vst v63  }
0x458: {  	_ =	swait.ge [sflag:s21], $0xC000  }
0x459: {  	[sflag:s21] =	ssyncset.done $0x0  }
0x45a: {  	[sflag:s21] =	ssyncadd.s32 $0xFFFF4000  }
0x45b: {  	_ =	sfence.sel $0x180000  }
0x45c: {  	[bflag:$0x0] =	sbarrier.arrive $0xFFFF  }
0x45d: {  	_ =	strace $0x90000047  }
0x45e: {  	s0 =	stileid.u32;
	[bflag:$0x2] =	sbarrier.arrive $0xFFFF  }
0x45f: {  	p0 =	sne.s32 s0, $0x0;
	s0 =	rddreg [dreg:$0x2]  }
0x460: {  	s0 =	sadd.s32 @!p0 $0x100000, s0  }
0x461: {  	[sflag:s0] =	ssyncadd.tile.s32 @!p0 $0x1;
	_ =	shalt  }
.Lfunc_end2:
_tile_overlayer_lowered:
.L_overlay_start_2:
0x462: {  	(tag) =	ssettag $0x2  }
0x463: {  	s0 =	rddreg [dreg:$0x0];
	s2 =	stileid.u32  }
0x464: {  	s1 =	rddreg [dreg:$0x1];
	p0 =	sne.s32 s2, $0x0  }
0x465: {  	s3 =	rddreg [dreg:$0x2];
	[bflag:$0x3] =	sbarrier.arrive $0xFFFF;
	s2 =	simm.s32 @!p0 $0x1C01  }
0x466: {  	[timem:s3], [sflag:s2] =	dma.local @!p0 [hbm:s0], s1  }
0x467: {  	s0 =	simm.s32 @!p0 $0x1  }
0x468: {  	_ =	swait.ge @!p0 [sflag:s0], s1  }
0x469: {  	s1 =	ssub.s32 @!p0 $0x0, s1;
	[sflag:s0] =	ssyncset.done @!p0 $0x0  }
0x46a: {  	[sflag:s0] =	ssyncadd.s32 @!p0 s1  }
0x46b: {  	[bflag:$0x3] =	sbarrier.arrive $0xFFFF  }
0x46c: {  	_ =	shalt  }

</sc_bundles>
